<compile_context>
chip_gen: v7x
topology: tpu7x:2x2x1
jax: 0.10.2.dev20260603
libtpu: 0.0.44.dev20260713+nightly
codegen_flags: <defaults>
</compile_context>

<pallas_src>
import functools

import jax
import jax.numpy as jnp
from jax import lax
from jax.experimental import pallas as pl
from jax.experimental.pallas import tpu as pltpu
from jax.experimental.pallas import tpu_sc as plsc

N_NODES = 10000
D_IN = 128
D_HID = 256
D_HALF = 128

NUM_CORES = 2
NUM_TILES = 16
CHUNK = 128

ACC_ROWS = 10240
SLAB = ACC_ROWS // NUM_TILES


def _sc_mesh():
    return plsc.VectorSubcoreMesh(
        core_axis_name="c", subcore_axis_name="s",
        num_cores=NUM_CORES, num_subcores=NUM_TILES)


D_DEG = 16


def _sc_degree(col_p, e_pad):
    per_worker = e_pad // (NUM_CORES * NUM_TILES)
    n_chunks = per_worker // CHUNK

    @functools.partial(
        pl.kernel,
        out_type=jax.ShapeDtypeStruct((NUM_CORES * ACC_ROWS, D_DEG),
                                      jnp.float32),
        mesh=_sc_mesh(),
        scratch_types=[
            pltpu.VMEM((per_worker,), jnp.int32),
            pltpu.VMEM((CHUNK,), jnp.int32),
            pltpu.VMEM((CHUNK, D_DEG), jnp.float32),
            pltpu.VMEM_SHARED((ACC_ROWS, D_DEG), jnp.float32),
        ],
    )
    def deg_kernel(col_hbm, out_hbm, cidx_v, cchunk_v, ones_v, acc_sh):
        c = lax.axis_index("c")
        t = lax.axis_index("s")
        wid = c * NUM_TILES + t

        @pl.loop(0, CHUNK)
        def _(i):
            ones_v[i, pl.ds(0, D_DEG)] = jnp.zeros((D_DEG,), jnp.float32)

        @pl.loop(0, SLAB // CHUNK)
        def _(j):
            pltpu.sync_copy(ones_v,
                            acc_sh.at[pl.ds(t * SLAB + j * CHUNK, CHUNK)])

        @pl.loop(0, CHUNK)
        def _(i):
            ones_v[i, pl.ds(0, D_DEG)] = jnp.ones((D_DEG,), jnp.float32)

        pltpu.sync_copy(col_hbm.at[pl.ds(wid * per_worker, per_worker)],
                        cidx_v)
        plsc.subcore_barrier()

        @pl.loop(0, n_chunks)
        def _(k):
            @pl.loop(0, CHUNK, step=16)
            def _(i):
                cchunk_v[pl.ds(i, 16)] = cidx_v[pl.ds(k * CHUNK + i, 16)]

            pltpu.sync_copy(ones_v, acc_sh.at[cchunk_v], add=True)

        plsc.subcore_barrier()
        pltpu.sync_copy(
            acc_sh.at[pl.ds(t * SLAB, SLAB)],
            out_hbm.at[pl.ds(c * ACC_ROWS + t * SLAB, SLAB)])

    return deg_kernel(col_p)


NB = 16


def _sc_aggregate(y0, y1, rc3, e_pad):
    per_tile = e_pad // NUM_TILES
    n_chunks = per_tile // CHUNK
    n_blk = n_chunks // NB

    @functools.partial(
        pl.kernel,
        out_type=(jax.ShapeDtypeStruct((ACC_ROWS, D_HALF), jnp.float32),
                  jax.ShapeDtypeStruct((ACC_ROWS, D_HALF), jnp.float32)),
        mesh=_sc_mesh(),
        scratch_types=[
            pltpu.VMEM((NB, 2, CHUNK), jnp.int32),
            pltpu.VMEM((NB, 2, CHUNK), jnp.int32),
            pltpu.VMEM((CHUNK,), jnp.int32),
            pltpu.VMEM((CHUNK,), jnp.int32),
            pltpu.VMEM((CHUNK,), jnp.int32),
            pltpu.VMEM((CHUNK,), jnp.int32),
            pltpu.VMEM((CHUNK, D_HALF), jnp.float32),
            pltpu.VMEM((CHUNK, D_HALF), jnp.float32),
            pltpu.VMEM_SHARED((ACC_ROWS, D_HALF), jnp.float32),
            pltpu.SemaphoreType.DMA,
            pltpu.SemaphoreType.DMA,
            pltpu.SemaphoreType.DMA,
            pltpu.SemaphoreType.DMA,
        ],
    )
    def agg_kernel(y0_hbm, y1_hbm, rc_hbm, a0_hbm, a1_hbm,
                   iba, ibb, r0_v, c0_v, r1_v, c1_v, buf0, buf1, acc_sh,
                   sem0, sem1, semia, semib):
        c = lax.axis_index("c")
        t = lax.axis_index("s")

        def prefetch_ib(b, ibuf, semi):
            pltpu.async_copy(
                rc_hbm.at[pl.ds(t * n_chunks + b * NB, NB)], ibuf, semi)

        def drain_ib(ibuf, semi):
            pltpu.make_async_copy(rc_hbm.at[pl.ds(0, NB)], ibuf,
                                  semi).wait()

        prefetch_ib(0, iba, semia)

        @pl.loop(0, CHUNK)
        def _(i):
            @pl.loop(0, D_HALF, step=16)
            def _(j):
                buf0[i, pl.ds(j, 16)] = jnp.zeros((16,), jnp.float32)

        @pl.loop(0, SLAB // CHUNK)
        def _(j):
            pltpu.sync_copy(buf0,
                            acc_sh.at[pl.ds(t * SLAB + j * CHUNK, CHUNK)])
        plsc.subcore_barrier()

        def run(y_hbm):
            def stage_idx(ib, p, r_v, c_v):
                @pl.loop(0, CHUNK, step=16)
                def _(i):
                    r_v[pl.ds(i, 16)] = ib[p, 0, pl.ds(i, 16)]
                    c_v[pl.ds(i, 16)] = ib[p, 1, pl.ds(i, 16)]

            def gather(r_v, buf, sem):
                pltpu.async_copy(y_hbm.at[r_v], buf, sem)

            def drain(buf, sem):
                pltpu.make_async_copy(y_hbm.at[pl.ds(0, CHUNK)], buf,
                                      sem).wait()

            def scatter(c_v, buf):
                pltpu.sync_copy(buf, acc_sh.at[c_v], add=True)

            def process(ib):
                stage_idx(ib, 0, r0_v, c0_v)
                gather(r0_v, buf0, sem0)
                stage_idx(ib, 1, r1_v, c1_v)
                gather(r1_v, buf1, sem1)

                @pl.loop(0, NB // 2)
                def _(j):
                    p0 = 2 * j
                    drain(buf0, sem0)
                    scatter(c0_v, buf0)

                    @pl.when(j < NB // 2 - 1)
                    def _():
                        stage_idx(ib, p0 + 2, r0_v, c0_v)
                        gather(r0_v, buf0, sem0)

                    drain(buf1, sem1)
                    scatter(c1_v, buf1)

                    @pl.when(j < NB // 2 - 1)
                    def _():
                        stage_idx(ib, p0 + 3, r1_v, c1_v)
                        gather(r1_v, buf1, sem1)

            @pl.loop(0, n_blk, step=2)
            def _(b):
                prefetch_ib(b + 1, ibb, semib)
                drain_ib(iba, semia)
                process(iba)

                @pl.when(b + 2 < n_blk)
                def _():
                    prefetch_ib(b + 2, iba, semia)

                drain_ib(ibb, semib)
                process(ibb)

        @pl.when(c == 0)
        def _():
            run(y0_hbm)

        @pl.when(c == 1)
        def _():
            run(y1_hbm)

        plsc.subcore_barrier()

        def writeback(a_hbm):
            pltpu.sync_copy(acc_sh.at[pl.ds(t * SLAB, SLAB)],
                            a_hbm.at[pl.ds(t * SLAB, SLAB)])

        @pl.when(c == 0)
        def _():
            writeback(a0_hbm)

        @pl.when(c == 1)
        def _():
            writeback(a1_hbm)

    return agg_kernel(y0, y1, rc3)



_BLK = 1000
_GRID = N_NODES // _BLK

_DOT = functools.partial(jnp.dot, preferred_element_type=jnp.float32,
                         precision=lax.Precision.HIGHEST)


def _row_spec(width):
    return pl.BlockSpec((_BLK, width), lambda i: (i, 0))


def _full_spec(shape):
    return pl.BlockSpec(shape, lambda i: (0, 0))


def _tc_matmul(x, w):
    k_dim, m_dim = w.shape

    def body(x_ref, w_ref, o_ref):
        o_ref[...] = _DOT(x_ref[...], w_ref[...])

    return pl.pallas_call(
        body,
        grid=(_GRID,),
        in_specs=[_row_spec(k_dim), _full_spec((k_dim, m_dim))],
        out_specs=_row_spec(m_dim),
        out_shape=jax.ShapeDtypeStruct((N_NODES, m_dim), jnp.float32),
    )(x, w)


def _tc_scale_split(z, p0, p1):

    def body(z_ref, p0_ref, p1_ref, y0_ref, y1_ref):
        s = lax.rsqrt(p0_ref[:, :1] + p1_ref[:, :1] + 1.0)
        y = s * z_ref[...]
        y0_ref[...] = y[:, :D_HALF]
        y1_ref[...] = y[:, D_HALF:]

    return pl.pallas_call(
        body,
        grid=(_GRID,),
        in_specs=[_row_spec(D_HID), _row_spec(D_DEG), _row_spec(D_DEG)],
        out_specs=(_row_spec(D_HALF), _row_spec(D_HALF)),
        out_shape=(jax.ShapeDtypeStruct((N_NODES, D_HALF), jnp.float32),
                   jax.ShapeDtypeStruct((N_NODES, D_HALF), jnp.float32)),
    )(z, p0, p1)


def _tc_mid(a0, a1, y0, y1, p0, p1, b1, w2):

    def body(a0_ref, a1_ref, y0_ref, y1_ref, p0_ref, p1_ref, b_ref, w_ref,
             o0_ref, o1_ref):
        s = lax.rsqrt(p0_ref[:, :1] + p1_ref[:, :1] + 1.0)
        agg = jnp.concatenate([a0_ref[...], a1_ref[...]], axis=1)
        y = jnp.concatenate([y0_ref[...], y1_ref[...]], axis=1)
        h = jnp.maximum(s * (agg + y) + b_ref[...], 0.0)
        y2 = s * _DOT(h, w_ref[...])
        o0_ref[...] = y2[:, :D_HALF]
        o1_ref[...] = y2[:, D_HALF:]

    return pl.pallas_call(
        body,
        grid=(_GRID,),
        in_specs=[_row_spec(D_HALF), _row_spec(D_HALF),
                  _row_spec(D_HALF), _row_spec(D_HALF),
                  _row_spec(D_DEG), _row_spec(D_DEG),
                  _full_spec((1, D_HID)), _full_spec((D_HID, D_HID))],
        out_specs=(_row_spec(D_HALF), _row_spec(D_HALF)),
        out_shape=(jax.ShapeDtypeStruct((N_NODES, D_HALF), jnp.float32),
                   jax.ShapeDtypeStruct((N_NODES, D_HALF), jnp.float32)),
    )(a0, a1, y0, y1, p0, p1, b1, w2)


def _tc_final(a0, a1, y0, y1, p0, p1, b2, wfc_pad, bfc_pad):

    def body(a0_ref, a1_ref, y0_ref, y1_ref, p0_ref, p1_ref, b_ref, w_ref,
             bf_ref, o_ref):
        s = lax.rsqrt(p0_ref[:, :1] + p1_ref[:, :1] + 1.0)
        agg = jnp.concatenate([a0_ref[...], a1_ref[...]], axis=1)
        y = jnp.concatenate([y0_ref[...], y1_ref[...]], axis=1)
        h = jnp.maximum(s * (agg + y) + b_ref[...], 0.0)
        o_ref[...] = jax.nn.sigmoid(_DOT(h, w_ref[...]) + bf_ref[...])

    return pl.pallas_call(
        body,
        grid=(_GRID,),
        in_specs=[_row_spec(D_HALF), _row_spec(D_HALF),
                  _row_spec(D_HALF), _row_spec(D_HALF),
                  _row_spec(D_DEG), _row_spec(D_DEG),
                  _full_spec((1, D_HID)), _full_spec((D_HID, 128)),
                  _full_spec((1, 128))],
        out_specs=_row_spec(128),
        out_shape=jax.ShapeDtypeStruct((N_NODES, 128), jnp.float32),
    )(a0, a1, y0, y1, p0, p1, b2, wfc_pad, bfc_pad)


def kernel(x, edge_index, W1, b1, W2, b2, Wfc, bfc):
    n_edges = edge_index.shape[1]
    unit = 2 * NB * CHUNK * NUM_TILES
    e_pad = -(-n_edges // unit) * unit
    pad_n = e_pad - n_edges

    row = edge_index[0].astype(jnp.int32)
    col = edge_index[1].astype(jnp.int32)
    pad_ids = jnp.arange(pad_n, dtype=jnp.int32) % 16
    row_p = jnp.concatenate([row, pad_ids])
    col_p = jnp.concatenate([col, N_NODES + pad_ids])
    rc3 = jnp.stack([row_p.reshape(-1, CHUNK), col_p.reshape(-1, CHUNK)],
                    axis=1)

    p = _sc_degree(col_p, e_pad)
    p0 = p[:ACC_ROWS]
    p1 = p[ACC_ROWS:]

    z1 = _tc_matmul(x, W1)
    y1_0, y1_1 = _tc_scale_split(z1, p0, p1)
    a1_0, a1_1 = _sc_aggregate(y1_0, y1_1, rc3, e_pad)

    y2_0, y2_1 = _tc_mid(a1_0, a1_1, y1_0, y1_1, p0, p1,
                         b1.reshape(1, D_HID), W2)
    a2_0, a2_1 = _sc_aggregate(y2_0, y2_1, rc3, e_pad)

    wfc_pad = jnp.pad(Wfc, ((0, 0), (0, 128 - Wfc.shape[1])))
    bfc_pad = jnp.pad(bfc.reshape(1, 1), ((0, 0), (0, 127)))
    out = _tc_final(a2_0, a2_1, y2_0, y2_1, p0, p1,
                    b2.reshape(1, D_HID), wfc_pad, bfc_pad)
    return out[:, :1]

# --- scband reference (transcript-rebuilt; emitter-appended) ---
"""Pipeline reference for scband-gcnmodel-6665789243504 (READ-ONLY COPY).

The authoritative reference and input builder live on the scoring server;
editing this copy changes nothing except your own understanding.
"""

import jax, jax.numpy as jnp
import numpy as np

N_NODES = 10000
N_EDGES = 320000
D_IN = 128
D_HID = 256


def setup_inputs(seed: int = 0) -> dict:
    key = jax.random.key(seed)
    ks = jax.random.split(key, 8)
    x = jax.random.normal(ks[0], (N_NODES, D_IN), dtype=jnp.float32)
    edge_index = jax.random.randint(ks[1], (2, N_EDGES), 0, N_NODES, dtype=jnp.int64)
    W1 = jax.random.normal(ks[2], (D_IN, D_HID), dtype=jnp.float32) * (1.0 / np.sqrt(D_IN))
    b1 = jnp.zeros((D_HID,), dtype=jnp.float32)
    W2 = jax.random.normal(ks[3], (D_HID, D_HID), dtype=jnp.float32) * (1.0 / np.sqrt(D_HID))
    b2 = jnp.zeros((D_HID,), dtype=jnp.float32)
    Wfc = jax.random.normal(ks[4], (D_HID, 1), dtype=jnp.float32) * (1.0 / np.sqrt(D_HID))
    bfc = jnp.zeros((1,), dtype=jnp.float32)
    return {"x": x, "edge_index": edge_index, "W1": W1, "b1": b1, "W2": W2, "b2": b2, "Wfc": Wfc, "bfc": bfc}


def _gcn_conv(x, edge_index, W, b):
    # Faithful PyG GCNConv: add self-loops, symmetric normalization, sum aggregation.
    N = x.shape[0]
    loop = jnp.arange(N, dtype=edge_index.dtype)
    row = jnp.concatenate([edge_index[0], loop])  # source nodes
    col = jnp.concatenate([edge_index[1], loop])  # destination nodes
    deg = jax.ops.segment_sum(jnp.ones_like(col, dtype=x.dtype), col, num_segments=N)
    deg_inv_sqrt = jnp.where(deg > 0, 1.0 / jnp.sqrt(deg), 0.0)
    norm = deg_inv_sqrt[row] * deg_inv_sqrt[col]
    xw = x @ W
    msgs = norm[:, None] * jnp.take(xw, row, axis=0)
    out = jax.ops.segment_sum(msgs, col, num_segments=N)
    return out + b


def reference(x, edge_index, W1, b1, W2, b2, Wfc, bfc):
    h = _gcn_conv(x, edge_index, W1, b1)
    h = jax.nn.relu(h)
    # dropout is identity in eval mode
    h = _gcn_conv(h, edge_index, W2, b2)
    h = jax.nn.relu(h)
    out = h @ Wfc + bfc
    return jax.nn.sigmoid(out)

if __name__ == "__main__":
    import jax
    _d = setup_inputs()
    print(jax.jit(kernel)(*tuple(_d.values())))

</pallas_src>

<mosaic_0001>
#map = affine_map<(d0, d1) -> (0, 0)>
#map1 = affine_map<(d0, d1) -> (0, 0, 0)>
module attributes {stable_mosaic.version = 14 : i64} {
  func.func @agg_kernel(%arg0: i32, %arg1: i32, %arg2: memref<10000x128xf32, #tpu.memory_space<hbm>>, %arg3: memref<10000x128xf32, #tpu.memory_space<hbm>>, %arg4: memref<2560x2x128xi32, #tpu.memory_space<hbm>>, %arg5: memref<10240x128xf32, #tpu.memory_space<hbm>>, %arg6: memref<10240x128xf32, #tpu.memory_space<hbm>>, %arg7: memref<16x2x128xi32, #tpu.memory_space<vmem>>, %arg8: memref<16x2x128xi32, #tpu.memory_space<vmem>>, %arg9: memref<128xi32, #tpu.memory_space<vmem>>, %arg10: memref<128xi32, #tpu.memory_space<vmem>>, %arg11: memref<128xi32, #tpu.memory_space<vmem>>, %arg12: memref<128xi32, #tpu.memory_space<vmem>>, %arg13: memref<128x128xf32, #tpu.memory_space<vmem>>, %arg14: memref<128x128xf32, #tpu.memory_space<vmem>>, %arg15: memref<10240x128xf32, #tpu.memory_space<vmem_shared>>, %arg16: memref<!tpu.dma_semaphore, #tpu.memory_space<semaphore_mem>>, %arg17: memref<!tpu.dma_semaphore, #tpu.memory_space<semaphore_mem>>, %arg18: memref<!tpu.dma_semaphore, #tpu.memory_space<semaphore_mem>>, %arg19: memref<!tpu.dma_semaphore, #tpu.memory_space<semaphore_mem>>) attributes {dimension_semantics = [#tpu.dimension_semantics<core_parallel>, #tpu.dimension_semantics<subcore_parallel>], iteration_bounds = array<i64: 2, 16>, scalar_prefetch = 0 : i64, scratch_operands = 13 : i64, tpu.core_type = #tpu.core_type<sc_vector_subcore>, window_params = [{transform_indices = #map}, {transform_indices = #map}, {transform_indices = #map1}, {transform_indices = #map}, {transform_indices = #map}]} {
    %mul3A = arith.constant 160 : i32
    %mul3A_0 = arith.muli %arg1, %mul3A : i32
    %add3A = arith.constant 0 : i32
    %add3A_1 = arith.addi %mul3A_0, %add3A : i32
    %dma_start3A = arith.constant 0 : i32
    %dma_start3A_2 = arith.constant 0 : i32
    %dma_start3A_3 = tpu.memref_slice %arg4[%add3A_1, %dma_start3A, %dma_start3A_2] : memref<2560x2x128xi32, #tpu.memory_space<hbm>> -> memref<16x2x128xi32, #tpu.memory_space<hbm>>
    %dma_start3A_4 = arith.constant 0 : i32
    %dma_start3A_5 = arith.constant 0 : i32
    %dma_start3A_6 = tpu.memref_slice %arg4[%add3A_1, %dma_start3A_4, %dma_start3A_5] : memref<2560x2x128xi32, #tpu.memory_space<hbm>> -> memref<16x2x128xi32, #tpu.memory_space<hbm>>
    tpu.enqueue_dma source(%dma_start3A_6 : memref<16x2x128xi32, #tpu.memory_space<hbm>>) target(%arg7 : memref<16x2x128xi32, #tpu.memory_space<vmem>>) target_semaphore(%arg18 : memref<!tpu.dma_semaphore, #tpu.memory_space<semaphore_mem>>)
    %scan3A = arith.constant 0 : i32
    %scan3A_7 = arith.constant 128 : i32
    %scan3A_8 = arith.addi %scan3A, %scan3A_7 : i32
    %scan3A_9 = arith.constant 1 : i32
    scf.for %scan3A_34 = %scan3A to %scan3A_8 step %scan3A_9  : i32 {
      %mul3A_35 = arith.constant 1 : i32
      %mul3A_36 = arith.muli %scan3A_34, %mul3A_35 : i32
      %add3A_37 = arith.constant 0 : i32
      %add3A_38 = arith.addi %add3A_37, %mul3A_36 : i32
      %scan3A_39 = arith.constant 0 : i32
      %scan3A_40 = arith.constant 8 : i32
      %scan3A_41 = arith.addi %scan3A_39, %scan3A_40 : i32
      %scan3A_42 = arith.constant 1 : i32
      scf.for %scan3A_44 = %scan3A_39 to %scan3A_41 step %scan3A_42  : i32 {
        %mul3A_45 = arith.constant 16 : i32
        %mul3A_46 = arith.muli %scan3A_44, %mul3A_45 : i32
        %add3A_47 = arith.constant 0 : i32
        %add3A_48 = arith.addi %add3A_47, %mul3A_46 : i32
        %broadcast_in_dim3A = arith.constant 0.000000e+00 : f32
        %broadcast_in_dim3A_49 = vector.broadcast %broadcast_in_dim3A : f32 to vector<16xf32>
        %swap3A = arith.index_cast %add3A_38 : i32 to index
        %swap3A_50 = arith.index_cast %add3A_48 : i32 to index
        %swap3A_51 = tpu.vector_load %arg13[%swap3A, %swap3A_50] {strides = array<i32>} : memref<128x128xf32, #tpu.memory_space<vmem>>, vector<1x16xf32>,
        %swap3A_52 = vector.shape_cast %swap3A_51 : vector<1x16xf32> to vector<16xf32>
        %swap3A_53 = vector.shape_cast %broadcast_in_dim3A_49 : vector<16xf32> to vector<1x16xf32>
        tpu.vector_store %arg13[%swap3A, %swap3A_50], %swap3A_53 {strides = array<i32>} : memref<128x128xf32, #tpu.memory_space<vmem>>, vector<1x16xf32>,
      }
      %scan3A_43 = arith.constant 8 : i32
    }
    %scan3A_10 = arith.constant 128 : i32
    %scan3A_11 = arith.constant 0 : i32
    %scan3A_12 = arith.constant 5 : i32
    %scan3A_13 = arith.addi %scan3A_11, %scan3A_12 : i32
    %scan3A_14 = arith.constant 1 : i32
    scf.for %scan3A_34 = %scan3A_11 to %scan3A_13 step %scan3A_14  : i32 {
      %mul3A_35 = arith.constant 1 : i32
      %mul3A_36 = arith.muli %scan3A_34, %mul3A_35 : i32
      %add3A_37 = arith.constant 0 : i32
      %add3A_38 = arith.addi %add3A_37, %mul3A_36 : i32
      %mul3A_39 = arith.constant 640 : i32
      %mul3A_40 = arith.muli %arg1, %mul3A_39 : i32
      %mul3A_41 = arith.constant 128 : i32
      %mul3A_42 = arith.muli %add3A_38, %mul3A_41 : i32
      %add3A_43 = arith.addi %mul3A_40, %mul3A_42 : i32
      "tpu.region"() ({
        %run_scoped3A = tpu.sem_alloc : memref<!tpu.dma_semaphore, #tpu.memory_space<semaphore_mem>>
        %dma_start3A_44 = arith.constant 0 : i32
        %dma_start3A_45 = tpu.memref_slice %arg15[%add3A_43, %dma_start3A_44] : memref<10240x128xf32, #tpu.memory_space<vmem_shared>> -> memref<128x128xf32, #tpu.memory_space<vmem_shared>>
        %dma_start3A_46 = arith.constant 0 : i32
        %dma_start3A_47 = tpu.memref_slice %arg15[%add3A_43, %dma_start3A_46] : memref<10240x128xf32, #tpu.memory_space<vmem_shared>> -> memref<128x128xf32, #tpu.memory_space<vmem_shared>>
        tpu.enqueue_dma source(%arg13 : memref<128x128xf32, #tpu.memory_space<vmem>>) target(%dma_start3A_47 : memref<128x128xf32, #tpu.memory_space<vmem_shared>>) target_semaphore(%run_scoped3A : memref<!tpu.dma_semaphore, #tpu.memory_space<semaphore_mem>>)
        %dma_wait3A = arith.constant 0 : i32
        %dma_wait3A_48 = tpu.memref_slice %arg15[%add3A_43, %dma_wait3A] : memref<10240x128xf32, #tpu.memory_space<vmem_shared>> -> memref<128x128xf32, #tpu.memory_space<vmem_shared>>
        %dma_wait3A_49 = arith.constant 0 : i32
        %dma_wait3A_50 = tpu.memref_slice %arg15[%add3A_43, %dma_wait3A_49] : memref<10240x128xf32, #tpu.memory_space<vmem_shared>> -> memref<128x128xf32, #tpu.memory_space<vmem_shared>>
        tpu.wait_dma2 semaphore(%run_scoped3A : memref<!tpu.dma_semaphore, #tpu.memory_space<semaphore_mem>>) src(%arg13 : memref<128x128xf32, #tpu.memory_space<vmem>>) dst(%dma_wait3A_50 : memref<128x128xf32, #tpu.memory_space<vmem_shared>>)
        tpu.yield
      }) : () -> ()
    }
    %scan3A_15 = arith.constant 5 : i32
    %barrier3A = arith.constant 0 : index
    tpu.barrier barrier_id(%barrier3A)
    %eq3A = arith.constant 0 : i32
    %eq3A_16 = arith.cmpi eq, %arg0, %eq3A : i32
    %convert_element_type3A = arith.extui %eq3A_16 : i1 to i32
    %cond3A = arith.constant 0 : i32
    %cond3A_17 = arith.cmpi ne, %convert_element_type3A, %cond3A : i32
    scf.if %cond3A_17 {
      %scan3A_34 = arith.constant 0 : i32
      %scan3A_35 = arith.constant 5 : i32
      %scan3A_36 = arith.addi %scan3A_34, %scan3A_35 : i32
      %scan3A_37 = arith.constant 1 : i32
      scf.for %scan3A_39 = %scan3A_34 to %scan3A_36 step %scan3A_37  : i32 {
        %mul3A_40 = arith.constant 2 : i32
        %mul3A_41 = arith.muli %scan3A_39, %mul3A_40 : i32
        %add3A_42 = arith.constant 0 : i32
        %add3A_43 = arith.addi %add3A_42, %mul3A_41 : i32
        %add3A_44 = arith.constant 1 : i32
        %add3A_45 = arith.addi %add3A_43, %add3A_44 : i32
        %mul3A_46 = arith.constant 160 : i32
        %mul3A_47 = arith.muli %arg1, %mul3A_46 : i32
        %mul3A_48 = arith.constant 16 : i32
        %mul3A_49 = arith.muli %add3A_45, %mul3A_48 : i32
        %add3A_50 = arith.addi %mul3A_47, %mul3A_49 : i32
        %dma_start3A_51 = arith.constant 0 : i32
        %dma_start3A_52 = arith.constant 0 : i32
        %dma_start3A_53 = tpu.memref_slice %arg4[%add3A_50, %dma_start3A_51, %dma_start3A_52] : memref<2560x2x128xi32, #tpu.memory_space<hbm>> -> memref<16x2x128xi32, #tpu.memory_space<hbm>>
        %dma_start3A_54 = arith.constant 0 : i32
        %dma_start3A_55 = arith.constant 0 : i32
        %dma_start3A_56 = tpu.memref_slice %arg4[%add3A_50, %dma_start3A_54, %dma_start3A_55] : memref<2560x2x128xi32, #tpu.memory_space<hbm>> -> memref<16x2x128xi32, #tpu.memory_space<hbm>>
        tpu.enqueue_dma source(%dma_start3A_56 : memref<16x2x128xi32, #tpu.memory_space<hbm>>) target(%arg8 : memref<16x2x128xi32, #tpu.memory_space<vmem>>) target_semaphore(%arg19 : memref<!tpu.dma_semaphore, #tpu.memory_space<semaphore_mem>>)
        %dma_wait3A = arith.constant 0 : i32
        %dma_wait3A_57 = arith.constant 0 : i32
        %dma_wait3A_58 = arith.constant 0 : i32
        %dma_wait3A_59 = tpu.memref_slice %arg4[%dma_wait3A, %dma_wait3A_57, %dma_wait3A_58] : memref<2560x2x128xi32, #tpu.memory_space<hbm>> -> memref<16x2x128xi32, #tpu.memory_space<hbm>>
        %dma_wait3A_60 = arith.constant 0 : i32
        %dma_wait3A_61 = arith.constant 0 : i32
        %dma_wait3A_62 = arith.constant 0 : i32
        %dma_wait3A_63 = tpu.memref_slice %arg4[%dma_wait3A_60, %dma_wait3A_61, %dma_wait3A_62] : memref<2560x2x128xi32, #tpu.memory_space<hbm>> -> memref<16x2x128xi32, #tpu.memory_space<hbm>>
        tpu.wait_dma2 semaphore(%arg18 : memref<!tpu.dma_semaphore, #tpu.memory_space<semaphore_mem>>) src(%dma_wait3A_63 : memref<16x2x128xi32, #tpu.memory_space<hbm>>) dst(%arg7 : memref<16x2x128xi32, #tpu.memory_space<vmem>>)
        %scan3A_64 = arith.constant 0 : i32
        %scan3A_65 = arith.constant 8 : i32
        %scan3A_66 = arith.addi %scan3A_64, %scan3A_65 : i32
        %scan3A_67 = arith.constant 1 : i32
        scf.for %scan3A_120 = %scan3A_64 to %scan3A_66 step %scan3A_67  : i32 {
          %mul3A_121 = arith.constant 16 : i32
          %mul3A_122 = arith.muli %scan3A_120, %mul3A_121 : i32
          %add3A_123 = arith.constant 0 : i32
          %add3A_124 = arith.addi %add3A_123, %mul3A_122 : i32
          %get3A = arith.constant 0 : i32
          %get3A_125 = arith.constant 0 : i32
          %get3A_126 = arith.index_cast %get3A : i32 to index
          %get3A_127 = arith.index_cast %get3A_125 : i32 to index
          %get3A_128 = arith.index_cast %add3A_124 : i32 to index
          %get3A_129 = tpu.vector_load %arg7[%get3A_126, %get3A_127, %get3A_128] {strides = array<i32>} : memref<16x2x128xi32, #tpu.memory_space<vmem>>, vector<1x1x16xi32>,
          %get3A_130 = vector.shape_cast %get3A_129 : vector<1x1x16xi32> to vector<16xi32>
          %swap3A = arith.index_cast %add3A_124 : i32 to index
          %swap3A_131 = tpu.vector_load %arg9[%swap3A] {strides = array<i32>} : memref<128xi32, #tpu.memory_space<vmem>>, vector<16xi32>,
          %swap3A_132 = vector.shape_cast %swap3A_131 : vector<16xi32> to vector<16xi32>
          %swap3A_133 = vector.shape_cast %get3A_130 : vector<16xi32> to vector<16xi32>
          tpu.vector_store %arg9[%swap3A], %swap3A_133 {strides = array<i32>} : memref<128xi32, #tpu.memory_space<vmem>>, vector<16xi32>,
          %get3A_134 = arith.constant 0 : i32
          %get3A_135 = arith.constant 1 : i32
          %get3A_136 = arith.index_cast %get3A_134 : i32 to index
          %get3A_137 = arith.index_cast %get3A_135 : i32 to index
          %get3A_138 = arith.index_cast %add3A_124 : i32 to index
          %get3A_139 = tpu.vector_load %arg7[%get3A_136, %get3A_137, %get3A_138] {strides = array<i32>} : memref<16x2x128xi32, #tpu.memory_space<vmem>>, vector<1x1x16xi32>,
          %get3A_140 = vector.shape_cast %get3A_139 : vector<1x1x16xi32> to vector<16xi32>
          %swap3A_141 = arith.index_cast %add3A_124 : i32 to index
          %swap3A_142 = tpu.vector_load %arg10[%swap3A_141] {strides = array<i32>} : memref<128xi32, #tpu.memory_space<vmem>>, vector<16xi32>,
          %swap3A_143 = vector.shape_cast %swap3A_142 : vector<16xi32> to vector<16xi32>
          %swap3A_144 = vector.shape_cast %get3A_140 : vector<16xi32> to vector<16xi32>
          tpu.vector_store %arg10[%swap3A_141], %swap3A_144 {strides = array<i32>} : memref<128xi32, #tpu.memory_space<vmem>>, vector<16xi32>,
        }
        %scan3A_68 = arith.constant 8 : i32
        %dma_start3A_69 = arith.constant 0 : i32
        %dma_start3A_70 = arith.constant 0 : i32
        %dma_start3A_71 = tpu.memref_slice %arg2[%dma_start3A_69, %dma_start3A_70] : memref<10000x128xf32, #tpu.memory_space<hbm>> -> memref<10000x128xf32, #tpu.memory_space<hbm>>
        tpu.enqueue_indirect_dma source(%dma_start3A_71 : memref<10000x128xf32, #tpu.memory_space<hbm>>) target(%arg13 : memref<128x128xf32, #tpu.memory_space<vmem>>) offsets(%arg9 : memref<128xi32, #tpu.memory_space<vmem>>) semaphore(%arg16 : memref<!tpu.dma_semaphore, #tpu.memory_space<semaphore_mem>>)
        %scan3A_72 = arith.constant 0 : i32
        %scan3A_73 = arith.constant 8 : i32
        %scan3A_74 = arith.addi %scan3A_72, %scan3A_73 : i32
        %scan3A_75 = arith.constant 1 : i32
        scf.for %scan3A_120 = %scan3A_72 to %scan3A_74 step %scan3A_75  : i32 {
          %mul3A_121 = arith.constant 16 : i32
          %mul3A_122 = arith.muli %scan3A_120, %mul3A_121 : i32
          %add3A_123 = arith.constant 0 : i32
          %add3A_124 = arith.addi %add3A_123, %mul3A_122 : i32
          %get3A = arith.constant 1 : i32
          %get3A_125 = arith.constant 0 : i32
          %get3A_126 = arith.index_cast %get3A : i32 to index
          %get3A_127 = arith.index_cast %get3A_125 : i32 to index
          %get3A_128 = arith.index_cast %add3A_124 : i32 to index
          %get3A_129 = tpu.vector_load %arg7[%get3A_126, %get3A_127, %get3A_128] {strides = array<i32>} : memref<16x2x128xi32, #tpu.memory_space<vmem>>, vector<1x1x16xi32>,
          %get3A_130 = vector.shape_cast %get3A_129 : vector<1x1x16xi32> to vector<16xi32>
          %swap3A = arith.index_cast %add3A_124 : i32 to index
          %swap3A_131 = tpu.vector_load %arg11[%swap3A] {strides = array<i32>} : memref<128xi32, #tpu.memory_space<vmem>>, vector<16xi32>,
          %swap3A_132 = vector.shape_cast %swap3A_131 : vector<16xi32> to vector<16xi32>
          %swap3A_133 = vector.shape_cast %get3A_130 : vector<16xi32> to vector<16xi32>
          tpu.vector_store %arg11[%swap3A], %swap3A_133 {strides = array<i32>} : memref<128xi32, #tpu.memory_space<vmem>>, vector<16xi32>,
          %get3A_134 = arith.constant 1 : i32
          %get3A_135 = arith.constant 1 : i32
          %get3A_136 = arith.index_cast %get3A_134 : i32 to index
          %get3A_137 = arith.index_cast %get3A_135 : i32 to index
          %get3A_138 = arith.index_cast %add3A_124 : i32 to index
          %get3A_139 = tpu.vector_load %arg7[%get3A_136, %get3A_137, %get3A_138] {strides = array<i32>} : memref<16x2x128xi32, #tpu.memory_space<vmem>>, vector<1x1x16xi32>,
          %get3A_140 = vector.shape_cast %get3A_139 : vector<1x1x16xi32> to vector<16xi32>
          %swap3A_141 = arith.index_cast %add3A_124 : i32 to index
          %swap3A_142 = tpu.vector_load %arg12[%swap3A_141] {strides = array<i32>} : memref<128xi32, #tpu.memory_space<vmem>>, vector<16xi32>,
          %swap3A_143 = vector.shape_cast %swap3A_142 : vector<16xi32> to vector<16xi32>
          %swap3A_144 = vector.shape_cast %get3A_140 : vector<16xi32> to vector<16xi32>
          tpu.vector_store %arg12[%swap3A_141], %swap3A_144 {strides = array<i32>} : memref<128xi32, #tpu.memory_space<vmem>>, vector<16xi32>,
        }
        %scan3A_76 = arith.constant 8 : i32
        %dma_start3A_77 = arith.constant 0 : i32
        %dma_start3A_78 = arith.constant 0 : i32
        %dma_start3A_79 = tpu.memref_slice %arg2[%dma_start3A_77, %dma_start3A_78] : memref<10000x128xf32, #tpu.memory_space<hbm>> -> memref<10000x128xf32, #tpu.memory_space<hbm>>
        tpu.enqueue_indirect_dma source(%dma_start3A_79 : memref<10000x128xf32, #tpu.memory_space<hbm>>) target(%arg14 : memref<128x128xf32, #tpu.memory_space<vmem>>) offsets(%arg11 : memref<128xi32, #tpu.memory_space<vmem>>) semaphore(%arg17 : memref<!tpu.dma_semaphore, #tpu.memory_space<semaphore_mem>>)
        %scan3A_80 = arith.constant 0 : i32
        %scan3A_81 = arith.constant 8 : i32
        %scan3A_82 = arith.addi %scan3A_80, %scan3A_81 : i32
        %scan3A_83 = arith.constant 1 : i32
        scf.for %scan3A_120 = %scan3A_80 to %scan3A_82 step %scan3A_83  : i32 {
          %mul3A_121 = arith.constant 1 : i32
          %mul3A_122 = arith.muli %scan3A_120, %mul3A_121 : i32
          %add3A_123 = arith.constant 0 : i32
          %add3A_124 = arith.addi %add3A_123, %mul3A_122 : i32
          %mul3A_125 = arith.constant 2 : i32
          %mul3A_126 = arith.muli %mul3A_125, %add3A_124 : i32
          %dma_wait3A_127 = arith.constant 0 : i32
          %dma_wait3A_128 = arith.constant 0 : i32
          %dma_wait3A_129 = tpu.memref_slice %arg2[%dma_wait3A_127, %dma_wait3A_128] : memref<10000x128xf32, #tpu.memory_space<hbm>> -> memref<128x128xf32, #tpu.memory_space<hbm>>
          %dma_wait3A_130 = arith.constant 0 : i32
          %dma_wait3A_131 = arith.constant 0 : i32
          %dma_wait3A_132 = tpu.memref_slice %arg2[%dma_wait3A_130, %dma_wait3A_131] : memref<10000x128xf32, #tpu.memory_space<hbm>> -> memref<128x128xf32, #tpu.memory_space<hbm>>
          tpu.wait_dma2 semaphore(%arg16 : memref<!tpu.dma_semaphore, #tpu.memory_space<semaphore_mem>>) src(%dma_wait3A_132 : memref<128x128xf32, #tpu.memory_space<hbm>>) dst(%arg13 : memref<128x128xf32, #tpu.memory_space<vmem>>)
          "tpu.region"() ({
            %run_scoped3A = tpu.sem_alloc : memref<!tpu.dma_semaphore, #tpu.memory_space<semaphore_mem>>
            %dma_start3A_149 = arith.constant 0 : i32
            %dma_start3A_150 = arith.constant 0 : i32
            %dma_start3A_151 = tpu.memref_slice %arg15[%dma_start3A_149, %dma_start3A_150] : memref<10240x128xf32, #tpu.memory_space<vmem_shared>> -> memref<10240x128xf32, #tpu.memory_space<vmem_shared>>
            tpu.enqueue_indirect_dma source(%arg13 : memref<128x128xf32, #tpu.memory_space<vmem>>) target(%dma_start3A_151 : memref<10240x128xf32, #tpu.memory_space<vmem_shared>>) offsets(%arg10 : memref<128xi32, #tpu.memory_space<vmem>>) semaphore(%run_scoped3A : memref<!tpu.dma_semaphore, #tpu.memory_space<semaphore_mem>>) {add = true}
            %dma_wait3A_152 = arith.constant 0 : i32
            %dma_wait3A_153 = arith.constant 0 : i32
            %dma_wait3A_154 = tpu.memref_slice %arg15[%dma_wait3A_152, %dma_wait3A_153] : memref<10240x128xf32, #tpu.memory_space<vmem_shared>> -> memref<10240x128xf32, #tpu.memory_space<vmem_shared>>
            tpu.wait_indirect_dma semaphore(%run_scoped3A : memref<!tpu.dma_semaphore, #tpu.memory_space<semaphore_mem>>) src(%arg13 : memref<128x128xf32, #tpu.memory_space<vmem>>) dst(%dma_wait3A_154 : memref<10240x128xf32, #tpu.memory_space<vmem_shared>>)
            tpu.yield
          }) : () -> ()
          %lt3A_133 = arith.constant 7 : i32
          %lt3A_134 = arith.cmpi slt, %add3A_124, %lt3A_133 : i32
          %convert_element_type3A_135 = arith.extui %lt3A_134 : i1 to i32
          %cond3A_136 = arith.constant 0 : i32
          %cond3A_137 = arith.cmpi ne, %convert_element_type3A_135, %cond3A_136 : i32
          scf.if %cond3A_137 {
            %add3A_149 = arith.constant 2 : i32
            %add3A_150 = arith.addi %mul3A_126, %add3A_149 : i32
            %scan3A_151 = arith.constant 0 : i32
            %scan3A_152 = arith.constant 8 : i32
            %scan3A_153 = arith.addi %scan3A_151, %scan3A_152 : i32
            %scan3A_154 = arith.constant 1 : i32
            scf.for %scan3A_159 = %scan3A_151 to %scan3A_153 step %scan3A_154  : i32 {
              %mul3A_160 = arith.constant 16 : i32
              %mul3A_161 = arith.muli %scan3A_159, %mul3A_160 : i32
              %add3A_162 = arith.constant 0 : i32
              %add3A_163 = arith.addi %add3A_162, %mul3A_161 : i32
              %get3A = arith.constant 0 : i32
              %get3A_164 = arith.index_cast %add3A_150 : i32 to index
              %get3A_165 = arith.index_cast %get3A : i32 to index
              %get3A_166 = arith.index_cast %add3A_163 : i32 to index
              %get3A_167 = tpu.vector_load %arg7[%get3A_164, %get3A_165, %get3A_166] {strides = array<i32>} : memref<16x2x128xi32, #tpu.memory_space<vmem>>, vector<1x1x16xi32>,
              %get3A_168 = vector.shape_cast %get3A_167 : vector<1x1x16xi32> to vector<16xi32>
              %swap3A = arith.index_cast %add3A_163 : i32 to index
              %swap3A_169 = tpu.vector_load %arg9[%swap3A] {strides = array<i32>} : memref<128xi32, #tpu.memory_space<vmem>>, vector<16xi32>,
              %swap3A_170 = vector.shape_cast %swap3A_169 : vector<16xi32> to vector<16xi32>
              %swap3A_171 = vector.shape_cast %get3A_168 : vector<16xi32> to vector<16xi32>
              tpu.vector_store %arg9[%swap3A], %swap3A_171 {strides = array<i32>} : memref<128xi32, #tpu.memory_space<vmem>>, vector<16xi32>,
              %get3A_172 = arith.constant 1 : i32
              %get3A_173 = arith.index_cast %add3A_150 : i32 to index
              %get3A_174 = arith.index_cast %get3A_172 : i32 to index
              %get3A_175 = arith.index_cast %add3A_163 : i32 to index
              %get3A_176 = tpu.vector_load %arg7[%get3A_173, %get3A_174, %get3A_175] {strides = array<i32>} : memref<16x2x128xi32, #tpu.memory_space<vmem>>, vector<1x1x16xi32>,
              %get3A_177 = vector.shape_cast %get3A_176 : vector<1x1x16xi32> to vector<16xi32>
              %swap3A_178 = arith.index_cast %add3A_163 : i32 to index
              %swap3A_179 = tpu.vector_load %arg10[%swap3A_178] {strides = array<i32>} : memref<128xi32, #tpu.memory_space<vmem>>, vector<16xi32>,
              %swap3A_180 = vector.shape_cast %swap3A_179 : vector<16xi32> to vector<16xi32>
              %swap3A_181 = vector.shape_cast %get3A_177 : vector<16xi32> to vector<16xi32>
              tpu.vector_store %arg10[%swap3A_178], %swap3A_181 {strides = array<i32>} : memref<128xi32, #tpu.memory_space<vmem>>, vector<16xi32>,
            }
            %scan3A_155 = arith.constant 8 : i32
            %dma_start3A_156 = arith.constant 0 : i32
            %dma_start3A_157 = arith.constant 0 : i32
            %dma_start3A_158 = tpu.memref_slice %arg2[%dma_start3A_156, %dma_start3A_157] : memref<10000x128xf32, #tpu.memory_space<hbm>> -> memref<10000x128xf32, #tpu.memory_space<hbm>>
            tpu.enqueue_indirect_dma source(%dma_start3A_158 : memref<10000x128xf32, #tpu.memory_space<hbm>>) target(%arg13 : memref<128x128xf32, #tpu.memory_space<vmem>>) offsets(%arg9 : memref<128xi32, #tpu.memory_space<vmem>>) semaphore(%arg16 : memref<!tpu.dma_semaphore, #tpu.memory_space<semaphore_mem>>)
          } else {
          }
          %dma_wait3A_138 = arith.constant 0 : i32
          %dma_wait3A_139 = arith.constant 0 : i32
          %dma_wait3A_140 = tpu.memref_slice %arg2[%dma_wait3A_138, %dma_wait3A_139] : memref<10000x128xf32, #tpu.memory_space<hbm>> -> memref<128x128xf32, #tpu.memory_space<hbm>>
          %dma_wait3A_141 = arith.constant 0 : i32
          %dma_wait3A_142 = arith.constant 0 : i32
          %dma_wait3A_143 = tpu.memref_slice %arg2[%dma_wait3A_141, %dma_wait3A_142] : memref<10000x128xf32, #tpu.memory_space<hbm>> -> memref<128x128xf32, #tpu.memory_space<hbm>>
          tpu.wait_dma2 semaphore(%arg17 : memref<!tpu.dma_semaphore, #tpu.memory_space<semaphore_mem>>) src(%dma_wait3A_143 : memref<128x128xf32, #tpu.memory_space<hbm>>) dst(%arg14 : memref<128x128xf32, #tpu.memory_space<vmem>>)
          "tpu.region"() ({
            %run_scoped3A = tpu.sem_alloc : memref<!tpu.dma_semaphore, #tpu.memory_space<semaphore_mem>>
            %dma_start3A_149 = arith.constant 0 : i32
            %dma_start3A_150 = arith.constant 0 : i32
            %dma_start3A_151 = tpu.memref_slice %arg15[%dma_start3A_149, %dma_start3A_150] : memref<10240x128xf32, #tpu.memory_space<vmem_shared>> -> memref<10240x128xf32, #tpu.memory_space<vmem_shared>>
            tpu.enqueue_indirect_dma source(%arg14 : memref<128x128xf32, #tpu.memory_space<vmem>>) target(%dma_start3A_151 : memref<10240x128xf32, #tpu.memory_space<vmem_shared>>) offsets(%arg12 : memref<128xi32, #tpu.memory_space<vmem>>) semaphore(%run_scoped3A : memref<!tpu.dma_semaphore, #tpu.memory_space<semaphore_mem>>) {add = true}
            %dma_wait3A_152 = arith.constant 0 : i32
            %dma_wait3A_153 = arith.constant 0 : i32
            %dma_wait3A_154 = tpu.memref_slice %arg15[%dma_wait3A_152, %dma_wait3A_153] : memref<10240x128xf32, #tpu.memory_space<vmem_shared>> -> memref<10240x128xf32, #tpu.memory_space<vmem_shared>>
            tpu.wait_indirect_dma semaphore(%run_scoped3A : memref<!tpu.dma_semaphore, #tpu.memory_space<semaphore_mem>>) src(%arg14 : memref<128x128xf32, #tpu.memory_space<vmem>>) dst(%dma_wait3A_154 : memref<10240x128xf32, #tpu.memory_space<vmem_shared>>)
            tpu.yield
          }) : () -> ()
          %lt3A_144 = arith.constant 7 : i32
          %lt3A_145 = arith.cmpi slt, %add3A_124, %lt3A_144 : i32
          %convert_element_type3A_146 = arith.extui %lt3A_145 : i1 to i32
          %cond3A_147 = arith.constant 0 : i32
          %cond3A_148 = arith.cmpi ne, %convert_element_type3A_146, %cond3A_147 : i32
          scf.if %cond3A_148 {
            %add3A_149 = arith.constant 3 : i32
            %add3A_150 = arith.addi %mul3A_126, %add3A_149 : i32
            %scan3A_151 = arith.constant 0 : i32
            %scan3A_152 = arith.constant 8 : i32
            %scan3A_153 = arith.addi %scan3A_151, %scan3A_152 : i32
            %scan3A_154 = arith.constant 1 : i32
            scf.for %scan3A_159 = %scan3A_151 to %scan3A_153 step %scan3A_154  : i32 {
              %mul3A_160 = arith.constant 16 : i32
              %mul3A_161 = arith.muli %scan3A_159, %mul3A_160 : i32
              %add3A_162 = arith.constant 0 : i32
              %add3A_163 = arith.addi %add3A_162, %mul3A_161 : i32
              %get3A = arith.constant 0 : i32
              %get3A_164 = arith.index_cast %add3A_150 : i32 to index
              %get3A_165 = arith.index_cast %get3A : i32 to index
              %get3A_166 = arith.index_cast %add3A_163 : i32 to index
              %get3A_167 = tpu.vector_load %arg7[%get3A_164, %get3A_165, %get3A_166] {strides = array<i32>} : memref<16x2x128xi32, #tpu.memory_space<vmem>>, vector<1x1x16xi32>,
              %get3A_168 = vector.shape_cast %get3A_167 : vector<1x1x16xi32> to vector<16xi32>
              %swap3A = arith.index_cast %add3A_163 : i32 to index
              %swap3A_169 = tpu.vector_load %arg11[%swap3A] {strides = array<i32>} : memref<128xi32, #tpu.memory_space<vmem>>, vector<16xi32>,
              %swap3A_170 = vector.shape_cast %swap3A_169 : vector<16xi32> to vector<16xi32>
              %swap3A_171 = vector.shape_cast %get3A_168 : vector<16xi32> to vector<16xi32>
              tpu.vector_store %arg11[%swap3A], %swap3A_171 {strides = array<i32>} : memref<128xi32, #tpu.memory_space<vmem>>, vector<16xi32>,
              %get3A_172 = arith.constant 1 : i32
              %get3A_173 = arith.index_cast %add3A_150 : i32 to index
              %get3A_174 = arith.index_cast %get3A_172 : i32 to index
              %get3A_175 = arith.index_cast %add3A_163 : i32 to index
              %get3A_176 = tpu.vector_load %arg7[%get3A_173, %get3A_174, %get3A_175] {strides = array<i32>} : memref<16x2x128xi32, #tpu.memory_space<vmem>>, vector<1x1x16xi32>,
              %get3A_177 = vector.shape_cast %get3A_176 : vector<1x1x16xi32> to vector<16xi32>
              %swap3A_178 = arith.index_cast %add3A_163 : i32 to index
              %swap3A_179 = tpu.vector_load %arg12[%swap3A_178] {strides = array<i32>} : memref<128xi32, #tpu.memory_space<vmem>>, vector<16xi32>,
              %swap3A_180 = vector.shape_cast %swap3A_179 : vector<16xi32> to vector<16xi32>
              %swap3A_181 = vector.shape_cast %get3A_177 : vector<16xi32> to vector<16xi32>
              tpu.vector_store %arg12[%swap3A_178], %swap3A_181 {strides = array<i32>} : memref<128xi32, #tpu.memory_space<vmem>>, vector<16xi32>,
            }
            %scan3A_155 = arith.constant 8 : i32
            %dma_start3A_156 = arith.constant 0 : i32
            %dma_start3A_157 = arith.constant 0 : i32
            %dma_start3A_158 = tpu.memref_slice %arg2[%dma_start3A_156, %dma_start3A_157] : memref<10000x128xf32, #tpu.memory_space<hbm>> -> memref<10000x128xf32, #tpu.memory_space<hbm>>
            tpu.enqueue_indirect_dma source(%dma_start3A_158 : memref<10000x128xf32, #tpu.memory_space<hbm>>) target(%arg14 : memref<128x128xf32, #tpu.memory_space<vmem>>) offsets(%arg11 : memref<128xi32, #tpu.memory_space<vmem>>) semaphore(%arg17 : memref<!tpu.dma_semaphore, #tpu.memory_space<semaphore_mem>>)
          } else {
          }
        }
        %scan3A_84 = arith.constant 8 : i32
        %add3A_85 = arith.constant 2 : i32
        %add3A_86 = arith.addi %add3A_43, %add3A_85 : i32
        %lt3A = arith.constant 10 : i32
        %lt3A_87 = arith.cmpi slt, %add3A_86, %lt3A : i32
        %convert_element_type3A_88 = arith.extui %lt3A_87 : i1 to i32
        %cond3A_89 = arith.constant 0 : i32
        %cond3A_90 = arith.cmpi ne, %convert_element_type3A_88, %cond3A_89 : i32
        scf.if %cond3A_90 {
          %add3A_120 = arith.constant 2 : i32
          %add3A_121 = arith.addi %add3A_43, %add3A_120 : i32
          %mul3A_122 = arith.constant 160 : i32
          %mul3A_123 = arith.muli %arg1, %mul3A_122 : i32
          %mul3A_124 = arith.constant 16 : i32
          %mul3A_125 = arith.muli %add3A_121, %mul3A_124 : i32
          %add3A_126 = arith.addi %mul3A_123, %mul3A_125 : i32
          %dma_start3A_127 = arith.constant 0 : i32
          %dma_start3A_128 = arith.constant 0 : i32
          %dma_start3A_129 = tpu.memref_slice %arg4[%add3A_126, %dma_start3A_127, %dma_start3A_128] : memref<2560x2x128xi32, #tpu.memory_space<hbm>> -> memref<16x2x128xi32, #tpu.memory_space<hbm>>
          %dma_start3A_130 = arith.constant 0 : i32
          %dma_start3A_131 = arith.constant 0 : i32
          %dma_start3A_132 = tpu.memref_slice %arg4[%add3A_126, %dma_start3A_130, %dma_start3A_131] : memref<2560x2x128xi32, #tpu.memory_space<hbm>> -> memref<16x2x128xi32, #tpu.memory_space<hbm>>
          tpu.enqueue_dma source(%dma_start3A_132 : memref<16x2x128xi32, #tpu.memory_space<hbm>>) target(%arg7 : memref<16x2x128xi32, #tpu.memory_space<vmem>>) target_semaphore(%arg18 : memref<!tpu.dma_semaphore, #tpu.memory_space<semaphore_mem>>)
        } else {
        }
        %dma_wait3A_91 = arith.constant 0 : i32
        %dma_wait3A_92 = arith.constant 0 : i32
        %dma_wait3A_93 = arith.constant 0 : i32
        %dma_wait3A_94 = tpu.memref_slice %arg4[%dma_wait3A_91, %dma_wait3A_92, %dma_wait3A_93] : memref<2560x2x128xi32, #tpu.memory_space<hbm>> -> memref<16x2x128xi32, #tpu.memory_space<hbm>>
        %dma_wait3A_95 = arith.constant 0 : i32
        %dma_wait3A_96 = arith.constant 0 : i32
        %dma_wait3A_97 = arith.constant 0 : i32
        %dma_wait3A_98 = tpu.memref_slice %arg4[%dma_wait3A_95, %dma_wait3A_96, %dma_wait3A_97] : memref<2560x2x128xi32, #tpu.memory_space<hbm>> -> memref<16x2x128xi32, #tpu.memory_space<hbm>>
        tpu.wait_dma2 semaphore(%arg19 : memref<!tpu.dma_semaphore, #tpu.memory_space<semaphore_mem>>) src(%dma_wait3A_98 : memref<16x2x128xi32, #tpu.memory_space<hbm>>) dst(%arg8 : memref<16x2x128xi32, #tpu.memory_space<vmem>>)
        %scan3A_99 = arith.constant 0 : i32
        %scan3A_100 = arith.constant 8 : i32
        %scan3A_101 = arith.addi %scan3A_99, %scan3A_100 : i32
        %scan3A_102 = arith.constant 1 : i32
        scf.for %scan3A_120 = %scan3A_99 to %scan3A_101 step %scan3A_102  : i32 {
          %mul3A_121 = arith.constant 16 : i32
          %mul3A_122 = arith.muli %scan3A_120, %mul3A_121 : i32
          %add3A_123 = arith.constant 0 : i32
          %add3A_124 = arith.addi %add3A_123, %mul3A_122 : i32
          %get3A = arith.constant 0 : i32
          %get3A_125 = arith.constant 0 : i32
          %get3A_126 = arith.index_cast %get3A : i32 to index
          %get3A_127 = arith.index_cast %get3A_125 : i32 to index
          %get3A_128 = arith.index_cast %add3A_124 : i32 to index
          %get3A_129 = tpu.vector_load %arg8[%get3A_126, %get3A_127, %get3A_128] {strides = array<i32>} : memref<16x2x128xi32, #tpu.memory_space<vmem>>, vector<1x1x16xi32>,
          %get3A_130 = vector.shape_cast %get3A_129 : vector<1x1x16xi32> to vector<16xi32>
          %swap3A = arith.index_cast %add3A_124 : i32 to index
          %swap3A_131 = tpu.vector_load %arg9[%swap3A] {strides = array<i32>} : memref<128xi32, #tpu.memory_space<vmem>>, vector<16xi32>,
          %swap3A_132 = vector.shape_cast %swap3A_131 : vector<16xi32> to vector<16xi32>
          %swap3A_133 = vector.shape_cast %get3A_130 : vector<16xi32> to vector<16xi32>
          tpu.vector_store %arg9[%swap3A], %swap3A_133 {strides = array<i32>} : memref<128xi32, #tpu.memory_space<vmem>>, vector<16xi32>,
          %get3A_134 = arith.constant 0 : i32
          %get3A_135 = arith.constant 1 : i32
          %get3A_136 = arith.index_cast %get3A_134 : i32 to index
          %get3A_137 = arith.index_cast %get3A_135 : i32 to index
          %get3A_138 = arith.index_cast %add3A_124 : i32 to index
          %get3A_139 = tpu.vector_load %arg8[%get3A_136, %get3A_137, %get3A_138] {strides = array<i32>} : memref<16x2x128xi32, #tpu.memory_space<vmem>>, vector<1x1x16xi32>,
          %get3A_140 = vector.shape_cast %get3A_139 : vector<1x1x16xi32> to vector<16xi32>
          %swap3A_141 = arith.index_cast %add3A_124 : i32 to index
          %swap3A_142 = tpu.vector_load %arg10[%swap3A_141] {strides = array<i32>} : memref<128xi32, #tpu.memory_space<vmem>>, vector<16xi32>,
          %swap3A_143 = vector.shape_cast %swap3A_142 : vector<16xi32> to vector<16xi32>
          %swap3A_144 = vector.shape_cast %get3A_140 : vector<16xi32> to vector<16xi32>
          tpu.vector_store %arg10[%swap3A_141], %swap3A_144 {strides = array<i32>} : memref<128xi32, #tpu.memory_space<vmem>>, vector<16xi32>,
        }
        %scan3A_103 = arith.constant 8 : i32
        %dma_start3A_104 = arith.constant 0 : i32
        %dma_start3A_105 = arith.constant 0 : i32
        %dma_start3A_106 = tpu.memref_slice %arg2[%dma_start3A_104, %dma_start3A_105] : memref<10000x128xf32, #tpu.memory_space<hbm>> -> memref<10000x128xf32, #tpu.memory_space<hbm>>
        tpu.enqueue_indirect_dma source(%dma_start3A_106 : memref<10000x128xf32, #tpu.memory_space<hbm>>) target(%arg13 : memref<128x128xf32, #tpu.memory_space<vmem>>) offsets(%arg9 : memref<128xi32, #tpu.memory_space<vmem>>) semaphore(%arg16 : memref<!tpu.dma_semaphore, #tpu.memory_space<semaphore_mem>>)
        %scan3A_107 = arith.constant 0 : i32
        %scan3A_108 = arith.constant 8 : i32
        %scan3A_109 = arith.addi %scan3A_107, %scan3A_108 : i32
        %scan3A_110 = arith.constant 1 : i32
        scf.for %scan3A_120 = %scan3A_107 to %scan3A_109 step %scan3A_110  : i32 {
          %mul3A_121 = arith.constant 16 : i32
          %mul3A_122 = arith.muli %scan3A_120, %mul3A_121 : i32
          %add3A_123 = arith.constant 0 : i32
          %add3A_124 = arith.addi %add3A_123, %mul3A_122 : i32
          %get3A = arith.constant 1 : i32
          %get3A_125 = arith.constant 0 : i32
          %get3A_126 = arith.index_cast %get3A : i32 to index
          %get3A_127 = arith.index_cast %get3A_125 : i32 to index
          %get3A_128 = arith.index_cast %add3A_124 : i32 to index
          %get3A_129 = tpu.vector_load %arg8[%get3A_126, %get3A_127, %get3A_128] {strides = array<i32>} : memref<16x2x128xi32, #tpu.memory_space<vmem>>, vector<1x1x16xi32>,
          %get3A_130 = vector.shape_cast %get3A_129 : vector<1x1x16xi32> to vector<16xi32>
          %swap3A = arith.index_cast %add3A_124 : i32 to index
          %swap3A_131 = tpu.vector_load %arg11[%swap3A] {strides = array<i32>} : memref<128xi32, #tpu.memory_space<vmem>>, vector<16xi32>,
          %swap3A_132 = vector.shape_cast %swap3A_131 : vector<16xi32> to vector<16xi32>
          %swap3A_133 = vector.shape_cast %get3A_130 : vector<16xi32> to vector<16xi32>
          tpu.vector_store %arg11[%swap3A], %swap3A_133 {strides = array<i32>} : memref<128xi32, #tpu.memory_space<vmem>>, vector<16xi32>,
          %get3A_134 = arith.constant 1 : i32
          %get3A_135 = arith.constant 1 : i32
          %get3A_136 = arith.index_cast %get3A_134 : i32 to index
          %get3A_137 = arith.index_cast %get3A_135 : i32 to index
          %get3A_138 = arith.index_cast %add3A_124 : i32 to index
          %get3A_139 = tpu.vector_load %arg8[%get3A_136, %get3A_137, %get3A_138] {strides = array<i32>} : memref<16x2x128xi32, #tpu.memory_space<vmem>>, vector<1x1x16xi32>,
          %get3A_140 = vector.shape_cast %get3A_139 : vector<1x1x16xi32> to vector<16xi32>
          %swap3A_141 = arith.index_cast %add3A_124 : i32 to index
          %swap3A_142 = tpu.vector_load %arg12[%swap3A_141] {strides = array<i32>} : memref<128xi32, #tpu.memory_space<vmem>>, vector<16xi32>,
          %swap3A_143 = vector.shape_cast %swap3A_142 : vector<16xi32> to vector<16xi32>
          %swap3A_144 = vector.shape_cast %get3A_140 : vector<16xi32> to vector<16xi32>
          tpu.vector_store %arg12[%swap3A_141], %swap3A_144 {strides = array<i32>} : memref<128xi32, #tpu.memory_space<vmem>>, vector<16xi32>,
        }
        %scan3A_111 = arith.constant 8 : i32
        %dma_start3A_112 = arith.constant 0 : i32
        %dma_start3A_113 = arith.constant 0 : i32
        %dma_start3A_114 = tpu.memref_slice %arg2[%dma_start3A_112, %dma_start3A_113] : memref<10000x128xf32, #tpu.memory_space<hbm>> -> memref<10000x128xf32, #tpu.memory_space<hbm>>
        tpu.enqueue_indirect_dma source(%dma_start3A_114 : memref<10000x128xf32, #tpu.memory_space<hbm>>) target(%arg14 : memref<128x128xf32, #tpu.memory_space<vmem>>) offsets(%arg11 : memref<128xi32, #tpu.memory_space<vmem>>) semaphore(%arg17 : memref<!tpu.dma_semaphore, #tpu.memory_space<semaphore_mem>>)
        %scan3A_115 = arith.constant 0 : i32
        %scan3A_116 = arith.constant 8 : i32
        %scan3A_117 = arith.addi %scan3A_115, %scan3A_116 : i32
        %scan3A_118 = arith.constant 1 : i32
        scf.for %scan3A_120 = %scan3A_115 to %scan3A_117 step %scan3A_118  : i32 {
          %mul3A_121 = arith.constant 1 : i32
          %mul3A_122 = arith.muli %scan3A_120, %mul3A_121 : i32
          %add3A_123 = arith.constant 0 : i32
          %add3A_124 = arith.addi %add3A_123, %mul3A_122 : i32
          %mul3A_125 = arith.constant 2 : i32
          %mul3A_126 = arith.muli %mul3A_125, %add3A_124 : i32
          %dma_wait3A_127 = arith.constant 0 : i32
          %dma_wait3A_128 = arith.constant 0 : i32
          %dma_wait3A_129 = tpu.memref_slice %arg2[%dma_wait3A_127, %dma_wait3A_128] : memref<10000x128xf32, #tpu.memory_space<hbm>> -> memref<128x128xf32, #tpu.memory_space<hbm>>
          %dma_wait3A_130 = arith.constant 0 : i32
          %dma_wait3A_131 = arith.constant 0 : i32
          %dma_wait3A_132 = tpu.memref_slice %arg2[%dma_wait3A_130, %dma_wait3A_131] : memref<10000x128xf32, #tpu.memory_space<hbm>> -> memref<128x128xf32, #tpu.memory_space<hbm>>
          tpu.wait_dma2 semaphore(%arg16 : memref<!tpu.dma_semaphore, #tpu.memory_space<semaphore_mem>>) src(%dma_wait3A_132 : memref<128x128xf32, #tpu.memory_space<hbm>>) dst(%arg13 : memref<128x128xf32, #tpu.memory_space<vmem>>)
          "tpu.region"() ({
            %run_scoped3A = tpu.sem_alloc : memref<!tpu.dma_semaphore, #tpu.memory_space<semaphore_mem>>
            %dma_start3A_149 = arith.constant 0 : i32
            %dma_start3A_150 = arith.constant 0 : i32
            %dma_start3A_151 = tpu.memref_slice %arg15[%dma_start3A_149, %dma_start3A_150] : memref<10240x128xf32, #tpu.memory_space<vmem_shared>> -> memref<10240x128xf32, #tpu.memory_space<vmem_shared>>
            tpu.enqueue_indirect_dma source(%arg13 : memref<128x128xf32, #tpu.memory_space<vmem>>) target(%dma_start3A_151 : memref<10240x128xf32, #tpu.memory_space<vmem_shared>>) offsets(%arg10 : memref<128xi32, #tpu.memory_space<vmem>>) semaphore(%run_scoped3A : memref<!tpu.dma_semaphore, #tpu.memory_space<semaphore_mem>>) {add = true}
            %dma_wait3A_152 = arith.constant 0 : i32
            %dma_wait3A_153 = arith.constant 0 : i32
            %dma_wait3A_154 = tpu.memref_slice %arg15[%dma_wait3A_152, %dma_wait3A_153] : memref<10240x128xf32, #tpu.memory_space<vmem_shared>> -> memref<10240x128xf32, #tpu.memory_space<vmem_shared>>
            tpu.wait_indirect_dma semaphore(%run_scoped3A : memref<!tpu.dma_semaphore, #tpu.memory_space<semaphore_mem>>) src(%arg13 : memref<128x128xf32, #tpu.memory_space<vmem>>) dst(%dma_wait3A_154 : memref<10240x128xf32, #tpu.memory_space<vmem_shared>>)
            tpu.yield
          }) : () -> ()
          %lt3A_133 = arith.constant 7 : i32
          %lt3A_134 = arith.cmpi slt, %add3A_124, %lt3A_133 : i32
          %convert_element_type3A_135 = arith.extui %lt3A_134 : i1 to i32
          %cond3A_136 = arith.constant 0 : i32
          %cond3A_137 = arith.cmpi ne, %convert_element_type3A_135, %cond3A_136 : i32
          scf.if %cond3A_137 {
            %add3A_149 = arith.constant 2 : i32
            %add3A_150 = arith.addi %mul3A_126, %add3A_149 : i32
            %scan3A_151 = arith.constant 0 : i32
            %scan3A_152 = arith.constant 8 : i32
            %scan3A_153 = arith.addi %scan3A_151, %scan3A_152 : i32
            %scan3A_154 = arith.constant 1 : i32
            scf.for %scan3A_159 = %scan3A_151 to %scan3A_153 step %scan3A_154  : i32 {
              %mul3A_160 = arith.constant 16 : i32
              %mul3A_161 = arith.muli %scan3A_159, %mul3A_160 : i32
              %add3A_162 = arith.constant 0 : i32
              %add3A_163 = arith.addi %add3A_162, %mul3A_161 : i32
              %get3A = arith.constant 0 : i32
              %get3A_164 = arith.index_cast %add3A_150 : i32 to index
              %get3A_165 = arith.index_cast %get3A : i32 to index
              %get3A_166 = arith.index_cast %add3A_163 : i32 to index
              %get3A_167 = tpu.vector_load %arg8[%get3A_164, %get3A_165, %get3A_166] {strides = array<i32>} : memref<16x2x128xi32, #tpu.memory_space<vmem>>, vector<1x1x16xi32>,
              %get3A_168 = vector.shape_cast %get3A_167 : vector<1x1x16xi32> to vector<16xi32>
              %swap3A = arith.index_cast %add3A_163 : i32 to index
              %swap3A_169 = tpu.vector_load %arg9[%swap3A] {strides = array<i32>} : memref<128xi32, #tpu.memory_space<vmem>>, vector<16xi32>,
              %swap3A_170 = vector.shape_cast %swap3A_169 : vector<16xi32> to vector<16xi32>
              %swap3A_171 = vector.shape_cast %get3A_168 : vector<16xi32> to vector<16xi32>
              tpu.vector_store %arg9[%swap3A], %swap3A_171 {strides = array<i32>} : memref<128xi32, #tpu.memory_space<vmem>>, vector<16xi32>,
              %get3A_172 = arith.constant 1 : i32
              %get3A_173 = arith.index_cast %add3A_150 : i32 to index
              %get3A_174 = arith.index_cast %get3A_172 : i32 to index
              %get3A_175 = arith.index_cast %add3A_163 : i32 to index
              %get3A_176 = tpu.vector_load %arg8[%get3A_173, %get3A_174, %get3A_175] {strides = array<i32>} : memref<16x2x128xi32, #tpu.memory_space<vmem>>, vector<1x1x16xi32>,
              %get3A_177 = vector.shape_cast %get3A_176 : vector<1x1x16xi32> to vector<16xi32>
              %swap3A_178 = arith.index_cast %add3A_163 : i32 to index
              %swap3A_179 = tpu.vector_load %arg10[%swap3A_178] {strides = array<i32>} : memref<128xi32, #tpu.memory_space<vmem>>, vector<16xi32>,
              %swap3A_180 = vector.shape_cast %swap3A_179 : vector<16xi32> to vector<16xi32>
              %swap3A_181 = vector.shape_cast %get3A_177 : vector<16xi32> to vector<16xi32>
              tpu.vector_store %arg10[%swap3A_178], %swap3A_181 {strides = array<i32>} : memref<128xi32, #tpu.memory_space<vmem>>, vector<16xi32>,
            }
            %scan3A_155 = arith.constant 8 : i32
            %dma_start3A_156 = arith.constant 0 : i32
            %dma_start3A_157 = arith.constant 0 : i32
            %dma_start3A_158 = tpu.memref_slice %arg2[%dma_start3A_156, %dma_start3A_157] : memref<10000x128xf32, #tpu.memory_space<hbm>> -> memref<10000x128xf32, #tpu.memory_space<hbm>>
            tpu.enqueue_indirect_dma source(%dma_start3A_158 : memref<10000x128xf32, #tpu.memory_space<hbm>>) target(%arg13 : memref<128x128xf32, #tpu.memory_space<vmem>>) offsets(%arg9 : memref<128xi32, #tpu.memory_space<vmem>>) semaphore(%arg16 : memref<!tpu.dma_semaphore, #tpu.memory_space<semaphore_mem>>)
          } else {
          }
          %dma_wait3A_138 = arith.constant 0 : i32
          %dma_wait3A_139 = arith.constant 0 : i32
          %dma_wait3A_140 = tpu.memref_slice %arg2[%dma_wait3A_138, %dma_wait3A_139] : memref<10000x128xf32, #tpu.memory_space<hbm>> -> memref<128x128xf32, #tpu.memory_space<hbm>>
          %dma_wait3A_141 = arith.constant 0 : i32
          %dma_wait3A_142 = arith.constant 0 : i32
          %dma_wait3A_143 = tpu.memref_slice %arg2[%dma_wait3A_141, %dma_wait3A_142] : memref<10000x128xf32, #tpu.memory_space<hbm>> -> memref<128x128xf32, #tpu.memory_space<hbm>>
          tpu.wait_dma2 semaphore(%arg17 : memref<!tpu.dma_semaphore, #tpu.memory_space<semaphore_mem>>) src(%dma_wait3A_143 : memref<128x128xf32, #tpu.memory_space<hbm>>) dst(%arg14 : memref<128x128xf32, #tpu.memory_space<vmem>>)
          "tpu.region"() ({
            %run_scoped3A = tpu.sem_alloc : memref<!tpu.dma_semaphore, #tpu.memory_space<semaphore_mem>>
            %dma_start3A_149 = arith.constant 0 : i32
            %dma_start3A_150 = arith.constant 0 : i32
            %dma_start3A_151 = tpu.memref_slice %arg15[%dma_start3A_149, %dma_start3A_150] : memref<10240x128xf32, #tpu.memory_space<vmem_shared>> -> memref<10240x128xf32, #tpu.memory_space<vmem_shared>>
            tpu.enqueue_indirect_dma source(%arg14 : memref<128x128xf32, #tpu.memory_space<vmem>>) target(%dma_start3A_151 : memref<10240x128xf32, #tpu.memory_space<vmem_shared>>) offsets(%arg12 : memref<128xi32, #tpu.memory_space<vmem>>) semaphore(%run_scoped3A : memref<!tpu.dma_semaphore, #tpu.memory_space<semaphore_mem>>) {add = true}
            %dma_wait3A_152 = arith.constant 0 : i32
            %dma_wait3A_153 = arith.constant 0 : i32
            %dma_wait3A_154 = tpu.memref_slice %arg15[%dma_wait3A_152, %dma_wait3A_153] : memref<10240x128xf32, #tpu.memory_space<vmem_shared>> -> memref<10240x128xf32, #tpu.memory_space<vmem_shared>>
            tpu.wait_indirect_dma semaphore(%run_scoped3A : memref<!tpu.dma_semaphore, #tpu.memory_space<semaphore_mem>>) src(%arg14 : memref<128x128xf32, #tpu.memory_space<vmem>>) dst(%dma_wait3A_154 : memref<10240x128xf32, #tpu.memory_space<vmem_shared>>)
            tpu.yield
          }) : () -> ()
          %lt3A_144 = arith.constant 7 : i32
          %lt3A_145 = arith.cmpi slt, %add3A_124, %lt3A_144 : i32
          %convert_element_type3A_146 = arith.extui %lt3A_145 : i1 to i32
          %cond3A_147 = arith.constant 0 : i32
          %cond3A_148 = arith.cmpi ne, %convert_element_type3A_146, %cond3A_147 : i32
          scf.if %cond3A_148 {
            %add3A_149 = arith.constant 3 : i32
            %add3A_150 = arith.addi %mul3A_126, %add3A_149 : i32
            %scan3A_151 = arith.constant 0 : i32
            %scan3A_152 = arith.constant 8 : i32
            %scan3A_153 = arith.addi %scan3A_151, %scan3A_152 : i32
            %scan3A_154 = arith.constant 1 : i32
            scf.for %scan3A_159 = %scan3A_151 to %scan3A_153 step %scan3A_154  : i32 {
              %mul3A_160 = arith.constant 16 : i32
              %mul3A_161 = arith.muli %scan3A_159, %mul3A_160 : i32
              %add3A_162 = arith.constant 0 : i32
              %add3A_163 = arith.addi %add3A_162, %mul3A_161 : i32
              %get3A = arith.constant 0 : i32
              %get3A_164 = arith.index_cast %add3A_150 : i32 to index
              %get3A_165 = arith.index_cast %get3A : i32 to index
              %get3A_166 = arith.index_cast %add3A_163 : i32 to index
              %get3A_167 = tpu.vector_load %arg8[%get3A_164, %get3A_165, %get3A_166] {strides = array<i32>} : memref<16x2x128xi32, #tpu.memory_space<vmem>>, vector<1x1x16xi32>,
              %get3A_168 = vector.shape_cast %get3A_167 : vector<1x1x16xi32> to vector<16xi32>
              %swap3A = arith.index_cast %add3A_163 : i32 to index
              %swap3A_169 = tpu.vector_load %arg11[%swap3A] {strides = array<i32>} : memref<128xi32, #tpu.memory_space<vmem>>, vector<16xi32>,
              %swap3A_170 = vector.shape_cast %swap3A_169 : vector<16xi32> to vector<16xi32>
              %swap3A_171 = vector.shape_cast %get3A_168 : vector<16xi32> to vector<16xi32>
              tpu.vector_store %arg11[%swap3A], %swap3A_171 {strides = array<i32>} : memref<128xi32, #tpu.memory_space<vmem>>, vector<16xi32>,
              %get3A_172 = arith.constant 1 : i32
              %get3A_173 = arith.index_cast %add3A_150 : i32 to index
              %get3A_174 = arith.index_cast %get3A_172 : i32 to index
              %get3A_175 = arith.index_cast %add3A_163 : i32 to index
              %get3A_176 = tpu.vector_load %arg8[%get3A_173, %get3A_174, %get3A_175] {strides = array<i32>} : memref<16x2x128xi32, #tpu.memory_space<vmem>>, vector<1x1x16xi32>,
              %get3A_177 = vector.shape_cast %get3A_176 : vector<1x1x16xi32> to vector<16xi32>
              %swap3A_178 = arith.index_cast %add3A_163 : i32 to index
              %swap3A_179 = tpu.vector_load %arg12[%swap3A_178] {strides = array<i32>} : memref<128xi32, #tpu.memory_space<vmem>>, vector<16xi32>,
              %swap3A_180 = vector.shape_cast %swap3A_179 : vector<16xi32> to vector<16xi32>
              %swap3A_181 = vector.shape_cast %get3A_177 : vector<16xi32> to vector<16xi32>
              tpu.vector_store %arg12[%swap3A_178], %swap3A_181 {strides = array<i32>} : memref<128xi32, #tpu.memory_space<vmem>>, vector<16xi32>,
            }
            %scan3A_155 = arith.constant 8 : i32
            %dma_start3A_156 = arith.constant 0 : i32
            %dma_start3A_157 = arith.constant 0 : i32
            %dma_start3A_158 = tpu.memref_slice %arg2[%dma_start3A_156, %dma_start3A_157] : memref<10000x128xf32, #tpu.memory_space<hbm>> -> memref<10000x128xf32, #tpu.memory_space<hbm>>
            tpu.enqueue_indirect_dma source(%dma_start3A_158 : memref<10000x128xf32, #tpu.memory_space<hbm>>) target(%arg14 : memref<128x128xf32, #tpu.memory_space<vmem>>) offsets(%arg11 : memref<128xi32, #tpu.memory_space<vmem>>) semaphore(%arg17 : memref<!tpu.dma_semaphore, #tpu.memory_space<semaphore_mem>>)
          } else {
          }
        }
        %scan3A_119 = arith.constant 8 : i32
      }
      %scan3A_38 = arith.constant 5 : i32
    } else {
    }
    %eq3A_18 = arith.constant 1 : i32
    %eq3A_19 = arith.cmpi eq, %arg0, %eq3A_18 : i32
    %convert_element_type3A_20 = arith.extui %eq3A_19 : i1 to i32
    %cond3A_21 = arith.constant 0 : i32
    %cond3A_22 = arith.cmpi ne, %convert_element_type3A_20, %cond3A_21 : i32
    scf.if %cond3A_22 {
      %scan3A_34 = arith.constant 0 : i32
      %scan3A_35 = arith.constant 5 : i32
      %scan3A_36 = arith.addi %scan3A_34, %scan3A_35 : i32
      %scan3A_37 = arith.constant 1 : i32
      scf.for %scan3A_39 = %scan3A_34 to %scan3A_36 step %scan3A_37  : i32 {
        %mul3A_40 = arith.constant 2 : i32
        %mul3A_41 = arith.muli %scan3A_39, %mul3A_40 : i32
        %add3A_42 = arith.constant 0 : i32
        %add3A_43 = arith.addi %add3A_42, %mul3A_41 : i32
        %add3A_44 = arith.constant 1 : i32
        %add3A_45 = arith.addi %add3A_43, %add3A_44 : i32
        %mul3A_46 = arith.constant 160 : i32
        %mul3A_47 = arith.muli %arg1, %mul3A_46 : i32
        %mul3A_48 = arith.constant 16 : i32
        %mul3A_49 = arith.muli %add3A_45, %mul3A_48 : i32
        %add3A_50 = arith.addi %mul3A_47, %mul3A_49 : i32
        %dma_start3A_51 = arith.constant 0 : i32
        %dma_start3A_52 = arith.constant 0 : i32
        %dma_start3A_53 = tpu.memref_slice %arg4[%add3A_50, %dma_start3A_51, %dma_start3A_52] : memref<2560x2x128xi32, #tpu.memory_space<hbm>> -> memref<16x2x128xi32, #tpu.memory_space<hbm>>
        %dma_start3A_54 = arith.constant 0 : i32
        %dma_start3A_55 = arith.constant 0 : i32
        %dma_start3A_56 = tpu.memref_slice %arg4[%add3A_50, %dma_start3A_54, %dma_start3A_55] : memref<2560x2x128xi32, #tpu.memory_space<hbm>> -> memref<16x2x128xi32, #tpu.memory_space<hbm>>
        tpu.enqueue_dma source(%dma_start3A_56 : memref<16x2x128xi32, #tpu.memory_space<hbm>>) target(%arg8 : memref<16x2x128xi32, #tpu.memory_space<vmem>>) target_semaphore(%arg19 : memref<!tpu.dma_semaphore, #tpu.memory_space<semaphore_mem>>)
        %dma_wait3A = arith.constant 0 : i32
        %dma_wait3A_57 = arith.constant 0 : i32
        %dma_wait3A_58 = arith.constant 0 : i32
        %dma_wait3A_59 = tpu.memref_slice %arg4[%dma_wait3A, %dma_wait3A_57, %dma_wait3A_58] : memref<2560x2x128xi32, #tpu.memory_space<hbm>> -> memref<16x2x128xi32, #tpu.memory_space<hbm>>
        %dma_wait3A_60 = arith.constant 0 : i32
        %dma_wait3A_61 = arith.constant 0 : i32
        %dma_wait3A_62 = arith.constant 0 : i32
        %dma_wait3A_63 = tpu.memref_slice %arg4[%dma_wait3A_60, %dma_wait3A_61, %dma_wait3A_62] : memref<2560x2x128xi32, #tpu.memory_space<hbm>> -> memref<16x2x128xi32, #tpu.memory_space<hbm>>
        tpu.wait_dma2 semaphore(%arg18 : memref<!tpu.dma_semaphore, #tpu.memory_space<semaphore_mem>>) src(%dma_wait3A_63 : memref<16x2x128xi32, #tpu.memory_space<hbm>>) dst(%arg7 : memref<16x2x128xi32, #tpu.memory_space<vmem>>)
        %scan3A_64 = arith.constant 0 : i32
        %scan3A_65 = arith.constant 8 : i32
        %scan3A_66 = arith.addi %scan3A_64, %scan3A_65 : i32
        %scan3A_67 = arith.constant 1 : i32
        scf.for %scan3A_120 = %scan3A_64 to %scan3A_66 step %scan3A_67  : i32 {
          %mul3A_121 = arith.constant 16 : i32
          %mul3A_122 = arith.muli %scan3A_120, %mul3A_121 : i32
          %add3A_123 = arith.constant 0 : i32
          %add3A_124 = arith.addi %add3A_123, %mul3A_122 : i32
          %get3A = arith.constant 0 : i32
          %get3A_125 = arith.constant 0 : i32
          %get3A_126 = arith.index_cast %get3A : i32 to index
          %get3A_127 = arith.index_cast %get3A_125 : i32 to index
          %get3A_128 = arith.index_cast %add3A_124 : i32 to index
          %get3A_129 = tpu.vector_load %arg7[%get3A_126, %get3A_127, %get3A_128] {strides = array<i32>} : memref<16x2x128xi32, #tpu.memory_space<vmem>>, vector<1x1x16xi32>,
          %get3A_130 = vector.shape_cast %get3A_129 : vector<1x1x16xi32> to vector<16xi32>
          %swap3A = arith.index_cast %add3A_124 : i32 to index
          %swap3A_131 = tpu.vector_load %arg9[%swap3A] {strides = array<i32>} : memref<128xi32, #tpu.memory_space<vmem>>, vector<16xi32>,
          %swap3A_132 = vector.shape_cast %swap3A_131 : vector<16xi32> to vector<16xi32>
          %swap3A_133 = vector.shape_cast %get3A_130 : vector<16xi32> to vector<16xi32>
          tpu.vector_store %arg9[%swap3A], %swap3A_133 {strides = array<i32>} : memref<128xi32, #tpu.memory_space<vmem>>, vector<16xi32>,
          %get3A_134 = arith.constant 0 : i32
          %get3A_135 = arith.constant 1 : i32
          %get3A_136 = arith.index_cast %get3A_134 : i32 to index
          %get3A_137 = arith.index_cast %get3A_135 : i32 to index
          %get3A_138 = arith.index_cast %add3A_124 : i32 to index
          %get3A_139 = tpu.vector_load %arg7[%get3A_136, %get3A_137, %get3A_138] {strides = array<i32>} : memref<16x2x128xi32, #tpu.memory_space<vmem>>, vector<1x1x16xi32>,
          %get3A_140 = vector.shape_cast %get3A_139 : vector<1x1x16xi32> to vector<16xi32>
          %swap3A_141 = arith.index_cast %add3A_124 : i32 to index
          %swap3A_142 = tpu.vector_load %arg10[%swap3A_141] {strides = array<i32>} : memref<128xi32, #tpu.memory_space<vmem>>, vector<16xi32>,
          %swap3A_143 = vector.shape_cast %swap3A_142 : vector<16xi32> to vector<16xi32>
          %swap3A_144 = vector.shape_cast %get3A_140 : vector<16xi32> to vector<16xi32>
          tpu.vector_store %arg10[%swap3A_141], %swap3A_144 {strides = array<i32>} : memref<128xi32, #tpu.memory_space<vmem>>, vector<16xi32>,
        }
        %scan3A_68 = arith.constant 8 : i32
        %dma_start3A_69 = arith.constant 0 : i32
        %dma_start3A_70 = arith.constant 0 : i32
        %dma_start3A_71 = tpu.memref_slice %arg3[%dma_start3A_69, %dma_start3A_70] : memref<10000x128xf32, #tpu.memory_space<hbm>> -> memref<10000x128xf32, #tpu.memory_space<hbm>>
        tpu.enqueue_indirect_dma source(%dma_start3A_71 : memref<10000x128xf32, #tpu.memory_space<hbm>>) target(%arg13 : memref<128x128xf32, #tpu.memory_space<vmem>>) offsets(%arg9 : memref<128xi32, #tpu.memory_space<vmem>>) semaphore(%arg16 : memref<!tpu.dma_semaphore, #tpu.memory_space<semaphore_mem>>)
        %scan3A_72 = arith.constant 0 : i32
        %scan3A_73 = arith.constant 8 : i32
        %scan3A_74 = arith.addi %scan3A_72, %scan3A_73 : i32
        %scan3A_75 = arith.constant 1 : i32
        scf.for %scan3A_120 = %scan3A_72 to %scan3A_74 step %scan3A_75  : i32 {
          %mul3A_121 = arith.constant 16 : i32
          %mul3A_122 = arith.muli %scan3A_120, %mul3A_121 : i32
          %add3A_123 = arith.constant 0 : i32
          %add3A_124 = arith.addi %add3A_123, %mul3A_122 : i32
          %get3A = arith.constant 1 : i32
          %get3A_125 = arith.constant 0 : i32
          %get3A_126 = arith.index_cast %get3A : i32 to index
          %get3A_127 = arith.index_cast %get3A_125 : i32 to index
          %get3A_128 = arith.index_cast %add3A_124 : i32 to index
          %get3A_129 = tpu.vector_load %arg7[%get3A_126, %get3A_127, %get3A_128] {strides = array<i32>} : memref<16x2x128xi32, #tpu.memory_space<vmem>>, vector<1x1x16xi32>,
          %get3A_130 = vector.shape_cast %get3A_129 : vector<1x1x16xi32> to vector<16xi32>
          %swap3A = arith.index_cast %add3A_124 : i32 to index
          %swap3A_131 = tpu.vector_load %arg11[%swap3A] {strides = array<i32>} : memref<128xi32, #tpu.memory_space<vmem>>, vector<16xi32>,
          %swap3A_132 = vector.shape_cast %swap3A_131 : vector<16xi32> to vector<16xi32>
          %swap3A_133 = vector.shape_cast %get3A_130 : vector<16xi32> to vector<16xi32>
          tpu.vector_store %arg11[%swap3A], %swap3A_133 {strides = array<i32>} : memref<128xi32, #tpu.memory_space<vmem>>, vector<16xi32>,
          %get3A_134 = arith.constant 1 : i32
          %get3A_135 = arith.constant 1 : i32
          %get3A_136 = arith.index_cast %get3A_134 : i32 to index
          %get3A_137 = arith.index_cast %get3A_135 : i32 to index
          %get3A_138 = arith.index_cast %add3A_124 : i32 to index
          %get3A_139 = tpu.vector_load %arg7[%get3A_136, %get3A_137, %get3A_138] {strides = array<i32>} : memref<16x2x128xi32, #tpu.memory_space<vmem>>, vector<1x1x16xi32>,
          %get3A_140 = vector.shape_cast %get3A_139 : vector<1x1x16xi32> to vector<16xi32>
          %swap3A_141 = arith.index_cast %add3A_124 : i32 to index
          %swap3A_142 = tpu.vector_load %arg12[%swap3A_141] {strides = array<i32>} : memref<128xi32, #tpu.memory_space<vmem>>, vector<16xi32>,
          %swap3A_143 = vector.shape_cast %swap3A_142 : vector<16xi32> to vector<16xi32>
          %swap3A_144 = vector.shape_cast %get3A_140 : vector<16xi32> to vector<16xi32>
          tpu.vector_store %arg12[%swap3A_141], %swap3A_144 {strides = array<i32>} : memref<128xi32, #tpu.memory_space<vmem>>, vector<16xi32>,
        }
        %scan3A_76 = arith.constant 8 : i32
        %dma_start3A_77 = arith.constant 0 : i32
        %dma_start3A_78 = arith.constant 0 : i32
        %dma_start3A_79 = tpu.memref_slice %arg3[%dma_start3A_77, %dma_start3A_78] : memref<10000x128xf32, #tpu.memory_space<hbm>> -> memref<10000x128xf32, #tpu.memory_space<hbm>>
        tpu.enqueue_indirect_dma source(%dma_start3A_79 : memref<10000x128xf32, #tpu.memory_space<hbm>>) target(%arg14 : memref<128x128xf32, #tpu.memory_space<vmem>>) offsets(%arg11 : memref<128xi32, #tpu.memory_space<vmem>>) semaphore(%arg17 : memref<!tpu.dma_semaphore, #tpu.memory_space<semaphore_mem>>)
        %scan3A_80 = arith.constant 0 : i32
        %scan3A_81 = arith.constant 8 : i32
        %scan3A_82 = arith.addi %scan3A_80, %scan3A_81 : i32
        %scan3A_83 = arith.constant 1 : i32
        scf.for %scan3A_120 = %scan3A_80 to %scan3A_82 step %scan3A_83  : i32 {
          %mul3A_121 = arith.constant 1 : i32
          %mul3A_122 = arith.muli %scan3A_120, %mul3A_121 : i32
          %add3A_123 = arith.constant 0 : i32
          %add3A_124 = arith.addi %add3A_123, %mul3A_122 : i32
          %mul3A_125 = arith.constant 2 : i32
          %mul3A_126 = arith.muli %mul3A_125, %add3A_124 : i32
          %dma_wait3A_127 = arith.constant 0 : i32
          %dma_wait3A_128 = arith.constant 0 : i32
          %dma_wait3A_129 = tpu.memref_slice %arg3[%dma_wait3A_127, %dma_wait3A_128] : memref<10000x128xf32, #tpu.memory_space<hbm>> -> memref<128x128xf32, #tpu.memory_space<hbm>>
          %dma_wait3A_130 = arith.constant 0 : i32
          %dma_wait3A_131 = arith.constant 0 : i32
          %dma_wait3A_132 = tpu.memref_slice %arg3[%dma_wait3A_130, %dma_wait3A_131] : memref<10000x128xf32, #tpu.memory_space<hbm>> -> memref<128x128xf32, #tpu.memory_space<hbm>>
          tpu.wait_dma2 semaphore(%arg16 : memref<!tpu.dma_semaphore, #tpu.memory_space<semaphore_mem>>) src(%dma_wait3A_132 : memref<128x128xf32, #tpu.memory_space<hbm>>) dst(%arg13 : memref<128x128xf32, #tpu.memory_space<vmem>>)
          "tpu.region"() ({
            %run_scoped3A = tpu.sem_alloc : memref<!tpu.dma_semaphore, #tpu.memory_space<semaphore_mem>>
            %dma_start3A_149 = arith.constant 0 : i32
            %dma_start3A_150 = arith.constant 0 : i32
            %dma_start3A_151 = tpu.memref_slice %arg15[%dma_start3A_149, %dma_start3A_150] : memref<10240x128xf32, #tpu.memory_space<vmem_shared>> -> memref<10240x128xf32, #tpu.memory_space<vmem_shared>>
            tpu.enqueue_indirect_dma source(%arg13 : memref<128x128xf32, #tpu.memory_space<vmem>>) target(%dma_start3A_151 : memref<10240x128xf32, #tpu.memory_space<vmem_shared>>) offsets(%arg10 : memref<128xi32, #tpu.memory_space<vmem>>) semaphore(%run_scoped3A : memref<!tpu.dma_semaphore, #tpu.memory_space<semaphore_mem>>) {add = true}
            %dma_wait3A_152 = arith.constant 0 : i32
            %dma_wait3A_153 = arith.constant 0 : i32
            %dma_wait3A_154 = tpu.memref_slice %arg15[%dma_wait3A_152, %dma_wait3A_153] : memref<10240x128xf32, #tpu.memory_space<vmem_shared>> -> memref<10240x128xf32, #tpu.memory_space<vmem_shared>>
            tpu.wait_indirect_dma semaphore(%run_scoped3A : memref<!tpu.dma_semaphore, #tpu.memory_space<semaphore_mem>>) src(%arg13 : memref<128x128xf32, #tpu.memory_space<vmem>>) dst(%dma_wait3A_154 : memref<10240x128xf32, #tpu.memory_space<vmem_shared>>)
            tpu.yield
          }) : () -> ()
          %lt3A_133 = arith.constant 7 : i32
          %lt3A_134 = arith.cmpi slt, %add3A_124, %lt3A_133 : i32
          %convert_element_type3A_135 = arith.extui %lt3A_134 : i1 to i32
          %cond3A_136 = arith.constant 0 : i32
          %cond3A_137 = arith.cmpi ne, %convert_element_type3A_135, %cond3A_136 : i32
          scf.if %cond3A_137 {
            %add3A_149 = arith.constant 2 : i32
            %add3A_150 = arith.addi %mul3A_126, %add3A_149 : i32
            %scan3A_151 = arith.constant 0 : i32
            %scan3A_152 = arith.constant 8 : i32
            %scan3A_153 = arith.addi %scan3A_151, %scan3A_152 : i32
            %scan3A_154 = arith.constant 1 : i32
            scf.for %scan3A_159 = %scan3A_151 to %scan3A_153 step %scan3A_154  : i32 {
              %mul3A_160 = arith.constant 16 : i32
              %mul3A_161 = arith.muli %scan3A_159, %mul3A_160 : i32
              %add3A_162 = arith.constant 0 : i32
              %add3A_163 = arith.addi %add3A_162, %mul3A_161 : i32
              %get3A = arith.constant 0 : i32
              %get3A_164 = arith.index_cast %add3A_150 : i32 to index
              %get3A_165 = arith.index_cast %get3A : i32 to index
              %get3A_166 = arith.index_cast %add3A_163 : i32 to index
              %get3A_167 = tpu.vector_load %arg7[%get3A_164, %get3A_165, %get3A_166] {strides = array<i32>} : memref<16x2x128xi32, #tpu.memory_space<vmem>>, vector<1x1x16xi32>,
              %get3A_168 = vector.shape_cast %get3A_167 : vector<1x1x16xi32> to vector<16xi32>
              %swap3A = arith.index_cast %add3A_163 : i32 to index
              %swap3A_169 = tpu.vector_load %arg9[%swap3A] {strides = array<i32>} : memref<128xi32, #tpu.memory_space<vmem>>, vector<16xi32>,
              %swap3A_170 = vector.shape_cast %swap3A_169 : vector<16xi32> to vector<16xi32>
              %swap3A_171 = vector.shape_cast %get3A_168 : vector<16xi32> to vector<16xi32>
              tpu.vector_store %arg9[%swap3A], %swap3A_171 {strides = array<i32>} : memref<128xi32, #tpu.memory_space<vmem>>, vector<16xi32>,
              %get3A_172 = arith.constant 1 : i32
              %get3A_173 = arith.index_cast %add3A_150 : i32 to index
              %get3A_174 = arith.index_cast %get3A_172 : i32 to index
              %get3A_175 = arith.index_cast %add3A_163 : i32 to index
              %get3A_176 = tpu.vector_load %arg7[%get3A_173, %get3A_174, %get3A_175] {strides = array<i32>} : memref<16x2x128xi32, #tpu.memory_space<vmem>>, vector<1x1x16xi32>,
              %get3A_177 = vector.shape_cast %get3A_176 : vector<1x1x16xi32> to vector<16xi32>
              %swap3A_178 = arith.index_cast %add3A_163 : i32 to index
              %swap3A_179 = tpu.vector_load %arg10[%swap3A_178] {strides = array<i32>} : memref<128xi32, #tpu.memory_space<vmem>>, vector<16xi32>,
              %swap3A_180 = vector.shape_cast %swap3A_179 : vector<16xi32> to vector<16xi32>
              %swap3A_181 = vector.shape_cast %get3A_177 : vector<16xi32> to vector<16xi32>
              tpu.vector_store %arg10[%swap3A_178], %swap3A_181 {strides = array<i32>} : memref<128xi32, #tpu.memory_space<vmem>>, vector<16xi32>,
            }
            %scan3A_155 = arith.constant 8 : i32
            %dma_start3A_156 = arith.constant 0 : i32
            %dma_start3A_157 = arith.constant 0 : i32
            %dma_start3A_158 = tpu.memref_slice %arg3[%dma_start3A_156, %dma_start3A_157] : memref<10000x128xf32, #tpu.memory_space<hbm>> -> memref<10000x128xf32, #tpu.memory_space<hbm>>
            tpu.enqueue_indirect_dma source(%dma_start3A_158 : memref<10000x128xf32, #tpu.memory_space<hbm>>) target(%arg13 : memref<128x128xf32, #tpu.memory_space<vmem>>) offsets(%arg9 : memref<128xi32, #tpu.memory_space<vmem>>) semaphore(%arg16 : memref<!tpu.dma_semaphore, #tpu.memory_space<semaphore_mem>>)
          } else {
          }
          %dma_wait3A_138 = arith.constant 0 : i32
          %dma_wait3A_139 = arith.constant 0 : i32
          %dma_wait3A_140 = tpu.memref_slice %arg3[%dma_wait3A_138, %dma_wait3A_139] : memref<10000x128xf32, #tpu.memory_space<hbm>> -> memref<128x128xf32, #tpu.memory_space<hbm>>
          %dma_wait3A_141 = arith.constant 0 : i32
          %dma_wait3A_142 = arith.constant 0 : i32
          %dma_wait3A_143 = tpu.memref_slice %arg3[%dma_wait3A_141, %dma_wait3A_142] : memref<10000x128xf32, #tpu.memory_space<hbm>> -> memref<128x128xf32, #tpu.memory_space<hbm>>
          tpu.wait_dma2 semaphore(%arg17 : memref<!tpu.dma_semaphore, #tpu.memory_space<semaphore_mem>>) src(%dma_wait3A_143 : memref<128x128xf32, #tpu.memory_space<hbm>>) dst(%arg14 : memref<128x128xf32, #tpu.memory_space<vmem>>)
          "tpu.region"() ({
            %run_scoped3A = tpu.sem_alloc : memref<!tpu.dma_semaphore, #tpu.memory_space<semaphore_mem>>
            %dma_start3A_149 = arith.constant 0 : i32
            %dma_start3A_150 = arith.constant 0 : i32
            %dma_start3A_151 = tpu.memref_slice %arg15[%dma_start3A_149, %dma_start3A_150] : memref<10240x128xf32, #tpu.memory_space<vmem_shared>> -> memref<10240x128xf32, #tpu.memory_space<vmem_shared>>
            tpu.enqueue_indirect_dma source(%arg14 : memref<128x128xf32, #tpu.memory_space<vmem>>) target(%dma_start3A_151 : memref<10240x128xf32, #tpu.memory_space<vmem_shared>>) offsets(%arg12 : memref<128xi32, #tpu.memory_space<vmem>>) semaphore(%run_scoped3A : memref<!tpu.dma_semaphore, #tpu.memory_space<semaphore_mem>>) {add = true}
            %dma_wait3A_152 = arith.constant 0 : i32
            %dma_wait3A_153 = arith.constant 0 : i32
            %dma_wait3A_154 = tpu.memref_slice %arg15[%dma_wait3A_152, %dma_wait3A_153] : memref<10240x128xf32, #tpu.memory_space<vmem_shared>> -> memref<10240x128xf32, #tpu.memory_space<vmem_shared>>
            tpu.wait_indirect_dma semaphore(%run_scoped3A : memref<!tpu.dma_semaphore, #tpu.memory_space<semaphore_mem>>) src(%arg14 : memref<128x128xf32, #tpu.memory_space<vmem>>) dst(%dma_wait3A_154 : memref<10240x128xf32, #tpu.memory_space<vmem_shared>>)
            tpu.yield
          }) : () -> ()
          %lt3A_144 = arith.constant 7 : i32
          %lt3A_145 = arith.cmpi slt, %add3A_124, %lt3A_144 : i32
          %convert_element_type3A_146 = arith.extui %lt3A_145 : i1 to i32
          %cond3A_147 = arith.constant 0 : i32
          %cond3A_148 = arith.cmpi ne, %convert_element_type3A_146, %cond3A_147 : i32
          scf.if %cond3A_148 {
            %add3A_149 = arith.constant 3 : i32
            %add3A_150 = arith.addi %mul3A_126, %add3A_149 : i32
            %scan3A_151 = arith.constant 0 : i32
            %scan3A_152 = arith.constant 8 : i32
            %scan3A_153 = arith.addi %scan3A_151, %scan3A_152 : i32
            %scan3A_154 = arith.constant 1 : i32
            scf.for %scan3A_159 = %scan3A_151 to %scan3A_153 step %scan3A_154  : i32 {
              %mul3A_160 = arith.constant 16 : i32
              %mul3A_161 = arith.muli %scan3A_159, %mul3A_160 : i32
              %add3A_162 = arith.constant 0 : i32
              %add3A_163 = arith.addi %add3A_162, %mul3A_161 : i32
              %get3A = arith.constant 0 : i32
              %get3A_164 = arith.index_cast %add3A_150 : i32 to index
              %get3A_165 = arith.index_cast %get3A : i32 to index
              %get3A_166 = arith.index_cast %add3A_163 : i32 to index
              %get3A_167 = tpu.vector_load %arg7[%get3A_164, %get3A_165, %get3A_166] {strides = array<i32>} : memref<16x2x128xi32, #tpu.memory_space<vmem>>, vector<1x1x16xi32>,
              %get3A_168 = vector.shape_cast %get3A_167 : vector<1x1x16xi32> to vector<16xi32>
              %swap3A = arith.index_cast %add3A_163 : i32 to index
              %swap3A_169 = tpu.vector_load %arg11[%swap3A] {strides = array<i32>} : memref<128xi32, #tpu.memory_space<vmem>>, vector<16xi32>,
              %swap3A_170 = vector.shape_cast %swap3A_169 : vector<16xi32> to vector<16xi32>
              %swap3A_171 = vector.shape_cast %get3A_168 : vector<16xi32> to vector<16xi32>
              tpu.vector_store %arg11[%swap3A], %swap3A_171 {strides = array<i32>} : memref<128xi32, #tpu.memory_space<vmem>>, vector<16xi32>,
              %get3A_172 = arith.constant 1 : i32
              %get3A_173 = arith.index_cast %add3A_150 : i32 to index
              %get3A_174 = arith.index_cast %get3A_172 : i32 to index
              %get3A_175 = arith.index_cast %add3A_163 : i32 to index
              %get3A_176 = tpu.vector_load %arg7[%get3A_173, %get3A_174, %get3A_175] {strides = array<i32>} : memref<16x2x128xi32, #tpu.memory_space<vmem>>, vector<1x1x16xi32>,
              %get3A_177 = vector.shape_cast %get3A_176 : vector<1x1x16xi32> to vector<16xi32>
              %swap3A_178 = arith.index_cast %add3A_163 : i32 to index
              %swap3A_179 = tpu.vector_load %arg12[%swap3A_178] {strides = array<i32>} : memref<128xi32, #tpu.memory_space<vmem>>, vector<16xi32>,
              %swap3A_180 = vector.shape_cast %swap3A_179 : vector<16xi32> to vector<16xi32>
              %swap3A_181 = vector.shape_cast %get3A_177 : vector<16xi32> to vector<16xi32>
              tpu.vector_store %arg12[%swap3A_178], %swap3A_181 {strides = array<i32>} : memref<128xi32, #tpu.memory_space<vmem>>, vector<16xi32>,
            }
            %scan3A_155 = arith.constant 8 : i32
            %dma_start3A_156 = arith.constant 0 : i32
            %dma_start3A_157 = arith.constant 0 : i32
            %dma_start3A_158 = tpu.memref_slice %arg3[%dma_start3A_156, %dma_start3A_157] : memref<10000x128xf32, #tpu.memory_space<hbm>> -> memref<10000x128xf32, #tpu.memory_space<hbm>>
            tpu.enqueue_indirect_dma source(%dma_start3A_158 : memref<10000x128xf32, #tpu.memory_space<hbm>>) target(%arg14 : memref<128x128xf32, #tpu.memory_space<vmem>>) offsets(%arg11 : memref<128xi32, #tpu.memory_space<vmem>>) semaphore(%arg17 : memref<!tpu.dma_semaphore, #tpu.memory_space<semaphore_mem>>)
          } else {
          }
        }
        %scan3A_84 = arith.constant 8 : i32
        %add3A_85 = arith.constant 2 : i32
        %add3A_86 = arith.addi %add3A_43, %add3A_85 : i32
        %lt3A = arith.constant 10 : i32
        %lt3A_87 = arith.cmpi slt, %add3A_86, %lt3A : i32
        %convert_element_type3A_88 = arith.extui %lt3A_87 : i1 to i32
        %cond3A_89 = arith.constant 0 : i32
        %cond3A_90 = arith.cmpi ne, %convert_element_type3A_88, %cond3A_89 : i32
        scf.if %cond3A_90 {
          %add3A_120 = arith.constant 2 : i32
          %add3A_121 = arith.addi %add3A_43, %add3A_120 : i32
          %mul3A_122 = arith.constant 160 : i32
          %mul3A_123 = arith.muli %arg1, %mul3A_122 : i32
          %mul3A_124 = arith.constant 16 : i32
          %mul3A_125 = arith.muli %add3A_121, %mul3A_124 : i32
          %add3A_126 = arith.addi %mul3A_123, %mul3A_125 : i32
          %dma_start3A_127 = arith.constant 0 : i32
          %dma_start3A_128 = arith.constant 0 : i32
          %dma_start3A_129 = tpu.memref_slice %arg4[%add3A_126, %dma_start3A_127, %dma_start3A_128] : memref<2560x2x128xi32, #tpu.memory_space<hbm>> -> memref<16x2x128xi32, #tpu.memory_space<hbm>>
          %dma_start3A_130 = arith.constant 0 : i32
          %dma_start3A_131 = arith.constant 0 : i32
          %dma_start3A_132 = tpu.memref_slice %arg4[%add3A_126, %dma_start3A_130, %dma_start3A_131] : memref<2560x2x128xi32, #tpu.memory_space<hbm>> -> memref<16x2x128xi32, #tpu.memory_space<hbm>>
          tpu.enqueue_dma source(%dma_start3A_132 : memref<16x2x128xi32, #tpu.memory_space<hbm>>) target(%arg7 : memref<16x2x128xi32, #tpu.memory_space<vmem>>) target_semaphore(%arg18 : memref<!tpu.dma_semaphore, #tpu.memory_space<semaphore_mem>>)
        } else {
        }
        %dma_wait3A_91 = arith.constant 0 : i32
        %dma_wait3A_92 = arith.constant 0 : i32
        %dma_wait3A_93 = arith.constant 0 : i32
        %dma_wait3A_94 = tpu.memref_slice %arg4[%dma_wait3A_91, %dma_wait3A_92, %dma_wait3A_93] : memref<2560x2x128xi32, #tpu.memory_space<hbm>> -> memref<16x2x128xi32, #tpu.memory_space<hbm>>
        %dma_wait3A_95 = arith.constant 0 : i32
        %dma_wait3A_96 = arith.constant 0 : i32
        %dma_wait3A_97 = arith.constant 0 : i32
        %dma_wait3A_98 = tpu.memref_slice %arg4[%dma_wait3A_95, %dma_wait3A_96, %dma_wait3A_97] : memref<2560x2x128xi32, #tpu.memory_space<hbm>> -> memref<16x2x128xi32, #tpu.memory_space<hbm>>
        tpu.wait_dma2 semaphore(%arg19 : memref<!tpu.dma_semaphore, #tpu.memory_space<semaphore_mem>>) src(%dma_wait3A_98 : memref<16x2x128xi32, #tpu.memory_space<hbm>>) dst(%arg8 : memref<16x2x128xi32, #tpu.memory_space<vmem>>)
        %scan3A_99 = arith.constant 0 : i32
        %scan3A_100 = arith.constant 8 : i32
        %scan3A_101 = arith.addi %scan3A_99, %scan3A_100 : i32
        %scan3A_102 = arith.constant 1 : i32
        scf.for %scan3A_120 = %scan3A_99 to %scan3A_101 step %scan3A_102  : i32 {
          %mul3A_121 = arith.constant 16 : i32
          %mul3A_122 = arith.muli %scan3A_120, %mul3A_121 : i32
          %add3A_123 = arith.constant 0 : i32
          %add3A_124 = arith.addi %add3A_123, %mul3A_122 : i32
          %get3A = arith.constant 0 : i32
          %get3A_125 = arith.constant 0 : i32
          %get3A_126 = arith.index_cast %get3A : i32 to index
          %get3A_127 = arith.index_cast %get3A_125 : i32 to index
          %get3A_128 = arith.index_cast %add3A_124 : i32 to index
          %get3A_129 = tpu.vector_load %arg8[%get3A_126, %get3A_127, %get3A_128] {strides = array<i32>} : memref<16x2x128xi32, #tpu.memory_space<vmem>>, vector<1x1x16xi32>,
          %get3A_130 = vector.shape_cast %get3A_129 : vector<1x1x16xi32> to vector<16xi32>
          %swap3A = arith.index_cast %add3A_124 : i32 to index
          %swap3A_131 = tpu.vector_load %arg9[%swap3A] {strides = array<i32>} : memref<128xi32, #tpu.memory_space<vmem>>, vector<16xi32>,
          %swap3A_132 = vector.shape_cast %swap3A_131 : vector<16xi32> to vector<16xi32>
          %swap3A_133 = vector.shape_cast %get3A_130 : vector<16xi32> to vector<16xi32>
          tpu.vector_store %arg9[%swap3A], %swap3A_133 {strides = array<i32>} : memref<128xi32, #tpu.memory_space<vmem>>, vector<16xi32>,
          %get3A_134 = arith.constant 0 : i32
          %get3A_135 = arith.constant 1 : i32
          %get3A_136 = arith.index_cast %get3A_134 : i32 to index
          %get3A_137 = arith.index_cast %get3A_135 : i32 to index
          %get3A_138 = arith.index_cast %add3A_124 : i32 to index
          %get3A_139 = tpu.vector_load %arg8[%get3A_136, %get3A_137, %get3A_138] {strides = array<i32>} : memref<16x2x128xi32, #tpu.memory_space<vmem>>, vector<1x1x16xi32>,
          %get3A_140 = vector.shape_cast %get3A_139 : vector<1x1x16xi32> to vector<16xi32>
          %swap3A_141 = arith.index_cast %add3A_124 : i32 to index
          %swap3A_142 = tpu.vector_load %arg10[%swap3A_141] {strides = array<i32>} : memref<128xi32, #tpu.memory_space<vmem>>, vector<16xi32>,
          %swap3A_143 = vector.shape_cast %swap3A_142 : vector<16xi32> to vector<16xi32>
          %swap3A_144 = vector.shape_cast %get3A_140 : vector<16xi32> to vector<16xi32>
          tpu.vector_store %arg10[%swap3A_141], %swap3A_144 {strides = array<i32>} : memref<128xi32, #tpu.memory_space<vmem>>, vector<16xi32>,
        }
        %scan3A_103 = arith.constant 8 : i32
        %dma_start3A_104 = arith.constant 0 : i32
        %dma_start3A_105 = arith.constant 0 : i32
        %dma_start3A_106 = tpu.memref_slice %arg3[%dma_start3A_104, %dma_start3A_105] : memref<10000x128xf32, #tpu.memory_space<hbm>> -> memref<10000x128xf32, #tpu.memory_space<hbm>>
        tpu.enqueue_indirect_dma source(%dma_start3A_106 : memref<10000x128xf32, #tpu.memory_space<hbm>>) target(%arg13 : memref<128x128xf32, #tpu.memory_space<vmem>>) offsets(%arg9 : memref<128xi32, #tpu.memory_space<vmem>>) semaphore(%arg16 : memref<!tpu.dma_semaphore, #tpu.memory_space<semaphore_mem>>)
        %scan3A_107 = arith.constant 0 : i32
        %scan3A_108 = arith.constant 8 : i32
        %scan3A_109 = arith.addi %scan3A_107, %scan3A_108 : i32
        %scan3A_110 = arith.constant 1 : i32
        scf.for %scan3A_120 = %scan3A_107 to %scan3A_109 step %scan3A_110  : i32 {
          %mul3A_121 = arith.constant 16 : i32
          %mul3A_122 = arith.muli %scan3A_120, %mul3A_121 : i32
          %add3A_123 = arith.constant 0 : i32
          %add3A_124 = arith.addi %add3A_123, %mul3A_122 : i32
          %get3A = arith.constant 1 : i32
          %get3A_125 = arith.constant 0 : i32
          %get3A_126 = arith.index_cast %get3A : i32 to index
          %get3A_127 = arith.index_cast %get3A_125 : i32 to index
          %get3A_128 = arith.index_cast %add3A_124 : i32 to index
          %get3A_129 = tpu.vector_load %arg8[%get3A_126, %get3A_127, %get3A_128] {strides = array<i32>} : memref<16x2x128xi32, #tpu.memory_space<vmem>>, vector<1x1x16xi32>,
          %get3A_130 = vector.shape_cast %get3A_129 : vector<1x1x16xi32> to vector<16xi32>
          %swap3A = arith.index_cast %add3A_124 : i32 to index
          %swap3A_131 = tpu.vector_load %arg11[%swap3A] {strides = array<i32>} : memref<128xi32, #tpu.memory_space<vmem>>, vector<16xi32>,
          %swap3A_132 = vector.shape_cast %swap3A_131 : vector<16xi32> to vector<16xi32>
          %swap3A_133 = vector.shape_cast %get3A_130 : vector<16xi32> to vector<16xi32>
          tpu.vector_store %arg11[%swap3A], %swap3A_133 {strides = array<i32>} : memref<128xi32, #tpu.memory_space<vmem>>, vector<16xi32>,
          %get3A_134 = arith.constant 1 : i32
          %get3A_135 = arith.constant 1 : i32
          %get3A_136 = arith.index_cast %get3A_134 : i32 to index
          %get3A_137 = arith.index_cast %get3A_135 : i32 to index
          %get3A_138 = arith.index_cast %add3A_124 : i32 to index
          %get3A_139 = tpu.vector_load %arg8[%get3A_136, %get3A_137, %get3A_138] {strides = array<i32>} : memref<16x2x128xi32, #tpu.memory_space<vmem>>, vector<1x1x16xi32>,
          %get3A_140 = vector.shape_cast %get3A_139 : vector<1x1x16xi32> to vector<16xi32>
          %swap3A_141 = arith.index_cast %add3A_124 : i32 to index
          %swap3A_142 = tpu.vector_load %arg12[%swap3A_141] {strides = array<i32>} : memref<128xi32, #tpu.memory_space<vmem>>, vector<16xi32>,
          %swap3A_143 = vector.shape_cast %swap3A_142 : vector<16xi32> to vector<16xi32>
          %swap3A_144 = vector.shape_cast %get3A_140 : vector<16xi32> to vector<16xi32>
          tpu.vector_store %arg12[%swap3A_141], %swap3A_144 {strides = array<i32>} : memref<128xi32, #tpu.memory_space<vmem>>, vector<16xi32>,
        }
        %scan3A_111 = arith.constant 8 : i32
        %dma_start3A_112 = arith.constant 0 : i32
        %dma_start3A_113 = arith.constant 0 : i32
        %dma_start3A_114 = tpu.memref_slice %arg3[%dma_start3A_112, %dma_start3A_113] : memref<10000x128xf32, #tpu.memory_space<hbm>> -> memref<10000x128xf32, #tpu.memory_space<hbm>>
        tpu.enqueue_indirect_dma source(%dma_start3A_114 : memref<10000x128xf32, #tpu.memory_space<hbm>>) target(%arg14 : memref<128x128xf32, #tpu.memory_space<vmem>>) offsets(%arg11 : memref<128xi32, #tpu.memory_space<vmem>>) semaphore(%arg17 : memref<!tpu.dma_semaphore, #tpu.memory_space<semaphore_mem>>)
        %scan3A_115 = arith.constant 0 : i32
        %scan3A_116 = arith.constant 8 : i32
        %scan3A_117 = arith.addi %scan3A_115, %scan3A_116 : i32
        %scan3A_118 = arith.constant 1 : i32
        scf.for %scan3A_120 = %scan3A_115 to %scan3A_117 step %scan3A_118  : i32 {
          %mul3A_121 = arith.constant 1 : i32
          %mul3A_122 = arith.muli %scan3A_120, %mul3A_121 : i32
          %add3A_123 = arith.constant 0 : i32
          %add3A_124 = arith.addi %add3A_123, %mul3A_122 : i32
          %mul3A_125 = arith.constant 2 : i32
          %mul3A_126 = arith.muli %mul3A_125, %add3A_124 : i32
          %dma_wait3A_127 = arith.constant 0 : i32
          %dma_wait3A_128 = arith.constant 0 : i32
          %dma_wait3A_129 = tpu.memref_slice %arg3[%dma_wait3A_127, %dma_wait3A_128] : memref<10000x128xf32, #tpu.memory_space<hbm>> -> memref<128x128xf32, #tpu.memory_space<hbm>>
          %dma_wait3A_130 = arith.constant 0 : i32
          %dma_wait3A_131 = arith.constant 0 : i32
          %dma_wait3A_132 = tpu.memref_slice %arg3[%dma_wait3A_130, %dma_wait3A_131] : memref<10000x128xf32, #tpu.memory_space<hbm>> -> memref<128x128xf32, #tpu.memory_space<hbm>>
          tpu.wait_dma2 semaphore(%arg16 : memref<!tpu.dma_semaphore, #tpu.memory_space<semaphore_mem>>) src(%dma_wait3A_132 : memref<128x128xf32, #tpu.memory_space<hbm>>) dst(%arg13 : memref<128x128xf32, #tpu.memory_space<vmem>>)
          "tpu.region"() ({
            %run_scoped3A = tpu.sem_alloc : memref<!tpu.dma_semaphore, #tpu.memory_space<semaphore_mem>>
            %dma_start3A_149 = arith.constant 0 : i32
            %dma_start3A_150 = arith.constant 0 : i32
            %dma_start3A_151 = tpu.memref_slice %arg15[%dma_start3A_149, %dma_start3A_150] : memref<10240x128xf32, #tpu.memory_space<vmem_shared>> -> memref<10240x128xf32, #tpu.memory_space<vmem_shared>>
            tpu.enqueue_indirect_dma source(%arg13 : memref<128x128xf32, #tpu.memory_space<vmem>>) target(%dma_start3A_151 : memref<10240x128xf32, #tpu.memory_space<vmem_shared>>) offsets(%arg10 : memref<128xi32, #tpu.memory_space<vmem>>) semaphore(%run_scoped3A : memref<!tpu.dma_semaphore, #tpu.memory_space<semaphore_mem>>) {add = true}
            %dma_wait3A_152 = arith.constant 0 : i32
            %dma_wait3A_153 = arith.constant 0 : i32
            %dma_wait3A_154 = tpu.memref_slice %arg15[%dma_wait3A_152, %dma_wait3A_153] : memref<10240x128xf32, #tpu.memory_space<vmem_shared>> -> memref<10240x128xf32, #tpu.memory_space<vmem_shared>>
            tpu.wait_indirect_dma semaphore(%run_scoped3A : memref<!tpu.dma_semaphore, #tpu.memory_space<semaphore_mem>>) src(%arg13 : memref<128x128xf32, #tpu.memory_space<vmem>>) dst(%dma_wait3A_154 : memref<10240x128xf32, #tpu.memory_space<vmem_shared>>)
            tpu.yield
          }) : () -> ()
          %lt3A_133 = arith.constant 7 : i32
          %lt3A_134 = arith.cmpi slt, %add3A_124, %lt3A_133 : i32
          %convert_element_type3A_135 = arith.extui %lt3A_134 : i1 to i32
          %cond3A_136 = arith.constant 0 : i32
          %cond3A_137 = arith.cmpi ne, %convert_element_type3A_135, %cond3A_136 : i32
          scf.if %cond3A_137 {
            %add3A_149 = arith.constant 2 : i32
            %add3A_150 = arith.addi %mul3A_126, %add3A_149 : i32
            %scan3A_151 = arith.constant 0 : i32
            %scan3A_152 = arith.constant 8 : i32
            %scan3A_153 = arith.addi %scan3A_151, %scan3A_152 : i32
            %scan3A_154 = arith.constant 1 : i32
            scf.for %scan3A_159 = %scan3A_151 to %scan3A_153 step %scan3A_154  : i32 {
              %mul3A_160 = arith.constant 16 : i32
              %mul3A_161 = arith.muli %scan3A_159, %mul3A_160 : i32
              %add3A_162 = arith.constant 0 : i32
              %add3A_163 = arith.addi %add3A_162, %mul3A_161 : i32
              %get3A = arith.constant 0 : i32
              %get3A_164 = arith.index_cast %add3A_150 : i32 to index
              %get3A_165 = arith.index_cast %get3A : i32 to index
              %get3A_166 = arith.index_cast %add3A_163 : i32 to index
              %get3A_167 = tpu.vector_load %arg8[%get3A_164, %get3A_165, %get3A_166] {strides = array<i32>} : memref<16x2x128xi32, #tpu.memory_space<vmem>>, vector<1x1x16xi32>,
              %get3A_168 = vector.shape_cast %get3A_167 : vector<1x1x16xi32> to vector<16xi32>
              %swap3A = arith.index_cast %add3A_163 : i32 to index
              %swap3A_169 = tpu.vector_load %arg9[%swap3A] {strides = array<i32>} : memref<128xi32, #tpu.memory_space<vmem>>, vector<16xi32>,
              %swap3A_170 = vector.shape_cast %swap3A_169 : vector<16xi32> to vector<16xi32>
              %swap3A_171 = vector.shape_cast %get3A_168 : vector<16xi32> to vector<16xi32>
              tpu.vector_store %arg9[%swap3A], %swap3A_171 {strides = array<i32>} : memref<128xi32, #tpu.memory_space<vmem>>, vector<16xi32>,
              %get3A_172 = arith.constant 1 : i32
              %get3A_173 = arith.index_cast %add3A_150 : i32 to index
              %get3A_174 = arith.index_cast %get3A_172 : i32 to index
              %get3A_175 = arith.index_cast %add3A_163 : i32 to index
              %get3A_176 = tpu.vector_load %arg8[%get3A_173, %get3A_174, %get3A_175] {strides = array<i32>} : memref<16x2x128xi32, #tpu.memory_space<vmem>>, vector<1x1x16xi32>,
              %get3A_177 = vector.shape_cast %get3A_176 : vector<1x1x16xi32> to vector<16xi32>
              %swap3A_178 = arith.index_cast %add3A_163 : i32 to index
              %swap3A_179 = tpu.vector_load %arg10[%swap3A_178] {strides = array<i32>} : memref<128xi32, #tpu.memory_space<vmem>>, vector<16xi32>,
              %swap3A_180 = vector.shape_cast %swap3A_179 : vector<16xi32> to vector<16xi32>
              %swap3A_181 = vector.shape_cast %get3A_177 : vector<16xi32> to vector<16xi32>
              tpu.vector_store %arg10[%swap3A_178], %swap3A_181 {strides = array<i32>} : memref<128xi32, #tpu.memory_space<vmem>>, vector<16xi32>,
            }
            %scan3A_155 = arith.constant 8 : i32
            %dma_start3A_156 = arith.constant 0 : i32
            %dma_start3A_157 = arith.constant 0 : i32
            %dma_start3A_158 = tpu.memref_slice %arg3[%dma_start3A_156, %dma_start3A_157] : memref<10000x128xf32, #tpu.memory_space<hbm>> -> memref<10000x128xf32, #tpu.memory_space<hbm>>
            tpu.enqueue_indirect_dma source(%dma_start3A_158 : memref<10000x128xf32, #tpu.memory_space<hbm>>) target(%arg13 : memref<128x128xf32, #tpu.memory_space<vmem>>) offsets(%arg9 : memref<128xi32, #tpu.memory_space<vmem>>) semaphore(%arg16 : memref<!tpu.dma_semaphore, #tpu.memory_space<semaphore_mem>>)
          } else {
          }
          %dma_wait3A_138 = arith.constant 0 : i32
          %dma_wait3A_139 = arith.constant 0 : i32
          %dma_wait3A_140 = tpu.memref_slice %arg3[%dma_wait3A_138, %dma_wait3A_139] : memref<10000x128xf32, #tpu.memory_space<hbm>> -> memref<128x128xf32, #tpu.memory_space<hbm>>
          %dma_wait3A_141 = arith.constant 0 : i32
          %dma_wait3A_142 = arith.constant 0 : i32
          %dma_wait3A_143 = tpu.memref_slice %arg3[%dma_wait3A_141, %dma_wait3A_142] : memref<10000x128xf32, #tpu.memory_space<hbm>> -> memref<128x128xf32, #tpu.memory_space<hbm>>
          tpu.wait_dma2 semaphore(%arg17 : memref<!tpu.dma_semaphore, #tpu.memory_space<semaphore_mem>>) src(%dma_wait3A_143 : memref<128x128xf32, #tpu.memory_space<hbm>>) dst(%arg14 : memref<128x128xf32, #tpu.memory_space<vmem>>)
          "tpu.region"() ({
            %run_scoped3A = tpu.sem_alloc : memref<!tpu.dma_semaphore, #tpu.memory_space<semaphore_mem>>
            %dma_start3A_149 = arith.constant 0 : i32
            %dma_start3A_150 = arith.constant 0 : i32
            %dma_start3A_151 = tpu.memref_slice %arg15[%dma_start3A_149, %dma_start3A_150] : memref<10240x128xf32, #tpu.memory_space<vmem_shared>> -> memref<10240x128xf32, #tpu.memory_space<vmem_shared>>
            tpu.enqueue_indirect_dma source(%arg14 : memref<128x128xf32, #tpu.memory_space<vmem>>) target(%dma_start3A_151 : memref<10240x128xf32, #tpu.memory_space<vmem_shared>>) offsets(%arg12 : memref<128xi32, #tpu.memory_space<vmem>>) semaphore(%run_scoped3A : memref<!tpu.dma_semaphore, #tpu.memory_space<semaphore_mem>>) {add = true}
            %dma_wait3A_152 = arith.constant 0 : i32
            %dma_wait3A_153 = arith.constant 0 : i32
            %dma_wait3A_154 = tpu.memref_slice %arg15[%dma_wait3A_152, %dma_wait3A_153] : memref<10240x128xf32, #tpu.memory_space<vmem_shared>> -> memref<10240x128xf32, #tpu.memory_space<vmem_shared>>
            tpu.wait_indirect_dma semaphore(%run_scoped3A : memref<!tpu.dma_semaphore, #tpu.memory_space<semaphore_mem>>) src(%arg14 : memref<128x128xf32, #tpu.memory_space<vmem>>) dst(%dma_wait3A_154 : memref<10240x128xf32, #tpu.memory_space<vmem_shared>>)
            tpu.yield
          }) : () -> ()
          %lt3A_144 = arith.constant 7 : i32
          %lt3A_145 = arith.cmpi slt, %add3A_124, %lt3A_144 : i32
          %convert_element_type3A_146 = arith.extui %lt3A_145 : i1 to i32
          %cond3A_147 = arith.constant 0 : i32
          %cond3A_148 = arith.cmpi ne, %convert_element_type3A_146, %cond3A_147 : i32
          scf.if %cond3A_148 {
            %add3A_149 = arith.constant 3 : i32
            %add3A_150 = arith.addi %mul3A_126, %add3A_149 : i32
            %scan3A_151 = arith.constant 0 : i32
            %scan3A_152 = arith.constant 8 : i32
            %scan3A_153 = arith.addi %scan3A_151, %scan3A_152 : i32
            %scan3A_154 = arith.constant 1 : i32
            scf.for %scan3A_159 = %scan3A_151 to %scan3A_153 step %scan3A_154  : i32 {
              %mul3A_160 = arith.constant 16 : i32
              %mul3A_161 = arith.muli %scan3A_159, %mul3A_160 : i32
              %add3A_162 = arith.constant 0 : i32
              %add3A_163 = arith.addi %add3A_162, %mul3A_161 : i32
              %get3A = arith.constant 0 : i32
              %get3A_164 = arith.index_cast %add3A_150 : i32 to index
              %get3A_165 = arith.index_cast %get3A : i32 to index
              %get3A_166 = arith.index_cast %add3A_163 : i32 to index
              %get3A_167 = tpu.vector_load %arg8[%get3A_164, %get3A_165, %get3A_166] {strides = array<i32>} : memref<16x2x128xi32, #tpu.memory_space<vmem>>, vector<1x1x16xi32>,
              %get3A_168 = vector.shape_cast %get3A_167 : vector<1x1x16xi32> to vector<16xi32>
              %swap3A = arith.index_cast %add3A_163 : i32 to index
              %swap3A_169 = tpu.vector_load %arg11[%swap3A] {strides = array<i32>} : memref<128xi32, #tpu.memory_space<vmem>>, vector<16xi32>,
              %swap3A_170 = vector.shape_cast %swap3A_169 : vector<16xi32> to vector<16xi32>
              %swap3A_171 = vector.shape_cast %get3A_168 : vector<16xi32> to vector<16xi32>
              tpu.vector_store %arg11[%swap3A], %swap3A_171 {strides = array<i32>} : memref<128xi32, #tpu.memory_space<vmem>>, vector<16xi32>,
              %get3A_172 = arith.constant 1 : i32
              %get3A_173 = arith.index_cast %add3A_150 : i32 to index
              %get3A_174 = arith.index_cast %get3A_172 : i32 to index
              %get3A_175 = arith.index_cast %add3A_163 : i32 to index
              %get3A_176 = tpu.vector_load %arg8[%get3A_173, %get3A_174, %get3A_175] {strides = array<i32>} : memref<16x2x128xi32, #tpu.memory_space<vmem>>, vector<1x1x16xi32>,
              %get3A_177 = vector.shape_cast %get3A_176 : vector<1x1x16xi32> to vector<16xi32>
              %swap3A_178 = arith.index_cast %add3A_163 : i32 to index
              %swap3A_179 = tpu.vector_load %arg12[%swap3A_178] {strides = array<i32>} : memref<128xi32, #tpu.memory_space<vmem>>, vector<16xi32>,
              %swap3A_180 = vector.shape_cast %swap3A_179 : vector<16xi32> to vector<16xi32>
              %swap3A_181 = vector.shape_cast %get3A_177 : vector<16xi32> to vector<16xi32>
              tpu.vector_store %arg12[%swap3A_178], %swap3A_181 {strides = array<i32>} : memref<128xi32, #tpu.memory_space<vmem>>, vector<16xi32>,
            }
            %scan3A_155 = arith.constant 8 : i32
            %dma_start3A_156 = arith.constant 0 : i32
            %dma_start3A_157 = arith.constant 0 : i32
            %dma_start3A_158 = tpu.memref_slice %arg3[%dma_start3A_156, %dma_start3A_157] : memref<10000x128xf32, #tpu.memory_space<hbm>> -> memref<10000x128xf32, #tpu.memory_space<hbm>>
            tpu.enqueue_indirect_dma source(%dma_start3A_158 : memref<10000x128xf32, #tpu.memory_space<hbm>>) target(%arg14 : memref<128x128xf32, #tpu.memory_space<vmem>>) offsets(%arg11 : memref<128xi32, #tpu.memory_space<vmem>>) semaphore(%arg17 : memref<!tpu.dma_semaphore, #tpu.memory_space<semaphore_mem>>)
          } else {
          }
        }
        %scan3A_119 = arith.constant 8 : i32
      }
      %scan3A_38 = arith.constant 5 : i32
    } else {
    }
    %barrier3A_23 = arith.constant 0 : index
    tpu.barrier barrier_id(%barrier3A_23)
    %eq3A_24 = arith.constant 0 : i32
    %eq3A_25 = arith.cmpi eq, %arg0, %eq3A_24 : i32
    %convert_element_type3A_26 = arith.extui %eq3A_25 : i1 to i32
    %cond3A_27 = arith.constant 0 : i32
    %cond3A_28 = arith.cmpi ne, %convert_element_type3A_26, %cond3A_27 : i32
    scf.if %cond3A_28 {
      %mul3A_34 = arith.constant 640 : i32
      %mul3A_35 = arith.muli %arg1, %mul3A_34 : i32
      %mul3A_36 = arith.constant 640 : i32
      %mul3A_37 = arith.muli %arg1, %mul3A_36 : i32
      "tpu.region"() ({
        %run_scoped3A = tpu.sem_alloc : memref<!tpu.dma_semaphore, #tpu.memory_space<semaphore_mem>>
        %dma_start3A_38 = arith.constant 0 : i32
        %dma_start3A_39 = tpu.memref_slice %arg5[%mul3A_37, %dma_start3A_38] : memref<10240x128xf32, #tpu.memory_space<hbm>> -> memref<640x128xf32, #tpu.memory_space<hbm>>
        %dma_start3A_40 = arith.constant 0 : i32
        %dma_start3A_41 = tpu.memref_slice %arg15[%mul3A_35, %dma_start3A_40] : memref<10240x128xf32, #tpu.memory_space<vmem_shared>> -> memref<640x128xf32, #tpu.memory_space<vmem_shared>>
        tpu.enqueue_dma source(%dma_start3A_41 : memref<640x128xf32, #tpu.memory_space<vmem_shared>>) target(%dma_start3A_39 : memref<640x128xf32, #tpu.memory_space<hbm>>) target_semaphore(%run_scoped3A : memref<!tpu.dma_semaphore, #tpu.memory_space<semaphore_mem>>)
        %dma_wait3A = arith.constant 0 : i32
        %dma_wait3A_42 = tpu.memref_slice %arg5[%mul3A_37, %dma_wait3A] : memref<10240x128xf32, #tpu.memory_space<hbm>> -> memref<640x128xf32, #tpu.memory_space<hbm>>
        %dma_wait3A_43 = arith.constant 0 : i32
        %dma_wait3A_44 = tpu.memref_slice %arg15[%mul3A_35, %dma_wait3A_43] : memref<10240x128xf32, #tpu.memory_space<vmem_shared>> -> memref<640x128xf32, #tpu.memory_space<vmem_shared>>
        tpu.wait_dma2 semaphore(%run_scoped3A : memref<!tpu.dma_semaphore, #tpu.memory_space<semaphore_mem>>) src(%dma_wait3A_44 : memref<640x128xf32, #tpu.memory_space<vmem_shared>>) dst(%dma_wait3A_42 : memref<640x128xf32, #tpu.memory_space<hbm>>)
        tpu.yield
      }) : () -> ()
    } else {
    }
    %eq3A_29 = arith.constant 1 : i32
    %eq3A_30 = arith.cmpi eq, %arg0, %eq3A_29 : i32
    %convert_element_type3A_31 = arith.extui %eq3A_30 : i1 to i32
    %cond3A_32 = arith.constant 0 : i32
    %cond3A_33 = arith.cmpi ne, %convert_element_type3A_31, %cond3A_32 : i32
    scf.if %cond3A_33 {
      %mul3A_34 = arith.constant 640 : i32
      %mul3A_35 = arith.muli %arg1, %mul3A_34 : i32
      %mul3A_36 = arith.constant 640 : i32
      %mul3A_37 = arith.muli %arg1, %mul3A_36 : i32
      "tpu.region"() ({
        %run_scoped3A = tpu.sem_alloc : memref<!tpu.dma_semaphore, #tpu.memory_space<semaphore_mem>>
        %dma_start3A_38 = arith.constant 0 : i32
        %dma_start3A_39 = tpu.memref_slice %arg6[%mul3A_37, %dma_start3A_38] : memref<10240x128xf32, #tpu.memory_space<hbm>> -> memref<640x128xf32, #tpu.memory_space<hbm>>
        %dma_start3A_40 = arith.constant 0 : i32
        %dma_start3A_41 = tpu.memref_slice %arg15[%mul3A_35, %dma_start3A_40] : memref<10240x128xf32, #tpu.memory_space<vmem_shared>> -> memref<640x128xf32, #tpu.memory_space<vmem_shared>>
        tpu.enqueue_dma source(%dma_start3A_41 : memref<640x128xf32, #tpu.memory_space<vmem_shared>>) target(%dma_start3A_39 : memref<640x128xf32, #tpu.memory_space<hbm>>) target_semaphore(%run_scoped3A : memref<!tpu.dma_semaphore, #tpu.memory_space<semaphore_mem>>)
        %dma_wait3A = arith.constant 0 : i32
        %dma_wait3A_42 = tpu.memref_slice %arg6[%mul3A_37, %dma_wait3A] : memref<10240x128xf32, #tpu.memory_space<hbm>> -> memref<640x128xf32, #tpu.memory_space<hbm>>
        %dma_wait3A_43 = arith.constant 0 : i32
        %dma_wait3A_44 = tpu.memref_slice %arg15[%mul3A_35, %dma_wait3A_43] : memref<10240x128xf32, #tpu.memory_space<vmem_shared>> -> memref<640x128xf32, #tpu.memory_space<vmem_shared>>
        tpu.wait_dma2 semaphore(%run_scoped3A : memref<!tpu.dma_semaphore, #tpu.memory_space<semaphore_mem>>) src(%dma_wait3A_44 : memref<640x128xf32, #tpu.memory_space<vmem_shared>>) dst(%dma_wait3A_42 : memref<640x128xf32, #tpu.memory_space<hbm>>)
        tpu.yield
      }) : () -> ()
    } else {
    }
    return
  }
}

#map = affine_map<(d0, d1) -> (0)>
#map1 = affine_map<(d0, d1) -> (0, 0)>
module attributes {stable_mosaic.version = 14 : i64} {
  func.func @deg_kernel(%arg0: i32, %arg1: i32, %arg2: memref<327680xi32, #tpu.memory_space<hbm>>, %arg3: memref<20480x16xf32, #tpu.memory_space<hbm>>, %arg4: memref<10240xi32, #tpu.memory_space<vmem>>, %arg5: memref<128xi32, #tpu.memory_space<vmem>>, %arg6: memref<128x16xf32, #tpu.memory_space<vmem>>, %arg7: memref<10240x16xf32, #tpu.memory_space<vmem_shared>>) attributes {dimension_semantics = [#tpu.dimension_semantics<core_parallel>, #tpu.dimension_semantics<subcore_parallel>], iteration_bounds = array<i64: 2, 16>, scalar_prefetch = 0 : i64, scratch_operands = 4 : i64, tpu.core_type = #tpu.core_type<sc_vector_subcore>, window_params = [{transform_indices = #map}, {transform_indices = #map1}]} {
    %mul3A = arith.constant 16 : i32
    %mul3A_0 = arith.muli %arg0, %mul3A : i32
    %add3A = arith.addi %mul3A_0, %arg1 : i32
    %scan3A = arith.constant 0 : i32
    %scan3A_1 = arith.constant 128 : i32
    %scan3A_2 = arith.addi %scan3A, %scan3A_1 : i32
    %scan3A_3 = arith.constant 1 : i32
    scf.for %scan3A_30 = %scan3A to %scan3A_2 step %scan3A_3  : i32 {
      %mul3A_31 = arith.constant 1 : i32
      %mul3A_32 = arith.muli %scan3A_30, %mul3A_31 : i32
      %add3A_33 = arith.constant 0 : i32
      %add3A_34 = arith.addi %add3A_33, %mul3A_32 : i32
      %broadcast_in_dim3A = arith.constant 0.000000e+00 : f32
      %broadcast_in_dim3A_35 = vector.broadcast %broadcast_in_dim3A : f32 to vector<16xf32>
      %swap3A = arith.index_cast %add3A_34 : i32 to index
      %swap3A_36 = arith.constant 0 : index
      %swap3A_37 = tpu.vector_load %arg6[%swap3A, %swap3A_36] {strides = array<i32>} : memref<128x16xf32, #tpu.memory_space<vmem>>, vector<1x16xf32>,
      %swap3A_38 = vector.shape_cast %swap3A_37 : vector<1x16xf32> to vector<16xf32>
      %swap3A_39 = vector.shape_cast %broadcast_in_dim3A_35 : vector<16xf32> to vector<1x16xf32>
      tpu.vector_store %arg6[%swap3A, %swap3A_36], %swap3A_39 {strides = array<i32>} : memref<128x16xf32, #tpu.memory_space<vmem>>, vector<1x16xf32>,
    }
    %scan3A_4 = arith.constant 128 : i32
    %scan3A_5 = arith.constant 0 : i32
    %scan3A_6 = arith.constant 5 : i32
    %scan3A_7 = arith.addi %scan3A_5, %scan3A_6 : i32
    %scan3A_8 = arith.constant 1 : i32
    scf.for %scan3A_30 = %scan3A_5 to %scan3A_7 step %scan3A_8  : i32 {
      %mul3A_31 = arith.constant 1 : i32
      %mul3A_32 = arith.muli %scan3A_30, %mul3A_31 : i32
      %add3A_33 = arith.constant 0 : i32
      %add3A_34 = arith.addi %add3A_33, %mul3A_32 : i32
      %mul3A_35 = arith.constant 640 : i32
      %mul3A_36 = arith.muli %arg1, %mul3A_35 : i32
      %mul3A_37 = arith.constant 128 : i32
      %mul3A_38 = arith.muli %add3A_34, %mul3A_37 : i32
      %add3A_39 = arith.addi %mul3A_36, %mul3A_38 : i32
      "tpu.region"() ({
        %run_scoped3A = tpu.sem_alloc : memref<!tpu.dma_semaphore, #tpu.memory_space<semaphore_mem>>
        %dma_start3A = arith.constant 0 : i32
        %dma_start3A_40 = tpu.memref_slice %arg7[%add3A_39, %dma_start3A] : memref<10240x16xf32, #tpu.memory_space<vmem_shared>> -> memref<128x16xf32, #tpu.memory_space<vmem_shared>>
        %dma_start3A_41 = arith.constant 0 : i32
        %dma_start3A_42 = tpu.memref_slice %arg7[%add3A_39, %dma_start3A_41] : memref<10240x16xf32, #tpu.memory_space<vmem_shared>> -> memref<128x16xf32, #tpu.memory_space<vmem_shared>>
        tpu.enqueue_dma source(%arg6 : memref<128x16xf32, #tpu.memory_space<vmem>>) target(%dma_start3A_42 : memref<128x16xf32, #tpu.memory_space<vmem_shared>>) target_semaphore(%run_scoped3A : memref<!tpu.dma_semaphore, #tpu.memory_space<semaphore_mem>>)
        %dma_wait3A = arith.constant 0 : i32
        %dma_wait3A_43 = tpu.memref_slice %arg7[%add3A_39, %dma_wait3A] : memref<10240x16xf32, #tpu.memory_space<vmem_shared>> -> memref<128x16xf32, #tpu.memory_space<vmem_shared>>
        %dma_wait3A_44 = arith.constant 0 : i32
        %dma_wait3A_45 = tpu.memref_slice %arg7[%add3A_39, %dma_wait3A_44] : memref<10240x16xf32, #tpu.memory_space<vmem_shared>> -> memref<128x16xf32, #tpu.memory_space<vmem_shared>>
        tpu.wait_dma2 semaphore(%run_scoped3A : memref<!tpu.dma_semaphore, #tpu.memory_space<semaphore_mem>>) src(%arg6 : memref<128x16xf32, #tpu.memory_space<vmem>>) dst(%dma_wait3A_45 : memref<128x16xf32, #tpu.memory_space<vmem_shared>>)
        tpu.yield
      }) : () -> ()
    }
    %scan3A_9 = arith.constant 5 : i32
    %scan3A_10 = arith.constant 0 : i32
    %scan3A_11 = arith.constant 128 : i32
    %scan3A_12 = arith.addi %scan3A_10, %scan3A_11 : i32
    %scan3A_13 = arith.constant 1 : i32
    scf.for %scan3A_30 = %scan3A_10 to %scan3A_12 step %scan3A_13  : i32 {
      %mul3A_31 = arith.constant 1 : i32
      %mul3A_32 = arith.muli %scan3A_30, %mul3A_31 : i32
      %add3A_33 = arith.constant 0 : i32
      %add3A_34 = arith.addi %add3A_33, %mul3A_32 : i32
      %broadcast_in_dim3A = arith.constant 1.000000e+00 : f32
      %broadcast_in_dim3A_35 = vector.broadcast %broadcast_in_dim3A : f32 to vector<16xf32>
      %swap3A = arith.index_cast %add3A_34 : i32 to index
      %swap3A_36 = arith.constant 0 : index
      %swap3A_37 = tpu.vector_load %arg6[%swap3A, %swap3A_36] {strides = array<i32>} : memref<128x16xf32, #tpu.memory_space<vmem>>, vector<1x16xf32>,
      %swap3A_38 = vector.shape_cast %swap3A_37 : vector<1x16xf32> to vector<16xf32>
      %swap3A_39 = vector.shape_cast %broadcast_in_dim3A_35 : vector<16xf32> to vector<1x16xf32>
      tpu.vector_store %arg6[%swap3A, %swap3A_36], %swap3A_39 {strides = array<i32>} : memref<128x16xf32, #tpu.memory_space<vmem>>, vector<1x16xf32>,
    }
    %scan3A_14 = arith.constant 128 : i32
    %mul3A_15 = arith.constant 10240 : i32
    %mul3A_16 = arith.muli %add3A, %mul3A_15 : i32
    "tpu.region"() ({
      %run_scoped3A = tpu.sem_alloc : memref<!tpu.dma_semaphore, #tpu.memory_space<semaphore_mem>>
      %dma_start3A = tpu.memref_slice %arg2[%mul3A_16] : memref<327680xi32, #tpu.memory_space<hbm>> -> memref<10240xi32, #tpu.memory_space<hbm>>
      %dma_start3A_30 = tpu.memref_slice %arg2[%mul3A_16] : memref<327680xi32, #tpu.memory_space<hbm>> -> memref<10240xi32, #tpu.memory_space<hbm>>
      tpu.enqueue_dma source(%dma_start3A_30 : memref<10240xi32, #tpu.memory_space<hbm>>) target(%arg4 : memref<10240xi32, #tpu.memory_space<vmem>>) target_semaphore(%run_scoped3A : memref<!tpu.dma_semaphore, #tpu.memory_space<semaphore_mem>>)
      %dma_wait3A = tpu.memref_slice %arg2[%mul3A_16] : memref<327680xi32, #tpu.memory_space<hbm>> -> memref<10240xi32, #tpu.memory_space<hbm>>
      %dma_wait3A_31 = tpu.memref_slice %arg2[%mul3A_16] : memref<327680xi32, #tpu.memory_space<hbm>> -> memref<10240xi32, #tpu.memory_space<hbm>>
      tpu.wait_dma2 semaphore(%run_scoped3A : memref<!tpu.dma_semaphore, #tpu.memory_space<semaphore_mem>>) src(%dma_wait3A_31 : memref<10240xi32, #tpu.memory_space<hbm>>) dst(%arg4 : memref<10240xi32, #tpu.memory_space<vmem>>)
      tpu.yield
    }) : () -> ()
    %barrier3A = arith.constant 0 : index
    tpu.barrier barrier_id(%barrier3A)
    %scan3A_17 = arith.constant 0 : i32
    %scan3A_18 = arith.constant 80 : i32
    %scan3A_19 = arith.addi %scan3A_17, %scan3A_18 : i32
    %scan3A_20 = arith.constant 1 : i32
    scf.for %scan3A_30 = %scan3A_17 to %scan3A_19 step %scan3A_20  : i32 {
      %mul3A_31 = arith.constant 1 : i32
      %mul3A_32 = arith.muli %scan3A_30, %mul3A_31 : i32
      %add3A_33 = arith.constant 0 : i32
      %add3A_34 = arith.addi %add3A_33, %mul3A_32 : i32
      %scan3A_35 = arith.constant 0 : i32
      %scan3A_36 = arith.constant 8 : i32
      %scan3A_37 = arith.addi %scan3A_35, %scan3A_36 : i32
      %scan3A_38 = arith.constant 1 : i32
      scf.for %scan3A_40 = %scan3A_35 to %scan3A_37 step %scan3A_38  : i32 {
        %mul3A_41 = arith.constant 16 : i32
        %mul3A_42 = arith.muli %scan3A_40, %mul3A_41 : i32
        %add3A_43 = arith.constant 0 : i32
        %add3A_44 = arith.addi %add3A_43, %mul3A_42 : i32
        %mul3A_45 = arith.constant 128 : i32
        %mul3A_46 = arith.muli %add3A_34, %mul3A_45 : i32
        %add3A_47 = arith.addi %mul3A_46, %add3A_44 : i32
        %get3A = arith.index_cast %add3A_47 : i32 to index
        %get3A_48 = tpu.vector_load %arg4[%get3A] {strides = array<i32>} : memref<10240xi32, #tpu.memory_space<vmem>>, vector<16xi32>,
        %get3A_49 = vector.shape_cast %get3A_48 : vector<16xi32> to vector<16xi32>
        %swap3A = arith.index_cast %add3A_44 : i32 to index
        %swap3A_50 = tpu.vector_load %arg5[%swap3A] {strides = array<i32>} : memref<128xi32, #tpu.memory_space<vmem>>, vector<16xi32>,
        %swap3A_51 = vector.shape_cast %swap3A_50 : vector<16xi32> to vector<16xi32>
        %swap3A_52 = vector.shape_cast %get3A_49 : vector<16xi32> to vector<16xi32>
        tpu.vector_store %arg5[%swap3A], %swap3A_52 {strides = array<i32>} : memref<128xi32, #tpu.memory_space<vmem>>, vector<16xi32>,
      }
      %scan3A_39 = arith.constant 8 : i32
      "tpu.region"() ({
        %run_scoped3A = tpu.sem_alloc : memref<!tpu.dma_semaphore, #tpu.memory_space<semaphore_mem>>
        %dma_start3A = arith.constant 0 : i32
        %dma_start3A_40 = arith.constant 0 : i32
        %dma_start3A_41 = tpu.memref_slice %arg7[%dma_start3A, %dma_start3A_40] : memref<10240x16xf32, #tpu.memory_space<vmem_shared>> -> memref<10240x16xf32, #tpu.memory_space<vmem_shared>>
        tpu.enqueue_indirect_dma source(%arg6 : memref<128x16xf32, #tpu.memory_space<vmem>>) target(%dma_start3A_41 : memref<10240x16xf32, #tpu.memory_space<vmem_shared>>) offsets(%arg5 : memref<128xi32, #tpu.memory_space<vmem>>) semaphore(%run_scoped3A : memref<!tpu.dma_semaphore, #tpu.memory_space<semaphore_mem>>) {add = true}
        %dma_wait3A = arith.constant 0 : i32
        %dma_wait3A_42 = arith.constant 0 : i32
        %dma_wait3A_43 = tpu.memref_slice %arg7[%dma_wait3A, %dma_wait3A_42] : memref<10240x16xf32, #tpu.memory_space<vmem_shared>> -> memref<10240x16xf32, #tpu.memory_space<vmem_shared>>
        tpu.wait_indirect_dma semaphore(%run_scoped3A : memref<!tpu.dma_semaphore, #tpu.memory_space<semaphore_mem>>) src(%arg6 : memref<128x16xf32, #tpu.memory_space<vmem>>) dst(%dma_wait3A_43 : memref<10240x16xf32, #tpu.memory_space<vmem_shared>>)
        tpu.yield
      }) : () -> ()
    }
    %scan3A_21 = arith.constant 80 : i32
    %barrier3A_22 = arith.constant 0 : index
    tpu.barrier barrier_id(%barrier3A_22)
    %mul3A_23 = arith.constant 640 : i32
    %mul3A_24 = arith.muli %arg1, %mul3A_23 : i32
    %mul3A_25 = arith.constant 10240 : i32
    %mul3A_26 = arith.muli %arg0, %mul3A_25 : i32
    %mul3A_27 = arith.constant 640 : i32
    %mul3A_28 = arith.muli %arg1, %mul3A_27 : i32
    %add3A_29 = arith.addi %mul3A_26, %mul3A_28 : i32
    "tpu.region"() ({
      %run_scoped3A = tpu.sem_alloc : memref<!tpu.dma_semaphore, #tpu.memory_space<semaphore_mem>>
      %dma_start3A = arith.constant 0 : i32
      %dma_start3A_30 = tpu.memref_slice %arg3[%add3A_29, %dma_start3A] : memref<20480x16xf32, #tpu.memory_space<hbm>> -> memref<640x16xf32, #tpu.memory_space<hbm>>
      %dma_start3A_31 = arith.constant 0 : i32
      %dma_start3A_32 = tpu.memref_slice %arg7[%mul3A_24, %dma_start3A_31] : memref<10240x16xf32, #tpu.memory_space<vmem_shared>> -> memref<640x16xf32, #tpu.memory_space<vmem_shared>>
      tpu.enqueue_dma source(%dma_start3A_32 : memref<640x16xf32, #tpu.memory_space<vmem_shared>>) target(%dma_start3A_30 : memref<640x16xf32, #tpu.memory_space<hbm>>) target_semaphore(%run_scoped3A : memref<!tpu.dma_semaphore, #tpu.memory_space<semaphore_mem>>)
      %dma_wait3A = arith.constant 0 : i32
      %dma_wait3A_33 = tpu.memref_slice %arg3[%add3A_29, %dma_wait3A] : memref<20480x16xf32, #tpu.memory_space<hbm>> -> memref<640x16xf32, #tpu.memory_space<hbm>>
      %dma_wait3A_34 = arith.constant 0 : i32
      %dma_wait3A_35 = tpu.memref_slice %arg7[%mul3A_24, %dma_wait3A_34] : memref<10240x16xf32, #tpu.memory_space<vmem_shared>> -> memref<640x16xf32, #tpu.memory_space<vmem_shared>>
      tpu.wait_dma2 semaphore(%run_scoped3A : memref<!tpu.dma_semaphore, #tpu.memory_space<semaphore_mem>>) src(%dma_wait3A_35 : memref<640x16xf32, #tpu.memory_space<vmem_shared>>) dst(%dma_wait3A_33 : memref<640x16xf32, #tpu.memory_space<hbm>>)
      tpu.yield
    }) : () -> ()
    return
  }
}

#map = affine_map<(d0, d1) -> (0, 0)>
#map1 = affine_map<(d0, d1) -> (0, 0, 0)>
module attributes {stable_mosaic.version = 14 : i64} {
  func.func @agg_kernel(%arg0: i32, %arg1: i32, %arg2: memref<10000x128xf32, #tpu.memory_space<hbm>>, %arg3: memref<10000x128xf32, #tpu.memory_space<hbm>>, %arg4: memref<2560x2x128xi32, #tpu.memory_space<hbm>>, %arg5: memref<10240x128xf32, #tpu.memory_space<hbm>>, %arg6: memref<10240x128xf32, #tpu.memory_space<hbm>>, %arg7: memref<16x2x128xi32, #tpu.memory_space<vmem>>, %arg8: memref<16x2x128xi32, #tpu.memory_space<vmem>>, %arg9: memref<128xi32, #tpu.memory_space<vmem>>, %arg10: memref<128xi32, #tpu.memory_space<vmem>>, %arg11: memref<128xi32, #tpu.memory_space<vmem>>, %arg12: memref<128xi32, #tpu.memory_space<vmem>>, %arg13: memref<128x128xf32, #tpu.memory_space<vmem>>, %arg14: memref<128x128xf32, #tpu.memory_space<vmem>>, %arg15: memref<10240x128xf32, #tpu.memory_space<vmem_shared>>, %arg16: memref<!tpu.dma_semaphore, #tpu.memory_space<semaphore_mem>>, %arg17: memref<!tpu.dma_semaphore, #tpu.memory_space<semaphore_mem>>, %arg18: memref<!tpu.dma_semaphore, #tpu.memory_space<semaphore_mem>>, %arg19: memref<!tpu.dma_semaphore, #tpu.memory_space<semaphore_mem>>) attributes {dimension_semantics = [#tpu.dimension_semantics<core_parallel>, #tpu.dimension_semantics<subcore_parallel>], iteration_bounds = array<i64: 2, 16>, scalar_prefetch = 0 : i64, scratch_operands = 13 : i64, tpu.core_type = #tpu.core_type<sc_vector_subcore>, window_params = [{transform_indices = #map}, {transform_indices = #map}, {transform_indices = #map1}, {transform_indices = #map}, {transform_indices = #map}]} {
    %mul3A = arith.constant 160 : i32
    %mul3A_0 = arith.muli %arg1, %mul3A : i32
    %add3A = arith.constant 0 : i32
    %add3A_1 = arith.addi %mul3A_0, %add3A : i32
    %dma_start3A = arith.constant 0 : i32
    %dma_start3A_2 = arith.constant 0 : i32
    %dma_start3A_3 = tpu.memref_slice %arg4[%add3A_1, %dma_start3A, %dma_start3A_2] : memref<2560x2x128xi32, #tpu.memory_space<hbm>> -> memref<16x2x128xi32, #tpu.memory_space<hbm>>
    %dma_start3A_4 = arith.constant 0 : i32
    %dma_start3A_5 = arith.constant 0 : i32
    %dma_start3A_6 = tpu.memref_slice %arg4[%add3A_1, %dma_start3A_4, %dma_start3A_5] : memref<2560x2x128xi32, #tpu.memory_space<hbm>> -> memref<16x2x128xi32, #tpu.memory_space<hbm>>
    tpu.enqueue_dma source(%dma_start3A_6 : memref<16x2x128xi32, #tpu.memory_space<hbm>>) target(%arg7 : memref<16x2x128xi32, #tpu.memory_space<vmem>>) target_semaphore(%arg18 : memref<!tpu.dma_semaphore, #tpu.memory_space<semaphore_mem>>)
    %scan3A = arith.constant 0 : i32
    %scan3A_7 = arith.constant 128 : i32
    %scan3A_8 = arith.addi %scan3A, %scan3A_7 : i32
    %scan3A_9 = arith.constant 1 : i32
    scf.for %scan3A_34 = %scan3A to %scan3A_8 step %scan3A_9  : i32 {
      %mul3A_35 = arith.constant 1 : i32
      %mul3A_36 = arith.muli %scan3A_34, %mul3A_35 : i32
      %add3A_37 = arith.constant 0 : i32
      %add3A_38 = arith.addi %add3A_37, %mul3A_36 : i32
      %scan3A_39 = arith.constant 0 : i32
      %scan3A_40 = arith.constant 8 : i32
      %scan3A_41 = arith.addi %scan3A_39, %scan3A_40 : i32
      %scan3A_42 = arith.constant 1 : i32
      scf.for %scan3A_44 = %scan3A_39 to %scan3A_41 step %scan3A_42  : i32 {
        %mul3A_45 = arith.constant 16 : i32
        %mul3A_46 = arith.muli %scan3A_44, %mul3A_45 : i32
        %add3A_47 = arith.constant 0 : i32
        %add3A_48 = arith.addi %add3A_47, %mul3A_46 : i32
        %broadcast_in_dim3A = arith.constant 0.000000e+00 : f32
        %broadcast_in_dim3A_49 = vector.broadcast %broadcast_in_dim3A : f32 to vector<16xf32>
        %swap3A = arith.index_cast %add3A_38 : i32 to index
        %swap3A_50 = arith.index_cast %add3A_48 : i32 to index
        %swap3A_51 = tpu.vector_load %arg13[%swap3A, %swap3A_50] {strides = array<i32>} : memref<128x128xf32, #tpu.memory_space<vmem>>, vector<1x16xf32>,
        %swap3A_52 = vector.shape_cast %swap3A_51 : vector<1x16xf32> to vector<16xf32>
        %swap3A_53 = vector.shape_cast %broadcast_in_dim3A_49 : vector<16xf32> to vector<1x16xf32>
        tpu.vector_store %arg13[%swap3A, %swap3A_50], %swap3A_53 {strides = array<i32>} : memref<128x128xf32, #tpu.memory_space<vmem>>, vector<1x16xf32>,
      }
      %scan3A_43 = arith.constant 8 : i32
    }
    %scan3A_10 = arith.constant 128 : i32
    %scan3A_11 = arith.constant 0 : i32
    %scan3A_12 = arith.constant 5 : i32
    %scan3A_13 = arith.addi %scan3A_11, %scan3A_12 : i32
    %scan3A_14 = arith.constant 1 : i32
    scf.for %scan3A_34 = %scan3A_11 to %scan3A_13 step %scan3A_14  : i32 {
      %mul3A_35 = arith.constant 1 : i32
      %mul3A_36 = arith.muli %scan3A_34, %mul3A_35 : i32
      %add3A_37 = arith.constant 0 : i32
      %add3A_38 = arith.addi %add3A_37, %mul3A_36 : i32
      %mul3A_39 = arith.constant 640 : i32
      %mul3A_40 = arith.muli %arg1, %mul3A_39 : i32
      %mul3A_41 = arith.constant 128 : i32
      %mul3A_42 = arith.muli %add3A_38, %mul3A_41 : i32
      %add3A_43 = arith.addi %mul3A_40, %mul3A_42 : i32
      "tpu.region"() ({
        %run_scoped3A = tpu.sem_alloc : memref<!tpu.dma_semaphore, #tpu.memory_space<semaphore_mem>>
        %dma_start3A_44 = arith.constant 0 : i32
        %dma_start3A_45 = tpu.memref_slice %arg15[%add3A_43, %dma_start3A_44] : memref<10240x128xf32, #tpu.memory_space<vmem_shared>> -> memref<128x128xf32, #tpu.memory_space<vmem_shared>>
        %dma_start3A_46 = arith.constant 0 : i32
        %dma_start3A_47 = tpu.memref_slice %arg15[%add3A_43, %dma_start3A_46] : memref<10240x128xf32, #tpu.memory_space<vmem_shared>> -> memref<128x128xf32, #tpu.memory_space<vmem_shared>>
        tpu.enqueue_dma source(%arg13 : memref<128x128xf32, #tpu.memory_space<vmem>>) target(%dma_start3A_47 : memref<128x128xf32, #tpu.memory_space<vmem_shared>>) target_semaphore(%run_scoped3A : memref<!tpu.dma_semaphore, #tpu.memory_space<semaphore_mem>>)
        %dma_wait3A = arith.constant 0 : i32
        %dma_wait3A_48 = tpu.memref_slice %arg15[%add3A_43, %dma_wait3A] : memref<10240x128xf32, #tpu.memory_space<vmem_shared>> -> memref<128x128xf32, #tpu.memory_space<vmem_shared>>
        %dma_wait3A_49 = arith.constant 0 : i32
        %dma_wait3A_50 = tpu.memref_slice %arg15[%add3A_43, %dma_wait3A_49] : memref<10240x128xf32, #tpu.memory_space<vmem_shared>> -> memref<128x128xf32, #tpu.memory_space<vmem_shared>>
        tpu.wait_dma2 semaphore(%run_scoped3A : memref<!tpu.dma_semaphore, #tpu.memory_space<semaphore_mem>>) src(%arg13 : memref<128x128xf32, #tpu.memory_space<vmem>>) dst(%dma_wait3A_50 : memref<128x128xf32, #tpu.memory_space<vmem_shared>>)
        tpu.yield
      }) : () -> ()
    }
    %scan3A_15 = arith.constant 5 : i32
    %barrier3A = arith.constant 0 : index
    tpu.barrier barrier_id(%barrier3A)
    %eq3A = arith.constant 0 : i32
    %eq3A_16 = arith.cmpi eq, %arg0, %eq3A : i32
    %convert_element_type3A = arith.extui %eq3A_16 : i1 to i32
    %cond3A = arith.constant 0 : i32
    %cond3A_17 = arith.cmpi ne, %convert_element_type3A, %cond3A : i32
    scf.if %cond3A_17 {
      %scan3A_34 = arith.constant 0 : i32
      %scan3A_35 = arith.constant 5 : i32
      %scan3A_36 = arith.addi %scan3A_34, %scan3A_35 : i32
      %scan3A_37 = arith.constant 1 : i32
      scf.for %scan3A_39 = %scan3A_34 to %scan3A_36 step %scan3A_37  : i32 {
        %mul3A_40 = arith.constant 2 : i32
        %mul3A_41 = arith.muli %scan3A_39, %mul3A_40 : i32
        %add3A_42 = arith.constant 0 : i32
        %add3A_43 = arith.addi %add3A_42, %mul3A_41 : i32
        %add3A_44 = arith.constant 1 : i32
        %add3A_45 = arith.addi %add3A_43, %add3A_44 : i32
        %mul3A_46 = arith.constant 160 : i32
        %mul3A_47 = arith.muli %arg1, %mul3A_46 : i32
        %mul3A_48 = arith.constant 16 : i32
        %mul3A_49 = arith.muli %add3A_45, %mul3A_48 : i32
        %add3A_50 = arith.addi %mul3A_47, %mul3A_49 : i32
        %dma_start3A_51 = arith.constant 0 : i32
        %dma_start3A_52 = arith.constant 0 : i32
        %dma_start3A_53 = tpu.memref_slice %arg4[%add3A_50, %dma_start3A_51, %dma_start3A_52] : memref<2560x2x128xi32, #tpu.memory_space<hbm>> -> memref<16x2x128xi32, #tpu.memory_space<hbm>>
        %dma_start3A_54 = arith.constant 0 : i32
        %dma_start3A_55 = arith.constant 0 : i32
        %dma_start3A_56 = tpu.memref_slice %arg4[%add3A_50, %dma_start3A_54, %dma_start3A_55] : memref<2560x2x128xi32, #tpu.memory_space<hbm>> -> memref<16x2x128xi32, #tpu.memory_space<hbm>>
        tpu.enqueue_dma source(%dma_start3A_56 : memref<16x2x128xi32, #tpu.memory_space<hbm>>) target(%arg8 : memref<16x2x128xi32, #tpu.memory_space<vmem>>) target_semaphore(%arg19 : memref<!tpu.dma_semaphore, #tpu.memory_space<semaphore_mem>>)
        %dma_wait3A = arith.constant 0 : i32
        %dma_wait3A_57 = arith.constant 0 : i32
        %dma_wait3A_58 = arith.constant 0 : i32
        %dma_wait3A_59 = tpu.memref_slice %arg4[%dma_wait3A, %dma_wait3A_57, %dma_wait3A_58] : memref<2560x2x128xi32, #tpu.memory_space<hbm>> -> memref<16x2x128xi32, #tpu.memory_space<hbm>>
        %dma_wait3A_60 = arith.constant 0 : i32
        %dma_wait3A_61 = arith.constant 0 : i32
        %dma_wait3A_62 = arith.constant 0 : i32
        %dma_wait3A_63 = tpu.memref_slice %arg4[%dma_wait3A_60, %dma_wait3A_61, %dma_wait3A_62] : memref<2560x2x128xi32, #tpu.memory_space<hbm>> -> memref<16x2x128xi32, #tpu.memory_space<hbm>>
        tpu.wait_dma2 semaphore(%arg18 : memref<!tpu.dma_semaphore, #tpu.memory_space<semaphore_mem>>) src(%dma_wait3A_63 : memref<16x2x128xi32, #tpu.memory_space<hbm>>) dst(%arg7 : memref<16x2x128xi32, #tpu.memory_space<vmem>>)
        %scan3A_64 = arith.constant 0 : i32
        %scan3A_65 = arith.constant 8 : i32
        %scan3A_66 = arith.addi %scan3A_64, %scan3A_65 : i32
        %scan3A_67 = arith.constant 1 : i32
        scf.for %scan3A_120 = %scan3A_64 to %scan3A_66 step %scan3A_67  : i32 {
          %mul3A_121 = arith.constant 16 : i32
          %mul3A_122 = arith.muli %scan3A_120, %mul3A_121 : i32
          %add3A_123 = arith.constant 0 : i32
          %add3A_124 = arith.addi %add3A_123, %mul3A_122 : i32
          %get3A = arith.constant 0 : i32
          %get3A_125 = arith.constant 0 : i32
          %get3A_126 = arith.index_cast %get3A : i32 to index
          %get3A_127 = arith.index_cast %get3A_125 : i32 to index
          %get3A_128 = arith.index_cast %add3A_124 : i32 to index
          %get3A_129 = tpu.vector_load %arg7[%get3A_126, %get3A_127, %get3A_128] {strides = array<i32>} : memref<16x2x128xi32, #tpu.memory_space<vmem>>, vector<1x1x16xi32>,
          %get3A_130 = vector.shape_cast %get3A_129 : vector<1x1x16xi32> to vector<16xi32>
          %swap3A = arith.index_cast %add3A_124 : i32 to index
          %swap3A_131 = tpu.vector_load %arg9[%swap3A] {strides = array<i32>} : memref<128xi32, #tpu.memory_space<vmem>>, vector<16xi32>,
          %swap3A_132 = vector.shape_cast %swap3A_131 : vector<16xi32> to vector<16xi32>
          %swap3A_133 = vector.shape_cast %get3A_130 : vector<16xi32> to vector<16xi32>
          tpu.vector_store %arg9[%swap3A], %swap3A_133 {strides = array<i32>} : memref<128xi32, #tpu.memory_space<vmem>>, vector<16xi32>,
          %get3A_134 = arith.constant 0 : i32
          %get3A_135 = arith.constant 1 : i32
          %get3A_136 = arith.index_cast %get3A_134 : i32 to index
          %get3A_137 = arith.index_cast %get3A_135 : i32 to index
          %get3A_138 = arith.index_cast %add3A_124 : i32 to index
          %get3A_139 = tpu.vector_load %arg7[%get3A_136, %get3A_137, %get3A_138] {strides = array<i32>} : memref<16x2x128xi32, #tpu.memory_space<vmem>>, vector<1x1x16xi32>,
          %get3A_140 = vector.shape_cast %get3A_139 : vector<1x1x16xi32> to vector<16xi32>
          %swap3A_141 = arith.index_cast %add3A_124 : i32 to index
          %swap3A_142 = tpu.vector_load %arg10[%swap3A_141] {strides = array<i32>} : memref<128xi32, #tpu.memory_space<vmem>>, vector<16xi32>,
          %swap3A_143 = vector.shape_cast %swap3A_142 : vector<16xi32> to vector<16xi32>
          %swap3A_144 = vector.shape_cast %get3A_140 : vector<16xi32> to vector<16xi32>
          tpu.vector_store %arg10[%swap3A_141], %swap3A_144 {strides = array<i32>} : memref<128xi32, #tpu.memory_space<vmem>>, vector<16xi32>,
        }
        %scan3A_68 = arith.constant 8 : i32
        %dma_start3A_69 = arith.constant 0 : i32
        %dma_start3A_70 = arith.constant 0 : i32
        %dma_start3A_71 = tpu.memref_slice %arg2[%dma_start3A_69, %dma_start3A_70] : memref<10000x128xf32, #tpu.memory_space<hbm>> -> memref<10000x128xf32, #tpu.memory_space<hbm>>
        tpu.enqueue_indirect_dma source(%dma_start3A_71 : memref<10000x128xf32, #tpu.memory_space<hbm>>) target(%arg13 : memref<128x128xf32, #tpu.memory_space<vmem>>) offsets(%arg9 : memref<128xi32, #tpu.memory_space<vmem>>) semaphore(%arg16 : memref<!tpu.dma_semaphore, #tpu.memory_space<semaphore_mem>>)
        %scan3A_72 = arith.constant 0 : i32
        %scan3A_73 = arith.constant 8 : i32
        %scan3A_74 = arith.addi %scan3A_72, %scan3A_73 : i32
        %scan3A_75 = arith.constant 1 : i32
        scf.for %scan3A_120 = %scan3A_72 to %scan3A_74 step %scan3A_75  : i32 {
          %mul3A_121 = arith.constant 16 : i32
          %mul3A_122 = arith.muli %scan3A_120, %mul3A_121 : i32
          %add3A_123 = arith.constant 0 : i32
          %add3A_124 = arith.addi %add3A_123, %mul3A_122 : i32
          %get3A = arith.constant 1 : i32
          %get3A_125 = arith.constant 0 : i32
          %get3A_126 = arith.index_cast %get3A : i32 to index
          %get3A_127 = arith.index_cast %get3A_125 : i32 to index
          %get3A_128 = arith.index_cast %add3A_124 : i32 to index
          %get3A_129 = tpu.vector_load %arg7[%get3A_126, %get3A_127, %get3A_128] {strides = array<i32>} : memref<16x2x128xi32, #tpu.memory_space<vmem>>, vector<1x1x16xi32>,
          %get3A_130 = vector.shape_cast %get3A_129 : vector<1x1x16xi32> to vector<16xi32>
          %swap3A = arith.index_cast %add3A_124 : i32 to index
          %swap3A_131 = tpu.vector_load %arg11[%swap3A] {strides = array<i32>} : memref<128xi32, #tpu.memory_space<vmem>>, vector<16xi32>,
          %swap3A_132 = vector.shape_cast %swap3A_131 : vector<16xi32> to vector<16xi32>
          %swap3A_133 = vector.shape_cast %get3A_130 : vector<16xi32> to vector<16xi32>
          tpu.vector_store %arg11[%swap3A], %swap3A_133 {strides = array<i32>} : memref<128xi32, #tpu.memory_space<vmem>>, vector<16xi32>,
          %get3A_134 = arith.constant 1 : i32
          %get3A_135 = arith.constant 1 : i32
          %get3A_136 = arith.index_cast %get3A_134 : i32 to index
          %get3A_137 = arith.index_cast %get3A_135 : i32 to index
          %get3A_138 = arith.index_cast %add3A_124 : i32 to index
          %get3A_139 = tpu.vector_load %arg7[%get3A_136, %get3A_137, %get3A_138] {strides = array<i32>} : memref<16x2x128xi32, #tpu.memory_space<vmem>>, vector<1x1x16xi32>,
          %get3A_140 = vector.shape_cast %get3A_139 : vector<1x1x16xi32> to vector<16xi32>
          %swap3A_141 = arith.index_cast %add3A_124 : i32 to index
          %swap3A_142 = tpu.vector_load %arg12[%swap3A_141] {strides = array<i32>} : memref<128xi32, #tpu.memory_space<vmem>>, vector<16xi32>,
          %swap3A_143 = vector.shape_cast %swap3A_142 : vector<16xi32> to vector<16xi32>
          %swap3A_144 = vector.shape_cast %get3A_140 : vector<16xi32> to vector<16xi32>
          tpu.vector_store %arg12[%swap3A_141], %swap3A_144 {strides = array<i32>} : memref<128xi32, #tpu.memory_space<vmem>>, vector<16xi32>,
        }
        %scan3A_76 = arith.constant 8 : i32
        %dma_start3A_77 = arith.constant 0 : i32
        %dma_start3A_78 = arith.constant 0 : i32
        %dma_start3A_79 = tpu.memref_slice %arg2[%dma_start3A_77, %dma_start3A_78] : memref<10000x128xf32, #tpu.memory_space<hbm>> -> memref<10000x128xf32, #tpu.memory_space<hbm>>
        tpu.enqueue_indirect_dma source(%dma_start3A_79 : memref<10000x128xf32, #tpu.memory_space<hbm>>) target(%arg14 : memref<128x128xf32, #tpu.memory_space<vmem>>) offsets(%arg11 : memref<128xi32, #tpu.memory_space<vmem>>) semaphore(%arg17 : memref<!tpu.dma_semaphore, #tpu.memory_space<semaphore_mem>>)
        %scan3A_80 = arith.constant 0 : i32
        %scan3A_81 = arith.constant 8 : i32
        %scan3A_82 = arith.addi %scan3A_80, %scan3A_81 : i32
        %scan3A_83 = arith.constant 1 : i32
        scf.for %scan3A_120 = %scan3A_80 to %scan3A_82 step %scan3A_83  : i32 {
          %mul3A_121 = arith.constant 1 : i32
          %mul3A_122 = arith.muli %scan3A_120, %mul3A_121 : i32
          %add3A_123 = arith.constant 0 : i32
          %add3A_124 = arith.addi %add3A_123, %mul3A_122 : i32
          %mul3A_125 = arith.constant 2 : i32
          %mul3A_126 = arith.muli %mul3A_125, %add3A_124 : i32
          %dma_wait3A_127 = arith.constant 0 : i32
          %dma_wait3A_128 = arith.constant 0 : i32
          %dma_wait3A_129 = tpu.memref_slice %arg2[%dma_wait3A_127, %dma_wait3A_128] : memref<10000x128xf32, #tpu.memory_space<hbm>> -> memref<128x128xf32, #tpu.memory_space<hbm>>
          %dma_wait3A_130 = arith.constant 0 : i32
          %dma_wait3A_131 = arith.constant 0 : i32
          %dma_wait3A_132 = tpu.memref_slice %arg2[%dma_wait3A_130, %dma_wait3A_131] : memref<10000x128xf32, #tpu.memory_space<hbm>> -> memref<128x128xf32, #tpu.memory_space<hbm>>
          tpu.wait_dma2 semaphore(%arg16 : memref<!tpu.dma_semaphore, #tpu.memory_space<semaphore_mem>>) src(%dma_wait3A_132 : memref<128x128xf32, #tpu.memory_space<hbm>>) dst(%arg13 : memref<128x128xf32, #tpu.memory_space<vmem>>)
          "tpu.region"() ({
            %run_scoped3A = tpu.sem_alloc : memref<!tpu.dma_semaphore, #tpu.memory_space<semaphore_mem>>
            %dma_start3A_149 = arith.constant 0 : i32
            %dma_start3A_150 = arith.constant 0 : i32
            %dma_start3A_151 = tpu.memref_slice %arg15[%dma_start3A_149, %dma_start3A_150] : memref<10240x128xf32, #tpu.memory_space<vmem_shared>> -> memref<10240x128xf32, #tpu.memory_space<vmem_shared>>
            tpu.enqueue_indirect_dma source(%arg13 : memref<128x128xf32, #tpu.memory_space<vmem>>) target(%dma_start3A_151 : memref<10240x128xf32, #tpu.memory_space<vmem_shared>>) offsets(%arg10 : memref<128xi32, #tpu.memory_space<vmem>>) semaphore(%run_scoped3A : memref<!tpu.dma_semaphore, #tpu.memory_space<semaphore_mem>>) {add = true}
            %dma_wait3A_152 = arith.constant 0 : i32
            %dma_wait3A_153 = arith.constant 0 : i32
            %dma_wait3A_154 = tpu.memref_slice %arg15[%dma_wait3A_152, %dma_wait3A_153] : memref<10240x128xf32, #tpu.memory_space<vmem_shared>> -> memref<10240x128xf32, #tpu.memory_space<vmem_shared>>
            tpu.wait_indirect_dma semaphore(%run_scoped3A : memref<!tpu.dma_semaphore, #tpu.memory_space<semaphore_mem>>) src(%arg13 : memref<128x128xf32, #tpu.memory_space<vmem>>) dst(%dma_wait3A_154 : memref<10240x128xf32, #tpu.memory_space<vmem_shared>>)
            tpu.yield
          }) : () -> ()
          %lt3A_133 = arith.constant 7 : i32
          %lt3A_134 = arith.cmpi slt, %add3A_124, %lt3A_133 : i32
          %convert_element_type3A_135 = arith.extui %lt3A_134 : i1 to i32
          %cond3A_136 = arith.constant 0 : i32
          %cond3A_137 = arith.cmpi ne, %convert_element_type3A_135, %cond3A_136 : i32
          scf.if %cond3A_137 {
            %add3A_149 = arith.constant 2 : i32
            %add3A_150 = arith.addi %mul3A_126, %add3A_149 : i32
            %scan3A_151 = arith.constant 0 : i32
            %scan3A_152 = arith.constant 8 : i32
            %scan3A_153 = arith.addi %scan3A_151, %scan3A_152 : i32
            %scan3A_154 = arith.constant 1 : i32
            scf.for %scan3A_159 = %scan3A_151 to %scan3A_153 step %scan3A_154  : i32 {
              %mul3A_160 = arith.constant 16 : i32
              %mul3A_161 = arith.muli %scan3A_159, %mul3A_160 : i32
              %add3A_162 = arith.constant 0 : i32
              %add3A_163 = arith.addi %add3A_162, %mul3A_161 : i32
              %get3A = arith.constant 0 : i32
              %get3A_164 = arith.index_cast %add3A_150 : i32 to index
              %get3A_165 = arith.index_cast %get3A : i32 to index
              %get3A_166 = arith.index_cast %add3A_163 : i32 to index
              %get3A_167 = tpu.vector_load %arg7[%get3A_164, %get3A_165, %get3A_166] {strides = array<i32>} : memref<16x2x128xi32, #tpu.memory_space<vmem>>, vector<1x1x16xi32>,
              %get3A_168 = vector.shape_cast %get3A_167 : vector<1x1x16xi32> to vector<16xi32>
              %swap3A = arith.index_cast %add3A_163 : i32 to index
              %swap3A_169 = tpu.vector_load %arg9[%swap3A] {strides = array<i32>} : memref<128xi32, #tpu.memory_space<vmem>>, vector<16xi32>,
              %swap3A_170 = vector.shape_cast %swap3A_169 : vector<16xi32> to vector<16xi32>
              %swap3A_171 = vector.shape_cast %get3A_168 : vector<16xi32> to vector<16xi32>
              tpu.vector_store %arg9[%swap3A], %swap3A_171 {strides = array<i32>} : memref<128xi32, #tpu.memory_space<vmem>>, vector<16xi32>,
              %get3A_172 = arith.constant 1 : i32
              %get3A_173 = arith.index_cast %add3A_150 : i32 to index
              %get3A_174 = arith.index_cast %get3A_172 : i32 to index
              %get3A_175 = arith.index_cast %add3A_163 : i32 to index
              %get3A_176 = tpu.vector_load %arg7[%get3A_173, %get3A_174, %get3A_175] {strides = array<i32>} : memref<16x2x128xi32, #tpu.memory_space<vmem>>, vector<1x1x16xi32>,
              %get3A_177 = vector.shape_cast %get3A_176 : vector<1x1x16xi32> to vector<16xi32>
              %swap3A_178 = arith.index_cast %add3A_163 : i32 to index
              %swap3A_179 = tpu.vector_load %arg10[%swap3A_178] {strides = array<i32>} : memref<128xi32, #tpu.memory_space<vmem>>, vector<16xi32>,
              %swap3A_180 = vector.shape_cast %swap3A_179 : vector<16xi32> to vector<16xi32>
              %swap3A_181 = vector.shape_cast %get3A_177 : vector<16xi32> to vector<16xi32>
              tpu.vector_store %arg10[%swap3A_178], %swap3A_181 {strides = array<i32>} : memref<128xi32, #tpu.memory_space<vmem>>, vector<16xi32>,
            }
            %scan3A_155 = arith.constant 8 : i32
            %dma_start3A_156 = arith.constant 0 : i32
            %dma_start3A_157 = arith.constant 0 : i32
            %dma_start3A_158 = tpu.memref_slice %arg2[%dma_start3A_156, %dma_start3A_157] : memref<10000x128xf32, #tpu.memory_space<hbm>> -> memref<10000x128xf32, #tpu.memory_space<hbm>>
            tpu.enqueue_indirect_dma source(%dma_start3A_158 : memref<10000x128xf32, #tpu.memory_space<hbm>>) target(%arg13 : memref<128x128xf32, #tpu.memory_space<vmem>>) offsets(%arg9 : memref<128xi32, #tpu.memory_space<vmem>>) semaphore(%arg16 : memref<!tpu.dma_semaphore, #tpu.memory_space<semaphore_mem>>)
          } else {
          }
          %dma_wait3A_138 = arith.constant 0 : i32
          %dma_wait3A_139 = arith.constant 0 : i32
          %dma_wait3A_140 = tpu.memref_slice %arg2[%dma_wait3A_138, %dma_wait3A_139] : memref<10000x128xf32, #tpu.memory_space<hbm>> -> memref<128x128xf32, #tpu.memory_space<hbm>>
          %dma_wait3A_141 = arith.constant 0 : i32
          %dma_wait3A_142 = arith.constant 0 : i32
          %dma_wait3A_143 = tpu.memref_slice %arg2[%dma_wait3A_141, %dma_wait3A_142] : memref<10000x128xf32, #tpu.memory_space<hbm>> -> memref<128x128xf32, #tpu.memory_space<hbm>>
          tpu.wait_dma2 semaphore(%arg17 : memref<!tpu.dma_semaphore, #tpu.memory_space<semaphore_mem>>) src(%dma_wait3A_143 : memref<128x128xf32, #tpu.memory_space<hbm>>) dst(%arg14 : memref<128x128xf32, #tpu.memory_space<vmem>>)
          "tpu.region"() ({
            %run_scoped3A = tpu.sem_alloc : memref<!tpu.dma_semaphore, #tpu.memory_space<semaphore_mem>>
            %dma_start3A_149 = arith.constant 0 : i32
            %dma_start3A_150 = arith.constant 0 : i32
            %dma_start3A_151 = tpu.memref_slice %arg15[%dma_start3A_149, %dma_start3A_150] : memref<10240x128xf32, #tpu.memory_space<vmem_shared>> -> memref<10240x128xf32, #tpu.memory_space<vmem_shared>>
            tpu.enqueue_indirect_dma source(%arg14 : memref<128x128xf32, #tpu.memory_space<vmem>>) target(%dma_start3A_151 : memref<10240x128xf32, #tpu.memory_space<vmem_shared>>) offsets(%arg12 : memref<128xi32, #tpu.memory_space<vmem>>) semaphore(%run_scoped3A : memref<!tpu.dma_semaphore, #tpu.memory_space<semaphore_mem>>) {add = true}
            %dma_wait3A_152 = arith.constant 0 : i32
            %dma_wait3A_153 = arith.constant 0 : i32
            %dma_wait3A_154 = tpu.memref_slice %arg15[%dma_wait3A_152, %dma_wait3A_153] : memref<10240x128xf32, #tpu.memory_space<vmem_shared>> -> memref<10240x128xf32, #tpu.memory_space<vmem_shared>>
            tpu.wait_indirect_dma semaphore(%run_scoped3A : memref<!tpu.dma_semaphore, #tpu.memory_space<semaphore_mem>>) src(%arg14 : memref<128x128xf32, #tpu.memory_space<vmem>>) dst(%dma_wait3A_154 : memref<10240x128xf32, #tpu.memory_space<vmem_shared>>)
            tpu.yield
          }) : () -> ()
          %lt3A_144 = arith.constant 7 : i32
          %lt3A_145 = arith.cmpi slt, %add3A_124, %lt3A_144 : i32
          %convert_element_type3A_146 = arith.extui %lt3A_145 : i1 to i32
          %cond3A_147 = arith.constant 0 : i32
          %cond3A_148 = arith.cmpi ne, %convert_element_type3A_146, %cond3A_147 : i32
          scf.if %cond3A_148 {
            %add3A_149 = arith.constant 3 : i32
            %add3A_150 = arith.addi %mul3A_126, %add3A_149 : i32
            %scan3A_151 = arith.constant 0 : i32
            %scan3A_152 = arith.constant 8 : i32
            %scan3A_153 = arith.addi %scan3A_151, %scan3A_152 : i32
            %scan3A_154 = arith.constant 1 : i32
            scf.for %scan3A_159 = %scan3A_151 to %scan3A_153 step %scan3A_154  : i32 {
              %mul3A_160 = arith.constant 16 : i32
              %mul3A_161 = arith.muli %scan3A_159, %mul3A_160 : i32
              %add3A_162 = arith.constant 0 : i32
              %add3A_163 = arith.addi %add3A_162, %mul3A_161 : i32
              %get3A = arith.constant 0 : i32
              %get3A_164 = arith.index_cast %add3A_150 : i32 to index
              %get3A_165 = arith.index_cast %get3A : i32 to index
              %get3A_166 = arith.index_cast %add3A_163 : i32 to index
              %get3A_167 = tpu.vector_load %arg7[%get3A_164, %get3A_165, %get3A_166] {strides = array<i32>} : memref<16x2x128xi32, #tpu.memory_space<vmem>>, vector<1x1x16xi32>,
              %get3A_168 = vector.shape_cast %get3A_167 : vector<1x1x16xi32> to vector<16xi32>
              %swap3A = arith.index_cast %add3A_163 : i32 to index
              %swap3A_169 = tpu.vector_load %arg11[%swap3A] {strides = array<i32>} : memref<128xi32, #tpu.memory_space<vmem>>, vector<16xi32>,
              %swap3A_170 = vector.shape_cast %swap3A_169 : vector<16xi32> to vector<16xi32>
              %swap3A_171 = vector.shape_cast %get3A_168 : vector<16xi32> to vector<16xi32>
              tpu.vector_store %arg11[%swap3A], %swap3A_171 {strides = array<i32>} : memref<128xi32, #tpu.memory_space<vmem>>, vector<16xi32>,
              %get3A_172 = arith.constant 1 : i32
              %get3A_173 = arith.index_cast %add3A_150 : i32 to index
              %get3A_174 = arith.index_cast %get3A_172 : i32 to index
              %get3A_175 = arith.index_cast %add3A_163 : i32 to index
              %get3A_176 = tpu.vector_load %arg7[%get3A_173, %get3A_174, %get3A_175] {strides = array<i32>} : memref<16x2x128xi32, #tpu.memory_space<vmem>>, vector<1x1x16xi32>,
              %get3A_177 = vector.shape_cast %get3A_176 : vector<1x1x16xi32> to vector<16xi32>
              %swap3A_178 = arith.index_cast %add3A_163 : i32 to index
              %swap3A_179 = tpu.vector_load %arg12[%swap3A_178] {strides = array<i32>} : memref<128xi32, #tpu.memory_space<vmem>>, vector<16xi32>,
              %swap3A_180 = vector.shape_cast %swap3A_179 : vector<16xi32> to vector<16xi32>
              %swap3A_181 = vector.shape_cast %get3A_177 : vector<16xi32> to vector<16xi32>
              tpu.vector_store %arg12[%swap3A_178], %swap3A_181 {strides = array<i32>} : memref<128xi32, #tpu.memory_space<vmem>>, vector<16xi32>,
            }
            %scan3A_155 = arith.constant 8 : i32
            %dma_start3A_156 = arith.constant 0 : i32
            %dma_start3A_157 = arith.constant 0 : i32
            %dma_start3A_158 = tpu.memref_slice %arg2[%dma_start3A_156, %dma_start3A_157] : memref<10000x128xf32, #tpu.memory_space<hbm>> -> memref<10000x128xf32, #tpu.memory_space<hbm>>
            tpu.enqueue_indirect_dma source(%dma_start3A_158 : memref<10000x128xf32, #tpu.memory_space<hbm>>) target(%arg14 : memref<128x128xf32, #tpu.memory_space<vmem>>) offsets(%arg11 : memref<128xi32, #tpu.memory_space<vmem>>) semaphore(%arg17 : memref<!tpu.dma_semaphore, #tpu.memory_space<semaphore_mem>>)
          } else {
          }
        }
        %scan3A_84 = arith.constant 8 : i32
        %add3A_85 = arith.constant 2 : i32
        %add3A_86 = arith.addi %add3A_43, %add3A_85 : i32
        %lt3A = arith.constant 10 : i32
        %lt3A_87 = arith.cmpi slt, %add3A_86, %lt3A : i32
        %convert_element_type3A_88 = arith.extui %lt3A_87 : i1 to i32
        %cond3A_89 = arith.constant 0 : i32
        %cond3A_90 = arith.cmpi ne, %convert_element_type3A_88, %cond3A_89 : i32
        scf.if %cond3A_90 {
          %add3A_120 = arith.constant 2 : i32
          %add3A_121 = arith.addi %add3A_43, %add3A_120 : i32
          %mul3A_122 = arith.constant 160 : i32
          %mul3A_123 = arith.muli %arg1, %mul3A_122 : i32
          %mul3A_124 = arith.constant 16 : i32
          %mul3A_125 = arith.muli %add3A_121, %mul3A_124 : i32
          %add3A_126 = arith.addi %mul3A_123, %mul3A_125 : i32
          %dma_start3A_127 = arith.constant 0 : i32
          %dma_start3A_128 = arith.constant 0 : i32
          %dma_start3A_129 = tpu.memref_slice %arg4[%add3A_126, %dma_start3A_127, %dma_start3A_128] : memref<2560x2x128xi32, #tpu.memory_space<hbm>> -> memref<16x2x128xi32, #tpu.memory_space<hbm>>
          %dma_start3A_130 = arith.constant 0 : i32
          %dma_start3A_131 = arith.constant 0 : i32
          %dma_start3A_132 = tpu.memref_slice %arg4[%add3A_126, %dma_start3A_130, %dma_start3A_131] : memref<2560x2x128xi32, #tpu.memory_space<hbm>> -> memref<16x2x128xi32, #tpu.memory_space<hbm>>
          tpu.enqueue_dma source(%dma_start3A_132 : memref<16x2x128xi32, #tpu.memory_space<hbm>>) target(%arg7 : memref<16x2x128xi32, #tpu.memory_space<vmem>>) target_semaphore(%arg18 : memref<!tpu.dma_semaphore, #tpu.memory_space<semaphore_mem>>)
        } else {
        }
        %dma_wait3A_91 = arith.constant 0 : i32
        %dma_wait3A_92 = arith.constant 0 : i32
        %dma_wait3A_93 = arith.constant 0 : i32
        %dma_wait3A_94 = tpu.memref_slice %arg4[%dma_wait3A_91, %dma_wait3A_92, %dma_wait3A_93] : memref<2560x2x128xi32, #tpu.memory_space<hbm>> -> memref<16x2x128xi32, #tpu.memory_space<hbm>>
        %dma_wait3A_95 = arith.constant 0 : i32
        %dma_wait3A_96 = arith.constant 0 : i32
        %dma_wait3A_97 = arith.constant 0 : i32
        %dma_wait3A_98 = tpu.memref_slice %arg4[%dma_wait3A_95, %dma_wait3A_96, %dma_wait3A_97] : memref<2560x2x128xi32, #tpu.memory_space<hbm>> -> memref<16x2x128xi32, #tpu.memory_space<hbm>>
        tpu.wait_dma2 semaphore(%arg19 : memref<!tpu.dma_semaphore, #tpu.memory_space<semaphore_mem>>) src(%dma_wait3A_98 : memref<16x2x128xi32, #tpu.memory_space<hbm>>) dst(%arg8 : memref<16x2x128xi32, #tpu.memory_space<vmem>>)
        %scan3A_99 = arith.constant 0 : i32
        %scan3A_100 = arith.constant 8 : i32
        %scan3A_101 = arith.addi %scan3A_99, %scan3A_100 : i32
        %scan3A_102 = arith.constant 1 : i32
        scf.for %scan3A_120 = %scan3A_99 to %scan3A_101 step %scan3A_102  : i32 {
          %mul3A_121 = arith.constant 16 : i32
          %mul3A_122 = arith.muli %scan3A_120, %mul3A_121 : i32
          %add3A_123 = arith.constant 0 : i32
          %add3A_124 = arith.addi %add3A_123, %mul3A_122 : i32
          %get3A = arith.constant 0 : i32
          %get3A_125 = arith.constant 0 : i32
          %get3A_126 = arith.index_cast %get3A : i32 to index
          %get3A_127 = arith.index_cast %get3A_125 : i32 to index
          %get3A_128 = arith.index_cast %add3A_124 : i32 to index
          %get3A_129 = tpu.vector_load %arg8[%get3A_126, %get3A_127, %get3A_128] {strides = array<i32>} : memref<16x2x128xi32, #tpu.memory_space<vmem>>, vector<1x1x16xi32>,
          %get3A_130 = vector.shape_cast %get3A_129 : vector<1x1x16xi32> to vector<16xi32>
          %swap3A = arith.index_cast %add3A_124 : i32 to index
          %swap3A_131 = tpu.vector_load %arg9[%swap3A] {strides = array<i32>} : memref<128xi32, #tpu.memory_space<vmem>>, vector<16xi32>,
          %swap3A_132 = vector.shape_cast %swap3A_131 : vector<16xi32> to vector<16xi32>
          %swap3A_133 = vector.shape_cast %get3A_130 : vector<16xi32> to vector<16xi32>
          tpu.vector_store %arg9[%swap3A], %swap3A_133 {strides = array<i32>} : memref<128xi32, #tpu.memory_space<vmem>>, vector<16xi32>,
          %get3A_134 = arith.constant 0 : i32
          %get3A_135 = arith.constant 1 : i32
          %get3A_136 = arith.index_cast %get3A_134 : i32 to index
          %get3A_137 = arith.index_cast %get3A_135 : i32 to index
          %get3A_138 = arith.index_cast %add3A_124 : i32 to index
          %get3A_139 = tpu.vector_load %arg8[%get3A_136, %get3A_137, %get3A_138] {strides = array<i32>} : memref<16x2x128xi32, #tpu.memory_space<vmem>>, vector<1x1x16xi32>,
          %get3A_140 = vector.shape_cast %get3A_139 : vector<1x1x16xi32> to vector<16xi32>
          %swap3A_141 = arith.index_cast %add3A_124 : i32 to index
          %swap3A_142 = tpu.vector_load %arg10[%swap3A_141] {strides = array<i32>} : memref<128xi32, #tpu.memory_space<vmem>>, vector<16xi32>,
          %swap3A_143 = vector.shape_cast %swap3A_142 : vector<16xi32> to vector<16xi32>
          %swap3A_144 = vector.shape_cast %get3A_140 : vector<16xi32> to vector<16xi32>
          tpu.vector_store %arg10[%swap3A_141], %swap3A_144 {strides = array<i32>} : memref<128xi32, #tpu.memory_space<vmem>>, vector<16xi32>,
        }
        %scan3A_103 = arith.constant 8 : i32
        %dma_start3A_104 = arith.constant 0 : i32
        %dma_start3A_105 = arith.constant 0 : i32
        %dma_start3A_106 = tpu.memref_slice %arg2[%dma_start3A_104, %dma_start3A_105] : memref<10000x128xf32, #tpu.memory_space<hbm>> -> memref<10000x128xf32, #tpu.memory_space<hbm>>
        tpu.enqueue_indirect_dma source(%dma_start3A_106 : memref<10000x128xf32, #tpu.memory_space<hbm>>) target(%arg13 : memref<128x128xf32, #tpu.memory_space<vmem>>) offsets(%arg9 : memref<128xi32, #tpu.memory_space<vmem>>) semaphore(%arg16 : memref<!tpu.dma_semaphore, #tpu.memory_space<semaphore_mem>>)
        %scan3A_107 = arith.constant 0 : i32
        %scan3A_108 = arith.constant 8 : i32
        %scan3A_109 = arith.addi %scan3A_107, %scan3A_108 : i32
        %scan3A_110 = arith.constant 1 : i32
        scf.for %scan3A_120 = %scan3A_107 to %scan3A_109 step %scan3A_110  : i32 {
          %mul3A_121 = arith.constant 16 : i32
          %mul3A_122 = arith.muli %scan3A_120, %mul3A_121 : i32
          %add3A_123 = arith.constant 0 : i32
          %add3A_124 = arith.addi %add3A_123, %mul3A_122 : i32
          %get3A = arith.constant 1 : i32
          %get3A_125 = arith.constant 0 : i32
          %get3A_126 = arith.index_cast %get3A : i32 to index
          %get3A_127 = arith.index_cast %get3A_125 : i32 to index
          %get3A_128 = arith.index_cast %add3A_124 : i32 to index
          %get3A_129 = tpu.vector_load %arg8[%get3A_126, %get3A_127, %get3A_128] {strides = array<i32>} : memref<16x2x128xi32, #tpu.memory_space<vmem>>, vector<1x1x16xi32>,
          %get3A_130 = vector.shape_cast %get3A_129 : vector<1x1x16xi32> to vector<16xi32>
          %swap3A = arith.index_cast %add3A_124 : i32 to index
          %swap3A_131 = tpu.vector_load %arg11[%swap3A] {strides = array<i32>} : memref<128xi32, #tpu.memory_space<vmem>>, vector<16xi32>,
          %swap3A_132 = vector.shape_cast %swap3A_131 : vector<16xi32> to vector<16xi32>
          %swap3A_133 = vector.shape_cast %get3A_130 : vector<16xi32> to vector<16xi32>
          tpu.vector_store %arg11[%swap3A], %swap3A_133 {strides = array<i32>} : memref<128xi32, #tpu.memory_space<vmem>>, vector<16xi32>,
          %get3A_134 = arith.constant 1 : i32
          %get3A_135 = arith.constant 1 : i32
          %get3A_136 = arith.index_cast %get3A_134 : i32 to index
          %get3A_137 = arith.index_cast %get3A_135 : i32 to index
          %get3A_138 = arith.index_cast %add3A_124 : i32 to index
          %get3A_139 = tpu.vector_load %arg8[%get3A_136, %get3A_137, %get3A_138] {strides = array<i32>} : memref<16x2x128xi32, #tpu.memory_space<vmem>>, vector<1x1x16xi32>,
          %get3A_140 = vector.shape_cast %get3A_139 : vector<1x1x16xi32> to vector<16xi32>
          %swap3A_141 = arith.index_cast %add3A_124 : i32 to index
          %swap3A_142 = tpu.vector_load %arg12[%swap3A_141] {strides = array<i32>} : memref<128xi32, #tpu.memory_space<vmem>>, vector<16xi32>,
          %swap3A_143 = vector.shape_cast %swap3A_142 : vector<16xi32> to vector<16xi32>
          %swap3A_144 = vector.shape_cast %get3A_140 : vector<16xi32> to vector<16xi32>
          tpu.vector_store %arg12[%swap3A_141], %swap3A_144 {strides = array<i32>} : memref<128xi32, #tpu.memory_space<vmem>>, vector<16xi32>,
        }
        %scan3A_111 = arith.constant 8 : i32
        %dma_start3A_112 = arith.constant 0 : i32
        %dma_start3A_113 = arith.constant 0 : i32
        %dma_start3A_114 = tpu.memref_slice %arg2[%dma_start3A_112, %dma_start3A_113] : memref<10000x128xf32, #tpu.memory_space<hbm>> -> memref<10000x128xf32, #tpu.memory_space<hbm>>
        tpu.enqueue_indirect_dma source(%dma_start3A_114 : memref<10000x128xf32, #tpu.memory_space<hbm>>) target(%arg14 : memref<128x128xf32, #tpu.memory_space<vmem>>) offsets(%arg11 : memref<128xi32, #tpu.memory_space<vmem>>) semaphore(%arg17 : memref<!tpu.dma_semaphore, #tpu.memory_space<semaphore_mem>>)
        %scan3A_115 = arith.constant 0 : i32
        %scan3A_116 = arith.constant 8 : i32
        %scan3A_117 = arith.addi %scan3A_115, %scan3A_116 : i32
        %scan3A_118 = arith.constant 1 : i32
        scf.for %scan3A_120 = %scan3A_115 to %scan3A_117 step %scan3A_118  : i32 {
          %mul3A_121 = arith.constant 1 : i32
          %mul3A_122 = arith.muli %scan3A_120, %mul3A_121 : i32
          %add3A_123 = arith.constant 0 : i32
          %add3A_124 = arith.addi %add3A_123, %mul3A_122 : i32
          %mul3A_125 = arith.constant 2 : i32
          %mul3A_126 = arith.muli %mul3A_125, %add3A_124 : i32
          %dma_wait3A_127 = arith.constant 0 : i32
          %dma_wait3A_128 = arith.constant 0 : i32
          %dma_wait3A_129 = tpu.memref_slice %arg2[%dma_wait3A_127, %dma_wait3A_128] : memref<10000x128xf32, #tpu.memory_space<hbm>> -> memref<128x128xf32, #tpu.memory_space<hbm>>
          %dma_wait3A_130 = arith.constant 0 : i32
          %dma_wait3A_131 = arith.constant 0 : i32
          %dma_wait3A_132 = tpu.memref_slice %arg2[%dma_wait3A_130, %dma_wait3A_131] : memref<10000x128xf32, #tpu.memory_space<hbm>> -> memref<128x128xf32, #tpu.memory_space<hbm>>
          tpu.wait_dma2 semaphore(%arg16 : memref<!tpu.dma_semaphore, #tpu.memory_space<semaphore_mem>>) src(%dma_wait3A_132 : memref<128x128xf32, #tpu.memory_space<hbm>>) dst(%arg13 : memref<128x128xf32, #tpu.memory_space<vmem>>)
          "tpu.region"() ({
            %run_scoped3A = tpu.sem_alloc : memref<!tpu.dma_semaphore, #tpu.memory_space<semaphore_mem>>
            %dma_start3A_149 = arith.constant 0 : i32
            %dma_start3A_150 = arith.constant 0 : i32
            %dma_start3A_151 = tpu.memref_slice %arg15[%dma_start3A_149, %dma_start3A_150] : memref<10240x128xf32, #tpu.memory_space<vmem_shared>> -> memref<10240x128xf32, #tpu.memory_space<vmem_shared>>
            tpu.enqueue_indirect_dma source(%arg13 : memref<128x128xf32, #tpu.memory_space<vmem>>) target(%dma_start3A_151 : memref<10240x128xf32, #tpu.memory_space<vmem_shared>>) offsets(%arg10 : memref<128xi32, #tpu.memory_space<vmem>>) semaphore(%run_scoped3A : memref<!tpu.dma_semaphore, #tpu.memory_space<semaphore_mem>>) {add = true}
            %dma_wait3A_152 = arith.constant 0 : i32
            %dma_wait3A_153 = arith.constant 0 : i32
            %dma_wait3A_154 = tpu.memref_slice %arg15[%dma_wait3A_152, %dma_wait3A_153] : memref<10240x128xf32, #tpu.memory_space<vmem_shared>> -> memref<10240x128xf32, #tpu.memory_space<vmem_shared>>
            tpu.wait_indirect_dma semaphore(%run_scoped3A : memref<!tpu.dma_semaphore, #tpu.memory_space<semaphore_mem>>) src(%arg13 : memref<128x128xf32, #tpu.memory_space<vmem>>) dst(%dma_wait3A_154 : memref<10240x128xf32, #tpu.memory_space<vmem_shared>>)
            tpu.yield
          }) : () -> ()
          %lt3A_133 = arith.constant 7 : i32
          %lt3A_134 = arith.cmpi slt, %add3A_124, %lt3A_133 : i32
          %convert_element_type3A_135 = arith.extui %lt3A_134 : i1 to i32
          %cond3A_136 = arith.constant 0 : i32
          %cond3A_137 = arith.cmpi ne, %convert_element_type3A_135, %cond3A_136 : i32
          scf.if %cond3A_137 {
            %add3A_149 = arith.constant 2 : i32
            %add3A_150 = arith.addi %mul3A_126, %add3A_149 : i32
            %scan3A_151 = arith.constant 0 : i32
            %scan3A_152 = arith.constant 8 : i32
            %scan3A_153 = arith.addi %scan3A_151, %scan3A_152 : i32
            %scan3A_154 = arith.constant 1 : i32
            scf.for %scan3A_159 = %scan3A_151 to %scan3A_153 step %scan3A_154  : i32 {
              %mul3A_160 = arith.constant 16 : i32
              %mul3A_161 = arith.muli %scan3A_159, %mul3A_160 : i32
              %add3A_162 = arith.constant 0 : i32
              %add3A_163 = arith.addi %add3A_162, %mul3A_161 : i32
              %get3A = arith.constant 0 : i32
              %get3A_164 = arith.index_cast %add3A_150 : i32 to index
              %get3A_165 = arith.index_cast %get3A : i32 to index
              %get3A_166 = arith.index_cast %add3A_163 : i32 to index
              %get3A_167 = tpu.vector_load %arg8[%get3A_164, %get3A_165, %get3A_166] {strides = array<i32>} : memref<16x2x128xi32, #tpu.memory_space<vmem>>, vector<1x1x16xi32>,
              %get3A_168 = vector.shape_cast %get3A_167 : vector<1x1x16xi32> to vector<16xi32>
              %swap3A = arith.index_cast %add3A_163 : i32 to index
              %swap3A_169 = tpu.vector_load %arg9[%swap3A] {strides = array<i32>} : memref<128xi32, #tpu.memory_space<vmem>>, vector<16xi32>,
              %swap3A_170 = vector.shape_cast %swap3A_169 : vector<16xi32> to vector<16xi32>
              %swap3A_171 = vector.shape_cast %get3A_168 : vector<16xi32> to vector<16xi32>
              tpu.vector_store %arg9[%swap3A], %swap3A_171 {strides = array<i32>} : memref<128xi32, #tpu.memory_space<vmem>>, vector<16xi32>,
              %get3A_172 = arith.constant 1 : i32
              %get3A_173 = arith.index_cast %add3A_150 : i32 to index
              %get3A_174 = arith.index_cast %get3A_172 : i32 to index
              %get3A_175 = arith.index_cast %add3A_163 : i32 to index
              %get3A_176 = tpu.vector_load %arg8[%get3A_173, %get3A_174, %get3A_175] {strides = array<i32>} : memref<16x2x128xi32, #tpu.memory_space<vmem>>, vector<1x1x16xi32>,
              %get3A_177 = vector.shape_cast %get3A_176 : vector<1x1x16xi32> to vector<16xi32>
              %swap3A_178 = arith.index_cast %add3A_163 : i32 to index
              %swap3A_179 = tpu.vector_load %arg10[%swap3A_178] {strides = array<i32>} : memref<128xi32, #tpu.memory_space<vmem>>, vector<16xi32>,
              %swap3A_180 = vector.shape_cast %swap3A_179 : vector<16xi32> to vector<16xi32>
              %swap3A_181 = vector.shape_cast %get3A_177 : vector<16xi32> to vector<16xi32>
              tpu.vector_store %arg10[%swap3A_178], %swap3A_181 {strides = array<i32>} : memref<128xi32, #tpu.memory_space<vmem>>, vector<16xi32>,
            }
            %scan3A_155 = arith.constant 8 : i32
            %dma_start3A_156 = arith.constant 0 : i32
            %dma_start3A_157 = arith.constant 0 : i32
            %dma_start3A_158 = tpu.memref_slice %arg2[%dma_start3A_156, %dma_start3A_157] : memref<10000x128xf32, #tpu.memory_space<hbm>> -> memref<10000x128xf32, #tpu.memory_space<hbm>>
            tpu.enqueue_indirect_dma source(%dma_start3A_158 : memref<10000x128xf32, #tpu.memory_space<hbm>>) target(%arg13 : memref<128x128xf32, #tpu.memory_space<vmem>>) offsets(%arg9 : memref<128xi32, #tpu.memory_space<vmem>>) semaphore(%arg16 : memref<!tpu.dma_semaphore, #tpu.memory_space<semaphore_mem>>)
          } else {
          }
          %dma_wait3A_138 = arith.constant 0 : i32
          %dma_wait3A_139 = arith.constant 0 : i32
          %dma_wait3A_140 = tpu.memref_slice %arg2[%dma_wait3A_138, %dma_wait3A_139] : memref<10000x128xf32, #tpu.memory_space<hbm>> -> memref<128x128xf32, #tpu.memory_space<hbm>>
          %dma_wait3A_141 = arith.constant 0 : i32
          %dma_wait3A_142 = arith.constant 0 : i32
          %dma_wait3A_143 = tpu.memref_slice %arg2[%dma_wait3A_141, %dma_wait3A_142] : memref<10000x128xf32, #tpu.memory_space<hbm>> -> memref<128x128xf32, #tpu.memory_space<hbm>>
          tpu.wait_dma2 semaphore(%arg17 : memref<!tpu.dma_semaphore, #tpu.memory_space<semaphore_mem>>) src(%dma_wait3A_143 : memref<128x128xf32, #tpu.memory_space<hbm>>) dst(%arg14 : memref<128x128xf32, #tpu.memory_space<vmem>>)
          "tpu.region"() ({
            %run_scoped3A = tpu.sem_alloc : memref<!tpu.dma_semaphore, #tpu.memory_space<semaphore_mem>>
            %dma_start3A_149 = arith.constant 0 : i32
            %dma_start3A_150 = arith.constant 0 : i32
            %dma_start3A_151 = tpu.memref_slice %arg15[%dma_start3A_149, %dma_start3A_150] : memref<10240x128xf32, #tpu.memory_space<vmem_shared>> -> memref<10240x128xf32, #tpu.memory_space<vmem_shared>>
            tpu.enqueue_indirect_dma source(%arg14 : memref<128x128xf32, #tpu.memory_space<vmem>>) target(%dma_start3A_151 : memref<10240x128xf32, #tpu.memory_space<vmem_shared>>) offsets(%arg12 : memref<128xi32, #tpu.memory_space<vmem>>) semaphore(%run_scoped3A : memref<!tpu.dma_semaphore, #tpu.memory_space<semaphore_mem>>) {add = true}
            %dma_wait3A_152 = arith.constant 0 : i32
            %dma_wait3A_153 = arith.constant 0 : i32
            %dma_wait3A_154 = tpu.memref_slice %arg15[%dma_wait3A_152, %dma_wait3A_153] : memref<10240x128xf32, #tpu.memory_space<vmem_shared>> -> memref<10240x128xf32, #tpu.memory_space<vmem_shared>>
            tpu.wait_indirect_dma semaphore(%run_scoped3A : memref<!tpu.dma_semaphore, #tpu.memory_space<semaphore_mem>>) src(%arg14 : memref<128x128xf32, #tpu.memory_space<vmem>>) dst(%dma_wait3A_154 : memref<10240x128xf32, #tpu.memory_space<vmem_shared>>)
            tpu.yield
          }) : () -> ()
          %lt3A_144 = arith.constant 7 : i32
          %lt3A_145 = arith.cmpi slt, %add3A_124, %lt3A_144 : i32
          %convert_element_type3A_146 = arith.extui %lt3A_145 : i1 to i32
          %cond3A_147 = arith.constant 0 : i32
          %cond3A_148 = arith.cmpi ne, %convert_element_type3A_146, %cond3A_147 : i32
          scf.if %cond3A_148 {
            %add3A_149 = arith.constant 3 : i32
            %add3A_150 = arith.addi %mul3A_126, %add3A_149 : i32
            %scan3A_151 = arith.constant 0 : i32
            %scan3A_152 = arith.constant 8 : i32
            %scan3A_153 = arith.addi %scan3A_151, %scan3A_152 : i32
            %scan3A_154 = arith.constant 1 : i32
            scf.for %scan3A_159 = %scan3A_151 to %scan3A_153 step %scan3A_154  : i32 {
              %mul3A_160 = arith.constant 16 : i32
              %mul3A_161 = arith.muli %scan3A_159, %mul3A_160 : i32
              %add3A_162 = arith.constant 0 : i32
              %add3A_163 = arith.addi %add3A_162, %mul3A_161 : i32
              %get3A = arith.constant 0 : i32
              %get3A_164 = arith.index_cast %add3A_150 : i32 to index
              %get3A_165 = arith.index_cast %get3A : i32 to index
              %get3A_166 = arith.index_cast %add3A_163 : i32 to index
              %get3A_167 = tpu.vector_load %arg8[%get3A_164, %get3A_165, %get3A_166] {strides = array<i32>} : memref<16x2x128xi32, #tpu.memory_space<vmem>>, vector<1x1x16xi32>,
              %get3A_168 = vector.shape_cast %get3A_167 : vector<1x1x16xi32> to vector<16xi32>
              %swap3A = arith.index_cast %add3A_163 : i32 to index
              %swap3A_169 = tpu.vector_load %arg11[%swap3A] {strides = array<i32>} : memref<128xi32, #tpu.memory_space<vmem>>, vector<16xi32>,
              %swap3A_170 = vector.shape_cast %swap3A_169 : vector<16xi32> to vector<16xi32>
              %swap3A_171 = vector.shape_cast %get3A_168 : vector<16xi32> to vector<16xi32>
              tpu.vector_store %arg11[%swap3A], %swap3A_171 {strides = array<i32>} : memref<128xi32, #tpu.memory_space<vmem>>, vector<16xi32>,
              %get3A_172 = arith.constant 1 : i32
              %get3A_173 = arith.index_cast %add3A_150 : i32 to index
              %get3A_174 = arith.index_cast %get3A_172 : i32 to index
              %get3A_175 = arith.index_cast %add3A_163 : i32 to index
              %get3A_176 = tpu.vector_load %arg8[%get3A_173, %get3A_174, %get3A_175] {strides = array<i32>} : memref<16x2x128xi32, #tpu.memory_space<vmem>>, vector<1x1x16xi32>,
              %get3A_177 = vector.shape_cast %get3A_176 : vector<1x1x16xi32> to vector<16xi32>
              %swap3A_178 = arith.index_cast %add3A_163 : i32 to index
              %swap3A_179 = tpu.vector_load %arg12[%swap3A_178] {strides = array<i32>} : memref<128xi32, #tpu.memory_space<vmem>>, vector<16xi32>,
              %swap3A_180 = vector.shape_cast %swap3A_179 : vector<16xi32> to vector<16xi32>
              %swap3A_181 = vector.shape_cast %get3A_177 : vector<16xi32> to vector<16xi32>
              tpu.vector_store %arg12[%swap3A_178], %swap3A_181 {strides = array<i32>} : memref<128xi32, #tpu.memory_space<vmem>>, vector<16xi32>,
            }
            %scan3A_155 = arith.constant 8 : i32
            %dma_start3A_156 = arith.constant 0 : i32
            %dma_start3A_157 = arith.constant 0 : i32
            %dma_start3A_158 = tpu.memref_slice %arg2[%dma_start3A_156, %dma_start3A_157] : memref<10000x128xf32, #tpu.memory_space<hbm>> -> memref<10000x128xf32, #tpu.memory_space<hbm>>
            tpu.enqueue_indirect_dma source(%dma_start3A_158 : memref<10000x128xf32, #tpu.memory_space<hbm>>) target(%arg14 : memref<128x128xf32, #tpu.memory_space<vmem>>) offsets(%arg11 : memref<128xi32, #tpu.memory_space<vmem>>) semaphore(%arg17 : memref<!tpu.dma_semaphore, #tpu.memory_space<semaphore_mem>>)
          } else {
          }
        }
        %scan3A_119 = arith.constant 8 : i32
      }
      %scan3A_38 = arith.constant 5 : i32
    } else {
    }
    %eq3A_18 = arith.constant 1 : i32
    %eq3A_19 = arith.cmpi eq, %arg0, %eq3A_18 : i32
    %convert_element_type3A_20 = arith.extui %eq3A_19 : i1 to i32
    %cond3A_21 = arith.constant 0 : i32
    %cond3A_22 = arith.cmpi ne, %convert_element_type3A_20, %cond3A_21 : i32
    scf.if %cond3A_22 {
      %scan3A_34 = arith.constant 0 : i32
      %scan3A_35 = arith.constant 5 : i32
      %scan3A_36 = arith.addi %scan3A_34, %scan3A_35 : i32
      %scan3A_37 = arith.constant 1 : i32
      scf.for %scan3A_39 = %scan3A_34 to %scan3A_36 step %scan3A_37  : i32 {
        %mul3A_40 = arith.constant 2 : i32
        %mul3A_41 = arith.muli %scan3A_39, %mul3A_40 : i32
        %add3A_42 = arith.constant 0 : i32
        %add3A_43 = arith.addi %add3A_42, %mul3A_41 : i32
        %add3A_44 = arith.constant 1 : i32
        %add3A_45 = arith.addi %add3A_43, %add3A_44 : i32
        %mul3A_46 = arith.constant 160 : i32
        %mul3A_47 = arith.muli %arg1, %mul3A_46 : i32
        %mul3A_48 = arith.constant 16 : i32
        %mul3A_49 = arith.muli %add3A_45, %mul3A_48 : i32
        %add3A_50 = arith.addi %mul3A_47, %mul3A_49 : i32
        %dma_start3A_51 = arith.constant 0 : i32
        %dma_start3A_52 = arith.constant 0 : i32
        %dma_start3A_53 = tpu.memref_slice %arg4[%add3A_50, %dma_start3A_51, %dma_start3A_52] : memref<2560x2x128xi32, #tpu.memory_space<hbm>> -> memref<16x2x128xi32, #tpu.memory_space<hbm>>
        %dma_start3A_54 = arith.constant 0 : i32
        %dma_start3A_55 = arith.constant 0 : i32
        %dma_start3A_56 = tpu.memref_slice %arg4[%add3A_50, %dma_start3A_54, %dma_start3A_55] : memref<2560x2x128xi32, #tpu.memory_space<hbm>> -> memref<16x2x128xi32, #tpu.memory_space<hbm>>
        tpu.enqueue_dma source(%dma_start3A_56 : memref<16x2x128xi32, #tpu.memory_space<hbm>>) target(%arg8 : memref<16x2x128xi32, #tpu.memory_space<vmem>>) target_semaphore(%arg19 : memref<!tpu.dma_semaphore, #tpu.memory_space<semaphore_mem>>)
        %dma_wait3A = arith.constant 0 : i32
        %dma_wait3A_57 = arith.constant 0 : i32
        %dma_wait3A_58 = arith.constant 0 : i32
        %dma_wait3A_59 = tpu.memref_slice %arg4[%dma_wait3A, %dma_wait3A_57, %dma_wait3A_58] : memref<2560x2x128xi32, #tpu.memory_space<hbm>> -> memref<16x2x128xi32, #tpu.memory_space<hbm>>
        %dma_wait3A_60 = arith.constant 0 : i32
        %dma_wait3A_61 = arith.constant 0 : i32
        %dma_wait3A_62 = arith.constant 0 : i32
        %dma_wait3A_63 = tpu.memref_slice %arg4[%dma_wait3A_60, %dma_wait3A_61, %dma_wait3A_62] : memref<2560x2x128xi32, #tpu.memory_space<hbm>> -> memref<16x2x128xi32, #tpu.memory_space<hbm>>
        tpu.wait_dma2 semaphore(%arg18 : memref<!tpu.dma_semaphore, #tpu.memory_space<semaphore_mem>>) src(%dma_wait3A_63 : memref<16x2x128xi32, #tpu.memory_space<hbm>>) dst(%arg7 : memref<16x2x128xi32, #tpu.memory_space<vmem>>)
        %scan3A_64 = arith.constant 0 : i32
        %scan3A_65 = arith.constant 8 : i32
        %scan3A_66 = arith.addi %scan3A_64, %scan3A_65 : i32
        %scan3A_67 = arith.constant 1 : i32
        scf.for %scan3A_120 = %scan3A_64 to %scan3A_66 step %scan3A_67  : i32 {
          %mul3A_121 = arith.constant 16 : i32
          %mul3A_122 = arith.muli %scan3A_120, %mul3A_121 : i32
          %add3A_123 = arith.constant 0 : i32
          %add3A_124 = arith.addi %add3A_123, %mul3A_122 : i32
          %get3A = arith.constant 0 : i32
          %get3A_125 = arith.constant 0 : i32
          %get3A_126 = arith.index_cast %get3A : i32 to index
          %get3A_127 = arith.index_cast %get3A_125 : i32 to index
          %get3A_128 = arith.index_cast %add3A_124 : i32 to index
          %get3A_129 = tpu.vector_load %arg7[%get3A_126, %get3A_127, %get3A_128] {strides = array<i32>} : memref<16x2x128xi32, #tpu.memory_space<vmem>>, vector<1x1x16xi32>,
          %get3A_130 = vector.shape_cast %get3A_129 : vector<1x1x16xi32> to vector<16xi32>
          %swap3A = arith.index_cast %add3A_124 : i32 to index
          %swap3A_131 = tpu.vector_load %arg9[%swap3A] {strides = array<i32>} : memref<128xi32, #tpu.memory_space<vmem>>, vector<16xi32>,
          %swap3A_132 = vector.shape_cast %swap3A_131 : vector<16xi32> to vector<16xi32>
          %swap3A_133 = vector.shape_cast %get3A_130 : vector<16xi32> to vector<16xi32>
          tpu.vector_store %arg9[%swap3A], %swap3A_133 {strides = array<i32>} : memref<128xi32, #tpu.memory_space<vmem>>, vector<16xi32>,
          %get3A_134 = arith.constant 0 : i32
          %get3A_135 = arith.constant 1 : i32
          %get3A_136 = arith.index_cast %get3A_134 : i32 to index
          %get3A_137 = arith.index_cast %get3A_135 : i32 to index
          %get3A_138 = arith.index_cast %add3A_124 : i32 to index
          %get3A_139 = tpu.vector_load %arg7[%get3A_136, %get3A_137, %get3A_138] {strides = array<i32>} : memref<16x2x128xi32, #tpu.memory_space<vmem>>, vector<1x1x16xi32>,
          %get3A_140 = vector.shape_cast %get3A_139 : vector<1x1x16xi32> to vector<16xi32>
          %swap3A_141 = arith.index_cast %add3A_124 : i32 to index
          %swap3A_142 = tpu.vector_load %arg10[%swap3A_141] {strides = array<i32>} : memref<128xi32, #tpu.memory_space<vmem>>, vector<16xi32>,
          %swap3A_143 = vector.shape_cast %swap3A_142 : vector<16xi32> to vector<16xi32>
          %swap3A_144 = vector.shape_cast %get3A_140 : vector<16xi32> to vector<16xi32>
          tpu.vector_store %arg10[%swap3A_141], %swap3A_144 {strides = array<i32>} : memref<128xi32, #tpu.memory_space<vmem>>, vector<16xi32>,
        }
        %scan3A_68 = arith.constant 8 : i32
        %dma_start3A_69 = arith.constant 0 : i32
        %dma_start3A_70 = arith.constant 0 : i32
        %dma_start3A_71 = tpu.memref_slice %arg3[%dma_start3A_69, %dma_start3A_70] : memref<10000x128xf32, #tpu.memory_space<hbm>> -> memref<10000x128xf32, #tpu.memory_space<hbm>>
        tpu.enqueue_indirect_dma source(%dma_start3A_71 : memref<10000x128xf32, #tpu.memory_space<hbm>>) target(%arg13 : memref<128x128xf32, #tpu.memory_space<vmem>>) offsets(%arg9 : memref<128xi32, #tpu.memory_space<vmem>>) semaphore(%arg16 : memref<!tpu.dma_semaphore, #tpu.memory_space<semaphore_mem>>)
        %scan3A_72 = arith.constant 0 : i32
        %scan3A_73 = arith.constant 8 : i32
        %scan3A_74 = arith.addi %scan3A_72, %scan3A_73 : i32
        %scan3A_75 = arith.constant 1 : i32
        scf.for %scan3A_120 = %scan3A_72 to %scan3A_74 step %scan3A_75  : i32 {
          %mul3A_121 = arith.constant 16 : i32
          %mul3A_122 = arith.muli %scan3A_120, %mul3A_121 : i32
          %add3A_123 = arith.constant 0 : i32
          %add3A_124 = arith.addi %add3A_123, %mul3A_122 : i32
          %get3A = arith.constant 1 : i32
          %get3A_125 = arith.constant 0 : i32
          %get3A_126 = arith.index_cast %get3A : i32 to index
          %get3A_127 = arith.index_cast %get3A_125 : i32 to index
          %get3A_128 = arith.index_cast %add3A_124 : i32 to index
          %get3A_129 = tpu.vector_load %arg7[%get3A_126, %get3A_127, %get3A_128] {strides = array<i32>} : memref<16x2x128xi32, #tpu.memory_space<vmem>>, vector<1x1x16xi32>,
          %get3A_130 = vector.shape_cast %get3A_129 : vector<1x1x16xi32> to vector<16xi32>
          %swap3A = arith.index_cast %add3A_124 : i32 to index
          %swap3A_131 = tpu.vector_load %arg11[%swap3A] {strides = array<i32>} : memref<128xi32, #tpu.memory_space<vmem>>, vector<16xi32>,
          %swap3A_132 = vector.shape_cast %swap3A_131 : vector<16xi32> to vector<16xi32>
          %swap3A_133 = vector.shape_cast %get3A_130 : vector<16xi32> to vector<16xi32>
          tpu.vector_store %arg11[%swap3A], %swap3A_133 {strides = array<i32>} : memref<128xi32, #tpu.memory_space<vmem>>, vector<16xi32>,
          %get3A_134 = arith.constant 1 : i32
          %get3A_135 = arith.constant 1 : i32
          %get3A_136 = arith.index_cast %get3A_134 : i32 to index
          %get3A_137 = arith.index_cast %get3A_135 : i32 to index
          %get3A_138 = arith.index_cast %add3A_124 : i32 to index
          %get3A_139 = tpu.vector_load %arg7[%get3A_136, %get3A_137, %get3A_138] {strides = array<i32>} : memref<16x2x128xi32, #tpu.memory_space<vmem>>, vector<1x1x16xi32>,
          %get3A_140 = vector.shape_cast %get3A_139 : vector<1x1x16xi32> to vector<16xi32>
          %swap3A_141 = arith.index_cast %add3A_124 : i32 to index
          %swap3A_142 = tpu.vector_load %arg12[%swap3A_141] {strides = array<i32>} : memref<128xi32, #tpu.memory_space<vmem>>, vector<16xi32>,
          %swap3A_143 = vector.shape_cast %swap3A_142 : vector<16xi32> to vector<16xi32>
          %swap3A_144 = vector.shape_cast %get3A_140 : vector<16xi32> to vector<16xi32>
          tpu.vector_store %arg12[%swap3A_141], %swap3A_144 {strides = array<i32>} : memref<128xi32, #tpu.memory_space<vmem>>, vector<16xi32>,
        }
        %scan3A_76 = arith.constant 8 : i32
        %dma_start3A_77 = arith.constant 0 : i32
        %dma_start3A_78 = arith.constant 0 : i32
        %dma_start3A_79 = tpu.memref_slice %arg3[%dma_start3A_77, %dma_start3A_78] : memref<10000x128xf32, #tpu.memory_space<hbm>> -> memref<10000x128xf32, #tpu.memory_space<hbm>>
        tpu.enqueue_indirect_dma source(%dma_start3A_79 : memref<10000x128xf32, #tpu.memory_space<hbm>>) target(%arg14 : memref<128x128xf32, #tpu.memory_space<vmem>>) offsets(%arg11 : memref<128xi32, #tpu.memory_space<vmem>>) semaphore(%arg17 : memref<!tpu.dma_semaphore, #tpu.memory_space<semaphore_mem>>)
        %scan3A_80 = arith.constant 0 : i32
        %scan3A_81 = arith.constant 8 : i32
        %scan3A_82 = arith.addi %scan3A_80, %scan3A_81 : i32
        %scan3A_83 = arith.constant 1 : i32
        scf.for %scan3A_120 = %scan3A_80 to %scan3A_82 step %scan3A_83  : i32 {
          %mul3A_121 = arith.constant 1 : i32
          %mul3A_122 = arith.muli %scan3A_120, %mul3A_121 : i32
          %add3A_123 = arith.constant 0 : i32
          %add3A_124 = arith.addi %add3A_123, %mul3A_122 : i32
          %mul3A_125 = arith.constant 2 : i32
          %mul3A_126 = arith.muli %mul3A_125, %add3A_124 : i32
          %dma_wait3A_127 = arith.constant 0 : i32
          %dma_wait3A_128 = arith.constant 0 : i32
          %dma_wait3A_129 = tpu.memref_slice %arg3[%dma_wait3A_127, %dma_wait3A_128] : memref<10000x128xf32, #tpu.memory_space<hbm>> -> memref<128x128xf32, #tpu.memory_space<hbm>>
          %dma_wait3A_130 = arith.constant 0 : i32
          %dma_wait3A_131 = arith.constant 0 : i32
          %dma_wait3A_132 = tpu.memref_slice %arg3[%dma_wait3A_130, %dma_wait3A_131] : memref<10000x128xf32, #tpu.memory_space<hbm>> -> memref<128x128xf32, #tpu.memory_space<hbm>>
          tpu.wait_dma2 semaphore(%arg16 : memref<!tpu.dma_semaphore, #tpu.memory_space<semaphore_mem>>) src(%dma_wait3A_132 : memref<128x128xf32, #tpu.memory_space<hbm>>) dst(%arg13 : memref<128x128xf32, #tpu.memory_space<vmem>>)
          "tpu.region"() ({
            %run_scoped3A = tpu.sem_alloc : memref<!tpu.dma_semaphore, #tpu.memory_space<semaphore_mem>>
            %dma_start3A_149 = arith.constant 0 : i32
            %dma_start3A_150 = arith.constant 0 : i32
            %dma_start3A_151 = tpu.memref_slice %arg15[%dma_start3A_149, %dma_start3A_150] : memref<10240x128xf32, #tpu.memory_space<vmem_shared>> -> memref<10240x128xf32, #tpu.memory_space<vmem_shared>>
            tpu.enqueue_indirect_dma source(%arg13 : memref<128x128xf32, #tpu.memory_space<vmem>>) target(%dma_start3A_151 : memref<10240x128xf32, #tpu.memory_space<vmem_shared>>) offsets(%arg10 : memref<128xi32, #tpu.memory_space<vmem>>) semaphore(%run_scoped3A : memref<!tpu.dma_semaphore, #tpu.memory_space<semaphore_mem>>) {add = true}
            %dma_wait3A_152 = arith.constant 0 : i32
            %dma_wait3A_153 = arith.constant 0 : i32
            %dma_wait3A_154 = tpu.memref_slice %arg15[%dma_wait3A_152, %dma_wait3A_153] : memref<10240x128xf32, #tpu.memory_space<vmem_shared>> -> memref<10240x128xf32, #tpu.memory_space<vmem_shared>>
            tpu.wait_indirect_dma semaphore(%run_scoped3A : memref<!tpu.dma_semaphore, #tpu.memory_space<semaphore_mem>>) src(%arg13 : memref<128x128xf32, #tpu.memory_space<vmem>>) dst(%dma_wait3A_154 : memref<10240x128xf32, #tpu.memory_space<vmem_shared>>)
            tpu.yield
          }) : () -> ()
          %lt3A_133 = arith.constant 7 : i32
          %lt3A_134 = arith.cmpi slt, %add3A_124, %lt3A_133 : i32
          %convert_element_type3A_135 = arith.extui %lt3A_134 : i1 to i32
          %cond3A_136 = arith.constant 0 : i32
          %cond3A_137 = arith.cmpi ne, %convert_element_type3A_135, %cond3A_136 : i32
          scf.if %cond3A_137 {
            %add3A_149 = arith.constant 2 : i32
            %add3A_150 = arith.addi %mul3A_126, %add3A_149 : i32
            %scan3A_151 = arith.constant 0 : i32
            %scan3A_152 = arith.constant 8 : i32
            %scan3A_153 = arith.addi %scan3A_151, %scan3A_152 : i32
            %scan3A_154 = arith.constant 1 : i32
            scf.for %scan3A_159 = %scan3A_151 to %scan3A_153 step %scan3A_154  : i32 {
              %mul3A_160 = arith.constant 16 : i32
              %mul3A_161 = arith.muli %scan3A_159, %mul3A_160 : i32
              %add3A_162 = arith.constant 0 : i32
              %add3A_163 = arith.addi %add3A_162, %mul3A_161 : i32
              %get3A = arith.constant 0 : i32
              %get3A_164 = arith.index_cast %add3A_150 : i32 to index
              %get3A_165 = arith.index_cast %get3A : i32 to index
              %get3A_166 = arith.index_cast %add3A_163 : i32 to index
              %get3A_167 = tpu.vector_load %arg7[%get3A_164, %get3A_165, %get3A_166] {strides = array<i32>} : memref<16x2x128xi32, #tpu.memory_space<vmem>>, vector<1x1x16xi32>,
              %get3A_168 = vector.shape_cast %get3A_167 : vector<1x1x16xi32> to vector<16xi32>
              %swap3A = arith.index_cast %add3A_163 : i32 to index
              %swap3A_169 = tpu.vector_load %arg9[%swap3A] {strides = array<i32>} : memref<128xi32, #tpu.memory_space<vmem>>, vector<16xi32>,
              %swap3A_170 = vector.shape_cast %swap3A_169 : vector<16xi32> to vector<16xi32>
              %swap3A_171 = vector.shape_cast %get3A_168 : vector<16xi32> to vector<16xi32>
              tpu.vector_store %arg9[%swap3A], %swap3A_171 {strides = array<i32>} : memref<128xi32, #tpu.memory_space<vmem>>, vector<16xi32>,
              %get3A_172 = arith.constant 1 : i32
              %get3A_173 = arith.index_cast %add3A_150 : i32 to index
              %get3A_174 = arith.index_cast %get3A_172 : i32 to index
              %get3A_175 = arith.index_cast %add3A_163 : i32 to index
              %get3A_176 = tpu.vector_load %arg7[%get3A_173, %get3A_174, %get3A_175] {strides = array<i32>} : memref<16x2x128xi32, #tpu.memory_space<vmem>>, vector<1x1x16xi32>,
              %get3A_177 = vector.shape_cast %get3A_176 : vector<1x1x16xi32> to vector<16xi32>
              %swap3A_178 = arith.index_cast %add3A_163 : i32 to index
              %swap3A_179 = tpu.vector_load %arg10[%swap3A_178] {strides = array<i32>} : memref<128xi32, #tpu.memory_space<vmem>>, vector<16xi32>,
              %swap3A_180 = vector.shape_cast %swap3A_179 : vector<16xi32> to vector<16xi32>
              %swap3A_181 = vector.shape_cast %get3A_177 : vector<16xi32> to vector<16xi32>
              tpu.vector_store %arg10[%swap3A_178], %swap3A_181 {strides = array<i32>} : memref<128xi32, #tpu.memory_space<vmem>>, vector<16xi32>,
            }
            %scan3A_155 = arith.constant 8 : i32
            %dma_start3A_156 = arith.constant 0 : i32
            %dma_start3A_157 = arith.constant 0 : i32
            %dma_start3A_158 = tpu.memref_slice %arg3[%dma_start3A_156, %dma_start3A_157] : memref<10000x128xf32, #tpu.memory_space<hbm>> -> memref<10000x128xf32, #tpu.memory_space<hbm>>
            tpu.enqueue_indirect_dma source(%dma_start3A_158 : memref<10000x128xf32, #tpu.memory_space<hbm>>) target(%arg13 : memref<128x128xf32, #tpu.memory_space<vmem>>) offsets(%arg9 : memref<128xi32, #tpu.memory_space<vmem>>) semaphore(%arg16 : memref<!tpu.dma_semaphore, #tpu.memory_space<semaphore_mem>>)
          } else {
          }
          %dma_wait3A_138 = arith.constant 0 : i32
          %dma_wait3A_139 = arith.constant 0 : i32
          %dma_wait3A_140 = tpu.memref_slice %arg3[%dma_wait3A_138, %dma_wait3A_139] : memref<10000x128xf32, #tpu.memory_space<hbm>> -> memref<128x128xf32, #tpu.memory_space<hbm>>
          %dma_wait3A_141 = arith.constant 0 : i32
          %dma_wait3A_142 = arith.constant 0 : i32
          %dma_wait3A_143 = tpu.memref_slice %arg3[%dma_wait3A_141, %dma_wait3A_142] : memref<10000x128xf32, #tpu.memory_space<hbm>> -> memref<128x128xf32, #tpu.memory_space<hbm>>
          tpu.wait_dma2 semaphore(%arg17 : memref<!tpu.dma_semaphore, #tpu.memory_space<semaphore_mem>>) src(%dma_wait3A_143 : memref<128x128xf32, #tpu.memory_space<hbm>>) dst(%arg14 : memref<128x128xf32, #tpu.memory_space<vmem>>)
          "tpu.region"() ({
            %run_scoped3A = tpu.sem_alloc : memref<!tpu.dma_semaphore, #tpu.memory_space<semaphore_mem>>
            %dma_start3A_149 = arith.constant 0 : i32
            %dma_start3A_150 = arith.constant 0 : i32
            %dma_start3A_151 = tpu.memref_slice %arg15[%dma_start3A_149, %dma_start3A_150] : memref<10240x128xf32, #tpu.memory_space<vmem_shared>> -> memref<10240x128xf32, #tpu.memory_space<vmem_shared>>
            tpu.enqueue_indirect_dma source(%arg14 : memref<128x128xf32, #tpu.memory_space<vmem>>) target(%dma_start3A_151 : memref<10240x128xf32, #tpu.memory_space<vmem_shared>>) offsets(%arg12 : memref<128xi32, #tpu.memory_space<vmem>>) semaphore(%run_scoped3A : memref<!tpu.dma_semaphore, #tpu.memory_space<semaphore_mem>>) {add = true}
            %dma_wait3A_152 = arith.constant 0 : i32
            %dma_wait3A_153 = arith.constant 0 : i32
            %dma_wait3A_154 = tpu.memref_slice %arg15[%dma_wait3A_152, %dma_wait3A_153] : memref<10240x128xf32, #tpu.memory_space<vmem_shared>> -> memref<10240x128xf32, #tpu.memory_space<vmem_shared>>
            tpu.wait_indirect_dma semaphore(%run_scoped3A : memref<!tpu.dma_semaphore, #tpu.memory_space<semaphore_mem>>) src(%arg14 : memref<128x128xf32, #tpu.memory_space<vmem>>) dst(%dma_wait3A_154 : memref<10240x128xf32, #tpu.memory_space<vmem_shared>>)
            tpu.yield
          }) : () -> ()
          %lt3A_144 = arith.constant 7 : i32
          %lt3A_145 = arith.cmpi slt, %add3A_124, %lt3A_144 : i32
          %convert_element_type3A_146 = arith.extui %lt3A_145 : i1 to i32
          %cond3A_147 = arith.constant 0 : i32
          %cond3A_148 = arith.cmpi ne, %convert_element_type3A_146, %cond3A_147 : i32
          scf.if %cond3A_148 {
            %add3A_149 = arith.constant 3 : i32
            %add3A_150 = arith.addi %mul3A_126, %add3A_149 : i32
            %scan3A_151 = arith.constant 0 : i32
            %scan3A_152 = arith.constant 8 : i32
            %scan3A_153 = arith.addi %scan3A_151, %scan3A_152 : i32
            %scan3A_154 = arith.constant 1 : i32
            scf.for %scan3A_159 = %scan3A_151 to %scan3A_153 step %scan3A_154  : i32 {
              %mul3A_160 = arith.constant 16 : i32
              %mul3A_161 = arith.muli %scan3A_159, %mul3A_160 : i32
              %add3A_162 = arith.constant 0 : i32
              %add3A_163 = arith.addi %add3A_162, %mul3A_161 : i32
              %get3A = arith.constant 0 : i32
              %get3A_164 = arith.index_cast %add3A_150 : i32 to index
              %get3A_165 = arith.index_cast %get3A : i32 to index
              %get3A_166 = arith.index_cast %add3A_163 : i32 to index
              %get3A_167 = tpu.vector_load %arg7[%get3A_164, %get3A_165, %get3A_166] {strides = array<i32>} : memref<16x2x128xi32, #tpu.memory_space<vmem>>, vector<1x1x16xi32>,
              %get3A_168 = vector.shape_cast %get3A_167 : vector<1x1x16xi32> to vector<16xi32>
              %swap3A = arith.index_cast %add3A_163 : i32 to index
              %swap3A_169 = tpu.vector_load %arg11[%swap3A] {strides = array<i32>} : memref<128xi32, #tpu.memory_space<vmem>>, vector<16xi32>,
              %swap3A_170 = vector.shape_cast %swap3A_169 : vector<16xi32> to vector<16xi32>
              %swap3A_171 = vector.shape_cast %get3A_168 : vector<16xi32> to vector<16xi32>
              tpu.vector_store %arg11[%swap3A], %swap3A_171 {strides = array<i32>} : memref<128xi32, #tpu.memory_space<vmem>>, vector<16xi32>,
              %get3A_172 = arith.constant 1 : i32
              %get3A_173 = arith.index_cast %add3A_150 : i32 to index
              %get3A_174 = arith.index_cast %get3A_172 : i32 to index
              %get3A_175 = arith.index_cast %add3A_163 : i32 to index
              %get3A_176 = tpu.vector_load %arg7[%get3A_173, %get3A_174, %get3A_175] {strides = array<i32>} : memref<16x2x128xi32, #tpu.memory_space<vmem>>, vector<1x1x16xi32>,
              %get3A_177 = vector.shape_cast %get3A_176 : vector<1x1x16xi32> to vector<16xi32>
              %swap3A_178 = arith.index_cast %add3A_163 : i32 to index
              %swap3A_179 = tpu.vector_load %arg12[%swap3A_178] {strides = array<i32>} : memref<128xi32, #tpu.memory_space<vmem>>, vector<16xi32>,
              %swap3A_180 = vector.shape_cast %swap3A_179 : vector<16xi32> to vector<16xi32>
              %swap3A_181 = vector.shape_cast %get3A_177 : vector<16xi32> to vector<16xi32>
              tpu.vector_store %arg12[%swap3A_178], %swap3A_181 {strides = array<i32>} : memref<128xi32, #tpu.memory_space<vmem>>, vector<16xi32>,
            }
            %scan3A_155 = arith.constant 8 : i32
            %dma_start3A_156 = arith.constant 0 : i32
            %dma_start3A_157 = arith.constant 0 : i32
            %dma_start3A_158 = tpu.memref_slice %arg3[%dma_start3A_156, %dma_start3A_157] : memref<10000x128xf32, #tpu.memory_space<hbm>> -> memref<10000x128xf32, #tpu.memory_space<hbm>>
            tpu.enqueue_indirect_dma source(%dma_start3A_158 : memref<10000x128xf32, #tpu.memory_space<hbm>>) target(%arg14 : memref<128x128xf32, #tpu.memory_space<vmem>>) offsets(%arg11 : memref<128xi32, #tpu.memory_space<vmem>>) semaphore(%arg17 : memref<!tpu.dma_semaphore, #tpu.memory_space<semaphore_mem>>)
          } else {
          }
        }
        %scan3A_84 = arith.constant 8 : i32
        %add3A_85 = arith.constant 2 : i32
        %add3A_86 = arith.addi %add3A_43, %add3A_85 : i32
        %lt3A = arith.constant 10 : i32
        %lt3A_87 = arith.cmpi slt, %add3A_86, %lt3A : i32
        %convert_element_type3A_88 = arith.extui %lt3A_87 : i1 to i32
        %cond3A_89 = arith.constant 0 : i32
        %cond3A_90 = arith.cmpi ne, %convert_element_type3A_88, %cond3A_89 : i32
        scf.if %cond3A_90 {
          %add3A_120 = arith.constant 2 : i32
          %add3A_121 = arith.addi %add3A_43, %add3A_120 : i32
          %mul3A_122 = arith.constant 160 : i32
          %mul3A_123 = arith.muli %arg1, %mul3A_122 : i32
          %mul3A_124 = arith.constant 16 : i32
          %mul3A_125 = arith.muli %add3A_121, %mul3A_124 : i32
          %add3A_126 = arith.addi %mul3A_123, %mul3A_125 : i32
          %dma_start3A_127 = arith.constant 0 : i32
          %dma_start3A_128 = arith.constant 0 : i32
          %dma_start3A_129 = tpu.memref_slice %arg4[%add3A_126, %dma_start3A_127, %dma_start3A_128] : memref<2560x2x128xi32, #tpu.memory_space<hbm>> -> memref<16x2x128xi32, #tpu.memory_space<hbm>>
          %dma_start3A_130 = arith.constant 0 : i32
          %dma_start3A_131 = arith.constant 0 : i32
          %dma_start3A_132 = tpu.memref_slice %arg4[%add3A_126, %dma_start3A_130, %dma_start3A_131] : memref<2560x2x128xi32, #tpu.memory_space<hbm>> -> memref<16x2x128xi32, #tpu.memory_space<hbm>>
          tpu.enqueue_dma source(%dma_start3A_132 : memref<16x2x128xi32, #tpu.memory_space<hbm>>) target(%arg7 : memref<16x2x128xi32, #tpu.memory_space<vmem>>) target_semaphore(%arg18 : memref<!tpu.dma_semaphore, #tpu.memory_space<semaphore_mem>>)
        } else {
        }
        %dma_wait3A_91 = arith.constant 0 : i32
        %dma_wait3A_92 = arith.constant 0 : i32
        %dma_wait3A_93 = arith.constant 0 : i32
        %dma_wait3A_94 = tpu.memref_slice %arg4[%dma_wait3A_91, %dma_wait3A_92, %dma_wait3A_93] : memref<2560x2x128xi32, #tpu.memory_space<hbm>> -> memref<16x2x128xi32, #tpu.memory_space<hbm>>
        %dma_wait3A_95 = arith.constant 0 : i32
        %dma_wait3A_96 = arith.constant 0 : i32
        %dma_wait3A_97 = arith.constant 0 : i32
        %dma_wait3A_98 = tpu.memref_slice %arg4[%dma_wait3A_95, %dma_wait3A_96, %dma_wait3A_97] : memref<2560x2x128xi32, #tpu.memory_space<hbm>> -> memref<16x2x128xi32, #tpu.memory_space<hbm>>
        tpu.wait_dma2 semaphore(%arg19 : memref<!tpu.dma_semaphore, #tpu.memory_space<semaphore_mem>>) src(%dma_wait3A_98 : memref<16x2x128xi32, #tpu.memory_space<hbm>>) dst(%arg8 : memref<16x2x128xi32, #tpu.memory_space<vmem>>)
        %scan3A_99 = arith.constant 0 : i32
        %scan3A_100 = arith.constant 8 : i32
        %scan3A_101 = arith.addi %scan3A_99, %scan3A_100 : i32
        %scan3A_102 = arith.constant 1 : i32
        scf.for %scan3A_120 = %scan3A_99 to %scan3A_101 step %scan3A_102  : i32 {
          %mul3A_121 = arith.constant 16 : i32
          %mul3A_122 = arith.muli %scan3A_120, %mul3A_121 : i32
          %add3A_123 = arith.constant 0 : i32
          %add3A_124 = arith.addi %add3A_123, %mul3A_122 : i32
          %get3A = arith.constant 0 : i32
          %get3A_125 = arith.constant 0 : i32
          %get3A_126 = arith.index_cast %get3A : i32 to index
          %get3A_127 = arith.index_cast %get3A_125 : i32 to index
          %get3A_128 = arith.index_cast %add3A_124 : i32 to index
          %get3A_129 = tpu.vector_load %arg8[%get3A_126, %get3A_127, %get3A_128] {strides = array<i32>} : memref<16x2x128xi32, #tpu.memory_space<vmem>>, vector<1x1x16xi32>,
          %get3A_130 = vector.shape_cast %get3A_129 : vector<1x1x16xi32> to vector<16xi32>
          %swap3A = arith.index_cast %add3A_124 : i32 to index
          %swap3A_131 = tpu.vector_load %arg9[%swap3A] {strides = array<i32>} : memref<128xi32, #tpu.memory_space<vmem>>, vector<16xi32>,
          %swap3A_132 = vector.shape_cast %swap3A_131 : vector<16xi32> to vector<16xi32>
          %swap3A_133 = vector.shape_cast %get3A_130 : vector<16xi32> to vector<16xi32>
          tpu.vector_store %arg9[%swap3A], %swap3A_133 {strides = array<i32>} : memref<128xi32, #tpu.memory_space<vmem>>, vector<16xi32>,
          %get3A_134 = arith.constant 0 : i32
          %get3A_135 = arith.constant 1 : i32
          %get3A_136 = arith.index_cast %get3A_134 : i32 to index
          %get3A_137 = arith.index_cast %get3A_135 : i32 to index
          %get3A_138 = arith.index_cast %add3A_124 : i32 to index
          %get3A_139 = tpu.vector_load %arg8[%get3A_136, %get3A_137, %get3A_138] {strides = array<i32>} : memref<16x2x128xi32, #tpu.memory_space<vmem>>, vector<1x1x16xi32>,
          %get3A_140 = vector.shape_cast %get3A_139 : vector<1x1x16xi32> to vector<16xi32>
          %swap3A_141 = arith.index_cast %add3A_124 : i32 to index
          %swap3A_142 = tpu.vector_load %arg10[%swap3A_141] {strides = array<i32>} : memref<128xi32, #tpu.memory_space<vmem>>, vector<16xi32>,
          %swap3A_143 = vector.shape_cast %swap3A_142 : vector<16xi32> to vector<16xi32>
          %swap3A_144 = vector.shape_cast %get3A_140 : vector<16xi32> to vector<16xi32>
          tpu.vector_store %arg10[%swap3A_141], %swap3A_144 {strides = array<i32>} : memref<128xi32, #tpu.memory_space<vmem>>, vector<16xi32>,
        }
        %scan3A_103 = arith.constant 8 : i32
        %dma_start3A_104 = arith.constant 0 : i32
        %dma_start3A_105 = arith.constant 0 : i32
        %dma_start3A_106 = tpu.memref_slice %arg3[%dma_start3A_104, %dma_start3A_105] : memref<10000x128xf32, #tpu.memory_space<hbm>> -> memref<10000x128xf32, #tpu.memory_space<hbm>>
        tpu.enqueue_indirect_dma source(%dma_start3A_106 : memref<10000x128xf32, #tpu.memory_space<hbm>>) target(%arg13 : memref<128x128xf32, #tpu.memory_space<vmem>>) offsets(%arg9 : memref<128xi32, #tpu.memory_space<vmem>>) semaphore(%arg16 : memref<!tpu.dma_semaphore, #tpu.memory_space<semaphore_mem>>)
        %scan3A_107 = arith.constant 0 : i32
        %scan3A_108 = arith.constant 8 : i32
        %scan3A_109 = arith.addi %scan3A_107, %scan3A_108 : i32
        %scan3A_110 = arith.constant 1 : i32
        scf.for %scan3A_120 = %scan3A_107 to %scan3A_109 step %scan3A_110  : i32 {
          %mul3A_121 = arith.constant 16 : i32
          %mul3A_122 = arith.muli %scan3A_120, %mul3A_121 : i32
          %add3A_123 = arith.constant 0 : i32
          %add3A_124 = arith.addi %add3A_123, %mul3A_122 : i32
          %get3A = arith.constant 1 : i32
          %get3A_125 = arith.constant 0 : i32
          %get3A_126 = arith.index_cast %get3A : i32 to index
          %get3A_127 = arith.index_cast %get3A_125 : i32 to index
          %get3A_128 = arith.index_cast %add3A_124 : i32 to index
          %get3A_129 = tpu.vector_load %arg8[%get3A_126, %get3A_127, %get3A_128] {strides = array<i32>} : memref<16x2x128xi32, #tpu.memory_space<vmem>>, vector<1x1x16xi32>,
          %get3A_130 = vector.shape_cast %get3A_129 : vector<1x1x16xi32> to vector<16xi32>
          %swap3A = arith.index_cast %add3A_124 : i32 to index
          %swap3A_131 = tpu.vector_load %arg11[%swap3A] {strides = array<i32>} : memref<128xi32, #tpu.memory_space<vmem>>, vector<16xi32>,
          %swap3A_132 = vector.shape_cast %swap3A_131 : vector<16xi32> to vector<16xi32>
          %swap3A_133 = vector.shape_cast %get3A_130 : vector<16xi32> to vector<16xi32>
          tpu.vector_store %arg11[%swap3A], %swap3A_133 {strides = array<i32>} : memref<128xi32, #tpu.memory_space<vmem>>, vector<16xi32>,
          %get3A_134 = arith.constant 1 : i32
          %get3A_135 = arith.constant 1 : i32
          %get3A_136 = arith.index_cast %get3A_134 : i32 to index
          %get3A_137 = arith.index_cast %get3A_135 : i32 to index
          %get3A_138 = arith.index_cast %add3A_124 : i32 to index
          %get3A_139 = tpu.vector_load %arg8[%get3A_136, %get3A_137, %get3A_138] {strides = array<i32>} : memref<16x2x128xi32, #tpu.memory_space<vmem>>, vector<1x1x16xi32>,
          %get3A_140 = vector.shape_cast %get3A_139 : vector<1x1x16xi32> to vector<16xi32>
          %swap3A_141 = arith.index_cast %add3A_124 : i32 to index
          %swap3A_142 = tpu.vector_load %arg12[%swap3A_141] {strides = array<i32>} : memref<128xi32, #tpu.memory_space<vmem>>, vector<16xi32>,
          %swap3A_143 = vector.shape_cast %swap3A_142 : vector<16xi32> to vector<16xi32>
          %swap3A_144 = vector.shape_cast %get3A_140 : vector<16xi32> to vector<16xi32>
          tpu.vector_store %arg12[%swap3A_141], %swap3A_144 {strides = array<i32>} : memref<128xi32, #tpu.memory_space<vmem>>, vector<16xi32>,
        }
        %scan3A_111 = arith.constant 8 : i32
        %dma_start3A_112 = arith.constant 0 : i32
        %dma_start3A_113 = arith.constant 0 : i32
        %dma_start3A_114 = tpu.memref_slice %arg3[%dma_start3A_112, %dma_start3A_113] : memref<10000x128xf32, #tpu.memory_space<hbm>> -> memref<10000x128xf32, #tpu.memory_space<hbm>>
        tpu.enqueue_indirect_dma source(%dma_start3A_114 : memref<10000x128xf32, #tpu.memory_space<hbm>>) target(%arg14 : memref<128x128xf32, #tpu.memory_space<vmem>>) offsets(%arg11 : memref<128xi32, #tpu.memory_space<vmem>>) semaphore(%arg17 : memref<!tpu.dma_semaphore, #tpu.memory_space<semaphore_mem>>)
        %scan3A_115 = arith.constant 0 : i32
        %scan3A_116 = arith.constant 8 : i32
        %scan3A_117 = arith.addi %scan3A_115, %scan3A_116 : i32
        %scan3A_118 = arith.constant 1 : i32
        scf.for %scan3A_120 = %scan3A_115 to %scan3A_117 step %scan3A_118  : i32 {
          %mul3A_121 = arith.constant 1 : i32
          %mul3A_122 = arith.muli %scan3A_120, %mul3A_121 : i32
          %add3A_123 = arith.constant 0 : i32
          %add3A_124 = arith.addi %add3A_123, %mul3A_122 : i32
          %mul3A_125 = arith.constant 2 : i32
          %mul3A_126 = arith.muli %mul3A_125, %add3A_124 : i32
          %dma_wait3A_127 = arith.constant 0 : i32
          %dma_wait3A_128 = arith.constant 0 : i32
          %dma_wait3A_129 = tpu.memref_slice %arg3[%dma_wait3A_127, %dma_wait3A_128] : memref<10000x128xf32, #tpu.memory_space<hbm>> -> memref<128x128xf32, #tpu.memory_space<hbm>>
          %dma_wait3A_130 = arith.constant 0 : i32
          %dma_wait3A_131 = arith.constant 0 : i32
          %dma_wait3A_132 = tpu.memref_slice %arg3[%dma_wait3A_130, %dma_wait3A_131] : memref<10000x128xf32, #tpu.memory_space<hbm>> -> memref<128x128xf32, #tpu.memory_space<hbm>>
          tpu.wait_dma2 semaphore(%arg16 : memref<!tpu.dma_semaphore, #tpu.memory_space<semaphore_mem>>) src(%dma_wait3A_132 : memref<128x128xf32, #tpu.memory_space<hbm>>) dst(%arg13 : memref<128x128xf32, #tpu.memory_space<vmem>>)
          "tpu.region"() ({
            %run_scoped3A = tpu.sem_alloc : memref<!tpu.dma_semaphore, #tpu.memory_space<semaphore_mem>>
            %dma_start3A_149 = arith.constant 0 : i32
            %dma_start3A_150 = arith.constant 0 : i32
            %dma_start3A_151 = tpu.memref_slice %arg15[%dma_start3A_149, %dma_start3A_150] : memref<10240x128xf32, #tpu.memory_space<vmem_shared>> -> memref<10240x128xf32, #tpu.memory_space<vmem_shared>>
            tpu.enqueue_indirect_dma source(%arg13 : memref<128x128xf32, #tpu.memory_space<vmem>>) target(%dma_start3A_151 : memref<10240x128xf32, #tpu.memory_space<vmem_shared>>) offsets(%arg10 : memref<128xi32, #tpu.memory_space<vmem>>) semaphore(%run_scoped3A : memref<!tpu.dma_semaphore, #tpu.memory_space<semaphore_mem>>) {add = true}
            %dma_wait3A_152 = arith.constant 0 : i32
            %dma_wait3A_153 = arith.constant 0 : i32
            %dma_wait3A_154 = tpu.memref_slice %arg15[%dma_wait3A_152, %dma_wait3A_153] : memref<10240x128xf32, #tpu.memory_space<vmem_shared>> -> memref<10240x128xf32, #tpu.memory_space<vmem_shared>>
            tpu.wait_indirect_dma semaphore(%run_scoped3A : memref<!tpu.dma_semaphore, #tpu.memory_space<semaphore_mem>>) src(%arg13 : memref<128x128xf32, #tpu.memory_space<vmem>>) dst(%dma_wait3A_154 : memref<10240x128xf32, #tpu.memory_space<vmem_shared>>)
            tpu.yield
          }) : () -> ()
          %lt3A_133 = arith.constant 7 : i32
          %lt3A_134 = arith.cmpi slt, %add3A_124, %lt3A_133 : i32
          %convert_element_type3A_135 = arith.extui %lt3A_134 : i1 to i32
          %cond3A_136 = arith.constant 0 : i32
          %cond3A_137 = arith.cmpi ne, %convert_element_type3A_135, %cond3A_136 : i32
          scf.if %cond3A_137 {
            %add3A_149 = arith.constant 2 : i32
            %add3A_150 = arith.addi %mul3A_126, %add3A_149 : i32
            %scan3A_151 = arith.constant 0 : i32
            %scan3A_152 = arith.constant 8 : i32
            %scan3A_153 = arith.addi %scan3A_151, %scan3A_152 : i32
            %scan3A_154 = arith.constant 1 : i32
            scf.for %scan3A_159 = %scan3A_151 to %scan3A_153 step %scan3A_154  : i32 {
              %mul3A_160 = arith.constant 16 : i32
              %mul3A_161 = arith.muli %scan3A_159, %mul3A_160 : i32
              %add3A_162 = arith.constant 0 : i32
              %add3A_163 = arith.addi %add3A_162, %mul3A_161 : i32
              %get3A = arith.constant 0 : i32
              %get3A_164 = arith.index_cast %add3A_150 : i32 to index
              %get3A_165 = arith.index_cast %get3A : i32 to index
              %get3A_166 = arith.index_cast %add3A_163 : i32 to index
              %get3A_167 = tpu.vector_load %arg8[%get3A_164, %get3A_165, %get3A_166] {strides = array<i32>} : memref<16x2x128xi32, #tpu.memory_space<vmem>>, vector<1x1x16xi32>,
              %get3A_168 = vector.shape_cast %get3A_167 : vector<1x1x16xi32> to vector<16xi32>
              %swap3A = arith.index_cast %add3A_163 : i32 to index
              %swap3A_169 = tpu.vector_load %arg9[%swap3A] {strides = array<i32>} : memref<128xi32, #tpu.memory_space<vmem>>, vector<16xi32>,
              %swap3A_170 = vector.shape_cast %swap3A_169 : vector<16xi32> to vector<16xi32>
              %swap3A_171 = vector.shape_cast %get3A_168 : vector<16xi32> to vector<16xi32>
              tpu.vector_store %arg9[%swap3A], %swap3A_171 {strides = array<i32>} : memref<128xi32, #tpu.memory_space<vmem>>, vector<16xi32>,
              %get3A_172 = arith.constant 1 : i32
              %get3A_173 = arith.index_cast %add3A_150 : i32 to index
              %get3A_174 = arith.index_cast %get3A_172 : i32 to index
              %get3A_175 = arith.index_cast %add3A_163 : i32 to index
              %get3A_176 = tpu.vector_load %arg8[%get3A_173, %get3A_174, %get3A_175] {strides = array<i32>} : memref<16x2x128xi32, #tpu.memory_space<vmem>>, vector<1x1x16xi32>,
              %get3A_177 = vector.shape_cast %get3A_176 : vector<1x1x16xi32> to vector<16xi32>
              %swap3A_178 = arith.index_cast %add3A_163 : i32 to index
              %swap3A_179 = tpu.vector_load %arg10[%swap3A_178] {strides = array<i32>} : memref<128xi32, #tpu.memory_space<vmem>>, vector<16xi32>,
              %swap3A_180 = vector.shape_cast %swap3A_179 : vector<16xi32> to vector<16xi32>
              %swap3A_181 = vector.shape_cast %get3A_177 : vector<16xi32> to vector<16xi32>
              tpu.vector_store %arg10[%swap3A_178], %swap3A_181 {strides = array<i32>} : memref<128xi32, #tpu.memory_space<vmem>>, vector<16xi32>,
            }
            %scan3A_155 = arith.constant 8 : i32
            %dma_start3A_156 = arith.constant 0 : i32
            %dma_start3A_157 = arith.constant 0 : i32
            %dma_start3A_158 = tpu.memref_slice %arg3[%dma_start3A_156, %dma_start3A_157] : memref<10000x128xf32, #tpu.memory_space<hbm>> -> memref<10000x128xf32, #tpu.memory_space<hbm>>
            tpu.enqueue_indirect_dma source(%dma_start3A_158 : memref<10000x128xf32, #tpu.memory_space<hbm>>) target(%arg13 : memref<128x128xf32, #tpu.memory_space<vmem>>) offsets(%arg9 : memref<128xi32, #tpu.memory_space<vmem>>) semaphore(%arg16 : memref<!tpu.dma_semaphore, #tpu.memory_space<semaphore_mem>>)
          } else {
          }
          %dma_wait3A_138 = arith.constant 0 : i32
          %dma_wait3A_139 = arith.constant 0 : i32
          %dma_wait3A_140 = tpu.memref_slice %arg3[%dma_wait3A_138, %dma_wait3A_139] : memref<10000x128xf32, #tpu.memory_space<hbm>> -> memref<128x128xf32, #tpu.memory_space<hbm>>
          %dma_wait3A_141 = arith.constant 0 : i32
          %dma_wait3A_142 = arith.constant 0 : i32
          %dma_wait3A_143 = tpu.memref_slice %arg3[%dma_wait3A_141, %dma_wait3A_142] : memref<10000x128xf32, #tpu.memory_space<hbm>> -> memref<128x128xf32, #tpu.memory_space<hbm>>
          tpu.wait_dma2 semaphore(%arg17 : memref<!tpu.dma_semaphore, #tpu.memory_space<semaphore_mem>>) src(%dma_wait3A_143 : memref<128x128xf32, #tpu.memory_space<hbm>>) dst(%arg14 : memref<128x128xf32, #tpu.memory_space<vmem>>)
          "tpu.region"() ({
            %run_scoped3A = tpu.sem_alloc : memref<!tpu.dma_semaphore, #tpu.memory_space<semaphore_mem>>
            %dma_start3A_149 = arith.constant 0 : i32
            %dma_start3A_150 = arith.constant 0 : i32
            %dma_start3A_151 = tpu.memref_slice %arg15[%dma_start3A_149, %dma_start3A_150] : memref<10240x128xf32, #tpu.memory_space<vmem_shared>> -> memref<10240x128xf32, #tpu.memory_space<vmem_shared>>
            tpu.enqueue_indirect_dma source(%arg14 : memref<128x128xf32, #tpu.memory_space<vmem>>) target(%dma_start3A_151 : memref<10240x128xf32, #tpu.memory_space<vmem_shared>>) offsets(%arg12 : memref<128xi32, #tpu.memory_space<vmem>>) semaphore(%run_scoped3A : memref<!tpu.dma_semaphore, #tpu.memory_space<semaphore_mem>>) {add = true}
            %dma_wait3A_152 = arith.constant 0 : i32
            %dma_wait3A_153 = arith.constant 0 : i32
            %dma_wait3A_154 = tpu.memref_slice %arg15[%dma_wait3A_152, %dma_wait3A_153] : memref<10240x128xf32, #tpu.memory_space<vmem_shared>> -> memref<10240x128xf32, #tpu.memory_space<vmem_shared>>
            tpu.wait_indirect_dma semaphore(%run_scoped3A : memref<!tpu.dma_semaphore, #tpu.memory_space<semaphore_mem>>) src(%arg14 : memref<128x128xf32, #tpu.memory_space<vmem>>) dst(%dma_wait3A_154 : memref<10240x128xf32, #tpu.memory_space<vmem_shared>>)
            tpu.yield
          }) : () -> ()
          %lt3A_144 = arith.constant 7 : i32
          %lt3A_145 = arith.cmpi slt, %add3A_124, %lt3A_144 : i32
          %convert_element_type3A_146 = arith.extui %lt3A_145 : i1 to i32
          %cond3A_147 = arith.constant 0 : i32
          %cond3A_148 = arith.cmpi ne, %convert_element_type3A_146, %cond3A_147 : i32
          scf.if %cond3A_148 {
            %add3A_149 = arith.constant 3 : i32
            %add3A_150 = arith.addi %mul3A_126, %add3A_149 : i32
            %scan3A_151 = arith.constant 0 : i32
            %scan3A_152 = arith.constant 8 : i32
            %scan3A_153 = arith.addi %scan3A_151, %scan3A_152 : i32
            %scan3A_154 = arith.constant 1 : i32
            scf.for %scan3A_159 = %scan3A_151 to %scan3A_153 step %scan3A_154  : i32 {
              %mul3A_160 = arith.constant 16 : i32
              %mul3A_161 = arith.muli %scan3A_159, %mul3A_160 : i32
              %add3A_162 = arith.constant 0 : i32
              %add3A_163 = arith.addi %add3A_162, %mul3A_161 : i32
              %get3A = arith.constant 0 : i32
              %get3A_164 = arith.index_cast %add3A_150 : i32 to index
              %get3A_165 = arith.index_cast %get3A : i32 to index
              %get3A_166 = arith.index_cast %add3A_163 : i32 to index
              %get3A_167 = tpu.vector_load %arg8[%get3A_164, %get3A_165, %get3A_166] {strides = array<i32>} : memref<16x2x128xi32, #tpu.memory_space<vmem>>, vector<1x1x16xi32>,
              %get3A_168 = vector.shape_cast %get3A_167 : vector<1x1x16xi32> to vector<16xi32>
              %swap3A = arith.index_cast %add3A_163 : i32 to index
              %swap3A_169 = tpu.vector_load %arg11[%swap3A] {strides = array<i32>} : memref<128xi32, #tpu.memory_space<vmem>>, vector<16xi32>,
              %swap3A_170 = vector.shape_cast %swap3A_169 : vector<16xi32> to vector<16xi32>
              %swap3A_171 = vector.shape_cast %get3A_168 : vector<16xi32> to vector<16xi32>
              tpu.vector_store %arg11[%swap3A], %swap3A_171 {strides = array<i32>} : memref<128xi32, #tpu.memory_space<vmem>>, vector<16xi32>,
              %get3A_172 = arith.constant 1 : i32
              %get3A_173 = arith.index_cast %add3A_150 : i32 to index
              %get3A_174 = arith.index_cast %get3A_172 : i32 to index
              %get3A_175 = arith.index_cast %add3A_163 : i32 to index
              %get3A_176 = tpu.vector_load %arg8[%get3A_173, %get3A_174, %get3A_175] {strides = array<i32>} : memref<16x2x128xi32, #tpu.memory_space<vmem>>, vector<1x1x16xi32>,
              %get3A_177 = vector.shape_cast %get3A_176 : vector<1x1x16xi32> to vector<16xi32>
              %swap3A_178 = arith.index_cast %add3A_163 : i32 to index
              %swap3A_179 = tpu.vector_load %arg12[%swap3A_178] {strides = array<i32>} : memref<128xi32, #tpu.memory_space<vmem>>, vector<16xi32>,
              %swap3A_180 = vector.shape_cast %swap3A_179 : vector<16xi32> to vector<16xi32>
              %swap3A_181 = vector.shape_cast %get3A_177 : vector<16xi32> to vector<16xi32>
              tpu.vector_store %arg12[%swap3A_178], %swap3A_181 {strides = array<i32>} : memref<128xi32, #tpu.memory_space<vmem>>, vector<16xi32>,
            }
            %scan3A_155 = arith.constant 8 : i32
            %dma_start3A_156 = arith.constant 0 : i32
            %dma_start3A_157 = arith.constant 0 : i32
            %dma_start3A_158 = tpu.memref_slice %arg3[%dma_start3A_156, %dma_start3A_157] : memref<10000x128xf32, #tpu.memory_space<hbm>> -> memref<10000x128xf32, #tpu.memory_space<hbm>>
            tpu.enqueue_indirect_dma source(%dma_start3A_158 : memref<10000x128xf32, #tpu.memory_space<hbm>>) target(%arg14 : memref<128x128xf32, #tpu.memory_space<vmem>>) offsets(%arg11 : memref<128xi32, #tpu.memory_space<vmem>>) semaphore(%arg17 : memref<!tpu.dma_semaphore, #tpu.memory_space<semaphore_mem>>)
          } else {
          }
        }
        %scan3A_119 = arith.constant 8 : i32
      }
      %scan3A_38 = arith.constant 5 : i32
    } else {
    }
    %barrier3A_23 = arith.constant 0 : index
    tpu.barrier barrier_id(%barrier3A_23)
    %eq3A_24 = arith.constant 0 : i32
    %eq3A_25 = arith.cmpi eq, %arg0, %eq3A_24 : i32
    %convert_element_type3A_26 = arith.extui %eq3A_25 : i1 to i32
    %cond3A_27 = arith.constant 0 : i32
    %cond3A_28 = arith.cmpi ne, %convert_element_type3A_26, %cond3A_27 : i32
    scf.if %cond3A_28 {
      %mul3A_34 = arith.constant 640 : i32
      %mul3A_35 = arith.muli %arg1, %mul3A_34 : i32
      %mul3A_36 = arith.constant 640 : i32
      %mul3A_37 = arith.muli %arg1, %mul3A_36 : i32
      "tpu.region"() ({
        %run_scoped3A = tpu.sem_alloc : memref<!tpu.dma_semaphore, #tpu.memory_space<semaphore_mem>>
        %dma_start3A_38 = arith.constant 0 : i32
        %dma_start3A_39 = tpu.memref_slice %arg5[%mul3A_37, %dma_start3A_38] : memref<10240x128xf32, #tpu.memory_space<hbm>> -> memref<640x128xf32, #tpu.memory_space<hbm>>
        %dma_start3A_40 = arith.constant 0 : i32
        %dma_start3A_41 = tpu.memref_slice %arg15[%mul3A_35, %dma_start3A_40] : memref<10240x128xf32, #tpu.memory_space<vmem_shared>> -> memref<640x128xf32, #tpu.memory_space<vmem_shared>>
        tpu.enqueue_dma source(%dma_start3A_41 : memref<640x128xf32, #tpu.memory_space<vmem_shared>>) target(%dma_start3A_39 : memref<640x128xf32, #tpu.memory_space<hbm>>) target_semaphore(%run_scoped3A : memref<!tpu.dma_semaphore, #tpu.memory_space<semaphore_mem>>)
        %dma_wait3A = arith.constant 0 : i32
        %dma_wait3A_42 = tpu.memref_slice %arg5[%mul3A_37, %dma_wait3A] : memref<10240x128xf32, #tpu.memory_space<hbm>> -> memref<640x128xf32, #tpu.memory_space<hbm>>
        %dma_wait3A_43 = arith.constant 0 : i32
        %dma_wait3A_44 = tpu.memref_slice %arg15[%mul3A_35, %dma_wait3A_43] : memref<10240x128xf32, #tpu.memory_space<vmem_shared>> -> memref<640x128xf32, #tpu.memory_space<vmem_shared>>
        tpu.wait_dma2 semaphore(%run_scoped3A : memref<!tpu.dma_semaphore, #tpu.memory_space<semaphore_mem>>) src(%dma_wait3A_44 : memref<640x128xf32, #tpu.memory_space<vmem_shared>>) dst(%dma_wait3A_42 : memref<640x128xf32, #tpu.memory_space<hbm>>)
        tpu.yield
      }) : () -> ()
    } else {
    }
    %eq3A_29 = arith.constant 1 : i32
    %eq3A_30 = arith.cmpi eq, %arg0, %eq3A_29 : i32
    %convert_element_type3A_31 = arith.extui %eq3A_30 : i1 to i32
    %cond3A_32 = arith.constant 0 : i32
    %cond3A_33 = arith.cmpi ne, %convert_element_type3A_31, %cond3A_32 : i32
    scf.if %cond3A_33 {
      %mul3A_34 = arith.constant 640 : i32
      %mul3A_35 = arith.muli %arg1, %mul3A_34 : i32
      %mul3A_36 = arith.constant 640 : i32
      %mul3A_37 = arith.muli %arg1, %mul3A_36 : i32
      "tpu.region"() ({
        %run_scoped3A = tpu.sem_alloc : memref<!tpu.dma_semaphore, #tpu.memory_space<semaphore_mem>>
        %dma_start3A_38 = arith.constant 0 : i32
        %dma_start3A_39 = tpu.memref_slice %arg6[%mul3A_37, %dma_start3A_38] : memref<10240x128xf32, #tpu.memory_space<hbm>> -> memref<640x128xf32, #tpu.memory_space<hbm>>
        %dma_start3A_40 = arith.constant 0 : i32
        %dma_start3A_41 = tpu.memref_slice %arg15[%mul3A_35, %dma_start3A_40] : memref<10240x128xf32, #tpu.memory_space<vmem_shared>> -> memref<640x128xf32, #tpu.memory_space<vmem_shared>>
        tpu.enqueue_dma source(%dma_start3A_41 : memref<640x128xf32, #tpu.memory_space<vmem_shared>>) target(%dma_start3A_39 : memref<640x128xf32, #tpu.memory_space<hbm>>) target_semaphore(%run_scoped3A : memref<!tpu.dma_semaphore, #tpu.memory_space<semaphore_mem>>)
        %dma_wait3A = arith.constant 0 : i32
        %dma_wait3A_42 = tpu.memref_slice %arg6[%mul3A_37, %dma_wait3A] : memref<10240x128xf32, #tpu.memory_space<hbm>> -> memref<640x128xf32, #tpu.memory_space<hbm>>
        %dma_wait3A_43 = arith.constant 0 : i32
        %dma_wait3A_44 = tpu.memref_slice %arg15[%mul3A_35, %dma_wait3A_43] : memref<10240x128xf32, #tpu.memory_space<vmem_shared>> -> memref<640x128xf32, #tpu.memory_space<vmem_shared>>
        tpu.wait_dma2 semaphore(%run_scoped3A : memref<!tpu.dma_semaphore, #tpu.memory_space<semaphore_mem>>) src(%dma_wait3A_44 : memref<640x128xf32, #tpu.memory_space<vmem_shared>>) dst(%dma_wait3A_42 : memref<640x128xf32, #tpu.memory_space<hbm>>)
        tpu.yield
      }) : () -> ()
    } else {
    }
    return
  }
}

module attributes {stable_mosaic.version = 14 : i64} {
  func.func @body(%arg0: i32, %arg1: memref<1000x128xf32, #tpu.memory_space<vmem>>, %arg2: memref<128x256xf32, #tpu.memory_space<vmem>>, %arg3: memref<1000x256xf32, #tpu.memory_space<vmem>>) attributes {dimension_semantics = [#tpu.dimension_semantics<arbitrary>], iteration_bounds = array<i64: 10>, scalar_prefetch = 0 : i64, scratch_operands = 0 : i64, tpu.core_type = #tpu.core_type<tc>, window_params = [{transform_indices = @transform_0, window_bounds = array<i64: 1000, 128>}, {pipeline_mode = #tpu.pipeline_mode<synchronous>, transform_indices = @transform_1, window_bounds = array<i64: 128, 256>}, {transform_indices = @transform_2, window_bounds = array<i64: 1000, 256>}]} {
    %get3A = arith.constant 0 : index
    %get3A_0 = arith.constant 0 : index
    %get3A_1 = vector.load %arg1[%get3A, %get3A_0] : memref<1000x128xf32, #tpu.memory_space<vmem>>, vector<1000x128xf32>
    %get3A_2 = arith.constant 0 : index
    %get3A_3 = arith.constant 0 : index
    %get3A_4 = vector.load %arg2[%get3A_2, %get3A_3] : memref<128x256xf32, #tpu.memory_space<vmem>>, vector<128x256xf32>
    %dot_general3A = arith.constant dense<0.000000e+00> : vector<1000x256xf32>
    %dot_general3A_5 = tpu.matmul %get3A_1, %get3A_4, %dot_general3A {dimension_numbers = #tpu.dot_dimension_numbers<[1], [0], [0], [1], [0, 0, 1, 1], [], []>, precision = #tpu.contract_precision<fp32>, transpose_lhs_hint = false} : vector<1000x128xf32>, vector<128x256xf32>, vector<1000x256xf32> -> vector<1000x256xf32>
    %swap3A = arith.constant 0 : index
    %swap3A_6 = arith.constant 0 : index
    %swap3A_7 = vector.load %arg3[%swap3A, %swap3A_6] : memref<1000x256xf32, #tpu.memory_space<vmem>>, vector<1000x256xf32>
    tpu.vector_store %arg3[%swap3A, %swap3A_6], %dot_general3A_5 {strides = array<i32>} : memref<1000x256xf32, #tpu.memory_space<vmem>>, vector<1000x256xf32>,
    return
  }
  func.func @transform_0(%arg0: i32) -> (i32, i32) {
    %c0_i32 = arith.constant 0 : i32
    %c0_i32_0 = arith.constant 0 : i32
    return %arg0, %c0_i32 : i32, i32
  }
  func.func @transform_1(%arg0: i32) -> (i32, i32) {
    %c0_i32 = arith.constant 0 : i32
    %c0_i32_0 = arith.constant 0 : i32
    %c0_i32_1 = arith.constant 0 : i32
    return %c0_i32, %c0_i32_0 : i32, i32
  }
  func.func @transform_2(%arg0: i32) -> (i32, i32) {
    %c0_i32 = arith.constant 0 : i32
    %c0_i32_0 = arith.constant 0 : i32
    return %arg0, %c0_i32 : i32, i32
  }
}

module attributes {stable_mosaic.version = 14 : i64} {
  func.func @body(%arg0: i32, %arg1: memref<1000x256xf32, #tpu.memory_space<vmem>>, %arg2: memref<1000x16xf32, #tpu.memory_space<vmem>>, %arg3: memref<1000x16xf32, #tpu.memory_space<vmem>>, %arg4: memref<1000x128xf32, #tpu.memory_space<vmem>>, %arg5: memref<1000x128xf32, #tpu.memory_space<vmem>>) attributes {dimension_semantics = [#tpu.dimension_semantics<arbitrary>], iteration_bounds = array<i64: 10>, scalar_prefetch = 0 : i64, scratch_operands = 0 : i64, tpu.core_type = #tpu.core_type<tc>, window_params = [{transform_indices = @transform_0, window_bounds = array<i64: 1000, 256>}, {transform_indices = @transform_1, window_bounds = array<i64: 1000, 16>}, {transform_indices = @transform_2, window_bounds = array<i64: 1000, 16>}, {transform_indices = @transform_3, window_bounds = array<i64: 1000, 128>}, {transform_indices = @transform_4, window_bounds = array<i64: 1000, 128>}]} {
    %get3A = arith.constant 0 : index
    %get3A_0 = arith.constant 0 : index
    %get3A_1 = vector.load %arg2[%get3A, %get3A_0] : memref<1000x16xf32, #tpu.memory_space<vmem>>, vector<1000x1xf32>
    %get3A_2 = arith.constant 0 : index
    %get3A_3 = arith.constant 0 : index
    %get3A_4 = vector.load %arg3[%get3A_2, %get3A_3] : memref<1000x16xf32, #tpu.memory_space<vmem>>, vector<1000x1xf32>
    %add3A = arith.addf %get3A_1, %get3A_4 : vector<1000x1xf32>
    %add3A_5 = arith.constant 1.000000e+00 : f32
    %add3A_6 = vector.broadcast %add3A_5 : f32 to vector<1000x1xf32>
    %add3A_7 = arith.addf %add3A, %add3A_6 : vector<1000x1xf32>
    %rsqrt3A = math.rsqrt %add3A_7 : vector<1000x1xf32>
    %get3A_8 = arith.constant 0 : index
    %get3A_9 = arith.constant 0 : index
    %get3A_10 = vector.load %arg1[%get3A_8, %get3A_9] : memref<1000x256xf32, #tpu.memory_space<vmem>>, vector<1000x256xf32>
    %mul3A = vector.broadcast %rsqrt3A : vector<1000x1xf32> to vector<1000x256xf32>
    %mul3A_11 = arith.mulf %mul3A, %get3A_10 : vector<1000x256xf32>
    %slice3A = vector.extract_strided_slice %mul3A_11 {offsets = [0, 0], sizes = [1000, 128], strides = [1, 1]} : vector<1000x256xf32> to vector<1000x128xf32>
    %swap3A = arith.constant 0 : index
    %swap3A_12 = arith.constant 0 : index
    %swap3A_13 = vector.load %arg4[%swap3A, %swap3A_12] : memref<1000x128xf32, #tpu.memory_space<vmem>>, vector<1000x128xf32>
    tpu.vector_store %arg4[%swap3A, %swap3A_12], %slice3A {strides = array<i32>} : memref<1000x128xf32, #tpu.memory_space<vmem>>, vector<1000x128xf32>,
    %slice3A_14 = vector.extract_strided_slice %mul3A_11 {offsets = [0, 128], sizes = [1000, 128], strides = [1, 1]} : vector<1000x256xf32> to vector<1000x128xf32>
    %swap3A_15 = arith.constant 0 : index
    %swap3A_16 = arith.constant 0 : index
    %swap3A_17 = vector.load %arg5[%swap3A_15, %swap3A_16] : memref<1000x128xf32, #tpu.memory_space<vmem>>, vector<1000x128xf32>
    tpu.vector_store %arg5[%swap3A_15, %swap3A_16], %slice3A_14 {strides = array<i32>} : memref<1000x128xf32, #tpu.memory_space<vmem>>, vector<1000x128xf32>,
    return
  }
  func.func @transform_0(%arg0: i32) -> (i32, i32) {
    %c0_i32 = arith.constant 0 : i32
    %c0_i32_0 = arith.constant 0 : i32
    return %arg0, %c0_i32 : i32, i32
  }
  func.func @transform_1(%arg0: i32) -> (i32, i32) {
    %c0_i32 = arith.constant 0 : i32
    %c0_i32_0 = arith.constant 0 : i32
    return %arg0, %c0_i32 : i32, i32
  }
  func.func @transform_2(%arg0: i32) -> (i32, i32) {
    %c0_i32 = arith.constant 0 : i32
    %c0_i32_0 = arith.constant 0 : i32
    return %arg0, %c0_i32 : i32, i32
  }
  func.func @transform_3(%arg0: i32) -> (i32, i32) {
    %c0_i32 = arith.constant 0 : i32
    %c0_i32_0 = arith.constant 0 : i32
    return %arg0, %c0_i32 : i32, i32
  }
  func.func @transform_4(%arg0: i32) -> (i32, i32) {
    %c0_i32 = arith.constant 0 : i32
    %c0_i32_0 = arith.constant 0 : i32
    return %arg0, %c0_i32 : i32, i32
  }
}

module attributes {stable_mosaic.version = 14 : i64} {
  func.func @body(%arg0: i32, %arg1: memref<1000x128xf32, #tpu.memory_space<vmem>>, %arg2: memref<1000x128xf32, #tpu.memory_space<vmem>>, %arg3: memref<1000x128xf32, #tpu.memory_space<vmem>>, %arg4: memref<1000x128xf32, #tpu.memory_space<vmem>>, %arg5: memref<1000x16xf32, #tpu.memory_space<vmem>>, %arg6: memref<1000x16xf32, #tpu.memory_space<vmem>>, %arg7: memref<1x256xf32, #tpu.memory_space<vmem>>, %arg8: memref<256x256xf32, #tpu.memory_space<vmem>>, %arg9: memref<1000x128xf32, #tpu.memory_space<vmem>>, %arg10: memref<1000x128xf32, #tpu.memory_space<vmem>>) attributes {dimension_semantics = [#tpu.dimension_semantics<arbitrary>], iteration_bounds = array<i64: 10>, scalar_prefetch = 0 : i64, scratch_operands = 0 : i64, tpu.core_type = #tpu.core_type<tc>, window_params = [{transform_indices = @transform_0, window_bounds = array<i64: 1000, 128>}, {transform_indices = @transform_1, window_bounds = array<i64: 1000, 128>}, {transform_indices = @transform_2, window_bounds = array<i64: 1000, 128>}, {transform_indices = @transform_3, window_bounds = array<i64: 1000, 128>}, {transform_indices = @transform_4, window_bounds = array<i64: 1000, 16>}, {transform_indices = @transform_5, window_bounds = array<i64: 1000, 16>}, {pipeline_mode = #tpu.pipeline_mode<synchronous>, transform_indices = @transform_6, window_bounds = array<i64: 1, 256>}, {pipeline_mode = #tpu.pipeline_mode<synchronous>, transform_indices = @transform_7, window_bounds = array<i64: 256, 256>}, {transform_indices = @transform_8, window_bounds = array<i64: 1000, 128>}, {transform_indices = @transform_9, window_bounds = array<i64: 1000, 128>}]} {
    %get3A = arith.constant 0 : index
    %get3A_0 = arith.constant 0 : index
    %get3A_1 = vector.load %arg5[%get3A, %get3A_0] : memref<1000x16xf32, #tpu.memory_space<vmem>>, vector<1000x1xf32>
    %get3A_2 = arith.constant 0 : index
    %get3A_3 = arith.constant 0 : index
    %get3A_4 = vector.load %arg6[%get3A_2, %get3A_3] : memref<1000x16xf32, #tpu.memory_space<vmem>>, vector<1000x1xf32>
    %add3A = arith.addf %get3A_1, %get3A_4 : vector<1000x1xf32>
    %add3A_5 = arith.constant 1.000000e+00 : f32
    %add3A_6 = vector.broadcast %add3A_5 : f32 to vector<1000x1xf32>
    %add3A_7 = arith.addf %add3A, %add3A_6 : vector<1000x1xf32>
    %rsqrt3A = math.rsqrt %add3A_7 : vector<1000x1xf32>
    %get3A_8 = arith.constant 0 : index
    %get3A_9 = arith.constant 0 : index
    %get3A_10 = vector.load %arg1[%get3A_8, %get3A_9] : memref<1000x128xf32, #tpu.memory_space<vmem>>, vector<1000x128xf32>
    %get3A_11 = arith.constant 0 : index
    %get3A_12 = arith.constant 0 : index
    %get3A_13 = vector.load %arg2[%get3A_11, %get3A_12] : memref<1000x128xf32, #tpu.memory_space<vmem>>, vector<1000x128xf32>
    %concatenate3A = tpu.concatenate %get3A_10, %get3A_13 in 1 : vector<1000x128xf32>, vector<1000x128xf32> -> vector<1000x256xf32>
    %get3A_14 = arith.constant 0 : index
    %get3A_15 = arith.constant 0 : index
    %get3A_16 = vector.load %arg3[%get3A_14, %get3A_15] : memref<1000x128xf32, #tpu.memory_space<vmem>>, vector<1000x128xf32>
    %get3A_17 = arith.constant 0 : index
    %get3A_18 = arith.constant 0 : index
    %get3A_19 = vector.load %arg4[%get3A_17, %get3A_18] : memref<1000x128xf32, #tpu.memory_space<vmem>>, vector<1000x128xf32>
    %concatenate3A_20 = tpu.concatenate %get3A_16, %get3A_19 in 1 : vector<1000x128xf32>, vector<1000x128xf32> -> vector<1000x256xf32>
    %add3A_21 = arith.addf %concatenate3A, %concatenate3A_20 : vector<1000x256xf32>
    %mul3A = vector.broadcast %rsqrt3A : vector<1000x1xf32> to vector<1000x256xf32>
    %mul3A_22 = arith.mulf %mul3A, %add3A_21 : vector<1000x256xf32>
    %get3A_23 = arith.constant 0 : index
    %get3A_24 = arith.constant 0 : index
    %get3A_25 = vector.load %arg7[%get3A_23, %get3A_24] : memref<1x256xf32, #tpu.memory_space<vmem>>, vector<1x256xf32>
    %add3A_26 = vector.broadcast %get3A_25 : vector<1x256xf32> to vector<1000x256xf32>
    %add3A_27 = arith.addf %mul3A_22, %add3A_26 : vector<1000x256xf32>
    %max3A = arith.constant 0.000000e+00 : f32
    %max3A_28 = vector.broadcast %max3A : f32 to vector<1000x256xf32>
    %max3A_29 = arith.maximumf %add3A_27, %max3A_28 : vector<1000x256xf32>
    %get3A_30 = arith.constant 0 : index
    %get3A_31 = arith.constant 0 : index
    %get3A_32 = vector.load %arg8[%get3A_30, %get3A_31] : memref<256x256xf32, #tpu.memory_space<vmem>>, vector<256x256xf32>
    %dot_general3A = arith.constant dense<0.000000e+00> : vector<1000x256xf32>
    %dot_general3A_33 = tpu.matmul %max3A_29, %get3A_32, %dot_general3A {dimension_numbers = #tpu.dot_dimension_numbers<[1], [0], [0], [1], [0, 0, 1, 1], [], []>, precision = #tpu.contract_precision<fp32>, transpose_lhs_hint = false} : vector<1000x256xf32>, vector<256x256xf32>, vector<1000x256xf32> -> vector<1000x256xf32>
    %mul3A_34 = vector.broadcast %rsqrt3A : vector<1000x1xf32> to vector<1000x256xf32>
    %mul3A_35 = arith.mulf %mul3A_34, %dot_general3A_33 : vector<1000x256xf32>
    %slice3A = vector.extract_strided_slice %mul3A_35 {offsets = [0, 0], sizes = [1000, 128], strides = [1, 1]} : vector<1000x256xf32> to vector<1000x128xf32>
    %swap3A = arith.constant 0 : index
    %swap3A_36 = arith.constant 0 : index
    %swap3A_37 = vector.load %arg9[%swap3A, %swap3A_36] : memref<1000x128xf32, #tpu.memory_space<vmem>>, vector<1000x128xf32>
    tpu.vector_store %arg9[%swap3A, %swap3A_36], %slice3A {strides = array<i32>} : memref<1000x128xf32, #tpu.memory_space<vmem>>, vector<1000x128xf32>,
    %slice3A_38 = vector.extract_strided_slice %mul3A_35 {offsets = [0, 128], sizes = [1000, 128], strides = [1, 1]} : vector<1000x256xf32> to vector<1000x128xf32>
    %swap3A_39 = arith.constant 0 : index
    %swap3A_40 = arith.constant 0 : index
    %swap3A_41 = vector.load %arg10[%swap3A_39, %swap3A_40] : memref<1000x128xf32, #tpu.memory_space<vmem>>, vector<1000x128xf32>
    tpu.vector_store %arg10[%swap3A_39, %swap3A_40], %slice3A_38 {strides = array<i32>} : memref<1000x128xf32, #tpu.memory_space<vmem>>, vector<1000x128xf32>,
    return
  }
  func.func @transform_0(%arg0: i32) -> (i32, i32) {
    %c0_i32 = arith.constant 0 : i32
    %c0_i32_0 = arith.constant 0 : i32
    return %arg0, %c0_i32 : i32, i32
  }
  func.func @transform_1(%arg0: i32) -> (i32, i32) {
    %c0_i32 = arith.constant 0 : i32
    %c0_i32_0 = arith.constant 0 : i32
    return %arg0, %c0_i32 : i32, i32
  }
  func.func @transform_2(%arg0: i32) -> (i32, i32) {
    %c0_i32 = arith.constant 0 : i32
    %c0_i32_0 = arith.constant 0 : i32
    return %arg0, %c0_i32 : i32, i32
  }
  func.func @transform_3(%arg0: i32) -> (i32, i32) {
    %c0_i32 = arith.constant 0 : i32
    %c0_i32_0 = arith.constant 0 : i32
    return %arg0, %c0_i32 : i32, i32
  }
  func.func @transform_4(%arg0: i32) -> (i32, i32) {
    %c0_i32 = arith.constant 0 : i32
    %c0_i32_0 = arith.constant 0 : i32
    return %arg0, %c0_i32 : i32, i32
  }
  func.func @transform_5(%arg0: i32) -> (i32, i32) {
    %c0_i32 = arith.constant 0 : i32
    %c0_i32_0 = arith.constant 0 : i32
    return %arg0, %c0_i32 : i32, i32
  }
  func.func @transform_6(%arg0: i32) -> (i32, i32) {
    %c0_i32 = arith.constant 0 : i32
    %c0_i32_0 = arith.constant 0 : i32
    %c0_i32_1 = arith.constant 0 : i32
    return %c0_i32, %c0_i32_0 : i32, i32
  }
  func.func @transform_7(%arg0: i32) -> (i32, i32) {
    %c0_i32 = arith.constant 0 : i32
    %c0_i32_0 = arith.constant 0 : i32
    %c0_i32_1 = arith.constant 0 : i32
    return %c0_i32, %c0_i32_0 : i32, i32
  }
  func.func @transform_8(%arg0: i32) -> (i32, i32) {
    %c0_i32 = arith.constant 0 : i32
    %c0_i32_0 = arith.constant 0 : i32
    return %arg0, %c0_i32 : i32, i32
  }
  func.func @transform_9(%arg0: i32) -> (i32, i32) {
    %c0_i32 = arith.constant 0 : i32
    %c0_i32_0 = arith.constant 0 : i32
    return %arg0, %c0_i32 : i32, i32
  }
}

module attributes {stable_mosaic.version = 14 : i64} {
  func.func @body(%arg0: i32, %arg1: memref<1000x128xf32, #tpu.memory_space<vmem>>, %arg2: memref<1000x128xf32, #tpu.memory_space<vmem>>, %arg3: memref<1000x128xf32, #tpu.memory_space<vmem>>, %arg4: memref<1000x128xf32, #tpu.memory_space<vmem>>, %arg5: memref<1000x16xf32, #tpu.memory_space<vmem>>, %arg6: memref<1000x16xf32, #tpu.memory_space<vmem>>, %arg7: memref<1x256xf32, #tpu.memory_space<vmem>>, %arg8: memref<256x128xf32, #tpu.memory_space<vmem>>, %arg9: memref<1x128xf32, #tpu.memory_space<vmem>>, %arg10: memref<1000x128xf32, #tpu.memory_space<vmem>>) attributes {dimension_semantics = [#tpu.dimension_semantics<arbitrary>], iteration_bounds = array<i64: 10>, scalar_prefetch = 0 : i64, scratch_operands = 0 : i64, tpu.core_type = #tpu.core_type<tc>, window_params = [{transform_indices = @transform_0, window_bounds = array<i64: 1000, 128>}, {transform_indices = @transform_1, window_bounds = array<i64: 1000, 128>}, {transform_indices = @transform_2, window_bounds = array<i64: 1000, 128>}, {transform_indices = @transform_3, window_bounds = array<i64: 1000, 128>}, {transform_indices = @transform_4, window_bounds = array<i64: 1000, 16>}, {transform_indices = @transform_5, window_bounds = array<i64: 1000, 16>}, {pipeline_mode = #tpu.pipeline_mode<synchronous>, transform_indices = @transform_6, window_bounds = array<i64: 1, 256>}, {pipeline_mode = #tpu.pipeline_mode<synchronous>, transform_indices = @transform_7, window_bounds = array<i64: 256, 128>}, {pipeline_mode = #tpu.pipeline_mode<synchronous>, transform_indices = @transform_8, window_bounds = array<i64: 1, 128>}, {transform_indices = @transform_9, window_bounds = array<i64: 1000, 128>}]} {
    %get3A = arith.constant 0 : index
    %get3A_0 = arith.constant 0 : index
    %get3A_1 = vector.load %arg5[%get3A, %get3A_0] : memref<1000x16xf32, #tpu.memory_space<vmem>>, vector<1000x1xf32>
    %get3A_2 = arith.constant 0 : index
    %get3A_3 = arith.constant 0 : index
    %get3A_4 = vector.load %arg6[%get3A_2, %get3A_3] : memref<1000x16xf32, #tpu.memory_space<vmem>>, vector<1000x1xf32>
    %add3A = arith.addf %get3A_1, %get3A_4 : vector<1000x1xf32>
    %add3A_5 = arith.constant 1.000000e+00 : f32
    %add3A_6 = vector.broadcast %add3A_5 : f32 to vector<1000x1xf32>
    %add3A_7 = arith.addf %add3A, %add3A_6 : vector<1000x1xf32>
    %rsqrt3A = math.rsqrt %add3A_7 : vector<1000x1xf32>
    %get3A_8 = arith.constant 0 : index
    %get3A_9 = arith.constant 0 : index
    %get3A_10 = vector.load %arg1[%get3A_8, %get3A_9] : memref<1000x128xf32, #tpu.memory_space<vmem>>, vector<1000x128xf32>
    %get3A_11 = arith.constant 0 : index
    %get3A_12 = arith.constant 0 : index
    %get3A_13 = vector.load %arg2[%get3A_11, %get3A_12] : memref<1000x128xf32, #tpu.memory_space<vmem>>, vector<1000x128xf32>
    %concatenate3A = tpu.concatenate %get3A_10, %get3A_13 in 1 : vector<1000x128xf32>, vector<1000x128xf32> -> vector<1000x256xf32>
    %get3A_14 = arith.constant 0 : index
    %get3A_15 = arith.constant 0 : index
    %get3A_16 = vector.load %arg3[%get3A_14, %get3A_15] : memref<1000x128xf32, #tpu.memory_space<vmem>>, vector<1000x128xf32>
    %get3A_17 = arith.constant 0 : index
    %get3A_18 = arith.constant 0 : index
    %get3A_19 = vector.load %arg4[%get3A_17, %get3A_18] : memref<1000x128xf32, #tpu.memory_space<vmem>>, vector<1000x128xf32>
    %concatenate3A_20 = tpu.concatenate %get3A_16, %get3A_19 in 1 : vector<1000x128xf32>, vector<1000x128xf32> -> vector<1000x256xf32>
    %add3A_21 = arith.addf %concatenate3A, %concatenate3A_20 : vector<1000x256xf32>
    %mul3A = vector.broadcast %rsqrt3A : vector<1000x1xf32> to vector<1000x256xf32>
    %mul3A_22 = arith.mulf %mul3A, %add3A_21 : vector<1000x256xf32>
    %get3A_23 = arith.constant 0 : index
    %get3A_24 = arith.constant 0 : index
    %get3A_25 = vector.load %arg7[%get3A_23, %get3A_24] : memref<1x256xf32, #tpu.memory_space<vmem>>, vector<1x256xf32>
    %add3A_26 = vector.broadcast %get3A_25 : vector<1x256xf32> to vector<1000x256xf32>
    %add3A_27 = arith.addf %mul3A_22, %add3A_26 : vector<1000x256xf32>
    %max3A = arith.constant 0.000000e+00 : f32
    %max3A_28 = vector.broadcast %max3A : f32 to vector<1000x256xf32>
    %max3A_29 = arith.maximumf %add3A_27, %max3A_28 : vector<1000x256xf32>
    %get3A_30 = arith.constant 0 : index
    %get3A_31 = arith.constant 0 : index
    %get3A_32 = vector.load %arg8[%get3A_30, %get3A_31] : memref<256x128xf32, #tpu.memory_space<vmem>>, vector<256x128xf32>
    %dot_general3A = arith.constant dense<0.000000e+00> : vector<1000x128xf32>
    %dot_general3A_33 = tpu.matmul %max3A_29, %get3A_32, %dot_general3A {dimension_numbers = #tpu.dot_dimension_numbers<[1], [0], [0], [1], [0, 0, 1, 1], [], []>, precision = #tpu.contract_precision<fp32>, transpose_lhs_hint = false} : vector<1000x256xf32>, vector<256x128xf32>, vector<1000x128xf32> -> vector<1000x128xf32>
    %get3A_34 = arith.constant 0 : index
    %get3A_35 = arith.constant 0 : index
    %get3A_36 = vector.load %arg9[%get3A_34, %get3A_35] : memref<1x128xf32, #tpu.memory_space<vmem>>, vector<1x128xf32>
    %add3A_37 = vector.broadcast %get3A_36 : vector<1x128xf32> to vector<1000x128xf32>
    %add3A_38 = arith.addf %dot_general3A_33, %add3A_37 : vector<1000x128xf32>
    %logistic3A = arith.negf %add3A_38 : vector<1000x128xf32>
    %logistic3A_39 = math.exp %logistic3A : vector<1000x128xf32>
    %logistic3A_40 = arith.constant 1.000000e+00 : f32
    %logistic3A_41 = vector.broadcast %logistic3A_40 : f32 to vector<1000x128xf32>
    %logistic3A_42 = arith.addf %logistic3A_41, %logistic3A_39 : vector<1000x128xf32>
    %logistic3A_43 = arith.divf %logistic3A_41, %logistic3A_42 : vector<1000x128xf32>
    %swap3A = arith.constant 0 : index
    %swap3A_44 = arith.constant 0 : index
    %swap3A_45 = vector.load %arg10[%swap3A, %swap3A_44] : memref<1000x128xf32, #tpu.memory_space<vmem>>, vector<1000x128xf32>
    tpu.vector_store %arg10[%swap3A, %swap3A_44], %logistic3A_43 {strides = array<i32>} : memref<1000x128xf32, #tpu.memory_space<vmem>>, vector<1000x128xf32>,
    return
  }
  func.func @transform_0(%arg0: i32) -> (i32, i32) {
    %c0_i32 = arith.constant 0 : i32
    %c0_i32_0 = arith.constant 0 : i32
    return %arg0, %c0_i32 : i32, i32
  }
  func.func @transform_1(%arg0: i32) -> (i32, i32) {
    %c0_i32 = arith.constant 0 : i32
    %c0_i32_0 = arith.constant 0 : i32
    return %arg0, %c0_i32 : i32, i32
  }
  func.func @transform_2(%arg0: i32) -> (i32, i32) {
    %c0_i32 = arith.constant 0 : i32
    %c0_i32_0 = arith.constant 0 : i32
    return %arg0, %c0_i32 : i32, i32
  }
  func.func @transform_3(%arg0: i32) -> (i32, i32) {
    %c0_i32 = arith.constant 0 : i32
    %c0_i32_0 = arith.constant 0 : i32
    return %arg0, %c0_i32 : i32, i32
  }
  func.func @transform_4(%arg0: i32) -> (i32, i32) {
    %c0_i32 = arith.constant 0 : i32
    %c0_i32_0 = arith.constant 0 : i32
    return %arg0, %c0_i32 : i32, i32
  }
  func.func @transform_5(%arg0: i32) -> (i32, i32) {
    %c0_i32 = arith.constant 0 : i32
    %c0_i32_0 = arith.constant 0 : i32
    return %arg0, %c0_i32 : i32, i32
  }
  func.func @transform_6(%arg0: i32) -> (i32, i32) {
    %c0_i32 = arith.constant 0 : i32
    %c0_i32_0 = arith.constant 0 : i32
    %c0_i32_1 = arith.constant 0 : i32
    return %c0_i32, %c0_i32_0 : i32, i32
  }
  func.func @transform_7(%arg0: i32) -> (i32, i32) {
    %c0_i32 = arith.constant 0 : i32
    %c0_i32_0 = arith.constant 0 : i32
    %c0_i32_1 = arith.constant 0 : i32
    return %c0_i32, %c0_i32_0 : i32, i32
  }
  func.func @transform_8(%arg0: i32) -> (i32, i32) {
    %c0_i32 = arith.constant 0 : i32
    %c0_i32_0 = arith.constant 0 : i32
    %c0_i32_1 = arith.constant 0 : i32
    return %c0_i32, %c0_i32_0 : i32, i32
  }
  func.func @transform_9(%arg0: i32) -> (i32, i32) {
    %c0_i32 = arith.constant 0 : i32
    %c0_i32_0 = arith.constant 0 : i32
    return %arg0, %c0_i32 : i32, i32
  }
}

</mosaic_0001>

<sc_bundles>
// kernel: kernel.12.cloned.1.call-start
scs
__scs_entry_jumppad:
0x0: {  	(pc) =	sbr.rel $0x88, $3  }
0x1: {  	(tag) =	ssettag $0x0;
	lr =	simm.s32 $0x1  }
0x2: {  	[smem:$0x3F99] =	sst lr;
	_ =	strace $0xD0000000  }
0x3: {  	_ = 	snop  }
0x4: {  	_ = 	snop  }
0x5: {  	_ = 	snop  }
0x6: {  	_ = 	snop  }
0x7: {  	_ = 	snop  }
__scs_overlays_trampoline_lowered:
0x8: {  	[smem:$0x3FA8] =	sst s0  }
0x9: {  	[smem:$0x3FA9] =	sst s1  }
0xa: {  	[smem:$0x3FAA] =	sst s2  }
0xb: {  	[smem:$0x3FAB] =	sst s3  }
0xc: {  	[smem:$0x3FAC] =	sst s4  }
0xd: {  	[smem:$0x3FAD] =	sst s5  }
0xe: {  	[smem:$0x3FAE] =	sst s6  }
0xf: {  	[smem:$0x3FAF] =	sst s7  }
0x10: {  	[smem:$0x3FB0] =	sst s8  }
0x11: {  	[smem:$0x3FB1] =	sst s9;
	s0 =	simm.s32 @!p0 $0x0  }
0x12: {  	s1 =	sld [smem:$0x3F97];
	s0 =	simm.s32 @p0 $0x1  }
0x13: {  	[smem:$0x3FB2] =	sst s0;
	s0 =	simm.s32 @!p1 $0x0  }
0x14: {  	s2 =	sld [smem:$0x3F96];
	s0 =	simm.s32 @p1 $0x1  }
0x15: {  	[smem:$0x3FB3] =	sst s0;
	s0 =	simm.s32 @!p2 $0x0  }
0x16: {  	s3 =	sld [smem:$0x3FDB];
	s0 =	simm.s32 @p2 $0x1  }
0x17: {  	s4 =	simm.s32 $0x1BF5;
	[smem:$0x3FB5] =	sst s0  }
0x18: {  	s0 =	sld [smem:$0x3F98];
	_ =	swait.ge [sflag:s4], $0x0  }
0x19: {  	s7 =	sld [smem:$0x3F99]  }
0x1a: {  	s8 =	sadd.s32 $0xFFFFE003, lr  }
0x1b: {  	s9 =	sadd.s32 $0xFFFFFEF7, lr;
	s5 =	simm.s32 $0xFFFFFFFF;
	p2 =	slt.u32 s8, $0xFFFFF086  }
0x1c: {  	p1 =	slt.u32 s9, $0xF7A;
	s5 =	simm.s32 @!p2 $0x0  }
0x1d: {  	s5 =	simm.s32 @p1 $0x1;
	p0 =	seq.s32 s7, s2  }
0x1e: {  	s7 =	smul.u32 @!p0 $0xF7A, s2;
	p2 =	seq.s32 @!p0 s5, $0x0  }
0x1f: {  	s9 =	smul.u32 $0xF7A, s1;
	s8 =	simm.s32 @!p0 $0x1BF5;
	p2 =	por !p2, p0  }
0x20: {  	[sflag:s8] =	ssyncset.s32 @!p0 $0xFFFFF086;
	s6 =	sadd.s32 @!p0 s3, s7;
	s7 =	simm.s32 @!p0 $0x108  }
0x21: {  	s3 =	sadd.s32 s3, s9;
	s6 =	sadd.s32 @!p0 $0x88, s6;
	s7 =	simm.s32 @p2 $0x1082  }
0x22: {  	[simem:s7], [sflag:s8] =	dma.local @!p0 [hbm:s6], $0xF7A  }
0x23: {  	s9 =	sor.u32 $0xD0000000, s2;
	s6 =	simm.s32 $0x108;
	_ =	swait.ge @!p0 [sflag:s8], $0x0  }
0x24: {  	s3 =	sadd.s32 $0x88, s3;
	s6 =	simm.s32 @!p1 $0x1082;
	[sflag:s4] =	ssyncset.s32 $0xFFFFF086  }
0x25: {  	[simem:s6], [sflag:s4] =	dma.local [hbm:s3], $0xF7A  }
0x26: {  	[smem:$0x3F99] =	sst s1;
	(tag) =	ssettag s2;
	_ =	strace s9  }
0x27: {  	s1 =	sld [smem:$0x3FA9]  }
0x28: {  	s2 =	sld [smem:$0x3FAA]  }
0x29: {  	s4 =	sld [smem:$0x3FAC]  }
0x2a: {  	p0 =	seq.s32 s5, $0x0;
	s5 =	sld [smem:$0x3FAD]  }
0x2b: {  	s6 =	sld [smem:$0x3FAE]  }
0x2c: {  	s7 =	sld [smem:$0x3FAF]  }
0x2d: {  	s3 =	simm.s32 $0x108;
	s8 =	sld [smem:$0x3FB0]  }
0x2e: {  	s3 =	simm.s32 @!p0 $0x1082;
	s9 =	sld [smem:$0x3FB1]  }
0x2f: {  	lr =	sadd.s32 s0, s3;
	s0 =	sld [smem:$0x3FA8]  }
0x30: {  	s3 =	sld [smem:$0x3FAB]  }
0x31: {  	[smem:$0x3FB4] =	sst s10  }
0x32: {  	s10 =	sld [smem:$0x3FB2];
	_ =	sdelay $0x3  }
0x33: {  	p0 =	seq.s32 s10, $0x1;
	s10 =	sld [smem:$0x3FB4];
	_ =	sdelay $0x3  }
0x34: {  	[smem:$0x3FB4] =	sst s10  }
0x35: {  	s10 =	sld [smem:$0x3FB3];
	_ =	sdelay $0x3  }
0x36: {  	p1 =	seq.s32 s10, $0x1;
	s10 =	sld [smem:$0x3FB4];
	_ =	sdelay $0x3  }
0x37: {  	[smem:$0x3FB4] =	sst s10  }
0x38: {  	s10 =	sld [smem:$0x3FB5]  }
0x39: {  	_ = 	snop;
	(pc) =	sbr.ind lr, $3  }
0x3a: {  	_ = 	snop  }
0x3b: {  	_ = 	snop  }
0x3c: {  	p2 =	seq.s32 s10, $0x1;
	s10 =	sld [smem:$0x3FB4]  }
0x3d: {  	_ =	shalt  }
0x3e: {  	_ =	shalt  }
0x3f: {  	_ =	shalt  }
0x40: {  	_ =	shalt  }
0x41: {  	_ =	shalt  }
0x42: {  	_ =	shalt  }
0x43: {  	_ =	shalt  }
0x44: {  	_ =	shalt  }
0x45: {  	_ =	shalt  }
0x46: {  	_ =	shalt  }
0x47: {  	_ =	shalt  }
0x48: {  	_ =	shalt  }
0x49: {  	_ =	shalt  }
0x4a: {  	_ =	shalt  }
0x4b: {  	_ =	shalt  }
0x4c: {  	_ =	shalt  }
0x4d: {  	_ =	shalt  }
0x4e: {  	_ =	shalt  }
0x4f: {  	_ =	shalt  }
0x50: {  	_ =	shalt  }
0x51: {  	_ =	shalt  }
0x52: {  	_ =	shalt  }
0x53: {  	_ =	shalt  }
0x54: {  	_ =	shalt  }
0x55: {  	_ =	shalt  }
0x56: {  	_ =	shalt  }
0x57: {  	_ =	shalt  }
0x58: {  	_ =	shalt  }
0x59: {  	_ =	shalt  }
0x5a: {  	_ =	shalt  }
0x5b: {  	_ =	shalt  }
0x5c: {  	_ =	shalt  }
0x5d: {  	_ =	shalt  }
0x5e: {  	_ =	shalt  }
0x5f: {  	_ =	shalt  }
0x60: {  	_ =	shalt  }
0x61: {  	_ =	shalt  }
0x62: {  	_ =	shalt  }
0x63: {  	_ =	shalt  }
0x64: {  	_ =	shalt  }
0x65: {  	_ =	shalt  }
0x66: {  	_ =	shalt  }
0x67: {  	_ =	shalt  }
0x68: {  	_ =	shalt  }
0x69: {  	_ =	shalt  }
0x6a: {  	_ =	shalt  }
0x6b: {  	_ =	shalt  }
0x6c: {  	_ =	shalt  }
0x6d: {  	_ =	shalt  }
0x6e: {  	_ =	shalt  }
0x6f: {  	_ =	shalt  }
0x70: {  	_ =	shalt  }
0x71: {  	_ =	shalt  }
0x72: {  	_ =	shalt  }
0x73: {  	_ =	shalt  }
0x74: {  	_ =	shalt  }
0x75: {  	_ =	shalt  }
0x76: {  	_ =	shalt  }
0x77: {  	_ =	shalt  }
0x78: {  	_ =	shalt  }
0x79: {  	_ =	shalt  }
0x7a: {  	_ =	shalt  }
0x7b: {  	_ =	shalt  }
0x7c: {  	_ =	shalt  }
0x7d: {  	_ =	shalt  }
0x7e: {  	_ =	shalt  }
0x7f: {  	_ =	shalt  }
0x80: {  	_ =	shalt  }
0x81: {  	_ =	shalt  }
0x82: {  	_ =	shalt  }
0x83: {  	_ =	shalt  }
0x84: {  	_ =	shalt  }
0x85: {  	_ =	shalt  }
0x86: {  	_ =	shalt  }
0x87: {  	_ =	shalt  }
.Lfunc_end0:
.L_simem_size_0:
called_computation.1_lowered:
.L_overlay_start_0:
0x88: {  	s2 =	sld [smem:$0x3FD9]  }
0x89: {  	s3 =	sld [smem:$0x3FFE];
	_ =	sdelay $0x1  }
0x8a: {  	s1 =	srdreg.scid  }
0x8b: {  	s0 =	sand.u32 $0x1, s1  }
0x8c: {  	s16 =	sshll.u32 s0, $0xA;
	s2 =	sadd.s32 s3, s2  }
0x8d: {  	s2 =	sadd.s32 s2, s16  }
0x8e: {  	[smem:$0x3FC0] =	sst s2  }
0x8f: {  	_ = 	snop  }
0x90: {  	(tm) =	ssettm $0x1  }
0x91: {  	s17 =	sld [smem:$0x3FFB];
	_ =	sdelay $0x3  }
0x92: {  	_ =	strace s17  }
0x93: {  	s2 =	sld [smem:$0x3FFC];
	_ =	sdelay $0x3  }
0x94: {  	_ =	strace s2  }
0x95: {  	s2 =	sld [smem:$0x3FFD];
	_ =	sdelay $0x3  }
0x96: {  	_ =	strace s2  }
0x97: {  	_ =	strace $0x8FFFFFFF  }
0x98: {  	s18 =	sld [smem:$0x3FDB];
	_ =	sdelay $0x1  }
0x99: {  	s19 =	simm.s32 $_scs_section_size  }
0x9a: {  	s4 =	simm.s32 $_size__tile_overlayer_lowered;
	s5 =	simm.s32 $_tile_overlayer_lowered  }
0x9b: {  	s22 =	simm.s32 $0x1BFF;
	s21 =	sshll.u32 s5, $0x1;
	s2 =	sadd.s32 s19, s18  }
0x9c: {  	s6 =	simm.s32 $0x0;
	s20 =	sshll.u32 s4, $0x1;
	s4 =	sadd.s32 s21, s2  }
0x9d: {  	[timem:s6], [sflag:s22] =	dma.local [hbm:s4], s20  }
0x9e: {  	_ =	swait.ge [sflag:s22], s20  }
0x9f: {  	s3 =	ssub.s32 $0x0, s20;
	[sflag:s22] =	ssyncset.done $0x0  }
0xa0: {  	[sflag:s22] =	ssyncadd.s32 s3;
	_ =	sdelay $0x1  }
0xa1: {  	s23 =	simm.s32 $0x1B8B  }
0xa2: {  	_ =	swait.ge [sflag:s23], $0x1  }
0xa3: {  	[sflag:s23] =	ssyncset.done $0x0  }
0xa4: {  	s25 =	simm.s32 $0x1B8E;
	s24 =	sld [smem:$0x3FFE];
	[sflag:s23] =	ssyncadd.s32 $0xFFFFFFFF  }
0xa5: {  	s26 =	simm.s32 $execute0_lowered;
	[smem:$0x3FD2] =	sst s25  }
0xa6: {  	s4 =	sshll.u32 s26, $0x1;
	_ =	strace $0x80000049;
	[dreg:$0x1] =	wrdreg $0xFFFFFFFF  }
0xa7: {  	s28 =	simm.s32 $_size_execute0_lowered;
	s2 =	sadd.s32 s2, s4;
	[dreg:$0x0] =	wrdreg $0x0  }
0xa8: {  	s4 =	sshll.u32 s28, $0x1;
	[dreg:$0x2] =	wrdreg s2  }
0xa9: {  	[dreg:$0x3] =	wrdreg s4  }
0xaa: {  	[dreg:$0x4] =	wrdreg $0xC0  }
0xab: {  	_ =	task [dreg:s6], $0x5FFFF  }
0xac: {  	[dreg:$0x1] =	wrdreg $0xFFFFFFFF  }
0xad: {  	[dreg:$0x0] =	wrdreg $0x60  }
0xae: {  	[dreg:$0x2] =	wrdreg s24  }
0xaf: {  	[dreg:$0x3] =	wrdreg $0xA2000  }
0xb0: {  	[dreg:$0x4] =	wrdreg $0x9  }
0xb1: {  	_ =	task.clear_ibuf [dreg:s6], $0x5FFFF;
	_ =	strace $0x90000049  }
0xb2: {  	s29 =	simm.s32 $0x9;
	_ =	strace $0x8000004B  }
0xb3: {  	_ =	swait.ge [sflag:s29], $0x1  }
0xb4: {  	[sflag:s29] =	ssyncadd.s32 $0xFFFFFFFF  }
0xb5: {  	_ =	strace $0x9000004B  }
0xb6: {  	_ =	sfence  }
0xb7: {  	s30 =	sld [smem:$0x0];
	_ =	sdelay $0x2  }
0xb8: {  	s31 =	sshll.u32 s1, $0xD;
	s1 =	sshrl.u32 s1, $0x2  }
0xb9: {  	s3 =	sand.u32 $0x4000, s31;
	s1 =	sadd.s32 s1, s30  }
0xba: {  	s0 =	sor.u32 s3, s0;
	s1 =	sshll.u32 s1, $0x11  }
0xbb: {  	s0 =	sor.u32 s1, s0  }
0xbc: {  	s0 =	sadd.s32 $0x8F2B, s0  }
0xbd: {  	[sflag:s0] =	ssyncadd.remote.s32 $0x1  }
0xbe: {  	_ =	sfence.sel $0xFFFF  }
0xbf: {  	[dreg:$0x0] =	wrdreg $0xFFFFFFFF;
	(pc) =	sbr.abs _section_cstart, $3  }
0xc0: {  	[dreg:$0x1] =	wrdreg $0xFFFFFFFF  }
0xc1: {  	_ =	task.clear_ibuf [dreg:s6], $0x2FFFF;
	_ =	strace $0x9FFFFFFF  }
0xc2: {  	(tm) =	ssettm $0x7FFFFFFF  }
0xc3: {  	_ =	shalt  }
tec
execute0_lowered:
.L_overlay_start_1:
0x0: {  	(tag) =	ssettag $0x1  }
0x1: {  	s0 =	rddreg [dreg:$0x0]  }
0x2: {  	s1 =	rddreg [dreg:$0x1];
	s2 =	simm.s32 $0x0  }
0x3: {  	s21 =	srdreg.scid;
	s12 =	stileid.u32;
	s19 =	simm.s32 $0x2200  }
0x4: {  	s20 =	simm.s32 $0x5;
	s28 =	simm.s32 $0x1;
	s29 =	simm.s32 $0x2080  }
0x5: {  	s30 =	simm.s32 $0x2;
	s31 =	simm.s32 $0x2180;
	[smem:$0x7FF] =	sst s2  }
0x6: {  	s4 =	sadd.s32 $0x55800, s0;
	s5 =	sadd.s32 $0x7CA00, s0;
	s3 =	smul.u32 $0x1400, s12  }
0x7: {  	s6 =	sadd.s32 $0xADA00, s0;
	s2 =	sand.u32 $0x1, s21;
	s8 =	smul.u32 $0x50000, s12  }
0x8: {  	s7 =	sadd.s32 $0xC1A00, s0;
	s0 =	sadd.s32 $0xE9A00, s0;
	s11 =	smul.u32 $0xA000, s12  }
0x9: {  	s25 =	smul.u32 $0x2800, s12;
	_ =	strace $0x8000004A;
	[dreg:$0x3] =	wrdreg s7  }
0xa: {  	s21 =	simm.s32 $0x1000;
	s22 =	ssub.s32 $0x2, s2;
	[dreg:$0x4] =	wrdreg s0  }
0xb: {  	p0 =	sne.s32 s2, $0x0;
	s2 =	simm.s32 $0x0;
	s23 =	sshrl.u32 s22, $0x1  }
0xc: {  	s9 =	sadd.s32 s6, s3;
	s24 =	sshrl.u32 s8, $0x2;
	s11 =	sadd.s32 $0x2000, s11  }
0xd: {  	[dreg:$0x5] =	wrdreg s25;
	s25 =	simm.s32 $0x2100;
	s0 =	ssub.s32 s22, s23  }
.Ltmp0:
0xe: {  	s10 =	sadd.s32 s24, s1;
	s18 =	sadd.s32 $0x200, s9;
	(pc) =	sbr.rel .LBB2_1-.Ltmp0, $4  }
0xf: {  	s22 =	simm.s32 $0x3;
	s23 =	simm.s32 $0x80;
	s24 =	simm.s32 $0x2000  }
0x10: {  	s0 =	smax.u32 s0, $0x1;
	s26 =	sadd.s32 $0x4000, s10;
	s15 =	sadd.s32 $0x8000, s10  }
0x11: {  	s16 =	sadd.s32 $0xC000, s10;
	s17 =	sadd.s32 $0x10000, s10;
	[dreg:$0x6] =	wrdreg s0  }
0x12: {  	v0 =	vimm.f32 $0.0e+00;
	[dreg:$0x7] =	wrdreg s26;
	s26 =	simm.s32 $0x6200;
	s0 =	simm.s32 $0x4  }
.LBB2_16:
0x13: {  	s7 =	rddreg [dreg:$0x5];
	s13 =	stileid.u32  }
0x14: {  	s3 =	sadd.s32 s3, s7;
	s7 =	sshll.u32 s13, $0x6  }
0x15: {  	[bflag:$0x0] =	sbarrier.arrive $0xFFFF;
	s8 =	sshrl.u32 s10, $0x3;
	s7 =	sor.u32 $0x1C05, s7  }
0x16: {  	[hbm:s3], [sflag:s7] =	dma.local [spmem:s8], $0x2800  }
0x17: {  	_ =	swait.ge [sflag:s20], $0x2800  }
0x18: {  	s2 =	sadd.s32 $0x1, s2;
	s14 =	rddreg [dreg:$0x6]  }
0x19: {  	p1 =	sne.s32 s2, s14  }
.Ltmp1:
0x1a: {  	_ = 	snop;
	(pc) =	sbr.rel @!p1 .LBB2_17-.Ltmp1, $3  }
0x1b: {  	_ =	sdelay $0x1  }
0x1c: {  	[sflag:s20] =	ssyncset.done $0x0  }
0x1d: {  	[sflag:s20] =	ssyncadd.s32 $0xFFFFD800  }
.LBB2_1:
0x1e: {  	s3 =	simm.s32 $0x0  }
0x1f: {  	[tilespmem:s3], [sflag:$0x3] =	stream.linear.gather [hbm4b:s9+s3], $0x1000, $0x38;
	[tilespmem:$0x1E200] =	vst v63  }
0x20: {  	s7 =	simm.s32 $0x200;
	s3 =	simm.s32 $0x0  }
.LBB2_2:
0x21: {  	p1 =	sne.s32 s7, $0xFE00;
	[tilespmem:s3+$0x2270] =	vst v0  }
0x22: {  	[tilespmem:s3+$0x2200] =	vst v0  }
0x23: {  	[tilespmem:s3+$0x2210] =	vst v0  }
.Ltmp2:
0x24: {  	[tilespmem:s3+$0x2220] =	vst v0;
	(pc) =	sbr.rel @p1 .LBB2_2-.Ltmp2, $4  }
0x25: {  	[tilespmem:s3+$0x2230] =	vst v0  }
0x26: {  	[tilespmem:s3+$0x2240] =	vst v0  }
0x27: {  	[tilespmem:s3+$0x2250] =	vst v0  }
0x28: {  	[tilespmem:s3+$0x2260] =	vst v0;
	s3 =	sshra.s32 s7, $0x2;
	s7 =	sadd.s32 $0x200, s7  }
0x29: {  	[tilespmem:s3+$0x2270] =	vst v0  }
0x2a: {  	[tilespmem:s3+$0x2200] =	vst v0  }
0x2b: {  	[tilespmem:s3+$0x2210] =	vst v0  }
0x2c: {  	[tilespmem:s3+$0x2220] =	vst v0  }
0x2d: {  	[tilespmem:s3+$0x2230] =	vst v0  }
0x2e: {  	[tilespmem:s3+$0x2240] =	vst v0  }
0x2f: {  	[tilespmem:s3+$0x2250] =	vst v0  }
0x30: {  	[tilespmem:s3+$0x2260] =	vst v0  }
0x31: {  	[spmem:s10] =	stream.linear.scatter [tilespmem:s19], [sflag:$0x5], $0x4000, $0x38;
	[tilespmem:$0x1E200] =	vst v63  }
0x32: {  	_ =	swait.ge [sflag:s20], $0x4000  }
0x33: {  	[sflag:s20] =	ssyncset.done $0x0  }
0x34: {  	s14 =	rddreg [dreg:$0x7];
	[sflag:s20] =	ssyncadd.s32 $0xFFFFC000  }
0x35: {  	[spmem:s14] =	stream.linear.scatter [tilespmem:s19], [sflag:$0x5], $0x4000, $0x38;
	[tilespmem:$0x1E200] =	vst v63  }
0x36: {  	_ =	swait.ge [sflag:s20], $0x4000  }
0x37: {  	[sflag:s20] =	ssyncset.done $0x0  }
0x38: {  	[sflag:s20] =	ssyncadd.s32 $0xFFFFC000  }
0x39: {  	[spmem:s15] =	stream.linear.scatter [tilespmem:s19], [sflag:$0x5], $0x4000, $0x38;
	[tilespmem:$0x1E200] =	vst v63  }
0x3a: {  	_ =	swait.ge [sflag:s20], $0x4000  }
0x3b: {  	[sflag:s20] =	ssyncset.done $0x0  }
0x3c: {  	[sflag:s20] =	ssyncadd.s32 $0xFFFFC000  }
0x3d: {  	[spmem:s16] =	stream.linear.scatter [tilespmem:s19], [sflag:$0x5], $0x4000, $0x38;
	[tilespmem:$0x1E200] =	vst v63  }
0x3e: {  	_ =	swait.ge [sflag:s20], $0x4000  }
0x3f: {  	[sflag:s20] =	ssyncset.done $0x0  }
0x40: {  	[sflag:s20] =	ssyncadd.s32 $0xFFFFC000  }
0x41: {  	[spmem:s17] =	stream.linear.scatter [tilespmem:s19], [sflag:$0x5], $0x4000, $0x38;
	[tilespmem:$0x1E200] =	vst v63  }
.Ltmp3:
0x42: {  	_ =	swait.ge [sflag:s20], $0x4000;
	(pc) =	sbr.rel @p0 .LBB2_10-.Ltmp3, $4  }
0x43: {  	[sflag:s20] =	ssyncset.done $0x0  }
0x44: {  	[sflag:s20] =	ssyncadd.s32 $0xFFFFC000  }
0x45: {  	[bflag:$0x0] =	sbarrier.arrive $0xFFFF  }
0x46: {  	s7 =	simm.s32 $0x0;
	s8 =	simm.s32 $0x0;
	s3 =	simm.s32 $0x0  }
.LBB2_4:
0x47: {  	s3 =	sshll.u32 s8, $0xA  }
0x48: {  	s3 =	sadd.s32 s18, s3  }
0x49: {  	[tilespmem:s21], [sflag:$0x4] =	stream.linear.gather [hbm4b:s3+s7], $0x1000, $0x38;
	[tilespmem:$0x1E200] =	vst v63  }
0x4a: {  	_ =	swait.ge [sflag:s22], $0x1000  }
0x4b: {  	[sflag:s22] =	ssyncset.done $0x0  }
0x4c: {  	[sflag:s22] =	ssyncadd.s32 $0xFFFFF000  }
0x4d: {  	v1 =	vld [tilespmem:$0x0]  }
0x4e: {  	v2 =	vld [tilespmem:$0x80]  }
0x4f: {  	v3 =	vld [tilespmem:$0x10]  }
0x50: {  	v4 =	vld [tilespmem:$0x90]  }
0x51: {  	v5 =	vld [tilespmem:$0x20]  }
0x52: {  	[tilespmem:$0x2000] =	vst v1;
	v1 =	vld [tilespmem:$0xA0]  }
0x53: {  	v54 =	vld [tilespmem:$0x40];
	[tilespmem:$0x2080] =	vst v2  }
0x54: {  	v55 =	vld [tilespmem:$0xC0];
	[tilespmem:$0x2010] =	vst v3  }
0x55: {  	v2 =	vld [tilespmem:$0x30];
	[tilespmem:$0x2090] =	vst v4  }
0x56: {  	v3 =	vld [tilespmem:$0xB0];
	[tilespmem:$0x2020] =	vst v5  }
0x57: {  	[tilespmem:$0x20A0] =	vst v1;
	v1 =	vld [tilespmem:$0x50]  }
0x58: {  	v56 =	vld [tilespmem:$0xE0];
	[tilespmem:$0x2040] =	vst v54  }
0x59: {  	v57 =	vld [tilespmem:$0x70];
	[tilespmem:$0x20C0] =	vst v55  }
0x5a: {  	[tilespmem:$0x2030] =	vst v2;
	v2 =	vld [tilespmem:$0xD0]  }
0x5b: {  	[tilespmem:$0x20B0] =	vst v3;
	v3 =	vld [tilespmem:$0x60]  }
0x5c: {  	[tilespmem:$0x2050] =	vst v1;
	v1 =	vld [tilespmem:$0xF0]  }
0x5d: {  	[tilespmem:$0x20E0] =	vst v56  }
0x5e: {  	[tilespmem:$0x2070] =	vst v57  }
0x5f: {  	[tilespmem:$0x20D0] =	vst v2  }
0x60: {  	[tilespmem:$0x2060] =	vst v3  }
0x61: {  	[tilespmem:$0x20F0] =	vst v1  }
0x62: {  	[tilespmem:s19], [sflag:$0x1] =	stream.indirect.gather [hbm4b:s4+s23], $0x80, s24, s23, $0xb8;
	[tilespmem:$0x1E200] =	vst v63  }
0x63: {  	v1 =	vld [tilespmem:$0x100]  }
0x64: {  	v2 =	vld [tilespmem:$0x180]  }
0x65: {  	v3 =	vld [tilespmem:$0x110]  }
0x66: {  	v58 =	vld [tilespmem:$0x190]  }
0x67: {  	v59 =	vld [tilespmem:$0x120]  }
0x68: {  	[tilespmem:$0x2100] =	vst v1;
	v1 =	vld [tilespmem:$0x1A0]  }
0x69: {  	v60 =	vld [tilespmem:$0x140];
	[tilespmem:$0x2180] =	vst v2  }
0x6a: {  	v61 =	vld [tilespmem:$0x1C0];
	[tilespmem:$0x2110] =	vst v3  }
0x6b: {  	v2 =	vld [tilespmem:$0x130];
	[tilespmem:$0x2190] =	vst v58  }
0x6c: {  	v3 =	vld [tilespmem:$0x1B0];
	[tilespmem:$0x2120] =	vst v59  }
0x6d: {  	[tilespmem:$0x21A0] =	vst v1;
	v1 =	vld [tilespmem:$0x150]  }
0x6e: {  	v62 =	vld [tilespmem:$0x1E0];
	[tilespmem:$0x2140] =	vst v60  }
0x6f: {  	v63 =	vld [tilespmem:$0x170];
	[tilespmem:$0x21C0] =	vst v61  }
0x70: {  	[tilespmem:$0x2130] =	vst v2;
	v2 =	vld [tilespmem:$0x1D0]  }
0x71: {  	[tilespmem:$0x21B0] =	vst v3;
	v3 =	vld [tilespmem:$0x160]  }
0x72: {  	[tilespmem:$0x2150] =	vst v1;
	v1 =	vld [tilespmem:$0x1F0]  }
0x73: {  	[tilespmem:$0x21E0] =	vst v62  }
0x74: {  	[tilespmem:$0x2170] =	vst v63  }
0x75: {  	[tilespmem:$0x21D0] =	vst v2  }
0x76: {  	[tilespmem:$0x2160] =	vst v3  }
0x77: {  	[tilespmem:$0x21F0] =	vst v1  }
0x78: {  	[tilespmem:s26], [sflag:$0x2] =	stream.indirect.gather [hbm4b:s4+s23], $0x80, s25, s23, $0xb8;
	[tilespmem:$0x1E200] =	vst v63  }
0x79: {  	_ =	swait.ge [sflag:s28], $0x4000  }
0x7a: {  	[sflag:s28] =	ssyncset.done $0x0  }
0x7b: {  	[sflag:s28] =	ssyncadd.s32 $0xFFFFC000  }
0x7c: {  	[spmem:s1] =	stream.indirect.scatter.add.f32 [tilespmem:s19], [sflag:$0x5], $0x80, s29, s23, $0xb8;
	[tilespmem:$0x1E200] =	vst v63  }
0x7d: {  	_ =	swait.ge [sflag:s20], $0x4000  }
0x7e: {  	[sflag:s20] =	ssyncset.done $0x0  }
0x7f: {  	s14 =	simm.s32 $0x0;
	[sflag:s20] =	ssyncadd.s32 $0xFFFFC000  }
0x80: {  	v1 =	vld [tilespmem:s14+$0x200];
	_ =	sdelay $0x4  }
0x81: {  	[tilespmem:$0x2000] =	vst v1  }
0x82: {  	v1 =	vld [tilespmem:s14+$0x280];
	_ =	sdelay $0x4  }
0x83: {  	[tilespmem:$0x2080] =	vst v1  }
0x84: {  	v1 =	vld [tilespmem:s14+$0x210];
	_ =	sdelay $0x4  }
0x85: {  	[tilespmem:$0x2010] =	vst v1  }
0x86: {  	v1 =	vld [tilespmem:s14+$0x290];
	_ =	sdelay $0x4  }
0x87: {  	[tilespmem:$0x2090] =	vst v1  }
0x88: {  	v1 =	vld [tilespmem:s14+$0x220];
	_ =	sdelay $0x4  }
0x89: {  	[tilespmem:$0x2020] =	vst v1  }
0x8a: {  	v1 =	vld [tilespmem:s14+$0x2A0];
	_ =	sdelay $0x4  }
0x8b: {  	[tilespmem:$0x20A0] =	vst v1  }
0x8c: {  	v1 =	vld [tilespmem:s14+$0x230];
	_ =	sdelay $0x4  }
0x8d: {  	[tilespmem:$0x2030] =	vst v1  }
0x8e: {  	v1 =	vld [tilespmem:s14+$0x2B0];
	_ =	sdelay $0x4  }
0x8f: {  	[tilespmem:$0x20B0] =	vst v1  }
0x90: {  	v1 =	vld [tilespmem:s14+$0x240];
	_ =	sdelay $0x4  }
0x91: {  	[tilespmem:$0x2040] =	vst v1  }
0x92: {  	v1 =	vld [tilespmem:s14+$0x2C0];
	_ =	sdelay $0x4  }
0x93: {  	[tilespmem:$0x20C0] =	vst v1  }
0x94: {  	v1 =	vld [tilespmem:s14+$0x250];
	_ =	sdelay $0x4  }
0x95: {  	[tilespmem:$0x2050] =	vst v1  }
0x96: {  	v1 =	vld [tilespmem:s14+$0x2D0];
	_ =	sdelay $0x4  }
0x97: {  	[tilespmem:$0x20D0] =	vst v1  }
0x98: {  	v1 =	vld [tilespmem:s14+$0x260];
	_ =	sdelay $0x4  }
0x99: {  	[tilespmem:$0x2060] =	vst v1  }
0x9a: {  	v1 =	vld [tilespmem:s14+$0x2E0];
	_ =	sdelay $0x4  }
0x9b: {  	[tilespmem:$0x20E0] =	vst v1  }
0x9c: {  	v1 =	vld [tilespmem:s14+$0x270];
	_ =	sdelay $0x4  }
0x9d: {  	[tilespmem:$0x2070] =	vst v1  }
0x9e: {  	v1 =	vld [tilespmem:s14+$0x2F0];
	_ =	sdelay $0x4  }
0x9f: {  	[tilespmem:$0x20F0] =	vst v1  }
0xa0: {  	[tilespmem:s19], [sflag:$0x1] =	stream.indirect.gather [hbm4b:s4+s23], $0x80, s24, s23, $0xb8;
	[tilespmem:$0x1E200] =	vst v63  }
0xa1: {  	_ =	swait.ge [sflag:s30], $0x4000  }
0xa2: {  	[sflag:s30] =	ssyncset.done $0x0  }
0xa3: {  	[sflag:s30] =	ssyncadd.s32 $0xFFFFC000  }
0xa4: {  	[spmem:s1] =	stream.indirect.scatter.add.f32 [tilespmem:s26], [sflag:$0x5], $0x80, s31, s23, $0xb8;
	[tilespmem:$0x1E200] =	vst v63  }
0xa5: {  	_ =	swait.ge [sflag:s20], $0x4000  }
0xa6: {  	[sflag:s20] =	ssyncset.done $0x0  }
0xa7: {  	[sflag:s20] =	ssyncadd.s32 $0xFFFFC000  }
0xa8: {  	v1 =	vld [tilespmem:s14+$0x300];
	_ =	sdelay $0x4  }
0xa9: {  	[tilespmem:$0x2100] =	vst v1  }
0xaa: {  	v1 =	vld [tilespmem:s14+$0x380];
	_ =	sdelay $0x4  }
0xab: {  	[tilespmem:$0x2180] =	vst v1  }
0xac: {  	v1 =	vld [tilespmem:s14+$0x310];
	_ =	sdelay $0x4  }
0xad: {  	[tilespmem:$0x2110] =	vst v1  }
0xae: {  	v1 =	vld [tilespmem:s14+$0x390];
	_ =	sdelay $0x4  }
0xaf: {  	[tilespmem:$0x2190] =	vst v1  }
0xb0: {  	v1 =	vld [tilespmem:s14+$0x320];
	_ =	sdelay $0x4  }
0xb1: {  	[tilespmem:$0x2120] =	vst v1  }
0xb2: {  	v1 =	vld [tilespmem:s14+$0x3A0];
	_ =	sdelay $0x4  }
0xb3: {  	[tilespmem:$0x21A0] =	vst v1  }
0xb4: {  	v1 =	vld [tilespmem:s14+$0x330];
	_ =	sdelay $0x4  }
0xb5: {  	[tilespmem:$0x2130] =	vst v1  }
0xb6: {  	v1 =	vld [tilespmem:s14+$0x3B0];
	_ =	sdelay $0x4  }
0xb7: {  	[tilespmem:$0x21B0] =	vst v1  }
0xb8: {  	v1 =	vld [tilespmem:s14+$0x340];
	_ =	sdelay $0x4  }
0xb9: {  	[tilespmem:$0x2140] =	vst v1  }
0xba: {  	v1 =	vld [tilespmem:s14+$0x3C0];
	_ =	sdelay $0x4  }
0xbb: {  	[tilespmem:$0x21C0] =	vst v1  }
0xbc: {  	v1 =	vld [tilespmem:s14+$0x350];
	_ =	sdelay $0x4  }
0xbd: {  	[tilespmem:$0x2150] =	vst v1  }
0xbe: {  	v1 =	vld [tilespmem:s14+$0x3D0];
	_ =	sdelay $0x4  }
0xbf: {  	[tilespmem:$0x21D0] =	vst v1  }
0xc0: {  	v1 =	vld [tilespmem:s14+$0x360];
	_ =	sdelay $0x4  }
0xc1: {  	[tilespmem:$0x2160] =	vst v1  }
0xc2: {  	v1 =	vld [tilespmem:s14+$0x3E0];
	_ =	sdelay $0x4  }
0xc3: {  	[tilespmem:$0x21E0] =	vst v1  }
0xc4: {  	v1 =	vld [tilespmem:s14+$0x370];
	_ =	sdelay $0x4  }
0xc5: {  	[tilespmem:$0x2170] =	vst v1  }
0xc6: {  	v1 =	vld [tilespmem:s14+$0x3F0];
	_ =	sdelay $0x4  }
0xc7: {  	[tilespmem:$0x21F0] =	vst v1  }
0xc8: {  	[tilespmem:s26], [sflag:$0x2] =	stream.indirect.gather [hbm4b:s4+s23], $0x80, s25, s23, $0xb8;
	[tilespmem:$0x1E200] =	vst v63  }
0xc9: {  	_ =	swait.ge [sflag:s28], $0x4000  }
0xca: {  	[sflag:s28] =	ssyncset.done $0x0  }
0xcb: {  	[sflag:s28] =	ssyncadd.s32 $0xFFFFC000  }
0xcc: {  	[spmem:s1] =	stream.indirect.scatter.add.f32 [tilespmem:s19], [sflag:$0x5], $0x80, s29, s23, $0xb8;
	[tilespmem:$0x1E200] =	vst v63  }
0xcd: {  	_ =	swait.ge [sflag:s20], $0x4000  }
0xce: {  	s12 =	simm.s32 $0x1000;
	s3 =	simm.s32 $0x800;
	[sflag:s20] =	ssyncset.done $0x0  }
.LBB2_5:
0xcf: {  	s13 =	sshra.s32 s3, $0x2  }
0xd0: {  	[sflag:s20] =	ssyncadd.s32 $0xFFFFC000;
	s3 =	smov.u32 s12;
	s14 =	sadd.s32 $0x800, s12  }
0xd1: {  	p1 =	sne.s32 s12, $0x3000;
	v1 =	vld [tilespmem:s13+$0x200];
	_ =	sdelay $0x4  }
0xd2: {  	[tilespmem:$0x2000] =	vst v1  }
0xd3: {  	v1 =	vld [tilespmem:s13+$0x280];
	_ =	sdelay $0x4  }
0xd4: {  	[tilespmem:$0x2080] =	vst v1  }
0xd5: {  	v1 =	vld [tilespmem:s13+$0x210];
	_ =	sdelay $0x4  }
0xd6: {  	[tilespmem:$0x2010] =	vst v1  }
0xd7: {  	v1 =	vld [tilespmem:s13+$0x290];
	_ =	sdelay $0x4  }
0xd8: {  	[tilespmem:$0x2090] =	vst v1  }
0xd9: {  	v1 =	vld [tilespmem:s13+$0x220];
	_ =	sdelay $0x4  }
0xda: {  	[tilespmem:$0x2020] =	vst v1  }
0xdb: {  	v1 =	vld [tilespmem:s13+$0x2A0];
	_ =	sdelay $0x4  }
0xdc: {  	[tilespmem:$0x20A0] =	vst v1  }
0xdd: {  	v1 =	vld [tilespmem:s13+$0x230];
	_ =	sdelay $0x4  }
0xde: {  	[tilespmem:$0x2030] =	vst v1  }
0xdf: {  	v1 =	vld [tilespmem:s13+$0x2B0];
	_ =	sdelay $0x4  }
0xe0: {  	[tilespmem:$0x20B0] =	vst v1  }
0xe1: {  	v1 =	vld [tilespmem:s13+$0x240];
	_ =	sdelay $0x4  }
0xe2: {  	[tilespmem:$0x2040] =	vst v1  }
0xe3: {  	v1 =	vld [tilespmem:s13+$0x2C0];
	_ =	sdelay $0x4  }
0xe4: {  	[tilespmem:$0x20C0] =	vst v1  }
0xe5: {  	v1 =	vld [tilespmem:s13+$0x250];
	_ =	sdelay $0x4  }
0xe6: {  	[tilespmem:$0x2050] =	vst v1  }
0xe7: {  	v1 =	vld [tilespmem:s13+$0x2D0];
	_ =	sdelay $0x4  }
0xe8: {  	[tilespmem:$0x20D0] =	vst v1  }
0xe9: {  	v1 =	vld [tilespmem:s13+$0x260];
	_ =	sdelay $0x4  }
0xea: {  	[tilespmem:$0x2060] =	vst v1  }
0xeb: {  	v1 =	vld [tilespmem:s13+$0x2E0];
	_ =	sdelay $0x4  }
0xec: {  	[tilespmem:$0x20E0] =	vst v1  }
0xed: {  	v1 =	vld [tilespmem:s13+$0x270];
	_ =	sdelay $0x4  }
0xee: {  	[tilespmem:$0x2070] =	vst v1  }
0xef: {  	v1 =	vld [tilespmem:s13+$0x2F0];
	_ =	sdelay $0x4  }
0xf0: {  	[tilespmem:$0x20F0] =	vst v1  }
0xf1: {  	[tilespmem:s19], [sflag:$0x1] =	stream.indirect.gather [hbm4b:s4+s23], $0x80, s24, s23, $0xb8;
	[tilespmem:$0x1E200] =	vst v63  }
0xf2: {  	_ =	swait.ge [sflag:s30], $0x4000  }
0xf3: {  	[sflag:s30] =	ssyncset.done $0x0  }
0xf4: {  	[sflag:s30] =	ssyncadd.s32 $0xFFFFC000  }
0xf5: {  	[spmem:s1] =	stream.indirect.scatter.add.f32 [tilespmem:s26], [sflag:$0x5], $0x80, s31, s23, $0xb8;
	[tilespmem:$0x1E200] =	vst v63  }
0xf6: {  	_ =	swait.ge [sflag:s20], $0x4000  }
0xf7: {  	[sflag:s20] =	ssyncset.done $0x0  }
0xf8: {  	[sflag:s20] =	ssyncadd.s32 $0xFFFFC000  }
0xf9: {  	v1 =	vld [tilespmem:s13+$0x300];
	_ =	sdelay $0x4  }
0xfa: {  	[tilespmem:$0x2100] =	vst v1  }
0xfb: {  	v1 =	vld [tilespmem:s13+$0x380];
	_ =	sdelay $0x4  }
0xfc: {  	[tilespmem:$0x2180] =	vst v1  }
0xfd: {  	v1 =	vld [tilespmem:s13+$0x310];
	_ =	sdelay $0x4  }
0xfe: {  	[tilespmem:$0x2110] =	vst v1  }
0xff: {  	v1 =	vld [tilespmem:s13+$0x390];
	_ =	sdelay $0x4  }
0x100: {  	[tilespmem:$0x2190] =	vst v1  }
0x101: {  	v1 =	vld [tilespmem:s13+$0x320];
	_ =	sdelay $0x4  }
0x102: {  	[tilespmem:$0x2120] =	vst v1  }
0x103: {  	v1 =	vld [tilespmem:s13+$0x3A0];
	_ =	sdelay $0x4  }
0x104: {  	[tilespmem:$0x21A0] =	vst v1  }
0x105: {  	v1 =	vld [tilespmem:s13+$0x330];
	_ =	sdelay $0x4  }
0x106: {  	[tilespmem:$0x2130] =	vst v1  }
0x107: {  	v1 =	vld [tilespmem:s13+$0x3B0];
	_ =	sdelay $0x4  }
0x108: {  	[tilespmem:$0x21B0] =	vst v1  }
0x109: {  	v1 =	vld [tilespmem:s13+$0x340];
	_ =	sdelay $0x4  }
0x10a: {  	[tilespmem:$0x2140] =	vst v1  }
0x10b: {  	v1 =	vld [tilespmem:s13+$0x3C0];
	_ =	sdelay $0x4  }
0x10c: {  	[tilespmem:$0x21C0] =	vst v1  }
0x10d: {  	v1 =	vld [tilespmem:s13+$0x350];
	_ =	sdelay $0x4  }
0x10e: {  	[tilespmem:$0x2150] =	vst v1  }
0x10f: {  	v1 =	vld [tilespmem:s13+$0x3D0];
	_ =	sdelay $0x4  }
0x110: {  	[tilespmem:$0x21D0] =	vst v1  }
0x111: {  	v1 =	vld [tilespmem:s13+$0x360];
	_ =	sdelay $0x4  }
0x112: {  	[tilespmem:$0x2160] =	vst v1  }
0x113: {  	v1 =	vld [tilespmem:s13+$0x3E0];
	_ =	sdelay $0x4  }
0x114: {  	[tilespmem:$0x21E0] =	vst v1  }
0x115: {  	v1 =	vld [tilespmem:s13+$0x370];
	_ =	sdelay $0x4  }
0x116: {  	[tilespmem:$0x2170] =	vst v1  }
0x117: {  	v1 =	vld [tilespmem:s13+$0x3F0];
	_ =	sdelay $0x4  }
0x118: {  	[tilespmem:$0x21F0] =	vst v1  }
0x119: {  	[tilespmem:s26], [sflag:$0x2] =	stream.indirect.gather [hbm4b:s4+s23], $0x80, s25, s23, $0xb8;
	[tilespmem:$0x1E200] =	vst v63  }
0x11a: {  	_ =	swait.ge [sflag:s28], $0x4000  }
.Ltmp4:
0x11b: {  	[sflag:s28] =	ssyncset.done $0x0;
	(pc) =	sbr.rel @p1 .LBB2_5-.Ltmp4, $4  }
0x11c: {  	[sflag:s28] =	ssyncadd.s32 $0xFFFFC000  }
0x11d: {  	[spmem:s1] =	stream.indirect.scatter.add.f32 [tilespmem:s19], [sflag:$0x5], $0x80, s29, s23, $0xb8;
	[tilespmem:$0x1E200] =	vst v63  }
0x11e: {  	_ =	swait.ge [sflag:s20], $0x4000  }
0x11f: {  	s12 =	smov.u32 s14;
	[sflag:s20] =	ssyncset.done $0x0  }
0x120: {  	s3 =	sshra.s32 s3, $0x2;
	[sflag:s20] =	ssyncadd.s32 $0xFFFFC000  }
0x121: {  	v1 =	vld [tilespmem:s3+$0x200];
	_ =	sdelay $0x4  }
0x122: {  	[tilespmem:$0x2000] =	vst v1  }
0x123: {  	v1 =	vld [tilespmem:s3+$0x280];
	_ =	sdelay $0x4  }
0x124: {  	[tilespmem:$0x2080] =	vst v1  }
0x125: {  	v1 =	vld [tilespmem:s3+$0x210];
	_ =	sdelay $0x4  }
0x126: {  	[tilespmem:$0x2010] =	vst v1  }
0x127: {  	v1 =	vld [tilespmem:s3+$0x290];
	_ =	sdelay $0x4  }
0x128: {  	[tilespmem:$0x2090] =	vst v1  }
0x129: {  	v1 =	vld [tilespmem:s3+$0x220];
	_ =	sdelay $0x4  }
0x12a: {  	[tilespmem:$0x2020] =	vst v1  }
0x12b: {  	v1 =	vld [tilespmem:s3+$0x2A0];
	_ =	sdelay $0x4  }
0x12c: {  	[tilespmem:$0x20A0] =	vst v1  }
0x12d: {  	v1 =	vld [tilespmem:s3+$0x230];
	_ =	sdelay $0x4  }
0x12e: {  	[tilespmem:$0x2030] =	vst v1  }
0x12f: {  	v1 =	vld [tilespmem:s3+$0x2B0];
	_ =	sdelay $0x4  }
0x130: {  	[tilespmem:$0x20B0] =	vst v1  }
0x131: {  	v1 =	vld [tilespmem:s3+$0x240];
	_ =	sdelay $0x4  }
0x132: {  	[tilespmem:$0x2040] =	vst v1  }
0x133: {  	v1 =	vld [tilespmem:s3+$0x2C0];
	_ =	sdelay $0x4  }
0x134: {  	[tilespmem:$0x20C0] =	vst v1  }
0x135: {  	v1 =	vld [tilespmem:s3+$0x250];
	_ =	sdelay $0x4  }
0x136: {  	[tilespmem:$0x2050] =	vst v1  }
0x137: {  	v1 =	vld [tilespmem:s3+$0x2D0];
	_ =	sdelay $0x4  }
0x138: {  	[tilespmem:$0x20D0] =	vst v1  }
0x139: {  	v1 =	vld [tilespmem:s3+$0x260];
	_ =	sdelay $0x4  }
0x13a: {  	[tilespmem:$0x2060] =	vst v1  }
0x13b: {  	v1 =	vld [tilespmem:s3+$0x2E0];
	_ =	sdelay $0x4  }
0x13c: {  	[tilespmem:$0x20E0] =	vst v1  }
0x13d: {  	v1 =	vld [tilespmem:s3+$0x270];
	_ =	sdelay $0x4  }
0x13e: {  	[tilespmem:$0x2070] =	vst v1  }
0x13f: {  	v1 =	vld [tilespmem:s3+$0x2F0];
	_ =	sdelay $0x4  }
0x140: {  	[tilespmem:$0x20F0] =	vst v1  }
0x141: {  	[tilespmem:s19], [sflag:$0x1] =	stream.indirect.gather [hbm4b:s4+s23], $0x80, s24, s23, $0xb8;
	[tilespmem:$0x1E200] =	vst v63  }
0x142: {  	_ =	swait.ge [sflag:s30], $0x4000  }
0x143: {  	[sflag:s30] =	ssyncset.done $0x0  }
0x144: {  	[sflag:s30] =	ssyncadd.s32 $0xFFFFC000  }
0x145: {  	[spmem:s1] =	stream.indirect.scatter.add.f32 [tilespmem:s26], [sflag:$0x5], $0x80, s31, s23, $0xb8;
	[tilespmem:$0x1E200] =	vst v63  }
0x146: {  	_ =	swait.ge [sflag:s20], $0x4000  }
0x147: {  	[sflag:s20] =	ssyncset.done $0x0  }
0x148: {  	[sflag:s20] =	ssyncadd.s32 $0xFFFFC000  }
0x149: {  	v1 =	vld [tilespmem:s3+$0x300];
	_ =	sdelay $0x4  }
0x14a: {  	[tilespmem:$0x2100] =	vst v1  }
0x14b: {  	v1 =	vld [tilespmem:s3+$0x380];
	_ =	sdelay $0x4  }
0x14c: {  	[tilespmem:$0x2180] =	vst v1  }
0x14d: {  	v1 =	vld [tilespmem:s3+$0x310];
	_ =	sdelay $0x4  }
0x14e: {  	[tilespmem:$0x2110] =	vst v1  }
0x14f: {  	v1 =	vld [tilespmem:s3+$0x390];
	_ =	sdelay $0x4  }
0x150: {  	[tilespmem:$0x2190] =	vst v1  }
0x151: {  	v1 =	vld [tilespmem:s3+$0x320];
	_ =	sdelay $0x4  }
0x152: {  	[tilespmem:$0x2120] =	vst v1  }
0x153: {  	v1 =	vld [tilespmem:s3+$0x3A0];
	_ =	sdelay $0x4  }
0x154: {  	[tilespmem:$0x21A0] =	vst v1  }
0x155: {  	v1 =	vld [tilespmem:s3+$0x330];
	_ =	sdelay $0x4  }
0x156: {  	[tilespmem:$0x2130] =	vst v1  }
0x157: {  	v1 =	vld [tilespmem:s3+$0x3B0];
	_ =	sdelay $0x4  }
0x158: {  	[tilespmem:$0x21B0] =	vst v1  }
0x159: {  	v1 =	vld [tilespmem:s3+$0x340];
	_ =	sdelay $0x4  }
0x15a: {  	[tilespmem:$0x2140] =	vst v1  }
0x15b: {  	v1 =	vld [tilespmem:s3+$0x3C0];
	_ =	sdelay $0x4  }
0x15c: {  	[tilespmem:$0x21C0] =	vst v1  }
0x15d: {  	v1 =	vld [tilespmem:s3+$0x350];
	_ =	sdelay $0x4  }
0x15e: {  	[tilespmem:$0x2150] =	vst v1  }
0x15f: {  	v1 =	vld [tilespmem:s3+$0x3D0];
	_ =	sdelay $0x4  }
0x160: {  	[tilespmem:$0x21D0] =	vst v1  }
0x161: {  	v1 =	vld [tilespmem:s3+$0x360];
	_ =	sdelay $0x4  }
0x162: {  	[tilespmem:$0x2160] =	vst v1  }
0x163: {  	v1 =	vld [tilespmem:s3+$0x3E0];
	_ =	sdelay $0x4  }
0x164: {  	[tilespmem:$0x21E0] =	vst v1  }
0x165: {  	v1 =	vld [tilespmem:s3+$0x370];
	_ =	sdelay $0x4  }
0x166: {  	[tilespmem:$0x2170] =	vst v1  }
0x167: {  	v1 =	vld [tilespmem:s3+$0x3F0];
	_ =	sdelay $0x4  }
0x168: {  	[tilespmem:$0x21F0] =	vst v1  }
0x169: {  	[tilespmem:s26], [sflag:$0x2] =	stream.indirect.gather [hbm4b:s4+s23], $0x80, s25, s23, $0xb8;
	[tilespmem:$0x1E200] =	vst v63  }
0x16a: {  	_ =	swait.ge [sflag:s28], $0x4000  }
0x16b: {  	[sflag:s28] =	ssyncset.done $0x0  }
0x16c: {  	[sflag:s28] =	ssyncadd.s32 $0xFFFFC000  }
0x16d: {  	[spmem:s1] =	stream.indirect.scatter.add.f32 [tilespmem:s19], [sflag:$0x5], $0x80, s29, s23, $0xb8;
	[tilespmem:$0x1E200] =	vst v63  }
0x16e: {  	_ =	swait.ge [sflag:s20], $0x4000  }
0x16f: {  	[sflag:s20] =	ssyncset.done $0x0  }
0x170: {  	[sflag:s20] =	ssyncadd.s32 $0xFFFFC000  }
0x171: {  	_ =	swait.ge [sflag:s30], $0x4000  }
0x172: {  	p1 =	seq.s32 s8, $0x4;
	[sflag:s30] =	ssyncset.done $0x0  }
0x173: {  	s3 =	sshll.u32 @!p1 s8, $0xD;
	[sflag:s30] =	ssyncadd.s32 $0xFFFFC000  }
0x174: {  	[spmem:s1] =	stream.indirect.scatter.add.f32 [tilespmem:s26], [sflag:$0x5], $0x80, s31, s23, $0xb8;
	[tilespmem:$0x1E200] =	vst v63  }
0x175: {  	s3 =	sadd.s32 @!p1 s3, s11;
	_ =	swait.ge [sflag:s20], $0x4000  }
0x176: {  	s3 =	sshrl.u32 @!p1 s3, $0x3;
	[sflag:s20] =	ssyncset.done $0x0  }
0x177: {  	s12 =	simm.s32 @!p1 $0x0;
	s3 =	sadd.s32 @!p1 s6, s3;
	[sflag:s20] =	ssyncadd.s32 $0xFFFFC000  }
0x178: {  	[tilespmem:s12], [sflag:$0x3] =	stream.linear.gather @!p1 [hbm4b:s3+s12], $0x1000, $0x38;
	[tilespmem:$0x1E200] =	vst v63  }
0x179: {  	_ =	swait.ge [sflag:s0], $0x1000  }
0x17a: {  	[sflag:s0] =	ssyncset.done $0x0  }
0x17b: {  	[sflag:s0] =	ssyncadd.s32 $0xFFFFF000  }
0x17c: {  	v1 =	vld [tilespmem:$0x1000]  }
0x17d: {  	v2 =	vld [tilespmem:$0x1080]  }
0x17e: {  	v3 =	vld [tilespmem:$0x1010]  }
0x17f: {  	v4 =	vld [tilespmem:$0x1090]  }
0x180: {  	v5 =	vld [tilespmem:$0x1020]  }
0x181: {  	[tilespmem:$0x2000] =	vst v1;
	v1 =	vld [tilespmem:$0x10A0]  }
0x182: {  	v54 =	vld [tilespmem:$0x1040];
	[tilespmem:$0x2080] =	vst v2  }
0x183: {  	v55 =	vld [tilespmem:$0x10C0];
	[tilespmem:$0x2010] =	vst v3  }
0x184: {  	v2 =	vld [tilespmem:$0x1030];
	[tilespmem:$0x2090] =	vst v4  }
0x185: {  	v3 =	vld [tilespmem:$0x10B0];
	[tilespmem:$0x2020] =	vst v5  }
0x186: {  	[tilespmem:$0x20A0] =	vst v1;
	v1 =	vld [tilespmem:$0x1050]  }
0x187: {  	v56 =	vld [tilespmem:$0x10E0];
	[tilespmem:$0x2040] =	vst v54  }
0x188: {  	v57 =	vld [tilespmem:$0x1070];
	[tilespmem:$0x20C0] =	vst v55  }
0x189: {  	[tilespmem:$0x2030] =	vst v2;
	v2 =	vld [tilespmem:$0x10D0]  }
0x18a: {  	[tilespmem:$0x20B0] =	vst v3;
	v3 =	vld [tilespmem:$0x1060]  }
0x18b: {  	[tilespmem:$0x2050] =	vst v1;
	v1 =	vld [tilespmem:$0x10F0]  }
0x18c: {  	[tilespmem:$0x20E0] =	vst v56  }
0x18d: {  	[tilespmem:$0x2070] =	vst v57  }
0x18e: {  	[tilespmem:$0x20D0] =	vst v2  }
0x18f: {  	[tilespmem:$0x2060] =	vst v3  }
0x190: {  	[tilespmem:$0x20F0] =	vst v1  }
0x191: {  	[tilespmem:s19], [sflag:$0x1] =	stream.indirect.gather [hbm4b:s4+s23], $0x80, s24, s23, $0xb8;
	[tilespmem:$0x1E200] =	vst v63  }
0x192: {  	v1 =	vld [tilespmem:$0x1100]  }
0x193: {  	v2 =	vld [tilespmem:$0x1180]  }
0x194: {  	v3 =	vld [tilespmem:$0x1110]  }
0x195: {  	v58 =	vld [tilespmem:$0x1190]  }
0x196: {  	v59 =	vld [tilespmem:$0x1120]  }
0x197: {  	[tilespmem:$0x2100] =	vst v1;
	v1 =	vld [tilespmem:$0x11A0]  }
0x198: {  	v60 =	vld [tilespmem:$0x1140];
	[tilespmem:$0x2180] =	vst v2  }
0x199: {  	v61 =	vld [tilespmem:$0x11C0];
	[tilespmem:$0x2110] =	vst v3  }
0x19a: {  	v2 =	vld [tilespmem:$0x1130];
	[tilespmem:$0x2190] =	vst v58  }
0x19b: {  	v3 =	vld [tilespmem:$0x11B0];
	[tilespmem:$0x2120] =	vst v59  }
0x19c: {  	[tilespmem:$0x21A0] =	vst v1;
	v1 =	vld [tilespmem:$0x1150]  }
0x19d: {  	v62 =	vld [tilespmem:$0x11E0];
	[tilespmem:$0x2140] =	vst v60  }
0x19e: {  	v63 =	vld [tilespmem:$0x1170];
	[tilespmem:$0x21C0] =	vst v61  }
0x19f: {  	[tilespmem:$0x2130] =	vst v2;
	v2 =	vld [tilespmem:$0x11D0]  }
0x1a0: {  	[tilespmem:$0x21B0] =	vst v3;
	v3 =	vld [tilespmem:$0x1160]  }
0x1a1: {  	[tilespmem:$0x2150] =	vst v1;
	v1 =	vld [tilespmem:$0x11F0]  }
0x1a2: {  	[tilespmem:$0x21E0] =	vst v62  }
0x1a3: {  	[tilespmem:$0x2170] =	vst v63  }
0x1a4: {  	[tilespmem:$0x21D0] =	vst v2  }
0x1a5: {  	[tilespmem:$0x2160] =	vst v3  }
0x1a6: {  	[tilespmem:$0x21F0] =	vst v1  }
0x1a7: {  	[tilespmem:s26], [sflag:$0x2] =	stream.indirect.gather [hbm4b:s4+s23], $0x80, s25, s23, $0xb8;
	[tilespmem:$0x1E200] =	vst v63  }
0x1a8: {  	_ =	swait.ge [sflag:s28], $0x4000  }
0x1a9: {  	[sflag:s28] =	ssyncset.done $0x0  }
0x1aa: {  	[sflag:s28] =	ssyncadd.s32 $0xFFFFC000  }
0x1ab: {  	[spmem:s1] =	stream.indirect.scatter.add.f32 [tilespmem:s19], [sflag:$0x5], $0x80, s29, s23, $0xb8;
	[tilespmem:$0x1E200] =	vst v63  }
0x1ac: {  	_ =	swait.ge [sflag:s20], $0x4000  }
0x1ad: {  	[sflag:s20] =	ssyncset.done $0x0  }
0x1ae: {  	s14 =	simm.s32 $0x0;
	[sflag:s20] =	ssyncadd.s32 $0xFFFFC000  }
0x1af: {  	v1 =	vld [tilespmem:s14+$0x1200];
	_ =	sdelay $0x4  }
0x1b0: {  	[tilespmem:$0x2000] =	vst v1  }
0x1b1: {  	v1 =	vld [tilespmem:s14+$0x1280];
	_ =	sdelay $0x4  }
0x1b2: {  	[tilespmem:$0x2080] =	vst v1  }
0x1b3: {  	v1 =	vld [tilespmem:s14+$0x1210];
	_ =	sdelay $0x4  }
0x1b4: {  	[tilespmem:$0x2010] =	vst v1  }
0x1b5: {  	v1 =	vld [tilespmem:s14+$0x1290];
	_ =	sdelay $0x4  }
0x1b6: {  	[tilespmem:$0x2090] =	vst v1  }
0x1b7: {  	v1 =	vld [tilespmem:s14+$0x1220];
	_ =	sdelay $0x4  }
0x1b8: {  	[tilespmem:$0x2020] =	vst v1  }
0x1b9: {  	v1 =	vld [tilespmem:s14+$0x12A0];
	_ =	sdelay $0x4  }
0x1ba: {  	[tilespmem:$0x20A0] =	vst v1  }
0x1bb: {  	v1 =	vld [tilespmem:s14+$0x1230];
	_ =	sdelay $0x4  }
0x1bc: {  	[tilespmem:$0x2030] =	vst v1  }
0x1bd: {  	v1 =	vld [tilespmem:s14+$0x12B0];
	_ =	sdelay $0x4  }
0x1be: {  	[tilespmem:$0x20B0] =	vst v1  }
0x1bf: {  	v1 =	vld [tilespmem:s14+$0x1240];
	_ =	sdelay $0x4  }
0x1c0: {  	[tilespmem:$0x2040] =	vst v1  }
0x1c1: {  	v1 =	vld [tilespmem:s14+$0x12C0];
	_ =	sdelay $0x4  }
0x1c2: {  	[tilespmem:$0x20C0] =	vst v1  }
0x1c3: {  	v1 =	vld [tilespmem:s14+$0x1250];
	_ =	sdelay $0x4  }
0x1c4: {  	[tilespmem:$0x2050] =	vst v1  }
0x1c5: {  	v1 =	vld [tilespmem:s14+$0x12D0];
	_ =	sdelay $0x4  }
0x1c6: {  	[tilespmem:$0x20D0] =	vst v1  }
0x1c7: {  	v1 =	vld [tilespmem:s14+$0x1260];
	_ =	sdelay $0x4  }
0x1c8: {  	[tilespmem:$0x2060] =	vst v1  }
0x1c9: {  	v1 =	vld [tilespmem:s14+$0x12E0];
	_ =	sdelay $0x4  }
0x1ca: {  	[tilespmem:$0x20E0] =	vst v1  }
0x1cb: {  	v1 =	vld [tilespmem:s14+$0x1270];
	_ =	sdelay $0x4  }
0x1cc: {  	[tilespmem:$0x2070] =	vst v1  }
0x1cd: {  	v1 =	vld [tilespmem:s14+$0x12F0];
	_ =	sdelay $0x4  }
0x1ce: {  	[tilespmem:$0x20F0] =	vst v1  }
0x1cf: {  	[tilespmem:s19], [sflag:$0x1] =	stream.indirect.gather [hbm4b:s4+s23], $0x80, s24, s23, $0xb8;
	[tilespmem:$0x1E200] =	vst v63  }
0x1d0: {  	_ =	swait.ge [sflag:s30], $0x4000  }
0x1d1: {  	[sflag:s30] =	ssyncset.done $0x0  }
0x1d2: {  	[sflag:s30] =	ssyncadd.s32 $0xFFFFC000  }
0x1d3: {  	[spmem:s1] =	stream.indirect.scatter.add.f32 [tilespmem:s26], [sflag:$0x5], $0x80, s31, s23, $0xb8;
	[tilespmem:$0x1E200] =	vst v63  }
0x1d4: {  	_ =	swait.ge [sflag:s20], $0x4000  }
0x1d5: {  	[sflag:s20] =	ssyncset.done $0x0  }
0x1d6: {  	[sflag:s20] =	ssyncadd.s32 $0xFFFFC000  }
0x1d7: {  	v1 =	vld [tilespmem:s14+$0x1300];
	_ =	sdelay $0x4  }
0x1d8: {  	[tilespmem:$0x2100] =	vst v1  }
0x1d9: {  	v1 =	vld [tilespmem:s14+$0x1380];
	_ =	sdelay $0x4  }
0x1da: {  	[tilespmem:$0x2180] =	vst v1  }
0x1db: {  	v1 =	vld [tilespmem:s14+$0x1310];
	_ =	sdelay $0x4  }
0x1dc: {  	[tilespmem:$0x2110] =	vst v1  }
0x1dd: {  	v1 =	vld [tilespmem:s14+$0x1390];
	_ =	sdelay $0x4  }
0x1de: {  	[tilespmem:$0x2190] =	vst v1  }
0x1df: {  	v1 =	vld [tilespmem:s14+$0x1320];
	_ =	sdelay $0x4  }
0x1e0: {  	[tilespmem:$0x2120] =	vst v1  }
0x1e1: {  	v1 =	vld [tilespmem:s14+$0x13A0];
	_ =	sdelay $0x4  }
0x1e2: {  	[tilespmem:$0x21A0] =	vst v1  }
0x1e3: {  	v1 =	vld [tilespmem:s14+$0x1330];
	_ =	sdelay $0x4  }
0x1e4: {  	[tilespmem:$0x2130] =	vst v1  }
0x1e5: {  	v1 =	vld [tilespmem:s14+$0x13B0];
	_ =	sdelay $0x4  }
0x1e6: {  	[tilespmem:$0x21B0] =	vst v1  }
0x1e7: {  	v1 =	vld [tilespmem:s14+$0x1340];
	_ =	sdelay $0x4  }
0x1e8: {  	[tilespmem:$0x2140] =	vst v1  }
0x1e9: {  	v1 =	vld [tilespmem:s14+$0x13C0];
	_ =	sdelay $0x4  }
0x1ea: {  	[tilespmem:$0x21C0] =	vst v1  }
0x1eb: {  	v1 =	vld [tilespmem:s14+$0x1350];
	_ =	sdelay $0x4  }
0x1ec: {  	[tilespmem:$0x2150] =	vst v1  }
0x1ed: {  	v1 =	vld [tilespmem:s14+$0x13D0];
	_ =	sdelay $0x4  }
0x1ee: {  	[tilespmem:$0x21D0] =	vst v1  }
0x1ef: {  	v1 =	vld [tilespmem:s14+$0x1360];
	_ =	sdelay $0x4  }
0x1f0: {  	[tilespmem:$0x2160] =	vst v1  }
0x1f1: {  	v1 =	vld [tilespmem:s14+$0x13E0];
	_ =	sdelay $0x4  }
0x1f2: {  	[tilespmem:$0x21E0] =	vst v1  }
0x1f3: {  	v1 =	vld [tilespmem:s14+$0x1370];
	_ =	sdelay $0x4  }
0x1f4: {  	[tilespmem:$0x2170] =	vst v1  }
0x1f5: {  	v1 =	vld [tilespmem:s14+$0x13F0];
	_ =	sdelay $0x4  }
0x1f6: {  	[tilespmem:$0x21F0] =	vst v1  }
0x1f7: {  	[tilespmem:s26], [sflag:$0x2] =	stream.indirect.gather [hbm4b:s4+s23], $0x80, s25, s23, $0xb8;
	[tilespmem:$0x1E200] =	vst v63  }
0x1f8: {  	_ =	swait.ge [sflag:s28], $0x4000  }
0x1f9: {  	[sflag:s28] =	ssyncset.done $0x0  }
0x1fa: {  	[sflag:s28] =	ssyncadd.s32 $0xFFFFC000  }
0x1fb: {  	[spmem:s1] =	stream.indirect.scatter.add.f32 [tilespmem:s19], [sflag:$0x5], $0x80, s29, s23, $0xb8;
	[tilespmem:$0x1E200] =	vst v63  }
0x1fc: {  	_ =	swait.ge [sflag:s20], $0x4000  }
0x1fd: {  	s3 =	simm.s32 $0x800;
	s14 =	simm.s32 $0x1000;
	[sflag:s20] =	ssyncset.done $0x0  }
.LBB2_7:
0x1fe: {  	s13 =	sshra.s32 s3, $0x2  }
0x1ff: {  	[sflag:s20] =	ssyncadd.s32 $0xFFFFC000;
	s3 =	smov.u32 s14;
	s12 =	sadd.s32 $0x800, s14  }
0x200: {  	p1 =	sne.s32 s14, $0x3000;
	v1 =	vld [tilespmem:s13+$0x1200];
	_ =	sdelay $0x4  }
0x201: {  	[tilespmem:$0x2000] =	vst v1  }
0x202: {  	v1 =	vld [tilespmem:s13+$0x1280];
	_ =	sdelay $0x4  }
0x203: {  	[tilespmem:$0x2080] =	vst v1  }
0x204: {  	v1 =	vld [tilespmem:s13+$0x1210];
	_ =	sdelay $0x4  }
0x205: {  	[tilespmem:$0x2010] =	vst v1  }
0x206: {  	v1 =	vld [tilespmem:s13+$0x1290];
	_ =	sdelay $0x4  }
0x207: {  	[tilespmem:$0x2090] =	vst v1  }
0x208: {  	v1 =	vld [tilespmem:s13+$0x1220];
	_ =	sdelay $0x4  }
0x209: {  	[tilespmem:$0x2020] =	vst v1  }
0x20a: {  	v1 =	vld [tilespmem:s13+$0x12A0];
	_ =	sdelay $0x4  }
0x20b: {  	[tilespmem:$0x20A0] =	vst v1  }
0x20c: {  	v1 =	vld [tilespmem:s13+$0x1230];
	_ =	sdelay $0x4  }
0x20d: {  	[tilespmem:$0x2030] =	vst v1  }
0x20e: {  	v1 =	vld [tilespmem:s13+$0x12B0];
	_ =	sdelay $0x4  }
0x20f: {  	[tilespmem:$0x20B0] =	vst v1  }
0x210: {  	v1 =	vld [tilespmem:s13+$0x1240];
	_ =	sdelay $0x4  }
0x211: {  	[tilespmem:$0x2040] =	vst v1  }
0x212: {  	v1 =	vld [tilespmem:s13+$0x12C0];
	_ =	sdelay $0x4  }
0x213: {  	[tilespmem:$0x20C0] =	vst v1  }
0x214: {  	v1 =	vld [tilespmem:s13+$0x1250];
	_ =	sdelay $0x4  }
0x215: {  	[tilespmem:$0x2050] =	vst v1  }
0x216: {  	v1 =	vld [tilespmem:s13+$0x12D0];
	_ =	sdelay $0x4  }
0x217: {  	[tilespmem:$0x20D0] =	vst v1  }
0x218: {  	v1 =	vld [tilespmem:s13+$0x1260];
	_ =	sdelay $0x4  }
0x219: {  	[tilespmem:$0x2060] =	vst v1  }
0x21a: {  	v1 =	vld [tilespmem:s13+$0x12E0];
	_ =	sdelay $0x4  }
0x21b: {  	[tilespmem:$0x20E0] =	vst v1  }
0x21c: {  	v1 =	vld [tilespmem:s13+$0x1270];
	_ =	sdelay $0x4  }
0x21d: {  	[tilespmem:$0x2070] =	vst v1  }
0x21e: {  	v1 =	vld [tilespmem:s13+$0x12F0];
	_ =	sdelay $0x4  }
0x21f: {  	[tilespmem:$0x20F0] =	vst v1  }
0x220: {  	[tilespmem:s19], [sflag:$0x1] =	stream.indirect.gather [hbm4b:s4+s23], $0x80, s24, s23, $0xb8;
	[tilespmem:$0x1E200] =	vst v63  }
0x221: {  	_ =	swait.ge [sflag:s30], $0x4000  }
0x222: {  	[sflag:s30] =	ssyncset.done $0x0  }
0x223: {  	[sflag:s30] =	ssyncadd.s32 $0xFFFFC000  }
0x224: {  	[spmem:s1] =	stream.indirect.scatter.add.f32 [tilespmem:s26], [sflag:$0x5], $0x80, s31, s23, $0xb8;
	[tilespmem:$0x1E200] =	vst v63  }
0x225: {  	_ =	swait.ge [sflag:s20], $0x4000  }
0x226: {  	[sflag:s20] =	ssyncset.done $0x0  }
0x227: {  	[sflag:s20] =	ssyncadd.s32 $0xFFFFC000  }
0x228: {  	v1 =	vld [tilespmem:s13+$0x1300];
	_ =	sdelay $0x4  }
0x229: {  	[tilespmem:$0x2100] =	vst v1  }
0x22a: {  	v1 =	vld [tilespmem:s13+$0x1380];
	_ =	sdelay $0x4  }
0x22b: {  	[tilespmem:$0x2180] =	vst v1  }
0x22c: {  	v1 =	vld [tilespmem:s13+$0x1310];
	_ =	sdelay $0x4  }
0x22d: {  	[tilespmem:$0x2110] =	vst v1  }
0x22e: {  	v1 =	vld [tilespmem:s13+$0x1390];
	_ =	sdelay $0x4  }
0x22f: {  	[tilespmem:$0x2190] =	vst v1  }
0x230: {  	v1 =	vld [tilespmem:s13+$0x1320];
	_ =	sdelay $0x4  }
0x231: {  	[tilespmem:$0x2120] =	vst v1  }
0x232: {  	v1 =	vld [tilespmem:s13+$0x13A0];
	_ =	sdelay $0x4  }
0x233: {  	[tilespmem:$0x21A0] =	vst v1  }
0x234: {  	v1 =	vld [tilespmem:s13+$0x1330];
	_ =	sdelay $0x4  }
0x235: {  	[tilespmem:$0x2130] =	vst v1  }
0x236: {  	v1 =	vld [tilespmem:s13+$0x13B0];
	_ =	sdelay $0x4  }
0x237: {  	[tilespmem:$0x21B0] =	vst v1  }
0x238: {  	v1 =	vld [tilespmem:s13+$0x1340];
	_ =	sdelay $0x4  }
0x239: {  	[tilespmem:$0x2140] =	vst v1  }
0x23a: {  	v1 =	vld [tilespmem:s13+$0x13C0];
	_ =	sdelay $0x4  }
0x23b: {  	[tilespmem:$0x21C0] =	vst v1  }
0x23c: {  	v1 =	vld [tilespmem:s13+$0x1350];
	_ =	sdelay $0x4  }
0x23d: {  	[tilespmem:$0x2150] =	vst v1  }
0x23e: {  	v1 =	vld [tilespmem:s13+$0x13D0];
	_ =	sdelay $0x4  }
0x23f: {  	[tilespmem:$0x21D0] =	vst v1  }
0x240: {  	v1 =	vld [tilespmem:s13+$0x1360];
	_ =	sdelay $0x4  }
0x241: {  	[tilespmem:$0x2160] =	vst v1  }
0x242: {  	v1 =	vld [tilespmem:s13+$0x13E0];
	_ =	sdelay $0x4  }
0x243: {  	[tilespmem:$0x21E0] =	vst v1  }
0x244: {  	v1 =	vld [tilespmem:s13+$0x1370];
	_ =	sdelay $0x4  }
0x245: {  	[tilespmem:$0x2170] =	vst v1  }
0x246: {  	v1 =	vld [tilespmem:s13+$0x13F0];
	_ =	sdelay $0x4  }
0x247: {  	[tilespmem:$0x21F0] =	vst v1  }
0x248: {  	[tilespmem:s26], [sflag:$0x2] =	stream.indirect.gather [hbm4b:s4+s23], $0x80, s25, s23, $0xb8;
	[tilespmem:$0x1E200] =	vst v63  }
0x249: {  	_ =	swait.ge [sflag:s28], $0x4000  }
.Ltmp5:
0x24a: {  	[sflag:s28] =	ssyncset.done $0x0;
	(pc) =	sbr.rel @p1 .LBB2_7-.Ltmp5, $4  }
0x24b: {  	[sflag:s28] =	ssyncadd.s32 $0xFFFFC000  }
0x24c: {  	[spmem:s1] =	stream.indirect.scatter.add.f32 [tilespmem:s19], [sflag:$0x5], $0x80, s29, s23, $0xb8;
	[tilespmem:$0x1E200] =	vst v63  }
0x24d: {  	_ =	swait.ge [sflag:s20], $0x4000  }
0x24e: {  	s14 =	smov.u32 s12;
	[sflag:s20] =	ssyncset.done $0x0  }
0x24f: {  	s3 =	sshra.s32 s3, $0x2;
	[sflag:s20] =	ssyncadd.s32 $0xFFFFC000  }
0x250: {  	v1 =	vld [tilespmem:s3+$0x1200];
	_ =	sdelay $0x4  }
0x251: {  	[tilespmem:$0x2000] =	vst v1  }
0x252: {  	v1 =	vld [tilespmem:s3+$0x1280];
	_ =	sdelay $0x4  }
0x253: {  	[tilespmem:$0x2080] =	vst v1  }
0x254: {  	v1 =	vld [tilespmem:s3+$0x1210];
	_ =	sdelay $0x4  }
0x255: {  	[tilespmem:$0x2010] =	vst v1  }
0x256: {  	v1 =	vld [tilespmem:s3+$0x1290];
	_ =	sdelay $0x4  }
0x257: {  	[tilespmem:$0x2090] =	vst v1  }
0x258: {  	v1 =	vld [tilespmem:s3+$0x1220];
	_ =	sdelay $0x4  }
0x259: {  	[tilespmem:$0x2020] =	vst v1  }
0x25a: {  	v1 =	vld [tilespmem:s3+$0x12A0];
	_ =	sdelay $0x4  }
0x25b: {  	[tilespmem:$0x20A0] =	vst v1  }
0x25c: {  	v1 =	vld [tilespmem:s3+$0x1230];
	_ =	sdelay $0x4  }
0x25d: {  	[tilespmem:$0x2030] =	vst v1  }
0x25e: {  	v1 =	vld [tilespmem:s3+$0x12B0];
	_ =	sdelay $0x4  }
0x25f: {  	[tilespmem:$0x20B0] =	vst v1  }
0x260: {  	v1 =	vld [tilespmem:s3+$0x1240];
	_ =	sdelay $0x4  }
0x261: {  	[tilespmem:$0x2040] =	vst v1  }
0x262: {  	v1 =	vld [tilespmem:s3+$0x12C0];
	_ =	sdelay $0x4  }
0x263: {  	[tilespmem:$0x20C0] =	vst v1  }
0x264: {  	v1 =	vld [tilespmem:s3+$0x1250];
	_ =	sdelay $0x4  }
0x265: {  	[tilespmem:$0x2050] =	vst v1  }
0x266: {  	v1 =	vld [tilespmem:s3+$0x12D0];
	_ =	sdelay $0x4  }
0x267: {  	[tilespmem:$0x20D0] =	vst v1  }
0x268: {  	v1 =	vld [tilespmem:s3+$0x1260];
	_ =	sdelay $0x4  }
0x269: {  	[tilespmem:$0x2060] =	vst v1  }
0x26a: {  	v1 =	vld [tilespmem:s3+$0x12E0];
	_ =	sdelay $0x4  }
0x26b: {  	[tilespmem:$0x20E0] =	vst v1  }
0x26c: {  	v1 =	vld [tilespmem:s3+$0x1270];
	_ =	sdelay $0x4  }
0x26d: {  	[tilespmem:$0x2070] =	vst v1  }
0x26e: {  	v1 =	vld [tilespmem:s3+$0x12F0];
	_ =	sdelay $0x4  }
0x26f: {  	[tilespmem:$0x20F0] =	vst v1  }
0x270: {  	[tilespmem:s19], [sflag:$0x1] =	stream.indirect.gather [hbm4b:s4+s23], $0x80, s24, s23, $0xb8;
	[tilespmem:$0x1E200] =	vst v63  }
0x271: {  	_ =	swait.ge [sflag:s30], $0x4000  }
0x272: {  	[sflag:s30] =	ssyncset.done $0x0  }
0x273: {  	[sflag:s30] =	ssyncadd.s32 $0xFFFFC000  }
0x274: {  	[spmem:s1] =	stream.indirect.scatter.add.f32 [tilespmem:s26], [sflag:$0x5], $0x80, s31, s23, $0xb8;
	[tilespmem:$0x1E200] =	vst v63  }
0x275: {  	_ =	swait.ge [sflag:s20], $0x4000  }
0x276: {  	[sflag:s20] =	ssyncset.done $0x0  }
0x277: {  	[sflag:s20] =	ssyncadd.s32 $0xFFFFC000  }
0x278: {  	v1 =	vld [tilespmem:s3+$0x1300];
	_ =	sdelay $0x4  }
0x279: {  	[tilespmem:$0x2100] =	vst v1  }
0x27a: {  	v1 =	vld [tilespmem:s3+$0x1380];
	_ =	sdelay $0x4  }
0x27b: {  	[tilespmem:$0x2180] =	vst v1  }
0x27c: {  	v1 =	vld [tilespmem:s3+$0x1310];
	_ =	sdelay $0x4  }
0x27d: {  	[tilespmem:$0x2110] =	vst v1  }
0x27e: {  	v1 =	vld [tilespmem:s3+$0x1390];
	_ =	sdelay $0x4  }
0x27f: {  	[tilespmem:$0x2190] =	vst v1  }
0x280: {  	v1 =	vld [tilespmem:s3+$0x1320];
	_ =	sdelay $0x4  }
0x281: {  	[tilespmem:$0x2120] =	vst v1  }
0x282: {  	v1 =	vld [tilespmem:s3+$0x13A0];
	_ =	sdelay $0x4  }
0x283: {  	[tilespmem:$0x21A0] =	vst v1  }
0x284: {  	v1 =	vld [tilespmem:s3+$0x1330];
	_ =	sdelay $0x4  }
0x285: {  	[tilespmem:$0x2130] =	vst v1  }
0x286: {  	v1 =	vld [tilespmem:s3+$0x13B0];
	_ =	sdelay $0x4  }
0x287: {  	[tilespmem:$0x21B0] =	vst v1  }
0x288: {  	v1 =	vld [tilespmem:s3+$0x1340];
	_ =	sdelay $0x4  }
0x289: {  	[tilespmem:$0x2140] =	vst v1  }
0x28a: {  	v1 =	vld [tilespmem:s3+$0x13C0];
	_ =	sdelay $0x4  }
0x28b: {  	[tilespmem:$0x21C0] =	vst v1  }
0x28c: {  	v1 =	vld [tilespmem:s3+$0x1350];
	_ =	sdelay $0x4  }
0x28d: {  	[tilespmem:$0x2150] =	vst v1  }
0x28e: {  	v1 =	vld [tilespmem:s3+$0x13D0];
	_ =	sdelay $0x4  }
0x28f: {  	[tilespmem:$0x21D0] =	vst v1  }
0x290: {  	v1 =	vld [tilespmem:s3+$0x1360];
	_ =	sdelay $0x4  }
0x291: {  	[tilespmem:$0x2160] =	vst v1  }
0x292: {  	v1 =	vld [tilespmem:s3+$0x13E0];
	_ =	sdelay $0x4  }
0x293: {  	[tilespmem:$0x21E0] =	vst v1  }
0x294: {  	v1 =	vld [tilespmem:s3+$0x1370];
	_ =	sdelay $0x4  }
0x295: {  	[tilespmem:$0x2170] =	vst v1  }
0x296: {  	v1 =	vld [tilespmem:s3+$0x13F0];
	_ =	sdelay $0x4  }
0x297: {  	[tilespmem:$0x21F0] =	vst v1  }
0x298: {  	[tilespmem:s26], [sflag:$0x2] =	stream.indirect.gather [hbm4b:s4+s23], $0x80, s25, s23, $0xb8;
	[tilespmem:$0x1E200] =	vst v63  }
0x299: {  	_ =	swait.ge [sflag:s28], $0x4000  }
0x29a: {  	[sflag:s28] =	ssyncset.done $0x0  }
0x29b: {  	[sflag:s28] =	ssyncadd.s32 $0xFFFFC000  }
0x29c: {  	[spmem:s1] =	stream.indirect.scatter.add.f32 [tilespmem:s19], [sflag:$0x5], $0x80, s29, s23, $0xb8;
	[tilespmem:$0x1E200] =	vst v63  }
0x29d: {  	_ =	swait.ge [sflag:s20], $0x4000  }
0x29e: {  	[sflag:s20] =	ssyncset.done $0x0  }
0x29f: {  	[sflag:s20] =	ssyncadd.s32 $0xFFFFC000  }
0x2a0: {  	s8 =	sadd.s32 $0x1, s8;
	_ =	swait.ge [sflag:s30], $0x4000  }
0x2a1: {  	p1 =	seq.s32 s8, $0x5;
	[sflag:s30] =	ssyncset.done $0x0  }
.Ltmp6:
0x2a2: {  	[sflag:s30] =	ssyncadd.s32 $0xFFFFC000;
	(pc) =	sbr.rel @!p1 .LBB2_4-.Ltmp6, $4  }
0x2a3: {  	[spmem:s1] =	stream.indirect.scatter.add.f32 [tilespmem:s26], [sflag:$0x5], $0x80, s31, s23, $0xb8;
	[tilespmem:$0x1E200] =	vst v63  }
0x2a4: {  	_ =	swait.ge [sflag:s20], $0x4000  }
0x2a5: {  	[sflag:s20] =	ssyncset.done $0x0  }
0x2a6: {  	[sflag:s20] =	ssyncadd.s32 $0xFFFFC000  }
.Ltmp7:
0x2a7: {  	(pc) =	sbr.rel .LBB2_16-.Ltmp7, $2  }
0x2a8: {  	_ =	sdelay $0x2  }
0x2a9: {  	s3 =	rddreg [dreg:$0x3]  }
.LBB2_10:
0x2aa: {  	s8 =	sshll.u32 s3, $0xA  }
0x2ab: {  	s8 =	sadd.s32 s18, s8  }
0x2ac: {  	[tilespmem:s21], [sflag:$0x4] =	stream.linear.gather [hbm4b:s8+s7], $0x1000, $0x38;
	[tilespmem:$0x1E200] =	vst v63  }
0x2ad: {  	_ =	swait.ge [sflag:s22], $0x1000  }
0x2ae: {  	[sflag:s22] =	ssyncset.done $0x0  }
0x2af: {  	[sflag:s22] =	ssyncadd.s32 $0xFFFFF000  }
0x2b0: {  	v1 =	vld [tilespmem:$0x0]  }
0x2b1: {  	v2 =	vld [tilespmem:$0x80]  }
0x2b2: {  	v3 =	vld [tilespmem:$0x10]  }
0x2b3: {  	v4 =	vld [tilespmem:$0x90]  }
0x2b4: {  	v5 =	vld [tilespmem:$0x20]  }
0x2b5: {  	[tilespmem:$0x2000] =	vst v1;
	v1 =	vld [tilespmem:$0xA0]  }
0x2b6: {  	v54 =	vld [tilespmem:$0x40];
	[tilespmem:$0x2080] =	vst v2  }
0x2b7: {  	v55 =	vld [tilespmem:$0xC0];
	[tilespmem:$0x2010] =	vst v3  }
0x2b8: {  	v2 =	vld [tilespmem:$0x30];
	[tilespmem:$0x2090] =	vst v4  }
0x2b9: {  	v3 =	vld [tilespmem:$0xB0];
	[tilespmem:$0x2020] =	vst v5  }
0x2ba: {  	[tilespmem:$0x20A0] =	vst v1;
	v1 =	vld [tilespmem:$0x50]  }
0x2bb: {  	v56 =	vld [tilespmem:$0xE0];
	[tilespmem:$0x2040] =	vst v54  }
0x2bc: {  	v57 =	vld [tilespmem:$0x70];
	[tilespmem:$0x20C0] =	vst v55  }
0x2bd: {  	[tilespmem:$0x2030] =	vst v2;
	v2 =	vld [tilespmem:$0xD0]  }
0x2be: {  	[tilespmem:$0x20B0] =	vst v3;
	v3 =	vld [tilespmem:$0x60]  }
0x2bf: {  	[tilespmem:$0x2050] =	vst v1;
	v1 =	vld [tilespmem:$0xF0]  }
0x2c0: {  	[tilespmem:$0x20E0] =	vst v56  }
0x2c1: {  	[tilespmem:$0x2070] =	vst v57  }
0x2c2: {  	[tilespmem:$0x20D0] =	vst v2  }
0x2c3: {  	[tilespmem:$0x2060] =	vst v3  }
0x2c4: {  	[tilespmem:$0x20F0] =	vst v1  }
0x2c5: {  	[tilespmem:s19], [sflag:$0x1] =	stream.indirect.gather [hbm4b:s5+s23], $0x80, s24, s23, $0xb8;
	[tilespmem:$0x1E200] =	vst v63  }
0x2c6: {  	v1 =	vld [tilespmem:$0x100]  }
0x2c7: {  	v2 =	vld [tilespmem:$0x180]  }
0x2c8: {  	v3 =	vld [tilespmem:$0x110]  }
0x2c9: {  	v58 =	vld [tilespmem:$0x190]  }
0x2ca: {  	v59 =	vld [tilespmem:$0x120]  }
0x2cb: {  	[tilespmem:$0x2100] =	vst v1;
	v1 =	vld [tilespmem:$0x1A0]  }
0x2cc: {  	v60 =	vld [tilespmem:$0x140];
	[tilespmem:$0x2180] =	vst v2  }
0x2cd: {  	v61 =	vld [tilespmem:$0x1C0];
	[tilespmem:$0x2110] =	vst v3  }
0x2ce: {  	v2 =	vld [tilespmem:$0x130];
	[tilespmem:$0x2190] =	vst v58  }
0x2cf: {  	v3 =	vld [tilespmem:$0x1B0];
	[tilespmem:$0x2120] =	vst v59  }
0x2d0: {  	[tilespmem:$0x21A0] =	vst v1;
	v1 =	vld [tilespmem:$0x150]  }
0x2d1: {  	v62 =	vld [tilespmem:$0x1E0];
	[tilespmem:$0x2140] =	vst v60  }
0x2d2: {  	v63 =	vld [tilespmem:$0x170];
	[tilespmem:$0x21C0] =	vst v61  }
0x2d3: {  	[tilespmem:$0x2130] =	vst v2;
	v2 =	vld [tilespmem:$0x1D0]  }
0x2d4: {  	[tilespmem:$0x21B0] =	vst v3;
	v3 =	vld [tilespmem:$0x160]  }
0x2d5: {  	[tilespmem:$0x2150] =	vst v1;
	v1 =	vld [tilespmem:$0x1F0]  }
0x2d6: {  	[tilespmem:$0x21E0] =	vst v62  }
0x2d7: {  	[tilespmem:$0x2170] =	vst v63  }
0x2d8: {  	[tilespmem:$0x21D0] =	vst v2  }
0x2d9: {  	[tilespmem:$0x2160] =	vst v3  }
0x2da: {  	[tilespmem:$0x21F0] =	vst v1  }
0x2db: {  	[tilespmem:s26], [sflag:$0x2] =	stream.indirect.gather [hbm4b:s5+s23], $0x80, s25, s23, $0xb8;
	[tilespmem:$0x1E200] =	vst v63  }
0x2dc: {  	_ =	swait.ge [sflag:s28], $0x4000  }
0x2dd: {  	[sflag:s28] =	ssyncset.done $0x0  }
0x2de: {  	[sflag:s28] =	ssyncadd.s32 $0xFFFFC000  }
0x2df: {  	[spmem:s1] =	stream.indirect.scatter.add.f32 [tilespmem:s19], [sflag:$0x5], $0x80, s29, s23, $0xb8;
	[tilespmem:$0x1E200] =	vst v63  }
0x2e0: {  	_ =	swait.ge [sflag:s20], $0x4000  }
0x2e1: {  	[sflag:s20] =	ssyncset.done $0x0  }
0x2e2: {  	s14 =	simm.s32 $0x0;
	[sflag:s20] =	ssyncadd.s32 $0xFFFFC000  }
0x2e3: {  	v1 =	vld [tilespmem:s14+$0x200];
	_ =	sdelay $0x4  }
0x2e4: {  	[tilespmem:$0x2000] =	vst v1  }
0x2e5: {  	v1 =	vld [tilespmem:s14+$0x280];
	_ =	sdelay $0x4  }
0x2e6: {  	[tilespmem:$0x2080] =	vst v1  }
0x2e7: {  	v1 =	vld [tilespmem:s14+$0x210];
	_ =	sdelay $0x4  }
0x2e8: {  	[tilespmem:$0x2010] =	vst v1  }
0x2e9: {  	v1 =	vld [tilespmem:s14+$0x290];
	_ =	sdelay $0x4  }
0x2ea: {  	[tilespmem:$0x2090] =	vst v1  }
0x2eb: {  	v1 =	vld [tilespmem:s14+$0x220];
	_ =	sdelay $0x4  }
0x2ec: {  	[tilespmem:$0x2020] =	vst v1  }
0x2ed: {  	v1 =	vld [tilespmem:s14+$0x2A0];
	_ =	sdelay $0x4  }
0x2ee: {  	[tilespmem:$0x20A0] =	vst v1  }
0x2ef: {  	v1 =	vld [tilespmem:s14+$0x230];
	_ =	sdelay $0x4  }
0x2f0: {  	[tilespmem:$0x2030] =	vst v1  }
0x2f1: {  	v1 =	vld [tilespmem:s14+$0x2B0];
	_ =	sdelay $0x4  }
0x2f2: {  	[tilespmem:$0x20B0] =	vst v1  }
0x2f3: {  	v1 =	vld [tilespmem:s14+$0x240];
	_ =	sdelay $0x4  }
0x2f4: {  	[tilespmem:$0x2040] =	vst v1  }
0x2f5: {  	v1 =	vld [tilespmem:s14+$0x2C0];
	_ =	sdelay $0x4  }
0x2f6: {  	[tilespmem:$0x20C0] =	vst v1  }
0x2f7: {  	v1 =	vld [tilespmem:s14+$0x250];
	_ =	sdelay $0x4  }
0x2f8: {  	[tilespmem:$0x2050] =	vst v1  }
0x2f9: {  	v1 =	vld [tilespmem:s14+$0x2D0];
	_ =	sdelay $0x4  }
0x2fa: {  	[tilespmem:$0x20D0] =	vst v1  }
0x2fb: {  	v1 =	vld [tilespmem:s14+$0x260];
	_ =	sdelay $0x4  }
0x2fc: {  	[tilespmem:$0x2060] =	vst v1  }
0x2fd: {  	v1 =	vld [tilespmem:s14+$0x2E0];
	_ =	sdelay $0x4  }
0x2fe: {  	[tilespmem:$0x20E0] =	vst v1  }
0x2ff: {  	v1 =	vld [tilespmem:s14+$0x270];
	_ =	sdelay $0x4  }
0x300: {  	[tilespmem:$0x2070] =	vst v1  }
0x301: {  	v1 =	vld [tilespmem:s14+$0x2F0];
	_ =	sdelay $0x4  }
0x302: {  	[tilespmem:$0x20F0] =	vst v1  }
0x303: {  	[tilespmem:s19], [sflag:$0x1] =	stream.indirect.gather [hbm4b:s5+s23], $0x80, s24, s23, $0xb8;
	[tilespmem:$0x1E200] =	vst v63  }
0x304: {  	_ =	swait.ge [sflag:s30], $0x4000  }
0x305: {  	[sflag:s30] =	ssyncset.done $0x0  }
0x306: {  	[sflag:s30] =	ssyncadd.s32 $0xFFFFC000  }
0x307: {  	[spmem:s1] =	stream.indirect.scatter.add.f32 [tilespmem:s26], [sflag:$0x5], $0x80, s31, s23, $0xb8;
	[tilespmem:$0x1E200] =	vst v63  }
0x308: {  	_ =	swait.ge [sflag:s20], $0x4000  }
0x309: {  	[sflag:s20] =	ssyncset.done $0x0  }
0x30a: {  	[sflag:s20] =	ssyncadd.s32 $0xFFFFC000  }
0x30b: {  	v1 =	vld [tilespmem:s14+$0x300];
	_ =	sdelay $0x4  }
0x30c: {  	[tilespmem:$0x2100] =	vst v1  }
0x30d: {  	v1 =	vld [tilespmem:s14+$0x380];
	_ =	sdelay $0x4  }
0x30e: {  	[tilespmem:$0x2180] =	vst v1  }
0x30f: {  	v1 =	vld [tilespmem:s14+$0x310];
	_ =	sdelay $0x4  }
0x310: {  	[tilespmem:$0x2110] =	vst v1  }
0x311: {  	v1 =	vld [tilespmem:s14+$0x390];
	_ =	sdelay $0x4  }
0x312: {  	[tilespmem:$0x2190] =	vst v1  }
0x313: {  	v1 =	vld [tilespmem:s14+$0x320];
	_ =	sdelay $0x4  }
0x314: {  	[tilespmem:$0x2120] =	vst v1  }
0x315: {  	v1 =	vld [tilespmem:s14+$0x3A0];
	_ =	sdelay $0x4  }
0x316: {  	[tilespmem:$0x21A0] =	vst v1  }
0x317: {  	v1 =	vld [tilespmem:s14+$0x330];
	_ =	sdelay $0x4  }
0x318: {  	[tilespmem:$0x2130] =	vst v1  }
0x319: {  	v1 =	vld [tilespmem:s14+$0x3B0];
	_ =	sdelay $0x4  }
0x31a: {  	[tilespmem:$0x21B0] =	vst v1  }
0x31b: {  	v1 =	vld [tilespmem:s14+$0x340];
	_ =	sdelay $0x4  }
0x31c: {  	[tilespmem:$0x2140] =	vst v1  }
0x31d: {  	v1 =	vld [tilespmem:s14+$0x3C0];
	_ =	sdelay $0x4  }
0x31e: {  	[tilespmem:$0x21C0] =	vst v1  }
0x31f: {  	v1 =	vld [tilespmem:s14+$0x350];
	_ =	sdelay $0x4  }
0x320: {  	[tilespmem:$0x2150] =	vst v1  }
0x321: {  	v1 =	vld [tilespmem:s14+$0x3D0];
	_ =	sdelay $0x4  }
0x322: {  	[tilespmem:$0x21D0] =	vst v1  }
0x323: {  	v1 =	vld [tilespmem:s14+$0x360];
	_ =	sdelay $0x4  }
0x324: {  	[tilespmem:$0x2160] =	vst v1  }
0x325: {  	v1 =	vld [tilespmem:s14+$0x3E0];
	_ =	sdelay $0x4  }
0x326: {  	[tilespmem:$0x21E0] =	vst v1  }
0x327: {  	v1 =	vld [tilespmem:s14+$0x370];
	_ =	sdelay $0x4  }
0x328: {  	[tilespmem:$0x2170] =	vst v1  }
0x329: {  	v1 =	vld [tilespmem:s14+$0x3F0];
	_ =	sdelay $0x4  }
0x32a: {  	[tilespmem:$0x21F0] =	vst v1  }
0x32b: {  	[tilespmem:s26], [sflag:$0x2] =	stream.indirect.gather [hbm4b:s5+s23], $0x80, s25, s23, $0xb8;
	[tilespmem:$0x1E200] =	vst v63  }
0x32c: {  	_ =	swait.ge [sflag:s28], $0x4000  }
0x32d: {  	[sflag:s28] =	ssyncset.done $0x0  }
0x32e: {  	[sflag:s28] =	ssyncadd.s32 $0xFFFFC000  }
0x32f: {  	[spmem:s1] =	stream.indirect.scatter.add.f32 [tilespmem:s19], [sflag:$0x5], $0x80, s29, s23, $0xb8;
	[tilespmem:$0x1E200] =	vst v63  }
0x330: {  	_ =	swait.ge [sflag:s20], $0x4000  }
0x331: {  	s8 =	simm.s32 $0x800;
	s14 =	simm.s32 $0x1000;
	[sflag:s20] =	ssyncset.done $0x0  }
.LBB2_11:
0x332: {  	s13 =	sshra.s32 s8, $0x2  }
0x333: {  	[sflag:s20] =	ssyncadd.s32 $0xFFFFC000;
	s8 =	smov.u32 s14;
	s12 =	sadd.s32 $0x800, s14  }
0x334: {  	p1 =	sne.s32 s14, $0x3000;
	v1 =	vld [tilespmem:s13+$0x200];
	_ =	sdelay $0x4  }
0x335: {  	[tilespmem:$0x2000] =	vst v1  }
0x336: {  	v1 =	vld [tilespmem:s13+$0x280];
	_ =	sdelay $0x4  }
0x337: {  	[tilespmem:$0x2080] =	vst v1  }
0x338: {  	v1 =	vld [tilespmem:s13+$0x210];
	_ =	sdelay $0x4  }
0x339: {  	[tilespmem:$0x2010] =	vst v1  }
0x33a: {  	v1 =	vld [tilespmem:s13+$0x290];
	_ =	sdelay $0x4  }
0x33b: {  	[tilespmem:$0x2090] =	vst v1  }
0x33c: {  	v1 =	vld [tilespmem:s13+$0x220];
	_ =	sdelay $0x4  }
0x33d: {  	[tilespmem:$0x2020] =	vst v1  }
0x33e: {  	v1 =	vld [tilespmem:s13+$0x2A0];
	_ =	sdelay $0x4  }
0x33f: {  	[tilespmem:$0x20A0] =	vst v1  }
0x340: {  	v1 =	vld [tilespmem:s13+$0x230];
	_ =	sdelay $0x4  }
0x341: {  	[tilespmem:$0x2030] =	vst v1  }
0x342: {  	v1 =	vld [tilespmem:s13+$0x2B0];
	_ =	sdelay $0x4  }
0x343: {  	[tilespmem:$0x20B0] =	vst v1  }
0x344: {  	v1 =	vld [tilespmem:s13+$0x240];
	_ =	sdelay $0x4  }
0x345: {  	[tilespmem:$0x2040] =	vst v1  }
0x346: {  	v1 =	vld [tilespmem:s13+$0x2C0];
	_ =	sdelay $0x4  }
0x347: {  	[tilespmem:$0x20C0] =	vst v1  }
0x348: {  	v1 =	vld [tilespmem:s13+$0x250];
	_ =	sdelay $0x4  }
0x349: {  	[tilespmem:$0x2050] =	vst v1  }
0x34a: {  	v1 =	vld [tilespmem:s13+$0x2D0];
	_ =	sdelay $0x4  }
0x34b: {  	[tilespmem:$0x20D0] =	vst v1  }
0x34c: {  	v1 =	vld [tilespmem:s13+$0x260];
	_ =	sdelay $0x4  }
0x34d: {  	[tilespmem:$0x2060] =	vst v1  }
0x34e: {  	v1 =	vld [tilespmem:s13+$0x2E0];
	_ =	sdelay $0x4  }
0x34f: {  	[tilespmem:$0x20E0] =	vst v1  }
0x350: {  	v1 =	vld [tilespmem:s13+$0x270];
	_ =	sdelay $0x4  }
0x351: {  	[tilespmem:$0x2070] =	vst v1  }
0x352: {  	v1 =	vld [tilespmem:s13+$0x2F0];
	_ =	sdelay $0x4  }
0x353: {  	[tilespmem:$0x20F0] =	vst v1  }
0x354: {  	[tilespmem:s19], [sflag:$0x1] =	stream.indirect.gather [hbm4b:s5+s23], $0x80, s24, s23, $0xb8;
	[tilespmem:$0x1E200] =	vst v63  }
0x355: {  	_ =	swait.ge [sflag:s30], $0x4000  }
0x356: {  	[sflag:s30] =	ssyncset.done $0x0  }
0x357: {  	[sflag:s30] =	ssyncadd.s32 $0xFFFFC000  }
0x358: {  	[spmem:s1] =	stream.indirect.scatter.add.f32 [tilespmem:s26], [sflag:$0x5], $0x80, s31, s23, $0xb8;
	[tilespmem:$0x1E200] =	vst v63  }
0x359: {  	_ =	swait.ge [sflag:s20], $0x4000  }
0x35a: {  	[sflag:s20] =	ssyncset.done $0x0  }
0x35b: {  	[sflag:s20] =	ssyncadd.s32 $0xFFFFC000  }
0x35c: {  	v1 =	vld [tilespmem:s13+$0x300];
	_ =	sdelay $0x4  }
0x35d: {  	[tilespmem:$0x2100] =	vst v1  }
0x35e: {  	v1 =	vld [tilespmem:s13+$0x380];
	_ =	sdelay $0x4  }
0x35f: {  	[tilespmem:$0x2180] =	vst v1  }
0x360: {  	v1 =	vld [tilespmem:s13+$0x310];
	_ =	sdelay $0x4  }
0x361: {  	[tilespmem:$0x2110] =	vst v1  }
0x362: {  	v1 =	vld [tilespmem:s13+$0x390];
	_ =	sdelay $0x4  }
0x363: {  	[tilespmem:$0x2190] =	vst v1  }
0x364: {  	v1 =	vld [tilespmem:s13+$0x320];
	_ =	sdelay $0x4  }
0x365: {  	[tilespmem:$0x2120] =	vst v1  }
0x366: {  	v1 =	vld [tilespmem:s13+$0x3A0];
	_ =	sdelay $0x4  }
0x367: {  	[tilespmem:$0x21A0] =	vst v1  }
0x368: {  	v1 =	vld [tilespmem:s13+$0x330];
	_ =	sdelay $0x4  }
0x369: {  	[tilespmem:$0x2130] =	vst v1  }
0x36a: {  	v1 =	vld [tilespmem:s13+$0x3B0];
	_ =	sdelay $0x4  }
0x36b: {  	[tilespmem:$0x21B0] =	vst v1  }
0x36c: {  	v1 =	vld [tilespmem:s13+$0x340];
	_ =	sdelay $0x4  }
0x36d: {  	[tilespmem:$0x2140] =	vst v1  }
0x36e: {  	v1 =	vld [tilespmem:s13+$0x3C0];
	_ =	sdelay $0x4  }
0x36f: {  	[tilespmem:$0x21C0] =	vst v1  }
0x370: {  	v1 =	vld [tilespmem:s13+$0x350];
	_ =	sdelay $0x4  }
0x371: {  	[tilespmem:$0x2150] =	vst v1  }
0x372: {  	v1 =	vld [tilespmem:s13+$0x3D0];
	_ =	sdelay $0x4  }
0x373: {  	[tilespmem:$0x21D0] =	vst v1  }
0x374: {  	v1 =	vld [tilespmem:s13+$0x360];
	_ =	sdelay $0x4  }
0x375: {  	[tilespmem:$0x2160] =	vst v1  }
0x376: {  	v1 =	vld [tilespmem:s13+$0x3E0];
	_ =	sdelay $0x4  }
0x377: {  	[tilespmem:$0x21E0] =	vst v1  }
0x378: {  	v1 =	vld [tilespmem:s13+$0x370];
	_ =	sdelay $0x4  }
0x379: {  	[tilespmem:$0x2170] =	vst v1  }
0x37a: {  	v1 =	vld [tilespmem:s13+$0x3F0];
	_ =	sdelay $0x4  }
0x37b: {  	[tilespmem:$0x21F0] =	vst v1  }
0x37c: {  	[tilespmem:s26], [sflag:$0x2] =	stream.indirect.gather [hbm4b:s5+s23], $0x80, s25, s23, $0xb8;
	[tilespmem:$0x1E200] =	vst v63  }
0x37d: {  	_ =	swait.ge [sflag:s28], $0x4000  }
.Ltmp8:
0x37e: {  	[sflag:s28] =	ssyncset.done $0x0;
	(pc) =	sbr.rel @p1 .LBB2_11-.Ltmp8, $4  }
0x37f: {  	[sflag:s28] =	ssyncadd.s32 $0xFFFFC000  }
0x380: {  	[spmem:s1] =	stream.indirect.scatter.add.f32 [tilespmem:s19], [sflag:$0x5], $0x80, s29, s23, $0xb8;
	[tilespmem:$0x1E200] =	vst v63  }
0x381: {  	_ =	swait.ge [sflag:s20], $0x4000  }
0x382: {  	s14 =	smov.u32 s12;
	[sflag:s20] =	ssyncset.done $0x0  }
0x383: {  	s8 =	sshra.s32 s8, $0x2;
	[sflag:s20] =	ssyncadd.s32 $0xFFFFC000  }
0x384: {  	v1 =	vld [tilespmem:s8+$0x200];
	_ =	sdelay $0x4  }
0x385: {  	[tilespmem:$0x2000] =	vst v1  }
0x386: {  	v1 =	vld [tilespmem:s8+$0x280];
	_ =	sdelay $0x4  }
0x387: {  	[tilespmem:$0x2080] =	vst v1  }
0x388: {  	v1 =	vld [tilespmem:s8+$0x210];
	_ =	sdelay $0x4  }
0x389: {  	[tilespmem:$0x2010] =	vst v1  }
0x38a: {  	v1 =	vld [tilespmem:s8+$0x290];
	_ =	sdelay $0x4  }
0x38b: {  	[tilespmem:$0x2090] =	vst v1  }
0x38c: {  	v1 =	vld [tilespmem:s8+$0x220];
	_ =	sdelay $0x4  }
0x38d: {  	[tilespmem:$0x2020] =	vst v1  }
0x38e: {  	v1 =	vld [tilespmem:s8+$0x2A0];
	_ =	sdelay $0x4  }
0x38f: {  	[tilespmem:$0x20A0] =	vst v1  }
0x390: {  	v1 =	vld [tilespmem:s8+$0x230];
	_ =	sdelay $0x4  }
0x391: {  	[tilespmem:$0x2030] =	vst v1  }
0x392: {  	v1 =	vld [tilespmem:s8+$0x2B0];
	_ =	sdelay $0x4  }
0x393: {  	[tilespmem:$0x20B0] =	vst v1  }
0x394: {  	v1 =	vld [tilespmem:s8+$0x240];
	_ =	sdelay $0x4  }
0x395: {  	[tilespmem:$0x2040] =	vst v1  }
0x396: {  	v1 =	vld [tilespmem:s8+$0x2C0];
	_ =	sdelay $0x4  }
0x397: {  	[tilespmem:$0x20C0] =	vst v1  }
0x398: {  	v1 =	vld [tilespmem:s8+$0x250];
	_ =	sdelay $0x4  }
0x399: {  	[tilespmem:$0x2050] =	vst v1  }
0x39a: {  	v1 =	vld [tilespmem:s8+$0x2D0];
	_ =	sdelay $0x4  }
0x39b: {  	[tilespmem:$0x20D0] =	vst v1  }
0x39c: {  	v1 =	vld [tilespmem:s8+$0x260];
	_ =	sdelay $0x4  }
0x39d: {  	[tilespmem:$0x2060] =	vst v1  }
0x39e: {  	v1 =	vld [tilespmem:s8+$0x2E0];
	_ =	sdelay $0x4  }
0x39f: {  	[tilespmem:$0x20E0] =	vst v1  }
0x3a0: {  	v1 =	vld [tilespmem:s8+$0x270];
	_ =	sdelay $0x4  }
0x3a1: {  	[tilespmem:$0x2070] =	vst v1  }
0x3a2: {  	v1 =	vld [tilespmem:s8+$0x2F0];
	_ =	sdelay $0x4  }
0x3a3: {  	[tilespmem:$0x20F0] =	vst v1  }
0x3a4: {  	[tilespmem:s19], [sflag:$0x1] =	stream.indirect.gather [hbm4b:s5+s23], $0x80, s24, s23, $0xb8;
	[tilespmem:$0x1E200] =	vst v63  }
0x3a5: {  	_ =	swait.ge [sflag:s30], $0x4000  }
0x3a6: {  	[sflag:s30] =	ssyncset.done $0x0  }
0x3a7: {  	[sflag:s30] =	ssyncadd.s32 $0xFFFFC000  }
0x3a8: {  	[spmem:s1] =	stream.indirect.scatter.add.f32 [tilespmem:s26], [sflag:$0x5], $0x80, s31, s23, $0xb8;
	[tilespmem:$0x1E200] =	vst v63  }
0x3a9: {  	_ =	swait.ge [sflag:s20], $0x4000  }
0x3aa: {  	[sflag:s20] =	ssyncset.done $0x0  }
0x3ab: {  	[sflag:s20] =	ssyncadd.s32 $0xFFFFC000  }
0x3ac: {  	v1 =	vld [tilespmem:s8+$0x300];
	_ =	sdelay $0x4  }
0x3ad: {  	[tilespmem:$0x2100] =	vst v1  }
0x3ae: {  	v1 =	vld [tilespmem:s8+$0x380];
	_ =	sdelay $0x4  }
0x3af: {  	[tilespmem:$0x2180] =	vst v1  }
0x3b0: {  	v1 =	vld [tilespmem:s8+$0x310];
	_ =	sdelay $0x4  }
0x3b1: {  	[tilespmem:$0x2110] =	vst v1  }
0x3b2: {  	v1 =	vld [tilespmem:s8+$0x390];
	_ =	sdelay $0x4  }
0x3b3: {  	[tilespmem:$0x2190] =	vst v1  }
0x3b4: {  	v1 =	vld [tilespmem:s8+$0x320];
	_ =	sdelay $0x4  }
0x3b5: {  	[tilespmem:$0x2120] =	vst v1  }
0x3b6: {  	v1 =	vld [tilespmem:s8+$0x3A0];
	_ =	sdelay $0x4  }
0x3b7: {  	[tilespmem:$0x21A0] =	vst v1  }
0x3b8: {  	v1 =	vld [tilespmem:s8+$0x330];
	_ =	sdelay $0x4  }
0x3b9: {  	[tilespmem:$0x2130] =	vst v1  }
0x3ba: {  	v1 =	vld [tilespmem:s8+$0x3B0];
	_ =	sdelay $0x4  }
0x3bb: {  	[tilespmem:$0x21B0] =	vst v1  }
0x3bc: {  	v1 =	vld [tilespmem:s8+$0x340];
	_ =	sdelay $0x4  }
0x3bd: {  	[tilespmem:$0x2140] =	vst v1  }
0x3be: {  	v1 =	vld [tilespmem:s8+$0x3C0];
	_ =	sdelay $0x4  }
0x3bf: {  	[tilespmem:$0x21C0] =	vst v1  }
0x3c0: {  	v1 =	vld [tilespmem:s8+$0x350];
	_ =	sdelay $0x4  }
0x3c1: {  	[tilespmem:$0x2150] =	vst v1  }
0x3c2: {  	v1 =	vld [tilespmem:s8+$0x3D0];
	_ =	sdelay $0x4  }
0x3c3: {  	[tilespmem:$0x21D0] =	vst v1  }
0x3c4: {  	v1 =	vld [tilespmem:s8+$0x360];
	_ =	sdelay $0x4  }
0x3c5: {  	[tilespmem:$0x2160] =	vst v1  }
0x3c6: {  	v1 =	vld [tilespmem:s8+$0x3E0];
	_ =	sdelay $0x4  }
0x3c7: {  	[tilespmem:$0x21E0] =	vst v1  }
0x3c8: {  	v1 =	vld [tilespmem:s8+$0x370];
	_ =	sdelay $0x4  }
0x3c9: {  	[tilespmem:$0x2170] =	vst v1  }
0x3ca: {  	v1 =	vld [tilespmem:s8+$0x3F0];
	_ =	sdelay $0x4  }
0x3cb: {  	[tilespmem:$0x21F0] =	vst v1  }
0x3cc: {  	[tilespmem:s26], [sflag:$0x2] =	stream.indirect.gather [hbm4b:s5+s23], $0x80, s25, s23, $0xb8;
	[tilespmem:$0x1E200] =	vst v63  }
0x3cd: {  	_ =	swait.ge [sflag:s28], $0x4000  }
0x3ce: {  	[sflag:s28] =	ssyncset.done $0x0  }
0x3cf: {  	[sflag:s28] =	ssyncadd.s32 $0xFFFFC000  }
0x3d0: {  	[spmem:s1] =	stream.indirect.scatter.add.f32 [tilespmem:s19], [sflag:$0x5], $0x80, s29, s23, $0xb8;
	[tilespmem:$0x1E200] =	vst v63  }
0x3d1: {  	_ =	swait.ge [sflag:s20], $0x4000  }
0x3d2: {  	[sflag:s20] =	ssyncset.done $0x0  }
0x3d3: {  	[sflag:s20] =	ssyncadd.s32 $0xFFFFC000  }
0x3d4: {  	_ =	swait.ge [sflag:s30], $0x4000  }
0x3d5: {  	p1 =	seq.s32 s3, $0x4;
	[sflag:s30] =	ssyncset.done $0x0  }
0x3d6: {  	s8 =	sshll.u32 @!p1 s3, $0xD;
	[sflag:s30] =	ssyncadd.s32 $0xFFFFC000  }
0x3d7: {  	[spmem:s1] =	stream.indirect.scatter.add.f32 [tilespmem:s26], [sflag:$0x5], $0x80, s31, s23, $0xb8;
	[tilespmem:$0x1E200] =	vst v63  }
0x3d8: {  	s8 =	sadd.s32 @!p1 s8, s11;
	_ =	swait.ge [sflag:s20], $0x4000  }
0x3d9: {  	s8 =	sshrl.u32 @!p1 s8, $0x3;
	[sflag:s20] =	ssyncset.done $0x0  }
0x3da: {  	s12 =	simm.s32 @!p1 $0x0;
	s8 =	sadd.s32 @!p1 s6, s8;
	[sflag:s20] =	ssyncadd.s32 $0xFFFFC000  }
0x3db: {  	[tilespmem:s12], [sflag:$0x3] =	stream.linear.gather @!p1 [hbm4b:s8+s12], $0x1000, $0x38;
	[tilespmem:$0x1E200] =	vst v63  }
0x3dc: {  	_ =	swait.ge [sflag:s0], $0x1000  }
0x3dd: {  	[sflag:s0] =	ssyncset.done $0x0  }
0x3de: {  	[sflag:s0] =	ssyncadd.s32 $0xFFFFF000  }
0x3df: {  	v1 =	vld [tilespmem:$0x1000]  }
0x3e0: {  	v2 =	vld [tilespmem:$0x1080]  }
0x3e1: {  	v3 =	vld [tilespmem:$0x1010]  }
0x3e2: {  	v4 =	vld [tilespmem:$0x1090]  }
0x3e3: {  	v5 =	vld [tilespmem:$0x1020]  }
0x3e4: {  	[tilespmem:$0x2000] =	vst v1;
	v1 =	vld [tilespmem:$0x10A0]  }
0x3e5: {  	v54 =	vld [tilespmem:$0x1040];
	[tilespmem:$0x2080] =	vst v2  }
0x3e6: {  	v55 =	vld [tilespmem:$0x10C0];
	[tilespmem:$0x2010] =	vst v3  }
0x3e7: {  	v2 =	vld [tilespmem:$0x1030];
	[tilespmem:$0x2090] =	vst v4  }
0x3e8: {  	v3 =	vld [tilespmem:$0x10B0];
	[tilespmem:$0x2020] =	vst v5  }
0x3e9: {  	[tilespmem:$0x20A0] =	vst v1;
	v1 =	vld [tilespmem:$0x1050]  }
0x3ea: {  	v56 =	vld [tilespmem:$0x10E0];
	[tilespmem:$0x2040] =	vst v54  }
0x3eb: {  	v57 =	vld [tilespmem:$0x1070];
	[tilespmem:$0x20C0] =	vst v55  }
0x3ec: {  	[tilespmem:$0x2030] =	vst v2;
	v2 =	vld [tilespmem:$0x10D0]  }
0x3ed: {  	[tilespmem:$0x20B0] =	vst v3;
	v3 =	vld [tilespmem:$0x1060]  }
0x3ee: {  	[tilespmem:$0x2050] =	vst v1;
	v1 =	vld [tilespmem:$0x10F0]  }
0x3ef: {  	[tilespmem:$0x20E0] =	vst v56  }
0x3f0: {  	[tilespmem:$0x2070] =	vst v57  }
0x3f1: {  	[tilespmem:$0x20D0] =	vst v2  }
0x3f2: {  	[tilespmem:$0x2060] =	vst v3  }
0x3f3: {  	[tilespmem:$0x20F0] =	vst v1  }
0x3f4: {  	[tilespmem:s19], [sflag:$0x1] =	stream.indirect.gather [hbm4b:s5+s23], $0x80, s24, s23, $0xb8;
	[tilespmem:$0x1E200] =	vst v63  }
0x3f5: {  	v1 =	vld [tilespmem:$0x1100]  }
0x3f6: {  	v2 =	vld [tilespmem:$0x1180]  }
0x3f7: {  	v3 =	vld [tilespmem:$0x1110]  }
0x3f8: {  	v58 =	vld [tilespmem:$0x1190]  }
0x3f9: {  	v59 =	vld [tilespmem:$0x1120]  }
0x3fa: {  	[tilespmem:$0x2100] =	vst v1;
	v1 =	vld [tilespmem:$0x11A0]  }
0x3fb: {  	v60 =	vld [tilespmem:$0x1140];
	[tilespmem:$0x2180] =	vst v2  }
0x3fc: {  	v61 =	vld [tilespmem:$0x11C0];
	[tilespmem:$0x2110] =	vst v3  }
0x3fd: {  	v2 =	vld [tilespmem:$0x1130];
	[tilespmem:$0x2190] =	vst v58  }
0x3fe: {  	v3 =	vld [tilespmem:$0x11B0];
	[tilespmem:$0x2120] =	vst v59  }
0x3ff: {  	[tilespmem:$0x21A0] =	vst v1;
	v1 =	vld [tilespmem:$0x1150]  }
0x400: {  	v62 =	vld [tilespmem:$0x11E0];
	[tilespmem:$0x2140] =	vst v60  }
0x401: {  	v63 =	vld [tilespmem:$0x1170];
	[tilespmem:$0x21C0] =	vst v61  }
0x402: {  	[tilespmem:$0x2130] =	vst v2;
	v2 =	vld [tilespmem:$0x11D0]  }
0x403: {  	[tilespmem:$0x21B0] =	vst v3;
	v3 =	vld [tilespmem:$0x1160]  }
0x404: {  	[tilespmem:$0x2150] =	vst v1;
	v1 =	vld [tilespmem:$0x11F0]  }
0x405: {  	[tilespmem:$0x21E0] =	vst v62  }
0x406: {  	[tilespmem:$0x2170] =	vst v63  }
0x407: {  	[tilespmem:$0x21D0] =	vst v2  }
0x408: {  	[tilespmem:$0x2160] =	vst v3  }
0x409: {  	[tilespmem:$0x21F0] =	vst v1  }
0x40a: {  	[tilespmem:s26], [sflag:$0x2] =	stream.indirect.gather [hbm4b:s5+s23], $0x80, s25, s23, $0xb8;
	[tilespmem:$0x1E200] =	vst v63  }
0x40b: {  	_ =	swait.ge [sflag:s28], $0x4000  }
0x40c: {  	[sflag:s28] =	ssyncset.done $0x0  }
0x40d: {  	[sflag:s28] =	ssyncadd.s32 $0xFFFFC000  }
0x40e: {  	[spmem:s1] =	stream.indirect.scatter.add.f32 [tilespmem:s19], [sflag:$0x5], $0x80, s29, s23, $0xb8;
	[tilespmem:$0x1E200] =	vst v63  }
0x40f: {  	_ =	swait.ge [sflag:s20], $0x4000  }
0x410: {  	[sflag:s20] =	ssyncset.done $0x0  }
0x411: {  	s14 =	simm.s32 $0x0;
	[sflag:s20] =	ssyncadd.s32 $0xFFFFC000  }
0x412: {  	v1 =	vld [tilespmem:s14+$0x1200];
	_ =	sdelay $0x4  }
0x413: {  	[tilespmem:$0x2000] =	vst v1  }
0x414: {  	v1 =	vld [tilespmem:s14+$0x1280];
	_ =	sdelay $0x4  }
0x415: {  	[tilespmem:$0x2080] =	vst v1  }
0x416: {  	v1 =	vld [tilespmem:s14+$0x1210];
	_ =	sdelay $0x4  }
0x417: {  	[tilespmem:$0x2010] =	vst v1  }
0x418: {  	v1 =	vld [tilespmem:s14+$0x1290];
	_ =	sdelay $0x4  }
0x419: {  	[tilespmem:$0x2090] =	vst v1  }
0x41a: {  	v1 =	vld [tilespmem:s14+$0x1220];
	_ =	sdelay $0x4  }
0x41b: {  	[tilespmem:$0x2020] =	vst v1  }
0x41c: {  	v1 =	vld [tilespmem:s14+$0x12A0];
	_ =	sdelay $0x4  }
0x41d: {  	[tilespmem:$0x20A0] =	vst v1  }
0x41e: {  	v1 =	vld [tilespmem:s14+$0x1230];
	_ =	sdelay $0x4  }
0x41f: {  	[tilespmem:$0x2030] =	vst v1  }
0x420: {  	v1 =	vld [tilespmem:s14+$0x12B0];
	_ =	sdelay $0x4  }
0x421: {  	[tilespmem:$0x20B0] =	vst v1  }
0x422: {  	v1 =	vld [tilespmem:s14+$0x1240];
	_ =	sdelay $0x4  }
0x423: {  	[tilespmem:$0x2040] =	vst v1  }
0x424: {  	v1 =	vld [tilespmem:s14+$0x12C0];
	_ =	sdelay $0x4  }
0x425: {  	[tilespmem:$0x20C0] =	vst v1  }
0x426: {  	v1 =	vld [tilespmem:s14+$0x1250];
	_ =	sdelay $0x4  }
0x427: {  	[tilespmem:$0x2050] =	vst v1  }
0x428: {  	v1 =	vld [tilespmem:s14+$0x12D0];
	_ =	sdelay $0x4  }
0x429: {  	[tilespmem:$0x20D0] =	vst v1  }
0x42a: {  	v1 =	vld [tilespmem:s14+$0x1260];
	_ =	sdelay $0x4  }
0x42b: {  	[tilespmem:$0x2060] =	vst v1  }
0x42c: {  	v1 =	vld [tilespmem:s14+$0x12E0];
	_ =	sdelay $0x4  }
0x42d: {  	[tilespmem:$0x20E0] =	vst v1  }
0x42e: {  	v1 =	vld [tilespmem:s14+$0x1270];
	_ =	sdelay $0x4  }
0x42f: {  	[tilespmem:$0x2070] =	vst v1  }
0x430: {  	v1 =	vld [tilespmem:s14+$0x12F0];
	_ =	sdelay $0x4  }
0x431: {  	[tilespmem:$0x20F0] =	vst v1  }
0x432: {  	[tilespmem:s19], [sflag:$0x1] =	stream.indirect.gather [hbm4b:s5+s23], $0x80, s24, s23, $0xb8;
	[tilespmem:$0x1E200] =	vst v63  }
0x433: {  	_ =	swait.ge [sflag:s30], $0x4000  }
0x434: {  	[sflag:s30] =	ssyncset.done $0x0  }
0x435: {  	[sflag:s30] =	ssyncadd.s32 $0xFFFFC000  }
0x436: {  	[spmem:s1] =	stream.indirect.scatter.add.f32 [tilespmem:s26], [sflag:$0x5], $0x80, s31, s23, $0xb8;
	[tilespmem:$0x1E200] =	vst v63  }
0x437: {  	_ =	swait.ge [sflag:s20], $0x4000  }
0x438: {  	[sflag:s20] =	ssyncset.done $0x0  }
0x439: {  	[sflag:s20] =	ssyncadd.s32 $0xFFFFC000  }
0x43a: {  	v1 =	vld [tilespmem:s14+$0x1300];
	_ =	sdelay $0x4  }
0x43b: {  	[tilespmem:$0x2100] =	vst v1  }
0x43c: {  	v1 =	vld [tilespmem:s14+$0x1380];
	_ =	sdelay $0x4  }
0x43d: {  	[tilespmem:$0x2180] =	vst v1  }
0x43e: {  	v1 =	vld [tilespmem:s14+$0x1310];
	_ =	sdelay $0x4  }
0x43f: {  	[tilespmem:$0x2110] =	vst v1  }
0x440: {  	v1 =	vld [tilespmem:s14+$0x1390];
	_ =	sdelay $0x4  }
0x441: {  	[tilespmem:$0x2190] =	vst v1  }
0x442: {  	v1 =	vld [tilespmem:s14+$0x1320];
	_ =	sdelay $0x4  }
0x443: {  	[tilespmem:$0x2120] =	vst v1  }
0x444: {  	v1 =	vld [tilespmem:s14+$0x13A0];
	_ =	sdelay $0x4  }
0x445: {  	[tilespmem:$0x21A0] =	vst v1  }
0x446: {  	v1 =	vld [tilespmem:s14+$0x1330];
	_ =	sdelay $0x4  }
0x447: {  	[tilespmem:$0x2130] =	vst v1  }
0x448: {  	v1 =	vld [tilespmem:s14+$0x13B0];
	_ =	sdelay $0x4  }
0x449: {  	[tilespmem:$0x21B0] =	vst v1  }
0x44a: {  	v1 =	vld [tilespmem:s14+$0x1340];
	_ =	sdelay $0x4  }
0x44b: {  	[tilespmem:$0x2140] =	vst v1  }
0x44c: {  	v1 =	vld [tilespmem:s14+$0x13C0];
	_ =	sdelay $0x4  }
0x44d: {  	[tilespmem:$0x21C0] =	vst v1  }
0x44e: {  	v1 =	vld [tilespmem:s14+$0x1350];
	_ =	sdelay $0x4  }
0x44f: {  	[tilespmem:$0x2150] =	vst v1  }
0x450: {  	v1 =	vld [tilespmem:s14+$0x13D0];
	_ =	sdelay $0x4  }
0x451: {  	[tilespmem:$0x21D0] =	vst v1  }
0x452: {  	v1 =	vld [tilespmem:s14+$0x1360];
	_ =	sdelay $0x4  }
0x453: {  	[tilespmem:$0x2160] =	vst v1  }
0x454: {  	v1 =	vld [tilespmem:s14+$0x13E0];
	_ =	sdelay $0x4  }
0x455: {  	[tilespmem:$0x21E0] =	vst v1  }
0x456: {  	v1 =	vld [tilespmem:s14+$0x1370];
	_ =	sdelay $0x4  }
0x457: {  	[tilespmem:$0x2170] =	vst v1  }
0x458: {  	v1 =	vld [tilespmem:s14+$0x13F0];
	_ =	sdelay $0x4  }
0x459: {  	[tilespmem:$0x21F0] =	vst v1  }
0x45a: {  	[tilespmem:s26], [sflag:$0x2] =	stream.indirect.gather [hbm4b:s5+s23], $0x80, s25, s23, $0xb8;
	[tilespmem:$0x1E200] =	vst v63  }
0x45b: {  	_ =	swait.ge [sflag:s28], $0x4000  }
0x45c: {  	[sflag:s28] =	ssyncset.done $0x0  }
0x45d: {  	[sflag:s28] =	ssyncadd.s32 $0xFFFFC000  }
0x45e: {  	[spmem:s1] =	stream.indirect.scatter.add.f32 [tilespmem:s19], [sflag:$0x5], $0x80, s29, s23, $0xb8;
	[tilespmem:$0x1E200] =	vst v63  }
0x45f: {  	_ =	swait.ge [sflag:s20], $0x4000  }
0x460: {  	s8 =	simm.s32 $0x800;
	s14 =	simm.s32 $0x1000;
	[sflag:s20] =	ssyncset.done $0x0  }
.LBB2_13:
0x461: {  	s13 =	sshra.s32 s8, $0x2  }
0x462: {  	[sflag:s20] =	ssyncadd.s32 $0xFFFFC000;
	s8 =	smov.u32 s14;
	s12 =	sadd.s32 $0x800, s14  }
0x463: {  	p1 =	sne.s32 s14, $0x3000;
	v1 =	vld [tilespmem:s13+$0x1200];
	_ =	sdelay $0x4  }
0x464: {  	[tilespmem:$0x2000] =	vst v1  }
0x465: {  	v1 =	vld [tilespmem:s13+$0x1280];
	_ =	sdelay $0x4  }
0x466: {  	[tilespmem:$0x2080] =	vst v1  }
0x467: {  	v1 =	vld [tilespmem:s13+$0x1210];
	_ =	sdelay $0x4  }
0x468: {  	[tilespmem:$0x2010] =	vst v1  }
0x469: {  	v1 =	vld [tilespmem:s13+$0x1290];
	_ =	sdelay $0x4  }
0x46a: {  	[tilespmem:$0x2090] =	vst v1  }
0x46b: {  	v1 =	vld [tilespmem:s13+$0x1220];
	_ =	sdelay $0x4  }
0x46c: {  	[tilespmem:$0x2020] =	vst v1  }
0x46d: {  	v1 =	vld [tilespmem:s13+$0x12A0];
	_ =	sdelay $0x4  }
0x46e: {  	[tilespmem:$0x20A0] =	vst v1  }
0x46f: {  	v1 =	vld [tilespmem:s13+$0x1230];
	_ =	sdelay $0x4  }
0x470: {  	[tilespmem:$0x2030] =	vst v1  }
0x471: {  	v1 =	vld [tilespmem:s13+$0x12B0];
	_ =	sdelay $0x4  }
0x472: {  	[tilespmem:$0x20B0] =	vst v1  }
0x473: {  	v1 =	vld [tilespmem:s13+$0x1240];
	_ =	sdelay $0x4  }
0x474: {  	[tilespmem:$0x2040] =	vst v1  }
0x475: {  	v1 =	vld [tilespmem:s13+$0x12C0];
	_ =	sdelay $0x4  }
0x476: {  	[tilespmem:$0x20C0] =	vst v1  }
0x477: {  	v1 =	vld [tilespmem:s13+$0x1250];
	_ =	sdelay $0x4  }
0x478: {  	[tilespmem:$0x2050] =	vst v1  }
0x479: {  	v1 =	vld [tilespmem:s13+$0x12D0];
	_ =	sdelay $0x4  }
0x47a: {  	[tilespmem:$0x20D0] =	vst v1  }
0x47b: {  	v1 =	vld [tilespmem:s13+$0x1260];
	_ =	sdelay $0x4  }
0x47c: {  	[tilespmem:$0x2060] =	vst v1  }
0x47d: {  	v1 =	vld [tilespmem:s13+$0x12E0];
	_ =	sdelay $0x4  }
0x47e: {  	[tilespmem:$0x20E0] =	vst v1  }
0x47f: {  	v1 =	vld [tilespmem:s13+$0x1270];
	_ =	sdelay $0x4  }
0x480: {  	[tilespmem:$0x2070] =	vst v1  }
0x481: {  	v1 =	vld [tilespmem:s13+$0x12F0];
	_ =	sdelay $0x4  }
0x482: {  	[tilespmem:$0x20F0] =	vst v1  }
0x483: {  	[tilespmem:s19], [sflag:$0x1] =	stream.indirect.gather [hbm4b:s5+s23], $0x80, s24, s23, $0xb8;
	[tilespmem:$0x1E200] =	vst v63  }
0x484: {  	_ =	swait.ge [sflag:s30], $0x4000  }
0x485: {  	[sflag:s30] =	ssyncset.done $0x0  }
0x486: {  	[sflag:s30] =	ssyncadd.s32 $0xFFFFC000  }
0x487: {  	[spmem:s1] =	stream.indirect.scatter.add.f32 [tilespmem:s26], [sflag:$0x5], $0x80, s31, s23, $0xb8;
	[tilespmem:$0x1E200] =	vst v63  }
0x488: {  	_ =	swait.ge [sflag:s20], $0x4000  }
0x489: {  	[sflag:s20] =	ssyncset.done $0x0  }
0x48a: {  	[sflag:s20] =	ssyncadd.s32 $0xFFFFC000  }
0x48b: {  	v1 =	vld [tilespmem:s13+$0x1300];
	_ =	sdelay $0x4  }
0x48c: {  	[tilespmem:$0x2100] =	vst v1  }
0x48d: {  	v1 =	vld [tilespmem:s13+$0x1380];
	_ =	sdelay $0x4  }
0x48e: {  	[tilespmem:$0x2180] =	vst v1  }
0x48f: {  	v1 =	vld [tilespmem:s13+$0x1310];
	_ =	sdelay $0x4  }
0x490: {  	[tilespmem:$0x2110] =	vst v1  }
0x491: {  	v1 =	vld [tilespmem:s13+$0x1390];
	_ =	sdelay $0x4  }
0x492: {  	[tilespmem:$0x2190] =	vst v1  }
0x493: {  	v1 =	vld [tilespmem:s13+$0x1320];
	_ =	sdelay $0x4  }
0x494: {  	[tilespmem:$0x2120] =	vst v1  }
0x495: {  	v1 =	vld [tilespmem:s13+$0x13A0];
	_ =	sdelay $0x4  }
0x496: {  	[tilespmem:$0x21A0] =	vst v1  }
0x497: {  	v1 =	vld [tilespmem:s13+$0x1330];
	_ =	sdelay $0x4  }
0x498: {  	[tilespmem:$0x2130] =	vst v1  }
0x499: {  	v1 =	vld [tilespmem:s13+$0x13B0];
	_ =	sdelay $0x4  }
0x49a: {  	[tilespmem:$0x21B0] =	vst v1  }
0x49b: {  	v1 =	vld [tilespmem:s13+$0x1340];
	_ =	sdelay $0x4  }
0x49c: {  	[tilespmem:$0x2140] =	vst v1  }
0x49d: {  	v1 =	vld [tilespmem:s13+$0x13C0];
	_ =	sdelay $0x4  }
0x49e: {  	[tilespmem:$0x21C0] =	vst v1  }
0x49f: {  	v1 =	vld [tilespmem:s13+$0x1350];
	_ =	sdelay $0x4  }
0x4a0: {  	[tilespmem:$0x2150] =	vst v1  }
0x4a1: {  	v1 =	vld [tilespmem:s13+$0x13D0];
	_ =	sdelay $0x4  }
0x4a2: {  	[tilespmem:$0x21D0] =	vst v1  }
0x4a3: {  	v1 =	vld [tilespmem:s13+$0x1360];
	_ =	sdelay $0x4  }
0x4a4: {  	[tilespmem:$0x2160] =	vst v1  }
0x4a5: {  	v1 =	vld [tilespmem:s13+$0x13E0];
	_ =	sdelay $0x4  }
0x4a6: {  	[tilespmem:$0x21E0] =	vst v1  }
0x4a7: {  	v1 =	vld [tilespmem:s13+$0x1370];
	_ =	sdelay $0x4  }
0x4a8: {  	[tilespmem:$0x2170] =	vst v1  }
0x4a9: {  	v1 =	vld [tilespmem:s13+$0x13F0];
	_ =	sdelay $0x4  }
0x4aa: {  	[tilespmem:$0x21F0] =	vst v1  }
0x4ab: {  	[tilespmem:s26], [sflag:$0x2] =	stream.indirect.gather [hbm4b:s5+s23], $0x80, s25, s23, $0xb8;
	[tilespmem:$0x1E200] =	vst v63  }
0x4ac: {  	_ =	swait.ge [sflag:s28], $0x4000  }
.Ltmp9:
0x4ad: {  	[sflag:s28] =	ssyncset.done $0x0;
	(pc) =	sbr.rel @p1 .LBB2_13-.Ltmp9, $4  }
0x4ae: {  	[sflag:s28] =	ssyncadd.s32 $0xFFFFC000  }
0x4af: {  	[spmem:s1] =	stream.indirect.scatter.add.f32 [tilespmem:s19], [sflag:$0x5], $0x80, s29, s23, $0xb8;
	[tilespmem:$0x1E200] =	vst v63  }
0x4b0: {  	_ =	swait.ge [sflag:s20], $0x4000  }
0x4b1: {  	s14 =	smov.u32 s12;
	[sflag:s20] =	ssyncset.done $0x0  }
0x4b2: {  	s8 =	sshra.s32 s8, $0x2;
	[sflag:s20] =	ssyncadd.s32 $0xFFFFC000  }
0x4b3: {  	v1 =	vld [tilespmem:s8+$0x1200];
	_ =	sdelay $0x4  }
0x4b4: {  	[tilespmem:$0x2000] =	vst v1  }
0x4b5: {  	v1 =	vld [tilespmem:s8+$0x1280];
	_ =	sdelay $0x4  }
0x4b6: {  	[tilespmem:$0x2080] =	vst v1  }
0x4b7: {  	v1 =	vld [tilespmem:s8+$0x1210];
	_ =	sdelay $0x4  }
0x4b8: {  	[tilespmem:$0x2010] =	vst v1  }
0x4b9: {  	v1 =	vld [tilespmem:s8+$0x1290];
	_ =	sdelay $0x4  }
0x4ba: {  	[tilespmem:$0x2090] =	vst v1  }
0x4bb: {  	v1 =	vld [tilespmem:s8+$0x1220];
	_ =	sdelay $0x4  }
0x4bc: {  	[tilespmem:$0x2020] =	vst v1  }
0x4bd: {  	v1 =	vld [tilespmem:s8+$0x12A0];
	_ =	sdelay $0x4  }
0x4be: {  	[tilespmem:$0x20A0] =	vst v1  }
0x4bf: {  	v1 =	vld [tilespmem:s8+$0x1230];
	_ =	sdelay $0x4  }
0x4c0: {  	[tilespmem:$0x2030] =	vst v1  }
0x4c1: {  	v1 =	vld [tilespmem:s8+$0x12B0];
	_ =	sdelay $0x4  }
0x4c2: {  	[tilespmem:$0x20B0] =	vst v1  }
0x4c3: {  	v1 =	vld [tilespmem:s8+$0x1240];
	_ =	sdelay $0x4  }
0x4c4: {  	[tilespmem:$0x2040] =	vst v1  }
0x4c5: {  	v1 =	vld [tilespmem:s8+$0x12C0];
	_ =	sdelay $0x4  }
0x4c6: {  	[tilespmem:$0x20C0] =	vst v1  }
0x4c7: {  	v1 =	vld [tilespmem:s8+$0x1250];
	_ =	sdelay $0x4  }
0x4c8: {  	[tilespmem:$0x2050] =	vst v1  }
0x4c9: {  	v1 =	vld [tilespmem:s8+$0x12D0];
	_ =	sdelay $0x4  }
0x4ca: {  	[tilespmem:$0x20D0] =	vst v1  }
0x4cb: {  	v1 =	vld [tilespmem:s8+$0x1260];
	_ =	sdelay $0x4  }
0x4cc: {  	[tilespmem:$0x2060] =	vst v1  }
0x4cd: {  	v1 =	vld [tilespmem:s8+$0x12E0];
	_ =	sdelay $0x4  }
0x4ce: {  	[tilespmem:$0x20E0] =	vst v1  }
0x4cf: {  	v1 =	vld [tilespmem:s8+$0x1270];
	_ =	sdelay $0x4  }
0x4d0: {  	[tilespmem:$0x2070] =	vst v1  }
0x4d1: {  	v1 =	vld [tilespmem:s8+$0x12F0];
	_ =	sdelay $0x4  }
0x4d2: {  	[tilespmem:$0x20F0] =	vst v1  }
0x4d3: {  	[tilespmem:s19], [sflag:$0x1] =	stream.indirect.gather [hbm4b:s5+s23], $0x80, s24, s23, $0xb8;
	[tilespmem:$0x1E200] =	vst v63  }
0x4d4: {  	_ =	swait.ge [sflag:s30], $0x4000  }
0x4d5: {  	[sflag:s30] =	ssyncset.done $0x0  }
0x4d6: {  	[sflag:s30] =	ssyncadd.s32 $0xFFFFC000  }
0x4d7: {  	[spmem:s1] =	stream.indirect.scatter.add.f32 [tilespmem:s26], [sflag:$0x5], $0x80, s31, s23, $0xb8;
	[tilespmem:$0x1E200] =	vst v63  }
0x4d8: {  	_ =	swait.ge [sflag:s20], $0x4000  }
0x4d9: {  	[sflag:s20] =	ssyncset.done $0x0  }
0x4da: {  	[sflag:s20] =	ssyncadd.s32 $0xFFFFC000  }
0x4db: {  	v1 =	vld [tilespmem:s8+$0x1300];
	_ =	sdelay $0x4  }
0x4dc: {  	[tilespmem:$0x2100] =	vst v1  }
0x4dd: {  	v1 =	vld [tilespmem:s8+$0x1380];
	_ =	sdelay $0x4  }
0x4de: {  	[tilespmem:$0x2180] =	vst v1  }
0x4df: {  	v1 =	vld [tilespmem:s8+$0x1310];
	_ =	sdelay $0x4  }
0x4e0: {  	[tilespmem:$0x2110] =	vst v1  }
0x4e1: {  	v1 =	vld [tilespmem:s8+$0x1390];
	_ =	sdelay $0x4  }
0x4e2: {  	[tilespmem:$0x2190] =	vst v1  }
0x4e3: {  	v1 =	vld [tilespmem:s8+$0x1320];
	_ =	sdelay $0x4  }
0x4e4: {  	[tilespmem:$0x2120] =	vst v1  }
0x4e5: {  	v1 =	vld [tilespmem:s8+$0x13A0];
	_ =	sdelay $0x4  }
0x4e6: {  	[tilespmem:$0x21A0] =	vst v1  }
0x4e7: {  	v1 =	vld [tilespmem:s8+$0x1330];
	_ =	sdelay $0x4  }
0x4e8: {  	[tilespmem:$0x2130] =	vst v1  }
0x4e9: {  	v1 =	vld [tilespmem:s8+$0x13B0];
	_ =	sdelay $0x4  }
0x4ea: {  	[tilespmem:$0x21B0] =	vst v1  }
0x4eb: {  	v1 =	vld [tilespmem:s8+$0x1340];
	_ =	sdelay $0x4  }
0x4ec: {  	[tilespmem:$0x2140] =	vst v1  }
0x4ed: {  	v1 =	vld [tilespmem:s8+$0x13C0];
	_ =	sdelay $0x4  }
0x4ee: {  	[tilespmem:$0x21C0] =	vst v1  }
0x4ef: {  	v1 =	vld [tilespmem:s8+$0x1350];
	_ =	sdelay $0x4  }
0x4f0: {  	[tilespmem:$0x2150] =	vst v1  }
0x4f1: {  	v1 =	vld [tilespmem:s8+$0x13D0];
	_ =	sdelay $0x4  }
0x4f2: {  	[tilespmem:$0x21D0] =	vst v1  }
0x4f3: {  	v1 =	vld [tilespmem:s8+$0x1360];
	_ =	sdelay $0x4  }
0x4f4: {  	[tilespmem:$0x2160] =	vst v1  }
0x4f5: {  	v1 =	vld [tilespmem:s8+$0x13E0];
	_ =	sdelay $0x4  }
0x4f6: {  	[tilespmem:$0x21E0] =	vst v1  }
0x4f7: {  	v1 =	vld [tilespmem:s8+$0x1370];
	_ =	sdelay $0x4  }
0x4f8: {  	[tilespmem:$0x2170] =	vst v1  }
0x4f9: {  	v1 =	vld [tilespmem:s8+$0x13F0];
	_ =	sdelay $0x4  }
0x4fa: {  	[tilespmem:$0x21F0] =	vst v1  }
0x4fb: {  	[tilespmem:s26], [sflag:$0x2] =	stream.indirect.gather [hbm4b:s5+s23], $0x80, s25, s23, $0xb8;
	[tilespmem:$0x1E200] =	vst v63  }
0x4fc: {  	_ =	swait.ge [sflag:s28], $0x4000  }
0x4fd: {  	[sflag:s28] =	ssyncset.done $0x0  }
0x4fe: {  	[sflag:s28] =	ssyncadd.s32 $0xFFFFC000  }
0x4ff: {  	[spmem:s1] =	stream.indirect.scatter.add.f32 [tilespmem:s19], [sflag:$0x5], $0x80, s29, s23, $0xb8;
	[tilespmem:$0x1E200] =	vst v63  }
0x500: {  	_ =	swait.ge [sflag:s20], $0x4000  }
0x501: {  	[sflag:s20] =	ssyncset.done $0x0  }
0x502: {  	[sflag:s20] =	ssyncadd.s32 $0xFFFFC000  }
0x503: {  	s3 =	sadd.s32 $0x1, s3;
	_ =	swait.ge [sflag:s30], $0x4000  }
0x504: {  	p1 =	sne.s32 s3, $0x5;
	[sflag:s30] =	ssyncset.done $0x0  }
.Ltmp10:
0x505: {  	[sflag:s30] =	ssyncadd.s32 $0xFFFFC000;
	(pc) =	sbr.rel @p1 .LBB2_10-.Ltmp10, $4  }
0x506: {  	[spmem:s1] =	stream.indirect.scatter.add.f32 [tilespmem:s26], [sflag:$0x5], $0x80, s31, s23, $0xb8;
	[tilespmem:$0x1E200] =	vst v63  }
0x507: {  	_ =	swait.ge [sflag:s20], $0x4000  }
0x508: {  	[sflag:s20] =	ssyncset.done $0x0  }
0x509: {  	[sflag:s20] =	ssyncadd.s32 $0xFFFFC000  }
.Ltmp11:
0x50a: {  	(pc) =	sbr.rel .LBB2_16-.Ltmp11, $2  }
0x50b: {  	_ =	sdelay $0x2  }
0x50c: {  	s3 =	rddreg [dreg:$0x4]  }
.LBB2_17:
0x50d: {  	_ =	sfence.sel $0x180000  }
0x50e: {  	[bflag:$0x0] =	sbarrier.arrive $0xFFFF  }
0x50f: {  	_ =	strace $0x9000004A  }
0x510: {  	s0 =	stileid.u32;
	[bflag:$0x2] =	sbarrier.arrive $0xFFFF  }
0x511: {  	p0 =	sne.s32 s0, $0x0;
	s0 =	rddreg [dreg:$0x2]  }
0x512: {  	s0 =	sadd.s32 @!p0 $0x100000, s0  }
0x513: {  	[sflag:s0] =	ssyncadd.tile.s32 @!p0 $0x1;
	_ =	shalt  }
.Lfunc_end2:
_tile_overlayer_lowered:
.L_overlay_start_2:
0x514: {  	(tag) =	ssettag $0x2  }
0x515: {  	s0 =	rddreg [dreg:$0x0];
	s2 =	stileid.u32  }
0x516: {  	s1 =	rddreg [dreg:$0x1];
	p0 =	sne.s32 s2, $0x0  }
0x517: {  	s3 =	rddreg [dreg:$0x2];
	[bflag:$0x3] =	sbarrier.arrive $0xFFFF;
	s2 =	simm.s32 @!p0 $0x1C05  }
0x518: {  	[timem:s3], [sflag:s2] =	dma.local @!p0 [hbm:s0], s1  }
0x519: {  	s0 =	simm.s32 @!p0 $0x5  }
0x51a: {  	_ =	swait.ge @!p0 [sflag:s0], s1  }
0x51b: {  	s1 =	ssub.s32 @!p0 $0x0, s1;
	[sflag:s0] =	ssyncset.done @!p0 $0x0  }
0x51c: {  	[sflag:s0] =	ssyncadd.s32 @!p0 s1  }
0x51d: {  	[bflag:$0x3] =	sbarrier.arrive $0xFFFF  }
0x51e: {  	_ =	shalt  }

// kernel: kernel.15.cloned.1.call-start
scs
__scs_entry_jumppad:
0x0: {  	(pc) =	sbr.rel $0x88, $3  }
0x1: {  	(tag) =	ssettag $0x0;
	lr =	simm.s32 $0x1  }
0x2: {  	[smem:$0x3F99] =	sst lr;
	_ =	strace $0xD0000000  }
0x3: {  	_ = 	snop  }
0x4: {  	_ = 	snop  }
0x5: {  	_ = 	snop  }
0x6: {  	_ = 	snop  }
0x7: {  	_ = 	snop  }
__scs_overlays_trampoline_lowered:
0x8: {  	[smem:$0x3FA8] =	sst s0  }
0x9: {  	[smem:$0x3FA9] =	sst s1  }
0xa: {  	[smem:$0x3FAA] =	sst s2  }
0xb: {  	[smem:$0x3FAB] =	sst s3  }
0xc: {  	[smem:$0x3FAC] =	sst s4  }
0xd: {  	[smem:$0x3FAD] =	sst s5  }
0xe: {  	[smem:$0x3FAE] =	sst s6  }
0xf: {  	[smem:$0x3FAF] =	sst s7  }
0x10: {  	[smem:$0x3FB0] =	sst s8  }
0x11: {  	[smem:$0x3FB1] =	sst s9;
	s0 =	simm.s32 @!p0 $0x0  }
0x12: {  	s1 =	sld [smem:$0x3F97];
	s0 =	simm.s32 @p0 $0x1  }
0x13: {  	[smem:$0x3FB2] =	sst s0;
	s0 =	simm.s32 @!p1 $0x0  }
0x14: {  	s2 =	sld [smem:$0x3F96];
	s0 =	simm.s32 @p1 $0x1  }
0x15: {  	[smem:$0x3FB3] =	sst s0;
	s0 =	simm.s32 @!p2 $0x0  }
0x16: {  	s3 =	sld [smem:$0x3FDB];
	s0 =	simm.s32 @p2 $0x1  }
0x17: {  	s4 =	simm.s32 $0x1BF5;
	[smem:$0x3FB5] =	sst s0  }
0x18: {  	s0 =	sld [smem:$0x3F98];
	_ =	swait.ge [sflag:s4], $0x0  }
0x19: {  	s7 =	sld [smem:$0x3F99]  }
0x1a: {  	s8 =	sadd.s32 $0xFFFFE003, lr  }
0x1b: {  	s9 =	sadd.s32 $0xFFFFFEF7, lr;
	s5 =	simm.s32 $0xFFFFFFFF;
	p2 =	slt.u32 s8, $0xFFFFF086  }
0x1c: {  	p1 =	slt.u32 s9, $0xF7A;
	s5 =	simm.s32 @!p2 $0x0  }
0x1d: {  	s5 =	simm.s32 @p1 $0x1;
	p0 =	seq.s32 s7, s2  }
0x1e: {  	s7 =	smul.u32 @!p0 $0xF7A, s2;
	p2 =	seq.s32 @!p0 s5, $0x0  }
0x1f: {  	s9 =	smul.u32 $0xF7A, s1;
	s8 =	simm.s32 @!p0 $0x1BF5;
	p2 =	por !p2, p0  }
0x20: {  	[sflag:s8] =	ssyncset.s32 @!p0 $0xFFFFF086;
	s6 =	sadd.s32 @!p0 s3, s7;
	s7 =	simm.s32 @!p0 $0x108  }
0x21: {  	s3 =	sadd.s32 s3, s9;
	s6 =	sadd.s32 @!p0 $0x88, s6;
	s7 =	simm.s32 @p2 $0x1082  }
0x22: {  	[simem:s7], [sflag:s8] =	dma.local @!p0 [hbm:s6], $0xF7A  }
0x23: {  	s9 =	sor.u32 $0xD0000000, s2;
	s6 =	simm.s32 $0x108;
	_ =	swait.ge @!p0 [sflag:s8], $0x0  }
0x24: {  	s3 =	sadd.s32 $0x88, s3;
	s6 =	simm.s32 @!p1 $0x1082;
	[sflag:s4] =	ssyncset.s32 $0xFFFFF086  }
0x25: {  	[simem:s6], [sflag:s4] =	dma.local [hbm:s3], $0xF7A  }
0x26: {  	[smem:$0x3F99] =	sst s1;
	(tag) =	ssettag s2;
	_ =	strace s9  }
0x27: {  	s1 =	sld [smem:$0x3FA9]  }
0x28: {  	s2 =	sld [smem:$0x3FAA]  }
0x29: {  	s4 =	sld [smem:$0x3FAC]  }
0x2a: {  	p0 =	seq.s32 s5, $0x0;
	s5 =	sld [smem:$0x3FAD]  }
0x2b: {  	s6 =	sld [smem:$0x3FAE]  }
0x2c: {  	s7 =	sld [smem:$0x3FAF]  }
0x2d: {  	s3 =	simm.s32 $0x108;
	s8 =	sld [smem:$0x3FB0]  }
0x2e: {  	s3 =	simm.s32 @!p0 $0x1082;
	s9 =	sld [smem:$0x3FB1]  }
0x2f: {  	lr =	sadd.s32 s0, s3;
	s0 =	sld [smem:$0x3FA8]  }
0x30: {  	s3 =	sld [smem:$0x3FAB]  }
0x31: {  	[smem:$0x3FB4] =	sst s10  }
0x32: {  	s10 =	sld [smem:$0x3FB2];
	_ =	sdelay $0x3  }
0x33: {  	p0 =	seq.s32 s10, $0x1;
	s10 =	sld [smem:$0x3FB4];
	_ =	sdelay $0x3  }
0x34: {  	[smem:$0x3FB4] =	sst s10  }
0x35: {  	s10 =	sld [smem:$0x3FB3];
	_ =	sdelay $0x3  }
0x36: {  	p1 =	seq.s32 s10, $0x1;
	s10 =	sld [smem:$0x3FB4];
	_ =	sdelay $0x3  }
0x37: {  	[smem:$0x3FB4] =	sst s10  }
0x38: {  	s10 =	sld [smem:$0x3FB5]  }
0x39: {  	_ = 	snop;
	(pc) =	sbr.ind lr, $3  }
0x3a: {  	_ = 	snop  }
0x3b: {  	_ = 	snop  }
0x3c: {  	p2 =	seq.s32 s10, $0x1;
	s10 =	sld [smem:$0x3FB4]  }
0x3d: {  	_ =	shalt  }
0x3e: {  	_ =	shalt  }
0x3f: {  	_ =	shalt  }
0x40: {  	_ =	shalt  }
0x41: {  	_ =	shalt  }
0x42: {  	_ =	shalt  }
0x43: {  	_ =	shalt  }
0x44: {  	_ =	shalt  }
0x45: {  	_ =	shalt  }
0x46: {  	_ =	shalt  }
0x47: {  	_ =	shalt  }
0x48: {  	_ =	shalt  }
0x49: {  	_ =	shalt  }
0x4a: {  	_ =	shalt  }
0x4b: {  	_ =	shalt  }
0x4c: {  	_ =	shalt  }
0x4d: {  	_ =	shalt  }
0x4e: {  	_ =	shalt  }
0x4f: {  	_ =	shalt  }
0x50: {  	_ =	shalt  }
0x51: {  	_ =	shalt  }
0x52: {  	_ =	shalt  }
0x53: {  	_ =	shalt  }
0x54: {  	_ =	shalt  }
0x55: {  	_ =	shalt  }
0x56: {  	_ =	shalt  }
0x57: {  	_ =	shalt  }
0x58: {  	_ =	shalt  }
0x59: {  	_ =	shalt  }
0x5a: {  	_ =	shalt  }
0x5b: {  	_ =	shalt  }
0x5c: {  	_ =	shalt  }
0x5d: {  	_ =	shalt  }
0x5e: {  	_ =	shalt  }
0x5f: {  	_ =	shalt  }
0x60: {  	_ =	shalt  }
0x61: {  	_ =	shalt  }
0x62: {  	_ =	shalt  }
0x63: {  	_ =	shalt  }
0x64: {  	_ =	shalt  }
0x65: {  	_ =	shalt  }
0x66: {  	_ =	shalt  }
0x67: {  	_ =	shalt  }
0x68: {  	_ =	shalt  }
0x69: {  	_ =	shalt  }
0x6a: {  	_ =	shalt  }
0x6b: {  	_ =	shalt  }
0x6c: {  	_ =	shalt  }
0x6d: {  	_ =	shalt  }
0x6e: {  	_ =	shalt  }
0x6f: {  	_ =	shalt  }
0x70: {  	_ =	shalt  }
0x71: {  	_ =	shalt  }
0x72: {  	_ =	shalt  }
0x73: {  	_ =	shalt  }
0x74: {  	_ =	shalt  }
0x75: {  	_ =	shalt  }
0x76: {  	_ =	shalt  }
0x77: {  	_ =	shalt  }
0x78: {  	_ =	shalt  }
0x79: {  	_ =	shalt  }
0x7a: {  	_ =	shalt  }
0x7b: {  	_ =	shalt  }
0x7c: {  	_ =	shalt  }
0x7d: {  	_ =	shalt  }
0x7e: {  	_ =	shalt  }
0x7f: {  	_ =	shalt  }
0x80: {  	_ =	shalt  }
0x81: {  	_ =	shalt  }
0x82: {  	_ =	shalt  }
0x83: {  	_ =	shalt  }
0x84: {  	_ =	shalt  }
0x85: {  	_ =	shalt  }
0x86: {  	_ =	shalt  }
0x87: {  	_ =	shalt  }
.Lfunc_end0:
.L_simem_size_0:
called_computation.2_lowered:
.L_overlay_start_0:
0x88: {  	s2 =	sld [smem:$0x3FD9]  }
0x89: {  	s3 =	sld [smem:$0x3FFE];
	_ =	sdelay $0x1  }
0x8a: {  	s1 =	srdreg.scid  }
0x8b: {  	s0 =	sand.u32 $0x1, s1  }
0x8c: {  	s16 =	sshll.u32 s0, $0xA;
	s2 =	sadd.s32 s3, s2  }
0x8d: {  	s2 =	sadd.s32 s2, s16  }
0x8e: {  	[smem:$0x3FC0] =	sst s2  }
0x8f: {  	_ = 	snop  }
0x90: {  	(tm) =	ssettm $0x1  }
0x91: {  	s17 =	sld [smem:$0x3FFB];
	_ =	sdelay $0x3  }
0x92: {  	_ =	strace s17  }
0x93: {  	s2 =	sld [smem:$0x3FFC];
	_ =	sdelay $0x3  }
0x94: {  	_ =	strace s2  }
0x95: {  	s2 =	sld [smem:$0x3FFD];
	_ =	sdelay $0x3  }
0x96: {  	_ =	strace s2  }
0x97: {  	_ =	strace $0x8FFFFFFF  }
0x98: {  	s18 =	sld [smem:$0x3FDB];
	_ =	sdelay $0x1  }
0x99: {  	s19 =	simm.s32 $_scs_section_size  }
0x9a: {  	s4 =	simm.s32 $_size__tile_overlayer_lowered;
	s5 =	simm.s32 $_tile_overlayer_lowered  }
0x9b: {  	s22 =	simm.s32 $0x1BFF;
	s21 =	sshll.u32 s5, $0x1;
	s2 =	sadd.s32 s19, s18  }
0x9c: {  	s6 =	simm.s32 $0x0;
	s20 =	sshll.u32 s4, $0x1;
	s4 =	sadd.s32 s21, s2  }
0x9d: {  	[timem:s6], [sflag:s22] =	dma.local [hbm:s4], s20  }
0x9e: {  	_ =	swait.ge [sflag:s22], s20  }
0x9f: {  	s3 =	ssub.s32 $0x0, s20;
	[sflag:s22] =	ssyncset.done $0x0  }
0xa0: {  	[sflag:s22] =	ssyncadd.s32 s3;
	_ =	sdelay $0x1  }
0xa1: {  	s23 =	simm.s32 $0x1B8B  }
0xa2: {  	_ =	swait.ge [sflag:s23], $0x1  }
0xa3: {  	[sflag:s23] =	ssyncset.done $0x0  }
0xa4: {  	s25 =	simm.s32 $0x1B8E;
	s24 =	sld [smem:$0x3FFE];
	[sflag:s23] =	ssyncadd.s32 $0xFFFFFFFF  }
0xa5: {  	s26 =	simm.s32 $execute0_lowered;
	[smem:$0x3FD2] =	sst s25  }
0xa6: {  	s4 =	sshll.u32 s26, $0x1;
	_ =	strace $0x8000004C;
	[dreg:$0x1] =	wrdreg $0xFFFFFFFF  }
0xa7: {  	s28 =	simm.s32 $_size_execute0_lowered;
	s2 =	sadd.s32 s2, s4;
	[dreg:$0x0] =	wrdreg $0x0  }
0xa8: {  	s4 =	sshll.u32 s28, $0x1;
	[dreg:$0x2] =	wrdreg s2  }
0xa9: {  	[dreg:$0x3] =	wrdreg s4  }
0xaa: {  	[dreg:$0x4] =	wrdreg $0xC0  }
0xab: {  	_ =	task [dreg:s6], $0x5FFFF  }
0xac: {  	[dreg:$0x1] =	wrdreg $0xFFFFFFFF  }
0xad: {  	[dreg:$0x0] =	wrdreg $0x60  }
0xae: {  	[dreg:$0x2] =	wrdreg s24  }
0xaf: {  	[dreg:$0x3] =	wrdreg $0xA2000  }
0xb0: {  	[dreg:$0x4] =	wrdreg $0x9  }
0xb1: {  	_ =	task.clear_ibuf [dreg:s6], $0x5FFFF;
	_ =	strace $0x9000004C  }
0xb2: {  	s29 =	simm.s32 $0x9;
	_ =	strace $0x8000004E  }
0xb3: {  	_ =	swait.ge [sflag:s29], $0x1  }
0xb4: {  	[sflag:s29] =	ssyncadd.s32 $0xFFFFFFFF  }
0xb5: {  	_ =	strace $0x9000004E  }
0xb6: {  	_ =	sfence  }
0xb7: {  	s30 =	sld [smem:$0x0];
	_ =	sdelay $0x2  }
0xb8: {  	s31 =	sshll.u32 s1, $0xD;
	s1 =	sshrl.u32 s1, $0x2  }
0xb9: {  	s3 =	sand.u32 $0x4000, s31;
	s1 =	sadd.s32 s1, s30  }
0xba: {  	s0 =	sor.u32 s3, s0;
	s1 =	sshll.u32 s1, $0x11  }
0xbb: {  	s0 =	sor.u32 s1, s0  }
0xbc: {  	s0 =	sadd.s32 $0x8F2B, s0  }
0xbd: {  	[sflag:s0] =	ssyncadd.remote.s32 $0x1  }
0xbe: {  	_ =	sfence.sel $0xFFFF  }
0xbf: {  	[dreg:$0x0] =	wrdreg $0xFFFFFFFF;
	(pc) =	sbr.abs _section_cstart, $3  }
0xc0: {  	[dreg:$0x1] =	wrdreg $0xFFFFFFFF  }
0xc1: {  	_ =	task.clear_ibuf [dreg:s6], $0x2FFFF;
	_ =	strace $0x9FFFFFFF  }
0xc2: {  	(tm) =	ssettm $0x7FFFFFFF  }
0xc3: {  	_ =	shalt  }
tec
execute0_lowered:
.L_overlay_start_1:
0x0: {  	(tag) =	ssettag $0x1  }
0x1: {  	s0 =	rddreg [dreg:$0x0]  }
0x2: {  	s1 =	rddreg [dreg:$0x1];
	s2 =	simm.s32 $0x0  }
0x3: {  	s21 =	srdreg.scid;
	s12 =	stileid.u32;
	s19 =	simm.s32 $0x2200  }
0x4: {  	s20 =	simm.s32 $0x5;
	s28 =	simm.s32 $0x1;
	s29 =	simm.s32 $0x2080  }
0x5: {  	s30 =	simm.s32 $0x2;
	s31 =	simm.s32 $0x2180;
	[smem:$0x7FF] =	sst s2  }
0x6: {  	s4 =	sadd.s32 $0x55800, s0;
	s5 =	sadd.s32 $0x7CA00, s0;
	s3 =	smul.u32 $0x1400, s12  }
0x7: {  	s6 =	sadd.s32 $0xADA00, s0;
	s2 =	sand.u32 $0x1, s21;
	s8 =	smul.u32 $0x50000, s12  }
0x8: {  	s7 =	sadd.s32 $0xC1A00, s0;
	s0 =	sadd.s32 $0xE9A00, s0;
	s11 =	smul.u32 $0xA000, s12  }
0x9: {  	s25 =	smul.u32 $0x2800, s12;
	_ =	strace $0x8000004D;
	[dreg:$0x3] =	wrdreg s7  }
0xa: {  	s21 =	simm.s32 $0x1000;
	s22 =	ssub.s32 $0x2, s2;
	[dreg:$0x4] =	wrdreg s0  }
0xb: {  	p0 =	sne.s32 s2, $0x0;
	s2 =	simm.s32 $0x0;
	s23 =	sshrl.u32 s22, $0x1  }
0xc: {  	s9 =	sadd.s32 s6, s3;
	s24 =	sshrl.u32 s8, $0x2;
	s11 =	sadd.s32 $0x2000, s11  }
0xd: {  	[dreg:$0x5] =	wrdreg s25;
	s25 =	simm.s32 $0x2100;
	s0 =	ssub.s32 s22, s23  }
.Ltmp0:
0xe: {  	s10 =	sadd.s32 s24, s1;
	s18 =	sadd.s32 $0x200, s9;
	(pc) =	sbr.rel .LBB2_1-.Ltmp0, $4  }
0xf: {  	s22 =	simm.s32 $0x3;
	s23 =	simm.s32 $0x80;
	s24 =	simm.s32 $0x2000  }
0x10: {  	s0 =	smax.u32 s0, $0x1;
	s26 =	sadd.s32 $0x4000, s10;
	s15 =	sadd.s32 $0x8000, s10  }
0x11: {  	s16 =	sadd.s32 $0xC000, s10;
	s17 =	sadd.s32 $0x10000, s10;
	[dreg:$0x6] =	wrdreg s0  }
0x12: {  	v0 =	vimm.f32 $0.0e+00;
	[dreg:$0x7] =	wrdreg s26;
	s26 =	simm.s32 $0x6200;
	s0 =	simm.s32 $0x4  }
.LBB2_16:
0x13: {  	s7 =	rddreg [dreg:$0x5];
	s13 =	stileid.u32  }
0x14: {  	s3 =	sadd.s32 s3, s7;
	s7 =	sshll.u32 s13, $0x6  }
0x15: {  	[bflag:$0x0] =	sbarrier.arrive $0xFFFF;
	s8 =	sshrl.u32 s10, $0x3;
	s7 =	sor.u32 $0x1C05, s7  }
0x16: {  	[hbm:s3], [sflag:s7] =	dma.local [spmem:s8], $0x2800  }
0x17: {  	_ =	swait.ge [sflag:s20], $0x2800  }
0x18: {  	s2 =	sadd.s32 $0x1, s2;
	s14 =	rddreg [dreg:$0x6]  }
0x19: {  	p1 =	sne.s32 s2, s14  }
.Ltmp1:
0x1a: {  	_ = 	snop;
	(pc) =	sbr.rel @!p1 .LBB2_17-.Ltmp1, $3  }
0x1b: {  	_ =	sdelay $0x1  }
0x1c: {  	[sflag:s20] =	ssyncset.done $0x0  }
0x1d: {  	[sflag:s20] =	ssyncadd.s32 $0xFFFFD800  }
.LBB2_1:
0x1e: {  	s3 =	simm.s32 $0x0  }
0x1f: {  	[tilespmem:s3], [sflag:$0x3] =	stream.linear.gather [hbm4b:s9+s3], $0x1000, $0x38;
	[tilespmem:$0x1E200] =	vst v63  }
0x20: {  	s7 =	simm.s32 $0x200;
	s3 =	simm.s32 $0x0  }
.LBB2_2:
0x21: {  	p1 =	sne.s32 s7, $0xFE00;
	[tilespmem:s3+$0x2270] =	vst v0  }
0x22: {  	[tilespmem:s3+$0x2200] =	vst v0  }
0x23: {  	[tilespmem:s3+$0x2210] =	vst v0  }
.Ltmp2:
0x24: {  	[tilespmem:s3+$0x2220] =	vst v0;
	(pc) =	sbr.rel @p1 .LBB2_2-.Ltmp2, $4  }
0x25: {  	[tilespmem:s3+$0x2230] =	vst v0  }
0x26: {  	[tilespmem:s3+$0x2240] =	vst v0  }
0x27: {  	[tilespmem:s3+$0x2250] =	vst v0  }
0x28: {  	[tilespmem:s3+$0x2260] =	vst v0;
	s3 =	sshra.s32 s7, $0x2;
	s7 =	sadd.s32 $0x200, s7  }
0x29: {  	[tilespmem:s3+$0x2270] =	vst v0  }
0x2a: {  	[tilespmem:s3+$0x2200] =	vst v0  }
0x2b: {  	[tilespmem:s3+$0x2210] =	vst v0  }
0x2c: {  	[tilespmem:s3+$0x2220] =	vst v0  }
0x2d: {  	[tilespmem:s3+$0x2230] =	vst v0  }
0x2e: {  	[tilespmem:s3+$0x2240] =	vst v0  }
0x2f: {  	[tilespmem:s3+$0x2250] =	vst v0  }
0x30: {  	[tilespmem:s3+$0x2260] =	vst v0  }
0x31: {  	[spmem:s10] =	stream.linear.scatter [tilespmem:s19], [sflag:$0x5], $0x4000, $0x38;
	[tilespmem:$0x1E200] =	vst v63  }
0x32: {  	_ =	swait.ge [sflag:s20], $0x4000  }
0x33: {  	[sflag:s20] =	ssyncset.done $0x0  }
0x34: {  	s14 =	rddreg [dreg:$0x7];
	[sflag:s20] =	ssyncadd.s32 $0xFFFFC000  }
0x35: {  	[spmem:s14] =	stream.linear.scatter [tilespmem:s19], [sflag:$0x5], $0x4000, $0x38;
	[tilespmem:$0x1E200] =	vst v63  }
0x36: {  	_ =	swait.ge [sflag:s20], $0x4000  }
0x37: {  	[sflag:s20] =	ssyncset.done $0x0  }
0x38: {  	[sflag:s20] =	ssyncadd.s32 $0xFFFFC000  }
0x39: {  	[spmem:s15] =	stream.linear.scatter [tilespmem:s19], [sflag:$0x5], $0x4000, $0x38;
	[tilespmem:$0x1E200] =	vst v63  }
0x3a: {  	_ =	swait.ge [sflag:s20], $0x4000  }
0x3b: {  	[sflag:s20] =	ssyncset.done $0x0  }
0x3c: {  	[sflag:s20] =	ssyncadd.s32 $0xFFFFC000  }
0x3d: {  	[spmem:s16] =	stream.linear.scatter [tilespmem:s19], [sflag:$0x5], $0x4000, $0x38;
	[tilespmem:$0x1E200] =	vst v63  }
0x3e: {  	_ =	swait.ge [sflag:s20], $0x4000  }
0x3f: {  	[sflag:s20] =	ssyncset.done $0x0  }
0x40: {  	[sflag:s20] =	ssyncadd.s32 $0xFFFFC000  }
0x41: {  	[spmem:s17] =	stream.linear.scatter [tilespmem:s19], [sflag:$0x5], $0x4000, $0x38;
	[tilespmem:$0x1E200] =	vst v63  }
.Ltmp3:
0x42: {  	_ =	swait.ge [sflag:s20], $0x4000;
	(pc) =	sbr.rel @p0 .LBB2_10-.Ltmp3, $4  }
0x43: {  	[sflag:s20] =	ssyncset.done $0x0  }
0x44: {  	[sflag:s20] =	ssyncadd.s32 $0xFFFFC000  }
0x45: {  	[bflag:$0x0] =	sbarrier.arrive $0xFFFF  }
0x46: {  	s7 =	simm.s32 $0x0;
	s8 =	simm.s32 $0x0;
	s3 =	simm.s32 $0x0  }
.LBB2_4:
0x47: {  	s3 =	sshll.u32 s8, $0xA  }
0x48: {  	s3 =	sadd.s32 s18, s3  }
0x49: {  	[tilespmem:s21], [sflag:$0x4] =	stream.linear.gather [hbm4b:s3+s7], $0x1000, $0x38;
	[tilespmem:$0x1E200] =	vst v63  }
0x4a: {  	_ =	swait.ge [sflag:s22], $0x1000  }
0x4b: {  	[sflag:s22] =	ssyncset.done $0x0  }
0x4c: {  	[sflag:s22] =	ssyncadd.s32 $0xFFFFF000  }
0x4d: {  	v1 =	vld [tilespmem:$0x0]  }
0x4e: {  	v2 =	vld [tilespmem:$0x80]  }
0x4f: {  	v3 =	vld [tilespmem:$0x10]  }
0x50: {  	v4 =	vld [tilespmem:$0x90]  }
0x51: {  	v5 =	vld [tilespmem:$0x20]  }
0x52: {  	[tilespmem:$0x2000] =	vst v1;
	v1 =	vld [tilespmem:$0xA0]  }
0x53: {  	v54 =	vld [tilespmem:$0x40];
	[tilespmem:$0x2080] =	vst v2  }
0x54: {  	v55 =	vld [tilespmem:$0xC0];
	[tilespmem:$0x2010] =	vst v3  }
0x55: {  	v2 =	vld [tilespmem:$0x30];
	[tilespmem:$0x2090] =	vst v4  }
0x56: {  	v3 =	vld [tilespmem:$0xB0];
	[tilespmem:$0x2020] =	vst v5  }
0x57: {  	[tilespmem:$0x20A0] =	vst v1;
	v1 =	vld [tilespmem:$0x50]  }
0x58: {  	v56 =	vld [tilespmem:$0xE0];
	[tilespmem:$0x2040] =	vst v54  }
0x59: {  	v57 =	vld [tilespmem:$0x70];
	[tilespmem:$0x20C0] =	vst v55  }
0x5a: {  	[tilespmem:$0x2030] =	vst v2;
	v2 =	vld [tilespmem:$0xD0]  }
0x5b: {  	[tilespmem:$0x20B0] =	vst v3;
	v3 =	vld [tilespmem:$0x60]  }
0x5c: {  	[tilespmem:$0x2050] =	vst v1;
	v1 =	vld [tilespmem:$0xF0]  }
0x5d: {  	[tilespmem:$0x20E0] =	vst v56  }
0x5e: {  	[tilespmem:$0x2070] =	vst v57  }
0x5f: {  	[tilespmem:$0x20D0] =	vst v2  }
0x60: {  	[tilespmem:$0x2060] =	vst v3  }
0x61: {  	[tilespmem:$0x20F0] =	vst v1  }
0x62: {  	[tilespmem:s19], [sflag:$0x1] =	stream.indirect.gather [hbm4b:s4+s23], $0x80, s24, s23, $0xb8;
	[tilespmem:$0x1E200] =	vst v63  }
0x63: {  	v1 =	vld [tilespmem:$0x100]  }
0x64: {  	v2 =	vld [tilespmem:$0x180]  }
0x65: {  	v3 =	vld [tilespmem:$0x110]  }
0x66: {  	v58 =	vld [tilespmem:$0x190]  }
0x67: {  	v59 =	vld [tilespmem:$0x120]  }
0x68: {  	[tilespmem:$0x2100] =	vst v1;
	v1 =	vld [tilespmem:$0x1A0]  }
0x69: {  	v60 =	vld [tilespmem:$0x140];
	[tilespmem:$0x2180] =	vst v2  }
0x6a: {  	v61 =	vld [tilespmem:$0x1C0];
	[tilespmem:$0x2110] =	vst v3  }
0x6b: {  	v2 =	vld [tilespmem:$0x130];
	[tilespmem:$0x2190] =	vst v58  }
0x6c: {  	v3 =	vld [tilespmem:$0x1B0];
	[tilespmem:$0x2120] =	vst v59  }
0x6d: {  	[tilespmem:$0x21A0] =	vst v1;
	v1 =	vld [tilespmem:$0x150]  }
0x6e: {  	v62 =	vld [tilespmem:$0x1E0];
	[tilespmem:$0x2140] =	vst v60  }
0x6f: {  	v63 =	vld [tilespmem:$0x170];
	[tilespmem:$0x21C0] =	vst v61  }
0x70: {  	[tilespmem:$0x2130] =	vst v2;
	v2 =	vld [tilespmem:$0x1D0]  }
0x71: {  	[tilespmem:$0x21B0] =	vst v3;
	v3 =	vld [tilespmem:$0x160]  }
0x72: {  	[tilespmem:$0x2150] =	vst v1;
	v1 =	vld [tilespmem:$0x1F0]  }
0x73: {  	[tilespmem:$0x21E0] =	vst v62  }
0x74: {  	[tilespmem:$0x2170] =	vst v63  }
0x75: {  	[tilespmem:$0x21D0] =	vst v2  }
0x76: {  	[tilespmem:$0x2160] =	vst v3  }
0x77: {  	[tilespmem:$0x21F0] =	vst v1  }
0x78: {  	[tilespmem:s26], [sflag:$0x2] =	stream.indirect.gather [hbm4b:s4+s23], $0x80, s25, s23, $0xb8;
	[tilespmem:$0x1E200] =	vst v63  }
0x79: {  	_ =	swait.ge [sflag:s28], $0x4000  }
0x7a: {  	[sflag:s28] =	ssyncset.done $0x0  }
0x7b: {  	[sflag:s28] =	ssyncadd.s32 $0xFFFFC000  }
0x7c: {  	[spmem:s1] =	stream.indirect.scatter.add.f32 [tilespmem:s19], [sflag:$0x5], $0x80, s29, s23, $0xb8;
	[tilespmem:$0x1E200] =	vst v63  }
0x7d: {  	_ =	swait.ge [sflag:s20], $0x4000  }
0x7e: {  	[sflag:s20] =	ssyncset.done $0x0  }
0x7f: {  	s14 =	simm.s32 $0x0;
	[sflag:s20] =	ssyncadd.s32 $0xFFFFC000  }
0x80: {  	v1 =	vld [tilespmem:s14+$0x200];
	_ =	sdelay $0x4  }
0x81: {  	[tilespmem:$0x2000] =	vst v1  }
0x82: {  	v1 =	vld [tilespmem:s14+$0x280];
	_ =	sdelay $0x4  }
0x83: {  	[tilespmem:$0x2080] =	vst v1  }
0x84: {  	v1 =	vld [tilespmem:s14+$0x210];
	_ =	sdelay $0x4  }
0x85: {  	[tilespmem:$0x2010] =	vst v1  }
0x86: {  	v1 =	vld [tilespmem:s14+$0x290];
	_ =	sdelay $0x4  }
0x87: {  	[tilespmem:$0x2090] =	vst v1  }
0x88: {  	v1 =	vld [tilespmem:s14+$0x220];
	_ =	sdelay $0x4  }
0x89: {  	[tilespmem:$0x2020] =	vst v1  }
0x8a: {  	v1 =	vld [tilespmem:s14+$0x2A0];
	_ =	sdelay $0x4  }
0x8b: {  	[tilespmem:$0x20A0] =	vst v1  }
0x8c: {  	v1 =	vld [tilespmem:s14+$0x230];
	_ =	sdelay $0x4  }
0x8d: {  	[tilespmem:$0x2030] =	vst v1  }
0x8e: {  	v1 =	vld [tilespmem:s14+$0x2B0];
	_ =	sdelay $0x4  }
0x8f: {  	[tilespmem:$0x20B0] =	vst v1  }
0x90: {  	v1 =	vld [tilespmem:s14+$0x240];
	_ =	sdelay $0x4  }
0x91: {  	[tilespmem:$0x2040] =	vst v1  }
0x92: {  	v1 =	vld [tilespmem:s14+$0x2C0];
	_ =	sdelay $0x4  }
0x93: {  	[tilespmem:$0x20C0] =	vst v1  }
0x94: {  	v1 =	vld [tilespmem:s14+$0x250];
	_ =	sdelay $0x4  }
0x95: {  	[tilespmem:$0x2050] =	vst v1  }
0x96: {  	v1 =	vld [tilespmem:s14+$0x2D0];
	_ =	sdelay $0x4  }
0x97: {  	[tilespmem:$0x20D0] =	vst v1  }
0x98: {  	v1 =	vld [tilespmem:s14+$0x260];
	_ =	sdelay $0x4  }
0x99: {  	[tilespmem:$0x2060] =	vst v1  }
0x9a: {  	v1 =	vld [tilespmem:s14+$0x2E0];
	_ =	sdelay $0x4  }
0x9b: {  	[tilespmem:$0x20E0] =	vst v1  }
0x9c: {  	v1 =	vld [tilespmem:s14+$0x270];
	_ =	sdelay $0x4  }
0x9d: {  	[tilespmem:$0x2070] =	vst v1  }
0x9e: {  	v1 =	vld [tilespmem:s14+$0x2F0];
	_ =	sdelay $0x4  }
0x9f: {  	[tilespmem:$0x20F0] =	vst v1  }
0xa0: {  	[tilespmem:s19], [sflag:$0x1] =	stream.indirect.gather [hbm4b:s4+s23], $0x80, s24, s23, $0xb8;
	[tilespmem:$0x1E200] =	vst v63  }
0xa1: {  	_ =	swait.ge [sflag:s30], $0x4000  }
0xa2: {  	[sflag:s30] =	ssyncset.done $0x0  }
0xa3: {  	[sflag:s30] =	ssyncadd.s32 $0xFFFFC000  }
0xa4: {  	[spmem:s1] =	stream.indirect.scatter.add.f32 [tilespmem:s26], [sflag:$0x5], $0x80, s31, s23, $0xb8;
	[tilespmem:$0x1E200] =	vst v63  }
0xa5: {  	_ =	swait.ge [sflag:s20], $0x4000  }
0xa6: {  	[sflag:s20] =	ssyncset.done $0x0  }
0xa7: {  	[sflag:s20] =	ssyncadd.s32 $0xFFFFC000  }
0xa8: {  	v1 =	vld [tilespmem:s14+$0x300];
	_ =	sdelay $0x4  }
0xa9: {  	[tilespmem:$0x2100] =	vst v1  }
0xaa: {  	v1 =	vld [tilespmem:s14+$0x380];
	_ =	sdelay $0x4  }
0xab: {  	[tilespmem:$0x2180] =	vst v1  }
0xac: {  	v1 =	vld [tilespmem:s14+$0x310];
	_ =	sdelay $0x4  }
0xad: {  	[tilespmem:$0x2110] =	vst v1  }
0xae: {  	v1 =	vld [tilespmem:s14+$0x390];
	_ =	sdelay $0x4  }
0xaf: {  	[tilespmem:$0x2190] =	vst v1  }
0xb0: {  	v1 =	vld [tilespmem:s14+$0x320];
	_ =	sdelay $0x4  }
0xb1: {  	[tilespmem:$0x2120] =	vst v1  }
0xb2: {  	v1 =	vld [tilespmem:s14+$0x3A0];
	_ =	sdelay $0x4  }
0xb3: {  	[tilespmem:$0x21A0] =	vst v1  }
0xb4: {  	v1 =	vld [tilespmem:s14+$0x330];
	_ =	sdelay $0x4  }
0xb5: {  	[tilespmem:$0x2130] =	vst v1  }
0xb6: {  	v1 =	vld [tilespmem:s14+$0x3B0];
	_ =	sdelay $0x4  }
0xb7: {  	[tilespmem:$0x21B0] =	vst v1  }
0xb8: {  	v1 =	vld [tilespmem:s14+$0x340];
	_ =	sdelay $0x4  }
0xb9: {  	[tilespmem:$0x2140] =	vst v1  }
0xba: {  	v1 =	vld [tilespmem:s14+$0x3C0];
	_ =	sdelay $0x4  }
0xbb: {  	[tilespmem:$0x21C0] =	vst v1  }
0xbc: {  	v1 =	vld [tilespmem:s14+$0x350];
	_ =	sdelay $0x4  }
0xbd: {  	[tilespmem:$0x2150] =	vst v1  }
0xbe: {  	v1 =	vld [tilespmem:s14+$0x3D0];
	_ =	sdelay $0x4  }
0xbf: {  	[tilespmem:$0x21D0] =	vst v1  }
0xc0: {  	v1 =	vld [tilespmem:s14+$0x360];
	_ =	sdelay $0x4  }
0xc1: {  	[tilespmem:$0x2160] =	vst v1  }
0xc2: {  	v1 =	vld [tilespmem:s14+$0x3E0];
	_ =	sdelay $0x4  }
0xc3: {  	[tilespmem:$0x21E0] =	vst v1  }
0xc4: {  	v1 =	vld [tilespmem:s14+$0x370];
	_ =	sdelay $0x4  }
0xc5: {  	[tilespmem:$0x2170] =	vst v1  }
0xc6: {  	v1 =	vld [tilespmem:s14+$0x3F0];
	_ =	sdelay $0x4  }
0xc7: {  	[tilespmem:$0x21F0] =	vst v1  }
0xc8: {  	[tilespmem:s26], [sflag:$0x2] =	stream.indirect.gather [hbm4b:s4+s23], $0x80, s25, s23, $0xb8;
	[tilespmem:$0x1E200] =	vst v63  }
0xc9: {  	_ =	swait.ge [sflag:s28], $0x4000  }
0xca: {  	[sflag:s28] =	ssyncset.done $0x0  }
0xcb: {  	[sflag:s28] =	ssyncadd.s32 $0xFFFFC000  }
0xcc: {  	[spmem:s1] =	stream.indirect.scatter.add.f32 [tilespmem:s19], [sflag:$0x5], $0x80, s29, s23, $0xb8;
	[tilespmem:$0x1E200] =	vst v63  }
0xcd: {  	_ =	swait.ge [sflag:s20], $0x4000  }
0xce: {  	s12 =	simm.s32 $0x1000;
	s3 =	simm.s32 $0x800;
	[sflag:s20] =	ssyncset.done $0x0  }
.LBB2_5:
0xcf: {  	s13 =	sshra.s32 s3, $0x2  }
0xd0: {  	[sflag:s20] =	ssyncadd.s32 $0xFFFFC000;
	s3 =	smov.u32 s12;
	s14 =	sadd.s32 $0x800, s12  }
0xd1: {  	p1 =	sne.s32 s12, $0x3000;
	v1 =	vld [tilespmem:s13+$0x200];
	_ =	sdelay $0x4  }
0xd2: {  	[tilespmem:$0x2000] =	vst v1  }
0xd3: {  	v1 =	vld [tilespmem:s13+$0x280];
	_ =	sdelay $0x4  }
0xd4: {  	[tilespmem:$0x2080] =	vst v1  }
0xd5: {  	v1 =	vld [tilespmem:s13+$0x210];
	_ =	sdelay $0x4  }
0xd6: {  	[tilespmem:$0x2010] =	vst v1  }
0xd7: {  	v1 =	vld [tilespmem:s13+$0x290];
	_ =	sdelay $0x4  }
0xd8: {  	[tilespmem:$0x2090] =	vst v1  }
0xd9: {  	v1 =	vld [tilespmem:s13+$0x220];
	_ =	sdelay $0x4  }
0xda: {  	[tilespmem:$0x2020] =	vst v1  }
0xdb: {  	v1 =	vld [tilespmem:s13+$0x2A0];
	_ =	sdelay $0x4  }
0xdc: {  	[tilespmem:$0x20A0] =	vst v1  }
0xdd: {  	v1 =	vld [tilespmem:s13+$0x230];
	_ =	sdelay $0x4  }
0xde: {  	[tilespmem:$0x2030] =	vst v1  }
0xdf: {  	v1 =	vld [tilespmem:s13+$0x2B0];
	_ =	sdelay $0x4  }
0xe0: {  	[tilespmem:$0x20B0] =	vst v1  }
0xe1: {  	v1 =	vld [tilespmem:s13+$0x240];
	_ =	sdelay $0x4  }
0xe2: {  	[tilespmem:$0x2040] =	vst v1  }
0xe3: {  	v1 =	vld [tilespmem:s13+$0x2C0];
	_ =	sdelay $0x4  }
0xe4: {  	[tilespmem:$0x20C0] =	vst v1  }
0xe5: {  	v1 =	vld [tilespmem:s13+$0x250];
	_ =	sdelay $0x4  }
0xe6: {  	[tilespmem:$0x2050] =	vst v1  }
0xe7: {  	v1 =	vld [tilespmem:s13+$0x2D0];
	_ =	sdelay $0x4  }
0xe8: {  	[tilespmem:$0x20D0] =	vst v1  }
0xe9: {  	v1 =	vld [tilespmem:s13+$0x260];
	_ =	sdelay $0x4  }
0xea: {  	[tilespmem:$0x2060] =	vst v1  }
0xeb: {  	v1 =	vld [tilespmem:s13+$0x2E0];
	_ =	sdelay $0x4  }
0xec: {  	[tilespmem:$0x20E0] =	vst v1  }
0xed: {  	v1 =	vld [tilespmem:s13+$0x270];
	_ =	sdelay $0x4  }
0xee: {  	[tilespmem:$0x2070] =	vst v1  }
0xef: {  	v1 =	vld [tilespmem:s13+$0x2F0];
	_ =	sdelay $0x4  }
0xf0: {  	[tilespmem:$0x20F0] =	vst v1  }
0xf1: {  	[tilespmem:s19], [sflag:$0x1] =	stream.indirect.gather [hbm4b:s4+s23], $0x80, s24, s23, $0xb8;
	[tilespmem:$0x1E200] =	vst v63  }
0xf2: {  	_ =	swait.ge [sflag:s30], $0x4000  }
0xf3: {  	[sflag:s30] =	ssyncset.done $0x0  }
0xf4: {  	[sflag:s30] =	ssyncadd.s32 $0xFFFFC000  }
0xf5: {  	[spmem:s1] =	stream.indirect.scatter.add.f32 [tilespmem:s26], [sflag:$0x5], $0x80, s31, s23, $0xb8;
	[tilespmem:$0x1E200] =	vst v63  }
0xf6: {  	_ =	swait.ge [sflag:s20], $0x4000  }
0xf7: {  	[sflag:s20] =	ssyncset.done $0x0  }
0xf8: {  	[sflag:s20] =	ssyncadd.s32 $0xFFFFC000  }
0xf9: {  	v1 =	vld [tilespmem:s13+$0x300];
	_ =	sdelay $0x4  }
0xfa: {  	[tilespmem:$0x2100] =	vst v1  }
0xfb: {  	v1 =	vld [tilespmem:s13+$0x380];
	_ =	sdelay $0x4  }
0xfc: {  	[tilespmem:$0x2180] =	vst v1  }
0xfd: {  	v1 =	vld [tilespmem:s13+$0x310];
	_ =	sdelay $0x4  }
0xfe: {  	[tilespmem:$0x2110] =	vst v1  }
0xff: {  	v1 =	vld [tilespmem:s13+$0x390];
	_ =	sdelay $0x4  }
0x100: {  	[tilespmem:$0x2190] =	vst v1  }
0x101: {  	v1 =	vld [tilespmem:s13+$0x320];
	_ =	sdelay $0x4  }
0x102: {  	[tilespmem:$0x2120] =	vst v1  }
0x103: {  	v1 =	vld [tilespmem:s13+$0x3A0];
	_ =	sdelay $0x4  }
0x104: {  	[tilespmem:$0x21A0] =	vst v1  }
0x105: {  	v1 =	vld [tilespmem:s13+$0x330];
	_ =	sdelay $0x4  }
0x106: {  	[tilespmem:$0x2130] =	vst v1  }
0x107: {  	v1 =	vld [tilespmem:s13+$0x3B0];
	_ =	sdelay $0x4  }
0x108: {  	[tilespmem:$0x21B0] =	vst v1  }
0x109: {  	v1 =	vld [tilespmem:s13+$0x340];
	_ =	sdelay $0x4  }
0x10a: {  	[tilespmem:$0x2140] =	vst v1  }
0x10b: {  	v1 =	vld [tilespmem:s13+$0x3C0];
	_ =	sdelay $0x4  }
0x10c: {  	[tilespmem:$0x21C0] =	vst v1  }
0x10d: {  	v1 =	vld [tilespmem:s13+$0x350];
	_ =	sdelay $0x4  }
0x10e: {  	[tilespmem:$0x2150] =	vst v1  }
0x10f: {  	v1 =	vld [tilespmem:s13+$0x3D0];
	_ =	sdelay $0x4  }
0x110: {  	[tilespmem:$0x21D0] =	vst v1  }
0x111: {  	v1 =	vld [tilespmem:s13+$0x360];
	_ =	sdelay $0x4  }
0x112: {  	[tilespmem:$0x2160] =	vst v1  }
0x113: {  	v1 =	vld [tilespmem:s13+$0x3E0];
	_ =	sdelay $0x4  }
0x114: {  	[tilespmem:$0x21E0] =	vst v1  }
0x115: {  	v1 =	vld [tilespmem:s13+$0x370];
	_ =	sdelay $0x4  }
0x116: {  	[tilespmem:$0x2170] =	vst v1  }
0x117: {  	v1 =	vld [tilespmem:s13+$0x3F0];
	_ =	sdelay $0x4  }
0x118: {  	[tilespmem:$0x21F0] =	vst v1  }
0x119: {  	[tilespmem:s26], [sflag:$0x2] =	stream.indirect.gather [hbm4b:s4+s23], $0x80, s25, s23, $0xb8;
	[tilespmem:$0x1E200] =	vst v63  }
0x11a: {  	_ =	swait.ge [sflag:s28], $0x4000  }
.Ltmp4:
0x11b: {  	[sflag:s28] =	ssyncset.done $0x0;
	(pc) =	sbr.rel @p1 .LBB2_5-.Ltmp4, $4  }
0x11c: {  	[sflag:s28] =	ssyncadd.s32 $0xFFFFC000  }
0x11d: {  	[spmem:s1] =	stream.indirect.scatter.add.f32 [tilespmem:s19], [sflag:$0x5], $0x80, s29, s23, $0xb8;
	[tilespmem:$0x1E200] =	vst v63  }
0x11e: {  	_ =	swait.ge [sflag:s20], $0x4000  }
0x11f: {  	s12 =	smov.u32 s14;
	[sflag:s20] =	ssyncset.done $0x0  }
0x120: {  	s3 =	sshra.s32 s3, $0x2;
	[sflag:s20] =	ssyncadd.s32 $0xFFFFC000  }
0x121: {  	v1 =	vld [tilespmem:s3+$0x200];
	_ =	sdelay $0x4  }
0x122: {  	[tilespmem:$0x2000] =	vst v1  }
0x123: {  	v1 =	vld [tilespmem:s3+$0x280];
	_ =	sdelay $0x4  }
0x124: {  	[tilespmem:$0x2080] =	vst v1  }
0x125: {  	v1 =	vld [tilespmem:s3+$0x210];
	_ =	sdelay $0x4  }
0x126: {  	[tilespmem:$0x2010] =	vst v1  }
0x127: {  	v1 =	vld [tilespmem:s3+$0x290];
	_ =	sdelay $0x4  }
0x128: {  	[tilespmem:$0x2090] =	vst v1  }
0x129: {  	v1 =	vld [tilespmem:s3+$0x220];
	_ =	sdelay $0x4  }
0x12a: {  	[tilespmem:$0x2020] =	vst v1  }
0x12b: {  	v1 =	vld [tilespmem:s3+$0x2A0];
	_ =	sdelay $0x4  }
0x12c: {  	[tilespmem:$0x20A0] =	vst v1  }
0x12d: {  	v1 =	vld [tilespmem:s3+$0x230];
	_ =	sdelay $0x4  }
0x12e: {  	[tilespmem:$0x2030] =	vst v1  }
0x12f: {  	v1 =	vld [tilespmem:s3+$0x2B0];
	_ =	sdelay $0x4  }
0x130: {  	[tilespmem:$0x20B0] =	vst v1  }
0x131: {  	v1 =	vld [tilespmem:s3+$0x240];
	_ =	sdelay $0x4  }
0x132: {  	[tilespmem:$0x2040] =	vst v1  }
0x133: {  	v1 =	vld [tilespmem:s3+$0x2C0];
	_ =	sdelay $0x4  }
0x134: {  	[tilespmem:$0x20C0] =	vst v1  }
0x135: {  	v1 =	vld [tilespmem:s3+$0x250];
	_ =	sdelay $0x4  }
0x136: {  	[tilespmem:$0x2050] =	vst v1  }
0x137: {  	v1 =	vld [tilespmem:s3+$0x2D0];
	_ =	sdelay $0x4  }
0x138: {  	[tilespmem:$0x20D0] =	vst v1  }
0x139: {  	v1 =	vld [tilespmem:s3+$0x260];
	_ =	sdelay $0x4  }
0x13a: {  	[tilespmem:$0x2060] =	vst v1  }
0x13b: {  	v1 =	vld [tilespmem:s3+$0x2E0];
	_ =	sdelay $0x4  }
0x13c: {  	[tilespmem:$0x20E0] =	vst v1  }
0x13d: {  	v1 =	vld [tilespmem:s3+$0x270];
	_ =	sdelay $0x4  }
0x13e: {  	[tilespmem:$0x2070] =	vst v1  }
0x13f: {  	v1 =	vld [tilespmem:s3+$0x2F0];
	_ =	sdelay $0x4  }
0x140: {  	[tilespmem:$0x20F0] =	vst v1  }
0x141: {  	[tilespmem:s19], [sflag:$0x1] =	stream.indirect.gather [hbm4b:s4+s23], $0x80, s24, s23, $0xb8;
	[tilespmem:$0x1E200] =	vst v63  }
0x142: {  	_ =	swait.ge [sflag:s30], $0x4000  }
0x143: {  	[sflag:s30] =	ssyncset.done $0x0  }
0x144: {  	[sflag:s30] =	ssyncadd.s32 $0xFFFFC000  }
0x145: {  	[spmem:s1] =	stream.indirect.scatter.add.f32 [tilespmem:s26], [sflag:$0x5], $0x80, s31, s23, $0xb8;
	[tilespmem:$0x1E200] =	vst v63  }
0x146: {  	_ =	swait.ge [sflag:s20], $0x4000  }
0x147: {  	[sflag:s20] =	ssyncset.done $0x0  }
0x148: {  	[sflag:s20] =	ssyncadd.s32 $0xFFFFC000  }
0x149: {  	v1 =	vld [tilespmem:s3+$0x300];
	_ =	sdelay $0x4  }
0x14a: {  	[tilespmem:$0x2100] =	vst v1  }
0x14b: {  	v1 =	vld [tilespmem:s3+$0x380];
	_ =	sdelay $0x4  }
0x14c: {  	[tilespmem:$0x2180] =	vst v1  }
0x14d: {  	v1 =	vld [tilespmem:s3+$0x310];
	_ =	sdelay $0x4  }
0x14e: {  	[tilespmem:$0x2110] =	vst v1  }
0x14f: {  	v1 =	vld [tilespmem:s3+$0x390];
	_ =	sdelay $0x4  }
0x150: {  	[tilespmem:$0x2190] =	vst v1  }
0x151: {  	v1 =	vld [tilespmem:s3+$0x320];
	_ =	sdelay $0x4  }
0x152: {  	[tilespmem:$0x2120] =	vst v1  }
0x153: {  	v1 =	vld [tilespmem:s3+$0x3A0];
	_ =	sdelay $0x4  }
0x154: {  	[tilespmem:$0x21A0] =	vst v1  }
0x155: {  	v1 =	vld [tilespmem:s3+$0x330];
	_ =	sdelay $0x4  }
0x156: {  	[tilespmem:$0x2130] =	vst v1  }
0x157: {  	v1 =	vld [tilespmem:s3+$0x3B0];
	_ =	sdelay $0x4  }
0x158: {  	[tilespmem:$0x21B0] =	vst v1  }
0x159: {  	v1 =	vld [tilespmem:s3+$0x340];
	_ =	sdelay $0x4  }
0x15a: {  	[tilespmem:$0x2140] =	vst v1  }
0x15b: {  	v1 =	vld [tilespmem:s3+$0x3C0];
	_ =	sdelay $0x4  }
0x15c: {  	[tilespmem:$0x21C0] =	vst v1  }
0x15d: {  	v1 =	vld [tilespmem:s3+$0x350];
	_ =	sdelay $0x4  }
0x15e: {  	[tilespmem:$0x2150] =	vst v1  }
0x15f: {  	v1 =	vld [tilespmem:s3+$0x3D0];
	_ =	sdelay $0x4  }
0x160: {  	[tilespmem:$0x21D0] =	vst v1  }
0x161: {  	v1 =	vld [tilespmem:s3+$0x360];
	_ =	sdelay $0x4  }
0x162: {  	[tilespmem:$0x2160] =	vst v1  }
0x163: {  	v1 =	vld [tilespmem:s3+$0x3E0];
	_ =	sdelay $0x4  }
0x164: {  	[tilespmem:$0x21E0] =	vst v1  }
0x165: {  	v1 =	vld [tilespmem:s3+$0x370];
	_ =	sdelay $0x4  }
0x166: {  	[tilespmem:$0x2170] =	vst v1  }
0x167: {  	v1 =	vld [tilespmem:s3+$0x3F0];
	_ =	sdelay $0x4  }
0x168: {  	[tilespmem:$0x21F0] =	vst v1  }
0x169: {  	[tilespmem:s26], [sflag:$0x2] =	stream.indirect.gather [hbm4b:s4+s23], $0x80, s25, s23, $0xb8;
	[tilespmem:$0x1E200] =	vst v63  }
0x16a: {  	_ =	swait.ge [sflag:s28], $0x4000  }
0x16b: {  	[sflag:s28] =	ssyncset.done $0x0  }
0x16c: {  	[sflag:s28] =	ssyncadd.s32 $0xFFFFC000  }
0x16d: {  	[spmem:s1] =	stream.indirect.scatter.add.f32 [tilespmem:s19], [sflag:$0x5], $0x80, s29, s23, $0xb8;
	[tilespmem:$0x1E200] =	vst v63  }
0x16e: {  	_ =	swait.ge [sflag:s20], $0x4000  }
0x16f: {  	[sflag:s20] =	ssyncset.done $0x0  }
0x170: {  	[sflag:s20] =	ssyncadd.s32 $0xFFFFC000  }
0x171: {  	_ =	swait.ge [sflag:s30], $0x4000  }
0x172: {  	p1 =	seq.s32 s8, $0x4;
	[sflag:s30] =	ssyncset.done $0x0  }
0x173: {  	s3 =	sshll.u32 @!p1 s8, $0xD;
	[sflag:s30] =	ssyncadd.s32 $0xFFFFC000  }
0x174: {  	[spmem:s1] =	stream.indirect.scatter.add.f32 [tilespmem:s26], [sflag:$0x5], $0x80, s31, s23, $0xb8;
	[tilespmem:$0x1E200] =	vst v63  }
0x175: {  	s3 =	sadd.s32 @!p1 s3, s11;
	_ =	swait.ge [sflag:s20], $0x4000  }
0x176: {  	s3 =	sshrl.u32 @!p1 s3, $0x3;
	[sflag:s20] =	ssyncset.done $0x0  }
0x177: {  	s12 =	simm.s32 @!p1 $0x0;
	s3 =	sadd.s32 @!p1 s6, s3;
	[sflag:s20] =	ssyncadd.s32 $0xFFFFC000  }
0x178: {  	[tilespmem:s12], [sflag:$0x3] =	stream.linear.gather @!p1 [hbm4b:s3+s12], $0x1000, $0x38;
	[tilespmem:$0x1E200] =	vst v63  }
0x179: {  	_ =	swait.ge [sflag:s0], $0x1000  }
0x17a: {  	[sflag:s0] =	ssyncset.done $0x0  }
0x17b: {  	[sflag:s0] =	ssyncadd.s32 $0xFFFFF000  }
0x17c: {  	v1 =	vld [tilespmem:$0x1000]  }
0x17d: {  	v2 =	vld [tilespmem:$0x1080]  }
0x17e: {  	v3 =	vld [tilespmem:$0x1010]  }
0x17f: {  	v4 =	vld [tilespmem:$0x1090]  }
0x180: {  	v5 =	vld [tilespmem:$0x1020]  }
0x181: {  	[tilespmem:$0x2000] =	vst v1;
	v1 =	vld [tilespmem:$0x10A0]  }
0x182: {  	v54 =	vld [tilespmem:$0x1040];
	[tilespmem:$0x2080] =	vst v2  }
0x183: {  	v55 =	vld [tilespmem:$0x10C0];
	[tilespmem:$0x2010] =	vst v3  }
0x184: {  	v2 =	vld [tilespmem:$0x1030];
	[tilespmem:$0x2090] =	vst v4  }
0x185: {  	v3 =	vld [tilespmem:$0x10B0];
	[tilespmem:$0x2020] =	vst v5  }
0x186: {  	[tilespmem:$0x20A0] =	vst v1;
	v1 =	vld [tilespmem:$0x1050]  }
0x187: {  	v56 =	vld [tilespmem:$0x10E0];
	[tilespmem:$0x2040] =	vst v54  }
0x188: {  	v57 =	vld [tilespmem:$0x1070];
	[tilespmem:$0x20C0] =	vst v55  }
0x189: {  	[tilespmem:$0x2030] =	vst v2;
	v2 =	vld [tilespmem:$0x10D0]  }
0x18a: {  	[tilespmem:$0x20B0] =	vst v3;
	v3 =	vld [tilespmem:$0x1060]  }
0x18b: {  	[tilespmem:$0x2050] =	vst v1;
	v1 =	vld [tilespmem:$0x10F0]  }
0x18c: {  	[tilespmem:$0x20E0] =	vst v56  }
0x18d: {  	[tilespmem:$0x2070] =	vst v57  }
0x18e: {  	[tilespmem:$0x20D0] =	vst v2  }
0x18f: {  	[tilespmem:$0x2060] =	vst v3  }
0x190: {  	[tilespmem:$0x20F0] =	vst v1  }
0x191: {  	[tilespmem:s19], [sflag:$0x1] =	stream.indirect.gather [hbm4b:s4+s23], $0x80, s24, s23, $0xb8;
	[tilespmem:$0x1E200] =	vst v63  }
0x192: {  	v1 =	vld [tilespmem:$0x1100]  }
0x193: {  	v2 =	vld [tilespmem:$0x1180]  }
0x194: {  	v3 =	vld [tilespmem:$0x1110]  }
0x195: {  	v58 =	vld [tilespmem:$0x1190]  }
0x196: {  	v59 =	vld [tilespmem:$0x1120]  }
0x197: {  	[tilespmem:$0x2100] =	vst v1;
	v1 =	vld [tilespmem:$0x11A0]  }
0x198: {  	v60 =	vld [tilespmem:$0x1140];
	[tilespmem:$0x2180] =	vst v2  }
0x199: {  	v61 =	vld [tilespmem:$0x11C0];
	[tilespmem:$0x2110] =	vst v3  }
0x19a: {  	v2 =	vld [tilespmem:$0x1130];
	[tilespmem:$0x2190] =	vst v58  }
0x19b: {  	v3 =	vld [tilespmem:$0x11B0];
	[tilespmem:$0x2120] =	vst v59  }
0x19c: {  	[tilespmem:$0x21A0] =	vst v1;
	v1 =	vld [tilespmem:$0x1150]  }
0x19d: {  	v62 =	vld [tilespmem:$0x11E0];
	[tilespmem:$0x2140] =	vst v60  }
0x19e: {  	v63 =	vld [tilespmem:$0x1170];
	[tilespmem:$0x21C0] =	vst v61  }
0x19f: {  	[tilespmem:$0x2130] =	vst v2;
	v2 =	vld [tilespmem:$0x11D0]  }
0x1a0: {  	[tilespmem:$0x21B0] =	vst v3;
	v3 =	vld [tilespmem:$0x1160]  }
0x1a1: {  	[tilespmem:$0x2150] =	vst v1;
	v1 =	vld [tilespmem:$0x11F0]  }
0x1a2: {  	[tilespmem:$0x21E0] =	vst v62  }
0x1a3: {  	[tilespmem:$0x2170] =	vst v63  }
0x1a4: {  	[tilespmem:$0x21D0] =	vst v2  }
0x1a5: {  	[tilespmem:$0x2160] =	vst v3  }
0x1a6: {  	[tilespmem:$0x21F0] =	vst v1  }
0x1a7: {  	[tilespmem:s26], [sflag:$0x2] =	stream.indirect.gather [hbm4b:s4+s23], $0x80, s25, s23, $0xb8;
	[tilespmem:$0x1E200] =	vst v63  }
0x1a8: {  	_ =	swait.ge [sflag:s28], $0x4000  }
0x1a9: {  	[sflag:s28] =	ssyncset.done $0x0  }
0x1aa: {  	[sflag:s28] =	ssyncadd.s32 $0xFFFFC000  }
0x1ab: {  	[spmem:s1] =	stream.indirect.scatter.add.f32 [tilespmem:s19], [sflag:$0x5], $0x80, s29, s23, $0xb8;
	[tilespmem:$0x1E200] =	vst v63  }
0x1ac: {  	_ =	swait.ge [sflag:s20], $0x4000  }
0x1ad: {  	[sflag:s20] =	ssyncset.done $0x0  }
0x1ae: {  	s14 =	simm.s32 $0x0;
	[sflag:s20] =	ssyncadd.s32 $0xFFFFC000  }
0x1af: {  	v1 =	vld [tilespmem:s14+$0x1200];
	_ =	sdelay $0x4  }
0x1b0: {  	[tilespmem:$0x2000] =	vst v1  }
0x1b1: {  	v1 =	vld [tilespmem:s14+$0x1280];
	_ =	sdelay $0x4  }
0x1b2: {  	[tilespmem:$0x2080] =	vst v1  }
0x1b3: {  	v1 =	vld [tilespmem:s14+$0x1210];
	_ =	sdelay $0x4  }
0x1b4: {  	[tilespmem:$0x2010] =	vst v1  }
0x1b5: {  	v1 =	vld [tilespmem:s14+$0x1290];
	_ =	sdelay $0x4  }
0x1b6: {  	[tilespmem:$0x2090] =	vst v1  }
0x1b7: {  	v1 =	vld [tilespmem:s14+$0x1220];
	_ =	sdelay $0x4  }
0x1b8: {  	[tilespmem:$0x2020] =	vst v1  }
0x1b9: {  	v1 =	vld [tilespmem:s14+$0x12A0];
	_ =	sdelay $0x4  }
0x1ba: {  	[tilespmem:$0x20A0] =	vst v1  }
0x1bb: {  	v1 =	vld [tilespmem:s14+$0x1230];
	_ =	sdelay $0x4  }
0x1bc: {  	[tilespmem:$0x2030] =	vst v1  }
0x1bd: {  	v1 =	vld [tilespmem:s14+$0x12B0];
	_ =	sdelay $0x4  }
0x1be: {  	[tilespmem:$0x20B0] =	vst v1  }
0x1bf: {  	v1 =	vld [tilespmem:s14+$0x1240];
	_ =	sdelay $0x4  }
0x1c0: {  	[tilespmem:$0x2040] =	vst v1  }
0x1c1: {  	v1 =	vld [tilespmem:s14+$0x12C0];
	_ =	sdelay $0x4  }
0x1c2: {  	[tilespmem:$0x20C0] =	vst v1  }
0x1c3: {  	v1 =	vld [tilespmem:s14+$0x1250];
	_ =	sdelay $0x4  }
0x1c4: {  	[tilespmem:$0x2050] =	vst v1  }
0x1c5: {  	v1 =	vld [tilespmem:s14+$0x12D0];
	_ =	sdelay $0x4  }
0x1c6: {  	[tilespmem:$0x20D0] =	vst v1  }
0x1c7: {  	v1 =	vld [tilespmem:s14+$0x1260];
	_ =	sdelay $0x4  }
0x1c8: {  	[tilespmem:$0x2060] =	vst v1  }
0x1c9: {  	v1 =	vld [tilespmem:s14+$0x12E0];
	_ =	sdelay $0x4  }
0x1ca: {  	[tilespmem:$0x20E0] =	vst v1  }
0x1cb: {  	v1 =	vld [tilespmem:s14+$0x1270];
	_ =	sdelay $0x4  }
0x1cc: {  	[tilespmem:$0x2070] =	vst v1  }
0x1cd: {  	v1 =	vld [tilespmem:s14+$0x12F0];
	_ =	sdelay $0x4  }
0x1ce: {  	[tilespmem:$0x20F0] =	vst v1  }
0x1cf: {  	[tilespmem:s19], [sflag:$0x1] =	stream.indirect.gather [hbm4b:s4+s23], $0x80, s24, s23, $0xb8;
	[tilespmem:$0x1E200] =	vst v63  }
0x1d0: {  	_ =	swait.ge [sflag:s30], $0x4000  }
0x1d1: {  	[sflag:s30] =	ssyncset.done $0x0  }
0x1d2: {  	[sflag:s30] =	ssyncadd.s32 $0xFFFFC000  }
0x1d3: {  	[spmem:s1] =	stream.indirect.scatter.add.f32 [tilespmem:s26], [sflag:$0x5], $0x80, s31, s23, $0xb8;
	[tilespmem:$0x1E200] =	vst v63  }
0x1d4: {  	_ =	swait.ge [sflag:s20], $0x4000  }
0x1d5: {  	[sflag:s20] =	ssyncset.done $0x0  }
0x1d6: {  	[sflag:s20] =	ssyncadd.s32 $0xFFFFC000  }
0x1d7: {  	v1 =	vld [tilespmem:s14+$0x1300];
	_ =	sdelay $0x4  }
0x1d8: {  	[tilespmem:$0x2100] =	vst v1  }
0x1d9: {  	v1 =	vld [tilespmem:s14+$0x1380];
	_ =	sdelay $0x4  }
0x1da: {  	[tilespmem:$0x2180] =	vst v1  }
0x1db: {  	v1 =	vld [tilespmem:s14+$0x1310];
	_ =	sdelay $0x4  }
0x1dc: {  	[tilespmem:$0x2110] =	vst v1  }
0x1dd: {  	v1 =	vld [tilespmem:s14+$0x1390];
	_ =	sdelay $0x4  }
0x1de: {  	[tilespmem:$0x2190] =	vst v1  }
0x1df: {  	v1 =	vld [tilespmem:s14+$0x1320];
	_ =	sdelay $0x4  }
0x1e0: {  	[tilespmem:$0x2120] =	vst v1  }
0x1e1: {  	v1 =	vld [tilespmem:s14+$0x13A0];
	_ =	sdelay $0x4  }
0x1e2: {  	[tilespmem:$0x21A0] =	vst v1  }
0x1e3: {  	v1 =	vld [tilespmem:s14+$0x1330];
	_ =	sdelay $0x4  }
0x1e4: {  	[tilespmem:$0x2130] =	vst v1  }
0x1e5: {  	v1 =	vld [tilespmem:s14+$0x13B0];
	_ =	sdelay $0x4  }
0x1e6: {  	[tilespmem:$0x21B0] =	vst v1  }
0x1e7: {  	v1 =	vld [tilespmem:s14+$0x1340];
	_ =	sdelay $0x4  }
0x1e8: {  	[tilespmem:$0x2140] =	vst v1  }
0x1e9: {  	v1 =	vld [tilespmem:s14+$0x13C0];
	_ =	sdelay $0x4  }
0x1ea: {  	[tilespmem:$0x21C0] =	vst v1  }
0x1eb: {  	v1 =	vld [tilespmem:s14+$0x1350];
	_ =	sdelay $0x4  }
0x1ec: {  	[tilespmem:$0x2150] =	vst v1  }
0x1ed: {  	v1 =	vld [tilespmem:s14+$0x13D0];
	_ =	sdelay $0x4  }
0x1ee: {  	[tilespmem:$0x21D0] =	vst v1  }
0x1ef: {  	v1 =	vld [tilespmem:s14+$0x1360];
	_ =	sdelay $0x4  }
0x1f0: {  	[tilespmem:$0x2160] =	vst v1  }
0x1f1: {  	v1 =	vld [tilespmem:s14+$0x13E0];
	_ =	sdelay $0x4  }
0x1f2: {  	[tilespmem:$0x21E0] =	vst v1  }
0x1f3: {  	v1 =	vld [tilespmem:s14+$0x1370];
	_ =	sdelay $0x4  }
0x1f4: {  	[tilespmem:$0x2170] =	vst v1  }
0x1f5: {  	v1 =	vld [tilespmem:s14+$0x13F0];
	_ =	sdelay $0x4  }
0x1f6: {  	[tilespmem:$0x21F0] =	vst v1  }
0x1f7: {  	[tilespmem:s26], [sflag:$0x2] =	stream.indirect.gather [hbm4b:s4+s23], $0x80, s25, s23, $0xb8;
	[tilespmem:$0x1E200] =	vst v63  }
0x1f8: {  	_ =	swait.ge [sflag:s28], $0x4000  }
0x1f9: {  	[sflag:s28] =	ssyncset.done $0x0  }
0x1fa: {  	[sflag:s28] =	ssyncadd.s32 $0xFFFFC000  }
0x1fb: {  	[spmem:s1] =	stream.indirect.scatter.add.f32 [tilespmem:s19], [sflag:$0x5], $0x80, s29, s23, $0xb8;
	[tilespmem:$0x1E200] =	vst v63  }
0x1fc: {  	_ =	swait.ge [sflag:s20], $0x4000  }
0x1fd: {  	s3 =	simm.s32 $0x800;
	s14 =	simm.s32 $0x1000;
	[sflag:s20] =	ssyncset.done $0x0  }
.LBB2_7:
0x1fe: {  	s13 =	sshra.s32 s3, $0x2  }
0x1ff: {  	[sflag:s20] =	ssyncadd.s32 $0xFFFFC000;
	s3 =	smov.u32 s14;
	s12 =	sadd.s32 $0x800, s14  }
0x200: {  	p1 =	sne.s32 s14, $0x3000;
	v1 =	vld [tilespmem:s13+$0x1200];
	_ =	sdelay $0x4  }
0x201: {  	[tilespmem:$0x2000] =	vst v1  }
0x202: {  	v1 =	vld [tilespmem:s13+$0x1280];
	_ =	sdelay $0x4  }
0x203: {  	[tilespmem:$0x2080] =	vst v1  }
0x204: {  	v1 =	vld [tilespmem:s13+$0x1210];
	_ =	sdelay $0x4  }
0x205: {  	[tilespmem:$0x2010] =	vst v1  }
0x206: {  	v1 =	vld [tilespmem:s13+$0x1290];
	_ =	sdelay $0x4  }
0x207: {  	[tilespmem:$0x2090] =	vst v1  }
0x208: {  	v1 =	vld [tilespmem:s13+$0x1220];
	_ =	sdelay $0x4  }
0x209: {  	[tilespmem:$0x2020] =	vst v1  }
0x20a: {  	v1 =	vld [tilespmem:s13+$0x12A0];
	_ =	sdelay $0x4  }
0x20b: {  	[tilespmem:$0x20A0] =	vst v1  }
0x20c: {  	v1 =	vld [tilespmem:s13+$0x1230];
	_ =	sdelay $0x4  }
0x20d: {  	[tilespmem:$0x2030] =	vst v1  }
0x20e: {  	v1 =	vld [tilespmem:s13+$0x12B0];
	_ =	sdelay $0x4  }
0x20f: {  	[tilespmem:$0x20B0] =	vst v1  }
0x210: {  	v1 =	vld [tilespmem:s13+$0x1240];
	_ =	sdelay $0x4  }
0x211: {  	[tilespmem:$0x2040] =	vst v1  }
0x212: {  	v1 =	vld [tilespmem:s13+$0x12C0];
	_ =	sdelay $0x4  }
0x213: {  	[tilespmem:$0x20C0] =	vst v1  }
0x214: {  	v1 =	vld [tilespmem:s13+$0x1250];
	_ =	sdelay $0x4  }
0x215: {  	[tilespmem:$0x2050] =	vst v1  }
0x216: {  	v1 =	vld [tilespmem:s13+$0x12D0];
	_ =	sdelay $0x4  }
0x217: {  	[tilespmem:$0x20D0] =	vst v1  }
0x218: {  	v1 =	vld [tilespmem:s13+$0x1260];
	_ =	sdelay $0x4  }
0x219: {  	[tilespmem:$0x2060] =	vst v1  }
0x21a: {  	v1 =	vld [tilespmem:s13+$0x12E0];
	_ =	sdelay $0x4  }
0x21b: {  	[tilespmem:$0x20E0] =	vst v1  }
0x21c: {  	v1 =	vld [tilespmem:s13+$0x1270];
	_ =	sdelay $0x4  }
0x21d: {  	[tilespmem:$0x2070] =	vst v1  }
0x21e: {  	v1 =	vld [tilespmem:s13+$0x12F0];
	_ =	sdelay $0x4  }
0x21f: {  	[tilespmem:$0x20F0] =	vst v1  }
0x220: {  	[tilespmem:s19], [sflag:$0x1] =	stream.indirect.gather [hbm4b:s4+s23], $0x80, s24, s23, $0xb8;
	[tilespmem:$0x1E200] =	vst v63  }
0x221: {  	_ =	swait.ge [sflag:s30], $0x4000  }
0x222: {  	[sflag:s30] =	ssyncset.done $0x0  }
0x223: {  	[sflag:s30] =	ssyncadd.s32 $0xFFFFC000  }
0x224: {  	[spmem:s1] =	stream.indirect.scatter.add.f32 [tilespmem:s26], [sflag:$0x5], $0x80, s31, s23, $0xb8;
	[tilespmem:$0x1E200] =	vst v63  }
0x225: {  	_ =	swait.ge [sflag:s20], $0x4000  }
0x226: {  	[sflag:s20] =	ssyncset.done $0x0  }
0x227: {  	[sflag:s20] =	ssyncadd.s32 $0xFFFFC000  }
0x228: {  	v1 =	vld [tilespmem:s13+$0x1300];
	_ =	sdelay $0x4  }
0x229: {  	[tilespmem:$0x2100] =	vst v1  }
0x22a: {  	v1 =	vld [tilespmem:s13+$0x1380];
	_ =	sdelay $0x4  }
0x22b: {  	[tilespmem:$0x2180] =	vst v1  }
0x22c: {  	v1 =	vld [tilespmem:s13+$0x1310];
	_ =	sdelay $0x4  }
0x22d: {  	[tilespmem:$0x2110] =	vst v1  }
0x22e: {  	v1 =	vld [tilespmem:s13+$0x1390];
	_ =	sdelay $0x4  }
0x22f: {  	[tilespmem:$0x2190] =	vst v1  }
0x230: {  	v1 =	vld [tilespmem:s13+$0x1320];
	_ =	sdelay $0x4  }
0x231: {  	[tilespmem:$0x2120] =	vst v1  }
0x232: {  	v1 =	vld [tilespmem:s13+$0x13A0];
	_ =	sdelay $0x4  }
0x233: {  	[tilespmem:$0x21A0] =	vst v1  }
0x234: {  	v1 =	vld [tilespmem:s13+$0x1330];
	_ =	sdelay $0x4  }
0x235: {  	[tilespmem:$0x2130] =	vst v1  }
0x236: {  	v1 =	vld [tilespmem:s13+$0x13B0];
	_ =	sdelay $0x4  }
0x237: {  	[tilespmem:$0x21B0] =	vst v1  }
0x238: {  	v1 =	vld [tilespmem:s13+$0x1340];
	_ =	sdelay $0x4  }
0x239: {  	[tilespmem:$0x2140] =	vst v1  }
0x23a: {  	v1 =	vld [tilespmem:s13+$0x13C0];
	_ =	sdelay $0x4  }
0x23b: {  	[tilespmem:$0x21C0] =	vst v1  }
0x23c: {  	v1 =	vld [tilespmem:s13+$0x1350];
	_ =	sdelay $0x4  }
0x23d: {  	[tilespmem:$0x2150] =	vst v1  }
0x23e: {  	v1 =	vld [tilespmem:s13+$0x13D0];
	_ =	sdelay $0x4  }
0x23f: {  	[tilespmem:$0x21D0] =	vst v1  }
0x240: {  	v1 =	vld [tilespmem:s13+$0x1360];
	_ =	sdelay $0x4  }
0x241: {  	[tilespmem:$0x2160] =	vst v1  }
0x242: {  	v1 =	vld [tilespmem:s13+$0x13E0];
	_ =	sdelay $0x4  }
0x243: {  	[tilespmem:$0x21E0] =	vst v1  }
0x244: {  	v1 =	vld [tilespmem:s13+$0x1370];
	_ =	sdelay $0x4  }
0x245: {  	[tilespmem:$0x2170] =	vst v1  }
0x246: {  	v1 =	vld [tilespmem:s13+$0x13F0];
	_ =	sdelay $0x4  }
0x247: {  	[tilespmem:$0x21F0] =	vst v1  }
0x248: {  	[tilespmem:s26], [sflag:$0x2] =	stream.indirect.gather [hbm4b:s4+s23], $0x80, s25, s23, $0xb8;
	[tilespmem:$0x1E200] =	vst v63  }
0x249: {  	_ =	swait.ge [sflag:s28], $0x4000  }
.Ltmp5:
0x24a: {  	[sflag:s28] =	ssyncset.done $0x0;
	(pc) =	sbr.rel @p1 .LBB2_7-.Ltmp5, $4  }
0x24b: {  	[sflag:s28] =	ssyncadd.s32 $0xFFFFC000  }
0x24c: {  	[spmem:s1] =	stream.indirect.scatter.add.f32 [tilespmem:s19], [sflag:$0x5], $0x80, s29, s23, $0xb8;
	[tilespmem:$0x1E200] =	vst v63  }
0x24d: {  	_ =	swait.ge [sflag:s20], $0x4000  }
0x24e: {  	s14 =	smov.u32 s12;
	[sflag:s20] =	ssyncset.done $0x0  }
0x24f: {  	s3 =	sshra.s32 s3, $0x2;
	[sflag:s20] =	ssyncadd.s32 $0xFFFFC000  }
0x250: {  	v1 =	vld [tilespmem:s3+$0x1200];
	_ =	sdelay $0x4  }
0x251: {  	[tilespmem:$0x2000] =	vst v1  }
0x252: {  	v1 =	vld [tilespmem:s3+$0x1280];
	_ =	sdelay $0x4  }
0x253: {  	[tilespmem:$0x2080] =	vst v1  }
0x254: {  	v1 =	vld [tilespmem:s3+$0x1210];
	_ =	sdelay $0x4  }
0x255: {  	[tilespmem:$0x2010] =	vst v1  }
0x256: {  	v1 =	vld [tilespmem:s3+$0x1290];
	_ =	sdelay $0x4  }
0x257: {  	[tilespmem:$0x2090] =	vst v1  }
0x258: {  	v1 =	vld [tilespmem:s3+$0x1220];
	_ =	sdelay $0x4  }
0x259: {  	[tilespmem:$0x2020] =	vst v1  }
0x25a: {  	v1 =	vld [tilespmem:s3+$0x12A0];
	_ =	sdelay $0x4  }
0x25b: {  	[tilespmem:$0x20A0] =	vst v1  }
0x25c: {  	v1 =	vld [tilespmem:s3+$0x1230];
	_ =	sdelay $0x4  }
0x25d: {  	[tilespmem:$0x2030] =	vst v1  }
0x25e: {  	v1 =	vld [tilespmem:s3+$0x12B0];
	_ =	sdelay $0x4  }
0x25f: {  	[tilespmem:$0x20B0] =	vst v1  }
0x260: {  	v1 =	vld [tilespmem:s3+$0x1240];
	_ =	sdelay $0x4  }
0x261: {  	[tilespmem:$0x2040] =	vst v1  }
0x262: {  	v1 =	vld [tilespmem:s3+$0x12C0];
	_ =	sdelay $0x4  }
0x263: {  	[tilespmem:$0x20C0] =	vst v1  }
0x264: {  	v1 =	vld [tilespmem:s3+$0x1250];
	_ =	sdelay $0x4  }
0x265: {  	[tilespmem:$0x2050] =	vst v1  }
0x266: {  	v1 =	vld [tilespmem:s3+$0x12D0];
	_ =	sdelay $0x4  }
0x267: {  	[tilespmem:$0x20D0] =	vst v1  }
0x268: {  	v1 =	vld [tilespmem:s3+$0x1260];
	_ =	sdelay $0x4  }
0x269: {  	[tilespmem:$0x2060] =	vst v1  }
0x26a: {  	v1 =	vld [tilespmem:s3+$0x12E0];
	_ =	sdelay $0x4  }
0x26b: {  	[tilespmem:$0x20E0] =	vst v1  }
0x26c: {  	v1 =	vld [tilespmem:s3+$0x1270];
	_ =	sdelay $0x4  }
0x26d: {  	[tilespmem:$0x2070] =	vst v1  }
0x26e: {  	v1 =	vld [tilespmem:s3+$0x12F0];
	_ =	sdelay $0x4  }
0x26f: {  	[tilespmem:$0x20F0] =	vst v1  }
0x270: {  	[tilespmem:s19], [sflag:$0x1] =	stream.indirect.gather [hbm4b:s4+s23], $0x80, s24, s23, $0xb8;
	[tilespmem:$0x1E200] =	vst v63  }
0x271: {  	_ =	swait.ge [sflag:s30], $0x4000  }
0x272: {  	[sflag:s30] =	ssyncset.done $0x0  }
0x273: {  	[sflag:s30] =	ssyncadd.s32 $0xFFFFC000  }
0x274: {  	[spmem:s1] =	stream.indirect.scatter.add.f32 [tilespmem:s26], [sflag:$0x5], $0x80, s31, s23, $0xb8;
	[tilespmem:$0x1E200] =	vst v63  }
0x275: {  	_ =	swait.ge [sflag:s20], $0x4000  }
0x276: {  	[sflag:s20] =	ssyncset.done $0x0  }
0x277: {  	[sflag:s20] =	ssyncadd.s32 $0xFFFFC000  }
0x278: {  	v1 =	vld [tilespmem:s3+$0x1300];
	_ =	sdelay $0x4  }
0x279: {  	[tilespmem:$0x2100] =	vst v1  }
0x27a: {  	v1 =	vld [tilespmem:s3+$0x1380];
	_ =	sdelay $0x4  }
0x27b: {  	[tilespmem:$0x2180] =	vst v1  }
0x27c: {  	v1 =	vld [tilespmem:s3+$0x1310];
	_ =	sdelay $0x4  }
0x27d: {  	[tilespmem:$0x2110] =	vst v1  }
0x27e: {  	v1 =	vld [tilespmem:s3+$0x1390];
	_ =	sdelay $0x4  }
0x27f: {  	[tilespmem:$0x2190] =	vst v1  }
0x280: {  	v1 =	vld [tilespmem:s3+$0x1320];
	_ =	sdelay $0x4  }
0x281: {  	[tilespmem:$0x2120] =	vst v1  }
0x282: {  	v1 =	vld [tilespmem:s3+$0x13A0];
	_ =	sdelay $0x4  }
0x283: {  	[tilespmem:$0x21A0] =	vst v1  }
0x284: {  	v1 =	vld [tilespmem:s3+$0x1330];
	_ =	sdelay $0x4  }
0x285: {  	[tilespmem:$0x2130] =	vst v1  }
0x286: {  	v1 =	vld [tilespmem:s3+$0x13B0];
	_ =	sdelay $0x4  }
0x287: {  	[tilespmem:$0x21B0] =	vst v1  }
0x288: {  	v1 =	vld [tilespmem:s3+$0x1340];
	_ =	sdelay $0x4  }
0x289: {  	[tilespmem:$0x2140] =	vst v1  }
0x28a: {  	v1 =	vld [tilespmem:s3+$0x13C0];
	_ =	sdelay $0x4  }
0x28b: {  	[tilespmem:$0x21C0] =	vst v1  }
0x28c: {  	v1 =	vld [tilespmem:s3+$0x1350];
	_ =	sdelay $0x4  }
0x28d: {  	[tilespmem:$0x2150] =	vst v1  }
0x28e: {  	v1 =	vld [tilespmem:s3+$0x13D0];
	_ =	sdelay $0x4  }
0x28f: {  	[tilespmem:$0x21D0] =	vst v1  }
0x290: {  	v1 =	vld [tilespmem:s3+$0x1360];
	_ =	sdelay $0x4  }
0x291: {  	[tilespmem:$0x2160] =	vst v1  }
0x292: {  	v1 =	vld [tilespmem:s3+$0x13E0];
	_ =	sdelay $0x4  }
0x293: {  	[tilespmem:$0x21E0] =	vst v1  }
0x294: {  	v1 =	vld [tilespmem:s3+$0x1370];
	_ =	sdelay $0x4  }
0x295: {  	[tilespmem:$0x2170] =	vst v1  }
0x296: {  	v1 =	vld [tilespmem:s3+$0x13F0];
	_ =	sdelay $0x4  }
0x297: {  	[tilespmem:$0x21F0] =	vst v1  }
0x298: {  	[tilespmem:s26], [sflag:$0x2] =	stream.indirect.gather [hbm4b:s4+s23], $0x80, s25, s23, $0xb8;
	[tilespmem:$0x1E200] =	vst v63  }
0x299: {  	_ =	swait.ge [sflag:s28], $0x4000  }
0x29a: {  	[sflag:s28] =	ssyncset.done $0x0  }
0x29b: {  	[sflag:s28] =	ssyncadd.s32 $0xFFFFC000  }
0x29c: {  	[spmem:s1] =	stream.indirect.scatter.add.f32 [tilespmem:s19], [sflag:$0x5], $0x80, s29, s23, $0xb8;
	[tilespmem:$0x1E200] =	vst v63  }
0x29d: {  	_ =	swait.ge [sflag:s20], $0x4000  }
0x29e: {  	[sflag:s20] =	ssyncset.done $0x0  }
0x29f: {  	[sflag:s20] =	ssyncadd.s32 $0xFFFFC000  }
0x2a0: {  	s8 =	sadd.s32 $0x1, s8;
	_ =	swait.ge [sflag:s30], $0x4000  }
0x2a1: {  	p1 =	seq.s32 s8, $0x5;
	[sflag:s30] =	ssyncset.done $0x0  }
.Ltmp6:
0x2a2: {  	[sflag:s30] =	ssyncadd.s32 $0xFFFFC000;
	(pc) =	sbr.rel @!p1 .LBB2_4-.Ltmp6, $4  }
0x2a3: {  	[spmem:s1] =	stream.indirect.scatter.add.f32 [tilespmem:s26], [sflag:$0x5], $0x80, s31, s23, $0xb8;
	[tilespmem:$0x1E200] =	vst v63  }
0x2a4: {  	_ =	swait.ge [sflag:s20], $0x4000  }
0x2a5: {  	[sflag:s20] =	ssyncset.done $0x0  }
0x2a6: {  	[sflag:s20] =	ssyncadd.s32 $0xFFFFC000  }
.Ltmp7:
0x2a7: {  	(pc) =	sbr.rel .LBB2_16-.Ltmp7, $2  }
0x2a8: {  	_ =	sdelay $0x2  }
0x2a9: {  	s3 =	rddreg [dreg:$0x3]  }
.LBB2_10:
0x2aa: {  	s8 =	sshll.u32 s3, $0xA  }
0x2ab: {  	s8 =	sadd.s32 s18, s8  }
0x2ac: {  	[tilespmem:s21], [sflag:$0x4] =	stream.linear.gather [hbm4b:s8+s7], $0x1000, $0x38;
	[tilespmem:$0x1E200] =	vst v63  }
0x2ad: {  	_ =	swait.ge [sflag:s22], $0x1000  }
0x2ae: {  	[sflag:s22] =	ssyncset.done $0x0  }
0x2af: {  	[sflag:s22] =	ssyncadd.s32 $0xFFFFF000  }
0x2b0: {  	v1 =	vld [tilespmem:$0x0]  }
0x2b1: {  	v2 =	vld [tilespmem:$0x80]  }
0x2b2: {  	v3 =	vld [tilespmem:$0x10]  }
0x2b3: {  	v4 =	vld [tilespmem:$0x90]  }
0x2b4: {  	v5 =	vld [tilespmem:$0x20]  }
0x2b5: {  	[tilespmem:$0x2000] =	vst v1;
	v1 =	vld [tilespmem:$0xA0]  }
0x2b6: {  	v54 =	vld [tilespmem:$0x40];
	[tilespmem:$0x2080] =	vst v2  }
0x2b7: {  	v55 =	vld [tilespmem:$0xC0];
	[tilespmem:$0x2010] =	vst v3  }
0x2b8: {  	v2 =	vld [tilespmem:$0x30];
	[tilespmem:$0x2090] =	vst v4  }
0x2b9: {  	v3 =	vld [tilespmem:$0xB0];
	[tilespmem:$0x2020] =	vst v5  }
0x2ba: {  	[tilespmem:$0x20A0] =	vst v1;
	v1 =	vld [tilespmem:$0x50]  }
0x2bb: {  	v56 =	vld [tilespmem:$0xE0];
	[tilespmem:$0x2040] =	vst v54  }
0x2bc: {  	v57 =	vld [tilespmem:$0x70];
	[tilespmem:$0x20C0] =	vst v55  }
0x2bd: {  	[tilespmem:$0x2030] =	vst v2;
	v2 =	vld [tilespmem:$0xD0]  }
0x2be: {  	[tilespmem:$0x20B0] =	vst v3;
	v3 =	vld [tilespmem:$0x60]  }
0x2bf: {  	[tilespmem:$0x2050] =	vst v1;
	v1 =	vld [tilespmem:$0xF0]  }
0x2c0: {  	[tilespmem:$0x20E0] =	vst v56  }
0x2c1: {  	[tilespmem:$0x2070] =	vst v57  }
0x2c2: {  	[tilespmem:$0x20D0] =	vst v2  }
0x2c3: {  	[tilespmem:$0x2060] =	vst v3  }
0x2c4: {  	[tilespmem:$0x20F0] =	vst v1  }
0x2c5: {  	[tilespmem:s19], [sflag:$0x1] =	stream.indirect.gather [hbm4b:s5+s23], $0x80, s24, s23, $0xb8;
	[tilespmem:$0x1E200] =	vst v63  }
0x2c6: {  	v1 =	vld [tilespmem:$0x100]  }
0x2c7: {  	v2 =	vld [tilespmem:$0x180]  }
0x2c8: {  	v3 =	vld [tilespmem:$0x110]  }
0x2c9: {  	v58 =	vld [tilespmem:$0x190]  }
0x2ca: {  	v59 =	vld [tilespmem:$0x120]  }
0x2cb: {  	[tilespmem:$0x2100] =	vst v1;
	v1 =	vld [tilespmem:$0x1A0]  }
0x2cc: {  	v60 =	vld [tilespmem:$0x140];
	[tilespmem:$0x2180] =	vst v2  }
0x2cd: {  	v61 =	vld [tilespmem:$0x1C0];
	[tilespmem:$0x2110] =	vst v3  }
0x2ce: {  	v2 =	vld [tilespmem:$0x130];
	[tilespmem:$0x2190] =	vst v58  }
0x2cf: {  	v3 =	vld [tilespmem:$0x1B0];
	[tilespmem:$0x2120] =	vst v59  }
0x2d0: {  	[tilespmem:$0x21A0] =	vst v1;
	v1 =	vld [tilespmem:$0x150]  }
0x2d1: {  	v62 =	vld [tilespmem:$0x1E0];
	[tilespmem:$0x2140] =	vst v60  }
0x2d2: {  	v63 =	vld [tilespmem:$0x170];
	[tilespmem:$0x21C0] =	vst v61  }
0x2d3: {  	[tilespmem:$0x2130] =	vst v2;
	v2 =	vld [tilespmem:$0x1D0]  }
0x2d4: {  	[tilespmem:$0x21B0] =	vst v3;
	v3 =	vld [tilespmem:$0x160]  }
0x2d5: {  	[tilespmem:$0x2150] =	vst v1;
	v1 =	vld [tilespmem:$0x1F0]  }
0x2d6: {  	[tilespmem:$0x21E0] =	vst v62  }
0x2d7: {  	[tilespmem:$0x2170] =	vst v63  }
0x2d8: {  	[tilespmem:$0x21D0] =	vst v2  }
0x2d9: {  	[tilespmem:$0x2160] =	vst v3  }
0x2da: {  	[tilespmem:$0x21F0] =	vst v1  }
0x2db: {  	[tilespmem:s26], [sflag:$0x2] =	stream.indirect.gather [hbm4b:s5+s23], $0x80, s25, s23, $0xb8;
	[tilespmem:$0x1E200] =	vst v63  }
0x2dc: {  	_ =	swait.ge [sflag:s28], $0x4000  }
0x2dd: {  	[sflag:s28] =	ssyncset.done $0x0  }
0x2de: {  	[sflag:s28] =	ssyncadd.s32 $0xFFFFC000  }
0x2df: {  	[spmem:s1] =	stream.indirect.scatter.add.f32 [tilespmem:s19], [sflag:$0x5], $0x80, s29, s23, $0xb8;
	[tilespmem:$0x1E200] =	vst v63  }
0x2e0: {  	_ =	swait.ge [sflag:s20], $0x4000  }
0x2e1: {  	[sflag:s20] =	ssyncset.done $0x0  }
0x2e2: {  	s14 =	simm.s32 $0x0;
	[sflag:s20] =	ssyncadd.s32 $0xFFFFC000  }
0x2e3: {  	v1 =	vld [tilespmem:s14+$0x200];
	_ =	sdelay $0x4  }
0x2e4: {  	[tilespmem:$0x2000] =	vst v1  }
0x2e5: {  	v1 =	vld [tilespmem:s14+$0x280];
	_ =	sdelay $0x4  }
0x2e6: {  	[tilespmem:$0x2080] =	vst v1  }
0x2e7: {  	v1 =	vld [tilespmem:s14+$0x210];
	_ =	sdelay $0x4  }
0x2e8: {  	[tilespmem:$0x2010] =	vst v1  }
0x2e9: {  	v1 =	vld [tilespmem:s14+$0x290];
	_ =	sdelay $0x4  }
0x2ea: {  	[tilespmem:$0x2090] =	vst v1  }
0x2eb: {  	v1 =	vld [tilespmem:s14+$0x220];
	_ =	sdelay $0x4  }
0x2ec: {  	[tilespmem:$0x2020] =	vst v1  }
0x2ed: {  	v1 =	vld [tilespmem:s14+$0x2A0];
	_ =	sdelay $0x4  }
0x2ee: {  	[tilespmem:$0x20A0] =	vst v1  }
0x2ef: {  	v1 =	vld [tilespmem:s14+$0x230];
	_ =	sdelay $0x4  }
0x2f0: {  	[tilespmem:$0x2030] =	vst v1  }
0x2f1: {  	v1 =	vld [tilespmem:s14+$0x2B0];
	_ =	sdelay $0x4  }
0x2f2: {  	[tilespmem:$0x20B0] =	vst v1  }
0x2f3: {  	v1 =	vld [tilespmem:s14+$0x240];
	_ =	sdelay $0x4  }
0x2f4: {  	[tilespmem:$0x2040] =	vst v1  }
0x2f5: {  	v1 =	vld [tilespmem:s14+$0x2C0];
	_ =	sdelay $0x4  }
0x2f6: {  	[tilespmem:$0x20C0] =	vst v1  }
0x2f7: {  	v1 =	vld [tilespmem:s14+$0x250];
	_ =	sdelay $0x4  }
0x2f8: {  	[tilespmem:$0x2050] =	vst v1  }
0x2f9: {  	v1 =	vld [tilespmem:s14+$0x2D0];
	_ =	sdelay $0x4  }
0x2fa: {  	[tilespmem:$0x20D0] =	vst v1  }
0x2fb: {  	v1 =	vld [tilespmem:s14+$0x260];
	_ =	sdelay $0x4  }
0x2fc: {  	[tilespmem:$0x2060] =	vst v1  }
0x2fd: {  	v1 =	vld [tilespmem:s14+$0x2E0];
	_ =	sdelay $0x4  }
0x2fe: {  	[tilespmem:$0x20E0] =	vst v1  }
0x2ff: {  	v1 =	vld [tilespmem:s14+$0x270];
	_ =	sdelay $0x4  }
0x300: {  	[tilespmem:$0x2070] =	vst v1  }
0x301: {  	v1 =	vld [tilespmem:s14+$0x2F0];
	_ =	sdelay $0x4  }
0x302: {  	[tilespmem:$0x20F0] =	vst v1  }
0x303: {  	[tilespmem:s19], [sflag:$0x1] =	stream.indirect.gather [hbm4b:s5+s23], $0x80, s24, s23, $0xb8;
	[tilespmem:$0x1E200] =	vst v63  }
0x304: {  	_ =	swait.ge [sflag:s30], $0x4000  }
0x305: {  	[sflag:s30] =	ssyncset.done $0x0  }
0x306: {  	[sflag:s30] =	ssyncadd.s32 $0xFFFFC000  }
0x307: {  	[spmem:s1] =	stream.indirect.scatter.add.f32 [tilespmem:s26], [sflag:$0x5], $0x80, s31, s23, $0xb8;
	[tilespmem:$0x1E200] =	vst v63  }
0x308: {  	_ =	swait.ge [sflag:s20], $0x4000  }
0x309: {  	[sflag:s20] =	ssyncset.done $0x0  }
0x30a: {  	[sflag:s20] =	ssyncadd.s32 $0xFFFFC000  }
0x30b: {  	v1 =	vld [tilespmem:s14+$0x300];
	_ =	sdelay $0x4  }
0x30c: {  	[tilespmem:$0x2100] =	vst v1  }
0x30d: {  	v1 =	vld [tilespmem:s14+$0x380];
	_ =	sdelay $0x4  }
0x30e: {  	[tilespmem:$0x2180] =	vst v1  }
0x30f: {  	v1 =	vld [tilespmem:s14+$0x310];
	_ =	sdelay $0x4  }
0x310: {  	[tilespmem:$0x2110] =	vst v1  }
0x311: {  	v1 =	vld [tilespmem:s14+$0x390];
	_ =	sdelay $0x4  }
0x312: {  	[tilespmem:$0x2190] =	vst v1  }
0x313: {  	v1 =	vld [tilespmem:s14+$0x320];
	_ =	sdelay $0x4  }
0x314: {  	[tilespmem:$0x2120] =	vst v1  }
0x315: {  	v1 =	vld [tilespmem:s14+$0x3A0];
	_ =	sdelay $0x4  }
0x316: {  	[tilespmem:$0x21A0] =	vst v1  }
0x317: {  	v1 =	vld [tilespmem:s14+$0x330];
	_ =	sdelay $0x4  }
0x318: {  	[tilespmem:$0x2130] =	vst v1  }
0x319: {  	v1 =	vld [tilespmem:s14+$0x3B0];
	_ =	sdelay $0x4  }
0x31a: {  	[tilespmem:$0x21B0] =	vst v1  }
0x31b: {  	v1 =	vld [tilespmem:s14+$0x340];
	_ =	sdelay $0x4  }
0x31c: {  	[tilespmem:$0x2140] =	vst v1  }
0x31d: {  	v1 =	vld [tilespmem:s14+$0x3C0];
	_ =	sdelay $0x4  }
0x31e: {  	[tilespmem:$0x21C0] =	vst v1  }
0x31f: {  	v1 =	vld [tilespmem:s14+$0x350];
	_ =	sdelay $0x4  }
0x320: {  	[tilespmem:$0x2150] =	vst v1  }
0x321: {  	v1 =	vld [tilespmem:s14+$0x3D0];
	_ =	sdelay $0x4  }
0x322: {  	[tilespmem:$0x21D0] =	vst v1  }
0x323: {  	v1 =	vld [tilespmem:s14+$0x360];
	_ =	sdelay $0x4  }
0x324: {  	[tilespmem:$0x2160] =	vst v1  }
0x325: {  	v1 =	vld [tilespmem:s14+$0x3E0];
	_ =	sdelay $0x4  }
0x326: {  	[tilespmem:$0x21E0] =	vst v1  }
0x327: {  	v1 =	vld [tilespmem:s14+$0x370];
	_ =	sdelay $0x4  }
0x328: {  	[tilespmem:$0x2170] =	vst v1  }
0x329: {  	v1 =	vld [tilespmem:s14+$0x3F0];
	_ =	sdelay $0x4  }
0x32a: {  	[tilespmem:$0x21F0] =	vst v1  }
0x32b: {  	[tilespmem:s26], [sflag:$0x2] =	stream.indirect.gather [hbm4b:s5+s23], $0x80, s25, s23, $0xb8;
	[tilespmem:$0x1E200] =	vst v63  }
0x32c: {  	_ =	swait.ge [sflag:s28], $0x4000  }
0x32d: {  	[sflag:s28] =	ssyncset.done $0x0  }
0x32e: {  	[sflag:s28] =	ssyncadd.s32 $0xFFFFC000  }
0x32f: {  	[spmem:s1] =	stream.indirect.scatter.add.f32 [tilespmem:s19], [sflag:$0x5], $0x80, s29, s23, $0xb8;
	[tilespmem:$0x1E200] =	vst v63  }
0x330: {  	_ =	swait.ge [sflag:s20], $0x4000  }
0x331: {  	s8 =	simm.s32 $0x800;
	s14 =	simm.s32 $0x1000;
	[sflag:s20] =	ssyncset.done $0x0  }
.LBB2_11:
0x332: {  	s13 =	sshra.s32 s8, $0x2  }
0x333: {  	[sflag:s20] =	ssyncadd.s32 $0xFFFFC000;
	s8 =	smov.u32 s14;
	s12 =	sadd.s32 $0x800, s14  }
0x334: {  	p1 =	sne.s32 s14, $0x3000;
	v1 =	vld [tilespmem:s13+$0x200];
	_ =	sdelay $0x4  }
0x335: {  	[tilespmem:$0x2000] =	vst v1  }
0x336: {  	v1 =	vld [tilespmem:s13+$0x280];
	_ =	sdelay $0x4  }
0x337: {  	[tilespmem:$0x2080] =	vst v1  }
0x338: {  	v1 =	vld [tilespmem:s13+$0x210];
	_ =	sdelay $0x4  }
0x339: {  	[tilespmem:$0x2010] =	vst v1  }
0x33a: {  	v1 =	vld [tilespmem:s13+$0x290];
	_ =	sdelay $0x4  }
0x33b: {  	[tilespmem:$0x2090] =	vst v1  }
0x33c: {  	v1 =	vld [tilespmem:s13+$0x220];
	_ =	sdelay $0x4  }
0x33d: {  	[tilespmem:$0x2020] =	vst v1  }
0x33e: {  	v1 =	vld [tilespmem:s13+$0x2A0];
	_ =	sdelay $0x4  }
0x33f: {  	[tilespmem:$0x20A0] =	vst v1  }
0x340: {  	v1 =	vld [tilespmem:s13+$0x230];
	_ =	sdelay $0x4  }
0x341: {  	[tilespmem:$0x2030] =	vst v1  }
0x342: {  	v1 =	vld [tilespmem:s13+$0x2B0];
	_ =	sdelay $0x4  }
0x343: {  	[tilespmem:$0x20B0] =	vst v1  }
0x344: {  	v1 =	vld [tilespmem:s13+$0x240];
	_ =	sdelay $0x4  }
0x345: {  	[tilespmem:$0x2040] =	vst v1  }
0x346: {  	v1 =	vld [tilespmem:s13+$0x2C0];
	_ =	sdelay $0x4  }
0x347: {  	[tilespmem:$0x20C0] =	vst v1  }
0x348: {  	v1 =	vld [tilespmem:s13+$0x250];
	_ =	sdelay $0x4  }
0x349: {  	[tilespmem:$0x2050] =	vst v1  }
0x34a: {  	v1 =	vld [tilespmem:s13+$0x2D0];
	_ =	sdelay $0x4  }
0x34b: {  	[tilespmem:$0x20D0] =	vst v1  }
0x34c: {  	v1 =	vld [tilespmem:s13+$0x260];
	_ =	sdelay $0x4  }
0x34d: {  	[tilespmem:$0x2060] =	vst v1  }
0x34e: {  	v1 =	vld [tilespmem:s13+$0x2E0];
	_ =	sdelay $0x4  }
0x34f: {  	[tilespmem:$0x20E0] =	vst v1  }
0x350: {  	v1 =	vld [tilespmem:s13+$0x270];
	_ =	sdelay $0x4  }
0x351: {  	[tilespmem:$0x2070] =	vst v1  }
0x352: {  	v1 =	vld [tilespmem:s13+$0x2F0];
	_ =	sdelay $0x4  }
0x353: {  	[tilespmem:$0x20F0] =	vst v1  }
0x354: {  	[tilespmem:s19], [sflag:$0x1] =	stream.indirect.gather [hbm4b:s5+s23], $0x80, s24, s23, $0xb8;
	[tilespmem:$0x1E200] =	vst v63  }
0x355: {  	_ =	swait.ge [sflag:s30], $0x4000  }
0x356: {  	[sflag:s30] =	ssyncset.done $0x0  }
0x357: {  	[sflag:s30] =	ssyncadd.s32 $0xFFFFC000  }
0x358: {  	[spmem:s1] =	stream.indirect.scatter.add.f32 [tilespmem:s26], [sflag:$0x5], $0x80, s31, s23, $0xb8;
	[tilespmem:$0x1E200] =	vst v63  }
0x359: {  	_ =	swait.ge [sflag:s20], $0x4000  }
0x35a: {  	[sflag:s20] =	ssyncset.done $0x0  }
0x35b: {  	[sflag:s20] =	ssyncadd.s32 $0xFFFFC000  }
0x35c: {  	v1 =	vld [tilespmem:s13+$0x300];
	_ =	sdelay $0x4  }
0x35d: {  	[tilespmem:$0x2100] =	vst v1  }
0x35e: {  	v1 =	vld [tilespmem:s13+$0x380];
	_ =	sdelay $0x4  }
0x35f: {  	[tilespmem:$0x2180] =	vst v1  }
0x360: {  	v1 =	vld [tilespmem:s13+$0x310];
	_ =	sdelay $0x4  }
0x361: {  	[tilespmem:$0x2110] =	vst v1  }
0x362: {  	v1 =	vld [tilespmem:s13+$0x390];
	_ =	sdelay $0x4  }
0x363: {  	[tilespmem:$0x2190] =	vst v1  }
0x364: {  	v1 =	vld [tilespmem:s13+$0x320];
	_ =	sdelay $0x4  }
0x365: {  	[tilespmem:$0x2120] =	vst v1  }
0x366: {  	v1 =	vld [tilespmem:s13+$0x3A0];
	_ =	sdelay $0x4  }
0x367: {  	[tilespmem:$0x21A0] =	vst v1  }
0x368: {  	v1 =	vld [tilespmem:s13+$0x330];
	_ =	sdelay $0x4  }
0x369: {  	[tilespmem:$0x2130] =	vst v1  }
0x36a: {  	v1 =	vld [tilespmem:s13+$0x3B0];
	_ =	sdelay $0x4  }
0x36b: {  	[tilespmem:$0x21B0] =	vst v1  }
0x36c: {  	v1 =	vld [tilespmem:s13+$0x340];
	_ =	sdelay $0x4  }
0x36d: {  	[tilespmem:$0x2140] =	vst v1  }
0x36e: {  	v1 =	vld [tilespmem:s13+$0x3C0];
	_ =	sdelay $0x4  }
0x36f: {  	[tilespmem:$0x21C0] =	vst v1  }
0x370: {  	v1 =	vld [tilespmem:s13+$0x350];
	_ =	sdelay $0x4  }
0x371: {  	[tilespmem:$0x2150] =	vst v1  }
0x372: {  	v1 =	vld [tilespmem:s13+$0x3D0];
	_ =	sdelay $0x4  }
0x373: {  	[tilespmem:$0x21D0] =	vst v1  }
0x374: {  	v1 =	vld [tilespmem:s13+$0x360];
	_ =	sdelay $0x4  }
0x375: {  	[tilespmem:$0x2160] =	vst v1  }
0x376: {  	v1 =	vld [tilespmem:s13+$0x3E0];
	_ =	sdelay $0x4  }
0x377: {  	[tilespmem:$0x21E0] =	vst v1  }
0x378: {  	v1 =	vld [tilespmem:s13+$0x370];
	_ =	sdelay $0x4  }
0x379: {  	[tilespmem:$0x2170] =	vst v1  }
0x37a: {  	v1 =	vld [tilespmem:s13+$0x3F0];
	_ =	sdelay $0x4  }
0x37b: {  	[tilespmem:$0x21F0] =	vst v1  }
0x37c: {  	[tilespmem:s26], [sflag:$0x2] =	stream.indirect.gather [hbm4b:s5+s23], $0x80, s25, s23, $0xb8;
	[tilespmem:$0x1E200] =	vst v63  }
0x37d: {  	_ =	swait.ge [sflag:s28], $0x4000  }
.Ltmp8:
0x37e: {  	[sflag:s28] =	ssyncset.done $0x0;
	(pc) =	sbr.rel @p1 .LBB2_11-.Ltmp8, $4  }
0x37f: {  	[sflag:s28] =	ssyncadd.s32 $0xFFFFC000  }
0x380: {  	[spmem:s1] =	stream.indirect.scatter.add.f32 [tilespmem:s19], [sflag:$0x5], $0x80, s29, s23, $0xb8;
	[tilespmem:$0x1E200] =	vst v63  }
0x381: {  	_ =	swait.ge [sflag:s20], $0x4000  }
0x382: {  	s14 =	smov.u32 s12;
	[sflag:s20] =	ssyncset.done $0x0  }
0x383: {  	s8 =	sshra.s32 s8, $0x2;
	[sflag:s20] =	ssyncadd.s32 $0xFFFFC000  }
0x384: {  	v1 =	vld [tilespmem:s8+$0x200];
	_ =	sdelay $0x4  }
0x385: {  	[tilespmem:$0x2000] =	vst v1  }
0x386: {  	v1 =	vld [tilespmem:s8+$0x280];
	_ =	sdelay $0x4  }
0x387: {  	[tilespmem:$0x2080] =	vst v1  }
0x388: {  	v1 =	vld [tilespmem:s8+$0x210];
	_ =	sdelay $0x4  }
0x389: {  	[tilespmem:$0x2010] =	vst v1  }
0x38a: {  	v1 =	vld [tilespmem:s8+$0x290];
	_ =	sdelay $0x4  }
0x38b: {  	[tilespmem:$0x2090] =	vst v1  }
0x38c: {  	v1 =	vld [tilespmem:s8+$0x220];
	_ =	sdelay $0x4  }
0x38d: {  	[tilespmem:$0x2020] =	vst v1  }
0x38e: {  	v1 =	vld [tilespmem:s8+$0x2A0];
	_ =	sdelay $0x4  }
0x38f: {  	[tilespmem:$0x20A0] =	vst v1  }
0x390: {  	v1 =	vld [tilespmem:s8+$0x230];
	_ =	sdelay $0x4  }
0x391: {  	[tilespmem:$0x2030] =	vst v1  }
0x392: {  	v1 =	vld [tilespmem:s8+$0x2B0];
	_ =	sdelay $0x4  }
0x393: {  	[tilespmem:$0x20B0] =	vst v1  }
0x394: {  	v1 =	vld [tilespmem:s8+$0x240];
	_ =	sdelay $0x4  }
0x395: {  	[tilespmem:$0x2040] =	vst v1  }
0x396: {  	v1 =	vld [tilespmem:s8+$0x2C0];
	_ =	sdelay $0x4  }
0x397: {  	[tilespmem:$0x20C0] =	vst v1  }
0x398: {  	v1 =	vld [tilespmem:s8+$0x250];
	_ =	sdelay $0x4  }
0x399: {  	[tilespmem:$0x2050] =	vst v1  }
0x39a: {  	v1 =	vld [tilespmem:s8+$0x2D0];
	_ =	sdelay $0x4  }
0x39b: {  	[tilespmem:$0x20D0] =	vst v1  }
0x39c: {  	v1 =	vld [tilespmem:s8+$0x260];
	_ =	sdelay $0x4  }
0x39d: {  	[tilespmem:$0x2060] =	vst v1  }
0x39e: {  	v1 =	vld [tilespmem:s8+$0x2E0];
	_ =	sdelay $0x4  }
0x39f: {  	[tilespmem:$0x20E0] =	vst v1  }
0x3a0: {  	v1 =	vld [tilespmem:s8+$0x270];
	_ =	sdelay $0x4  }
0x3a1: {  	[tilespmem:$0x2070] =	vst v1  }
0x3a2: {  	v1 =	vld [tilespmem:s8+$0x2F0];
	_ =	sdelay $0x4  }
0x3a3: {  	[tilespmem:$0x20F0] =	vst v1  }
0x3a4: {  	[tilespmem:s19], [sflag:$0x1] =	stream.indirect.gather [hbm4b:s5+s23], $0x80, s24, s23, $0xb8;
	[tilespmem:$0x1E200] =	vst v63  }
0x3a5: {  	_ =	swait.ge [sflag:s30], $0x4000  }
0x3a6: {  	[sflag:s30] =	ssyncset.done $0x0  }
0x3a7: {  	[sflag:s30] =	ssyncadd.s32 $0xFFFFC000  }
0x3a8: {  	[spmem:s1] =	stream.indirect.scatter.add.f32 [tilespmem:s26], [sflag:$0x5], $0x80, s31, s23, $0xb8;
	[tilespmem:$0x1E200] =	vst v63  }
0x3a9: {  	_ =	swait.ge [sflag:s20], $0x4000  }
0x3aa: {  	[sflag:s20] =	ssyncset.done $0x0  }
0x3ab: {  	[sflag:s20] =	ssyncadd.s32 $0xFFFFC000  }
0x3ac: {  	v1 =	vld [tilespmem:s8+$0x300];
	_ =	sdelay $0x4  }
0x3ad: {  	[tilespmem:$0x2100] =	vst v1  }
0x3ae: {  	v1 =	vld [tilespmem:s8+$0x380];
	_ =	sdelay $0x4  }
0x3af: {  	[tilespmem:$0x2180] =	vst v1  }
0x3b0: {  	v1 =	vld [tilespmem:s8+$0x310];
	_ =	sdelay $0x4  }
0x3b1: {  	[tilespmem:$0x2110] =	vst v1  }
0x3b2: {  	v1 =	vld [tilespmem:s8+$0x390];
	_ =	sdelay $0x4  }
0x3b3: {  	[tilespmem:$0x2190] =	vst v1  }
0x3b4: {  	v1 =	vld [tilespmem:s8+$0x320];
	_ =	sdelay $0x4  }
0x3b5: {  	[tilespmem:$0x2120] =	vst v1  }
0x3b6: {  	v1 =	vld [tilespmem:s8+$0x3A0];
	_ =	sdelay $0x4  }
0x3b7: {  	[tilespmem:$0x21A0] =	vst v1  }
0x3b8: {  	v1 =	vld [tilespmem:s8+$0x330];
	_ =	sdelay $0x4  }
0x3b9: {  	[tilespmem:$0x2130] =	vst v1  }
0x3ba: {  	v1 =	vld [tilespmem:s8+$0x3B0];
	_ =	sdelay $0x4  }
0x3bb: {  	[tilespmem:$0x21B0] =	vst v1  }
0x3bc: {  	v1 =	vld [tilespmem:s8+$0x340];
	_ =	sdelay $0x4  }
0x3bd: {  	[tilespmem:$0x2140] =	vst v1  }
0x3be: {  	v1 =	vld [tilespmem:s8+$0x3C0];
	_ =	sdelay $0x4  }
0x3bf: {  	[tilespmem:$0x21C0] =	vst v1  }
0x3c0: {  	v1 =	vld [tilespmem:s8+$0x350];
	_ =	sdelay $0x4  }
0x3c1: {  	[tilespmem:$0x2150] =	vst v1  }
0x3c2: {  	v1 =	vld [tilespmem:s8+$0x3D0];
	_ =	sdelay $0x4  }
0x3c3: {  	[tilespmem:$0x21D0] =	vst v1  }
0x3c4: {  	v1 =	vld [tilespmem:s8+$0x360];
	_ =	sdelay $0x4  }
0x3c5: {  	[tilespmem:$0x2160] =	vst v1  }
0x3c6: {  	v1 =	vld [tilespmem:s8+$0x3E0];
	_ =	sdelay $0x4  }
0x3c7: {  	[tilespmem:$0x21E0] =	vst v1  }
0x3c8: {  	v1 =	vld [tilespmem:s8+$0x370];
	_ =	sdelay $0x4  }
0x3c9: {  	[tilespmem:$0x2170] =	vst v1  }
0x3ca: {  	v1 =	vld [tilespmem:s8+$0x3F0];
	_ =	sdelay $0x4  }
0x3cb: {  	[tilespmem:$0x21F0] =	vst v1  }
0x3cc: {  	[tilespmem:s26], [sflag:$0x2] =	stream.indirect.gather [hbm4b:s5+s23], $0x80, s25, s23, $0xb8;
	[tilespmem:$0x1E200] =	vst v63  }
0x3cd: {  	_ =	swait.ge [sflag:s28], $0x4000  }
0x3ce: {  	[sflag:s28] =	ssyncset.done $0x0  }
0x3cf: {  	[sflag:s28] =	ssyncadd.s32 $0xFFFFC000  }
0x3d0: {  	[spmem:s1] =	stream.indirect.scatter.add.f32 [tilespmem:s19], [sflag:$0x5], $0x80, s29, s23, $0xb8;
	[tilespmem:$0x1E200] =	vst v63  }
0x3d1: {  	_ =	swait.ge [sflag:s20], $0x4000  }
0x3d2: {  	[sflag:s20] =	ssyncset.done $0x0  }
0x3d3: {  	[sflag:s20] =	ssyncadd.s32 $0xFFFFC000  }
0x3d4: {  	_ =	swait.ge [sflag:s30], $0x4000  }
0x3d5: {  	p1 =	seq.s32 s3, $0x4;
	[sflag:s30] =	ssyncset.done $0x0  }
0x3d6: {  	s8 =	sshll.u32 @!p1 s3, $0xD;
	[sflag:s30] =	ssyncadd.s32 $0xFFFFC000  }
0x3d7: {  	[spmem:s1] =	stream.indirect.scatter.add.f32 [tilespmem:s26], [sflag:$0x5], $0x80, s31, s23, $0xb8;
	[tilespmem:$0x1E200] =	vst v63  }
0x3d8: {  	s8 =	sadd.s32 @!p1 s8, s11;
	_ =	swait.ge [sflag:s20], $0x4000  }
0x3d9: {  	s8 =	sshrl.u32 @!p1 s8, $0x3;
	[sflag:s20] =	ssyncset.done $0x0  }
0x3da: {  	s12 =	simm.s32 @!p1 $0x0;
	s8 =	sadd.s32 @!p1 s6, s8;
	[sflag:s20] =	ssyncadd.s32 $0xFFFFC000  }
0x3db: {  	[tilespmem:s12], [sflag:$0x3] =	stream.linear.gather @!p1 [hbm4b:s8+s12], $0x1000, $0x38;
	[tilespmem:$0x1E200] =	vst v63  }
0x3dc: {  	_ =	swait.ge [sflag:s0], $0x1000  }
0x3dd: {  	[sflag:s0] =	ssyncset.done $0x0  }
0x3de: {  	[sflag:s0] =	ssyncadd.s32 $0xFFFFF000  }
0x3df: {  	v1 =	vld [tilespmem:$0x1000]  }
0x3e0: {  	v2 =	vld [tilespmem:$0x1080]  }
0x3e1: {  	v3 =	vld [tilespmem:$0x1010]  }
0x3e2: {  	v4 =	vld [tilespmem:$0x1090]  }
0x3e3: {  	v5 =	vld [tilespmem:$0x1020]  }
0x3e4: {  	[tilespmem:$0x2000] =	vst v1;
	v1 =	vld [tilespmem:$0x10A0]  }
0x3e5: {  	v54 =	vld [tilespmem:$0x1040];
	[tilespmem:$0x2080] =	vst v2  }
0x3e6: {  	v55 =	vld [tilespmem:$0x10C0];
	[tilespmem:$0x2010] =	vst v3  }
0x3e7: {  	v2 =	vld [tilespmem:$0x1030];
	[tilespmem:$0x2090] =	vst v4  }
0x3e8: {  	v3 =	vld [tilespmem:$0x10B0];
	[tilespmem:$0x2020] =	vst v5  }
0x3e9: {  	[tilespmem:$0x20A0] =	vst v1;
	v1 =	vld [tilespmem:$0x1050]  }
0x3ea: {  	v56 =	vld [tilespmem:$0x10E0];
	[tilespmem:$0x2040] =	vst v54  }
0x3eb: {  	v57 =	vld [tilespmem:$0x1070];
	[tilespmem:$0x20C0] =	vst v55  }
0x3ec: {  	[tilespmem:$0x2030] =	vst v2;
	v2 =	vld [tilespmem:$0x10D0]  }
0x3ed: {  	[tilespmem:$0x20B0] =	vst v3;
	v3 =	vld [tilespmem:$0x1060]  }
0x3ee: {  	[tilespmem:$0x2050] =	vst v1;
	v1 =	vld [tilespmem:$0x10F0]  }
0x3ef: {  	[tilespmem:$0x20E0] =	vst v56  }
0x3f0: {  	[tilespmem:$0x2070] =	vst v57  }
0x3f1: {  	[tilespmem:$0x20D0] =	vst v2  }
0x3f2: {  	[tilespmem:$0x2060] =	vst v3  }
0x3f3: {  	[tilespmem:$0x20F0] =	vst v1  }
0x3f4: {  	[tilespmem:s19], [sflag:$0x1] =	stream.indirect.gather [hbm4b:s5+s23], $0x80, s24, s23, $0xb8;
	[tilespmem:$0x1E200] =	vst v63  }
0x3f5: {  	v1 =	vld [tilespmem:$0x1100]  }
0x3f6: {  	v2 =	vld [tilespmem:$0x1180]  }
0x3f7: {  	v3 =	vld [tilespmem:$0x1110]  }
0x3f8: {  	v58 =	vld [tilespmem:$0x1190]  }
0x3f9: {  	v59 =	vld [tilespmem:$0x1120]  }
0x3fa: {  	[tilespmem:$0x2100] =	vst v1;
	v1 =	vld [tilespmem:$0x11A0]  }
0x3fb: {  	v60 =	vld [tilespmem:$0x1140];
	[tilespmem:$0x2180] =	vst v2  }
0x3fc: {  	v61 =	vld [tilespmem:$0x11C0];
	[tilespmem:$0x2110] =	vst v3  }
0x3fd: {  	v2 =	vld [tilespmem:$0x1130];
	[tilespmem:$0x2190] =	vst v58  }
0x3fe: {  	v3 =	vld [tilespmem:$0x11B0];
	[tilespmem:$0x2120] =	vst v59  }
0x3ff: {  	[tilespmem:$0x21A0] =	vst v1;
	v1 =	vld [tilespmem:$0x1150]  }
0x400: {  	v62 =	vld [tilespmem:$0x11E0];
	[tilespmem:$0x2140] =	vst v60  }
0x401: {  	v63 =	vld [tilespmem:$0x1170];
	[tilespmem:$0x21C0] =	vst v61  }
0x402: {  	[tilespmem:$0x2130] =	vst v2;
	v2 =	vld [tilespmem:$0x11D0]  }
0x403: {  	[tilespmem:$0x21B0] =	vst v3;
	v3 =	vld [tilespmem:$0x1160]  }
0x404: {  	[tilespmem:$0x2150] =	vst v1;
	v1 =	vld [tilespmem:$0x11F0]  }
0x405: {  	[tilespmem:$0x21E0] =	vst v62  }
0x406: {  	[tilespmem:$0x2170] =	vst v63  }
0x407: {  	[tilespmem:$0x21D0] =	vst v2  }
0x408: {  	[tilespmem:$0x2160] =	vst v3  }
0x409: {  	[tilespmem:$0x21F0] =	vst v1  }
0x40a: {  	[tilespmem:s26], [sflag:$0x2] =	stream.indirect.gather [hbm4b:s5+s23], $0x80, s25, s23, $0xb8;
	[tilespmem:$0x1E200] =	vst v63  }
0x40b: {  	_ =	swait.ge [sflag:s28], $0x4000  }
0x40c: {  	[sflag:s28] =	ssyncset.done $0x0  }
0x40d: {  	[sflag:s28] =	ssyncadd.s32 $0xFFFFC000  }
0x40e: {  	[spmem:s1] =	stream.indirect.scatter.add.f32 [tilespmem:s19], [sflag:$0x5], $0x80, s29, s23, $0xb8;
	[tilespmem:$0x1E200] =	vst v63  }
0x40f: {  	_ =	swait.ge [sflag:s20], $0x4000  }
0x410: {  	[sflag:s20] =	ssyncset.done $0x0  }
0x411: {  	s14 =	simm.s32 $0x0;
	[sflag:s20] =	ssyncadd.s32 $0xFFFFC000  }
0x412: {  	v1 =	vld [tilespmem:s14+$0x1200];
	_ =	sdelay $0x4  }
0x413: {  	[tilespmem:$0x2000] =	vst v1  }
0x414: {  	v1 =	vld [tilespmem:s14+$0x1280];
	_ =	sdelay $0x4  }
0x415: {  	[tilespmem:$0x2080] =	vst v1  }
0x416: {  	v1 =	vld [tilespmem:s14+$0x1210];
	_ =	sdelay $0x4  }
0x417: {  	[tilespmem:$0x2010] =	vst v1  }
0x418: {  	v1 =	vld [tilespmem:s14+$0x1290];
	_ =	sdelay $0x4  }
0x419: {  	[tilespmem:$0x2090] =	vst v1  }
0x41a: {  	v1 =	vld [tilespmem:s14+$0x1220];
	_ =	sdelay $0x4  }
0x41b: {  	[tilespmem:$0x2020] =	vst v1  }
0x41c: {  	v1 =	vld [tilespmem:s14+$0x12A0];
	_ =	sdelay $0x4  }
0x41d: {  	[tilespmem:$0x20A0] =	vst v1  }
0x41e: {  	v1 =	vld [tilespmem:s14+$0x1230];
	_ =	sdelay $0x4  }
0x41f: {  	[tilespmem:$0x2030] =	vst v1  }
0x420: {  	v1 =	vld [tilespmem:s14+$0x12B0];
	_ =	sdelay $0x4  }
0x421: {  	[tilespmem:$0x20B0] =	vst v1  }
0x422: {  	v1 =	vld [tilespmem:s14+$0x1240];
	_ =	sdelay $0x4  }
0x423: {  	[tilespmem:$0x2040] =	vst v1  }
0x424: {  	v1 =	vld [tilespmem:s14+$0x12C0];
	_ =	sdelay $0x4  }
0x425: {  	[tilespmem:$0x20C0] =	vst v1  }
0x426: {  	v1 =	vld [tilespmem:s14+$0x1250];
	_ =	sdelay $0x4  }
0x427: {  	[tilespmem:$0x2050] =	vst v1  }
0x428: {  	v1 =	vld [tilespmem:s14+$0x12D0];
	_ =	sdelay $0x4  }
0x429: {  	[tilespmem:$0x20D0] =	vst v1  }
0x42a: {  	v1 =	vld [tilespmem:s14+$0x1260];
	_ =	sdelay $0x4  }
0x42b: {  	[tilespmem:$0x2060] =	vst v1  }
0x42c: {  	v1 =	vld [tilespmem:s14+$0x12E0];
	_ =	sdelay $0x4  }
0x42d: {  	[tilespmem:$0x20E0] =	vst v1  }
0x42e: {  	v1 =	vld [tilespmem:s14+$0x1270];
	_ =	sdelay $0x4  }
0x42f: {  	[tilespmem:$0x2070] =	vst v1  }
0x430: {  	v1 =	vld [tilespmem:s14+$0x12F0];
	_ =	sdelay $0x4  }
0x431: {  	[tilespmem:$0x20F0] =	vst v1  }
0x432: {  	[tilespmem:s19], [sflag:$0x1] =	stream.indirect.gather [hbm4b:s5+s23], $0x80, s24, s23, $0xb8;
	[tilespmem:$0x1E200] =	vst v63  }
0x433: {  	_ =	swait.ge [sflag:s30], $0x4000  }
0x434: {  	[sflag:s30] =	ssyncset.done $0x0  }
0x435: {  	[sflag:s30] =	ssyncadd.s32 $0xFFFFC000  }
0x436: {  	[spmem:s1] =	stream.indirect.scatter.add.f32 [tilespmem:s26], [sflag:$0x5], $0x80, s31, s23, $0xb8;
	[tilespmem:$0x1E200] =	vst v63  }
0x437: {  	_ =	swait.ge [sflag:s20], $0x4000  }
0x438: {  	[sflag:s20] =	ssyncset.done $0x0  }
0x439: {  	[sflag:s20] =	ssyncadd.s32 $0xFFFFC000  }
0x43a: {  	v1 =	vld [tilespmem:s14+$0x1300];
	_ =	sdelay $0x4  }
0x43b: {  	[tilespmem:$0x2100] =	vst v1  }
0x43c: {  	v1 =	vld [tilespmem:s14+$0x1380];
	_ =	sdelay $0x4  }
0x43d: {  	[tilespmem:$0x2180] =	vst v1  }
0x43e: {  	v1 =	vld [tilespmem:s14+$0x1310];
	_ =	sdelay $0x4  }
0x43f: {  	[tilespmem:$0x2110] =	vst v1  }
0x440: {  	v1 =	vld [tilespmem:s14+$0x1390];
	_ =	sdelay $0x4  }
0x441: {  	[tilespmem:$0x2190] =	vst v1  }
0x442: {  	v1 =	vld [tilespmem:s14+$0x1320];
	_ =	sdelay $0x4  }
0x443: {  	[tilespmem:$0x2120] =	vst v1  }
0x444: {  	v1 =	vld [tilespmem:s14+$0x13A0];
	_ =	sdelay $0x4  }
0x445: {  	[tilespmem:$0x21A0] =	vst v1  }
0x446: {  	v1 =	vld [tilespmem:s14+$0x1330];
	_ =	sdelay $0x4  }
0x447: {  	[tilespmem:$0x2130] =	vst v1  }
0x448: {  	v1 =	vld [tilespmem:s14+$0x13B0];
	_ =	sdelay $0x4  }
0x449: {  	[tilespmem:$0x21B0] =	vst v1  }
0x44a: {  	v1 =	vld [tilespmem:s14+$0x1340];
	_ =	sdelay $0x4  }
0x44b: {  	[tilespmem:$0x2140] =	vst v1  }
0x44c: {  	v1 =	vld [tilespmem:s14+$0x13C0];
	_ =	sdelay $0x4  }
0x44d: {  	[tilespmem:$0x21C0] =	vst v1  }
0x44e: {  	v1 =	vld [tilespmem:s14+$0x1350];
	_ =	sdelay $0x4  }
0x44f: {  	[tilespmem:$0x2150] =	vst v1  }
0x450: {  	v1 =	vld [tilespmem:s14+$0x13D0];
	_ =	sdelay $0x4  }
0x451: {  	[tilespmem:$0x21D0] =	vst v1  }
0x452: {  	v1 =	vld [tilespmem:s14+$0x1360];
	_ =	sdelay $0x4  }
0x453: {  	[tilespmem:$0x2160] =	vst v1  }
0x454: {  	v1 =	vld [tilespmem:s14+$0x13E0];
	_ =	sdelay $0x4  }
0x455: {  	[tilespmem:$0x21E0] =	vst v1  }
0x456: {  	v1 =	vld [tilespmem:s14+$0x1370];
	_ =	sdelay $0x4  }
0x457: {  	[tilespmem:$0x2170] =	vst v1  }
0x458: {  	v1 =	vld [tilespmem:s14+$0x13F0];
	_ =	sdelay $0x4  }
0x459: {  	[tilespmem:$0x21F0] =	vst v1  }
0x45a: {  	[tilespmem:s26], [sflag:$0x2] =	stream.indirect.gather [hbm4b:s5+s23], $0x80, s25, s23, $0xb8;
	[tilespmem:$0x1E200] =	vst v63  }
0x45b: {  	_ =	swait.ge [sflag:s28], $0x4000  }
0x45c: {  	[sflag:s28] =	ssyncset.done $0x0  }
0x45d: {  	[sflag:s28] =	ssyncadd.s32 $0xFFFFC000  }
0x45e: {  	[spmem:s1] =	stream.indirect.scatter.add.f32 [tilespmem:s19], [sflag:$0x5], $0x80, s29, s23, $0xb8;
	[tilespmem:$0x1E200] =	vst v63  }
0x45f: {  	_ =	swait.ge [sflag:s20], $0x4000  }
0x460: {  	s8 =	simm.s32 $0x800;
	s14 =	simm.s32 $0x1000;
	[sflag:s20] =	ssyncset.done $0x0  }
.LBB2_13:
0x461: {  	s13 =	sshra.s32 s8, $0x2  }
0x462: {  	[sflag:s20] =	ssyncadd.s32 $0xFFFFC000;
	s8 =	smov.u32 s14;
	s12 =	sadd.s32 $0x800, s14  }
0x463: {  	p1 =	sne.s32 s14, $0x3000;
	v1 =	vld [tilespmem:s13+$0x1200];
	_ =	sdelay $0x4  }
0x464: {  	[tilespmem:$0x2000] =	vst v1  }
0x465: {  	v1 =	vld [tilespmem:s13+$0x1280];
	_ =	sdelay $0x4  }
0x466: {  	[tilespmem:$0x2080] =	vst v1  }
0x467: {  	v1 =	vld [tilespmem:s13+$0x1210];
	_ =	sdelay $0x4  }
0x468: {  	[tilespmem:$0x2010] =	vst v1  }
0x469: {  	v1 =	vld [tilespmem:s13+$0x1290];
	_ =	sdelay $0x4  }
0x46a: {  	[tilespmem:$0x2090] =	vst v1  }
0x46b: {  	v1 =	vld [tilespmem:s13+$0x1220];
	_ =	sdelay $0x4  }
0x46c: {  	[tilespmem:$0x2020] =	vst v1  }
0x46d: {  	v1 =	vld [tilespmem:s13+$0x12A0];
	_ =	sdelay $0x4  }
0x46e: {  	[tilespmem:$0x20A0] =	vst v1  }
0x46f: {  	v1 =	vld [tilespmem:s13+$0x1230];
	_ =	sdelay $0x4  }
0x470: {  	[tilespmem:$0x2030] =	vst v1  }
0x471: {  	v1 =	vld [tilespmem:s13+$0x12B0];
	_ =	sdelay $0x4  }
0x472: {  	[tilespmem:$0x20B0] =	vst v1  }
0x473: {  	v1 =	vld [tilespmem:s13+$0x1240];
	_ =	sdelay $0x4  }
0x474: {  	[tilespmem:$0x2040] =	vst v1  }
0x475: {  	v1 =	vld [tilespmem:s13+$0x12C0];
	_ =	sdelay $0x4  }
0x476: {  	[tilespmem:$0x20C0] =	vst v1  }
0x477: {  	v1 =	vld [tilespmem:s13+$0x1250];
	_ =	sdelay $0x4  }
0x478: {  	[tilespmem:$0x2050] =	vst v1  }
0x479: {  	v1 =	vld [tilespmem:s13+$0x12D0];
	_ =	sdelay $0x4  }
0x47a: {  	[tilespmem:$0x20D0] =	vst v1  }
0x47b: {  	v1 =	vld [tilespmem:s13+$0x1260];
	_ =	sdelay $0x4  }
0x47c: {  	[tilespmem:$0x2060] =	vst v1  }
0x47d: {  	v1 =	vld [tilespmem:s13+$0x12E0];
	_ =	sdelay $0x4  }
0x47e: {  	[tilespmem:$0x20E0] =	vst v1  }
0x47f: {  	v1 =	vld [tilespmem:s13+$0x1270];
	_ =	sdelay $0x4  }
0x480: {  	[tilespmem:$0x2070] =	vst v1  }
0x481: {  	v1 =	vld [tilespmem:s13+$0x12F0];
	_ =	sdelay $0x4  }
0x482: {  	[tilespmem:$0x20F0] =	vst v1  }
0x483: {  	[tilespmem:s19], [sflag:$0x1] =	stream.indirect.gather [hbm4b:s5+s23], $0x80, s24, s23, $0xb8;
	[tilespmem:$0x1E200] =	vst v63  }
0x484: {  	_ =	swait.ge [sflag:s30], $0x4000  }
0x485: {  	[sflag:s30] =	ssyncset.done $0x0  }
0x486: {  	[sflag:s30] =	ssyncadd.s32 $0xFFFFC000  }
0x487: {  	[spmem:s1] =	stream.indirect.scatter.add.f32 [tilespmem:s26], [sflag:$0x5], $0x80, s31, s23, $0xb8;
	[tilespmem:$0x1E200] =	vst v63  }
0x488: {  	_ =	swait.ge [sflag:s20], $0x4000  }
0x489: {  	[sflag:s20] =	ssyncset.done $0x0  }
0x48a: {  	[sflag:s20] =	ssyncadd.s32 $0xFFFFC000  }
0x48b: {  	v1 =	vld [tilespmem:s13+$0x1300];
	_ =	sdelay $0x4  }
0x48c: {  	[tilespmem:$0x2100] =	vst v1  }
0x48d: {  	v1 =	vld [tilespmem:s13+$0x1380];
	_ =	sdelay $0x4  }
0x48e: {  	[tilespmem:$0x2180] =	vst v1  }
0x48f: {  	v1 =	vld [tilespmem:s13+$0x1310];
	_ =	sdelay $0x4  }
0x490: {  	[tilespmem:$0x2110] =	vst v1  }
0x491: {  	v1 =	vld [tilespmem:s13+$0x1390];
	_ =	sdelay $0x4  }
0x492: {  	[tilespmem:$0x2190] =	vst v1  }
0x493: {  	v1 =	vld [tilespmem:s13+$0x1320];
	_ =	sdelay $0x4  }
0x494: {  	[tilespmem:$0x2120] =	vst v1  }
0x495: {  	v1 =	vld [tilespmem:s13+$0x13A0];
	_ =	sdelay $0x4  }
0x496: {  	[tilespmem:$0x21A0] =	vst v1  }
0x497: {  	v1 =	vld [tilespmem:s13+$0x1330];
	_ =	sdelay $0x4  }
0x498: {  	[tilespmem:$0x2130] =	vst v1  }
0x499: {  	v1 =	vld [tilespmem:s13+$0x13B0];
	_ =	sdelay $0x4  }
0x49a: {  	[tilespmem:$0x21B0] =	vst v1  }
0x49b: {  	v1 =	vld [tilespmem:s13+$0x1340];
	_ =	sdelay $0x4  }
0x49c: {  	[tilespmem:$0x2140] =	vst v1  }
0x49d: {  	v1 =	vld [tilespmem:s13+$0x13C0];
	_ =	sdelay $0x4  }
0x49e: {  	[tilespmem:$0x21C0] =	vst v1  }
0x49f: {  	v1 =	vld [tilespmem:s13+$0x1350];
	_ =	sdelay $0x4  }
0x4a0: {  	[tilespmem:$0x2150] =	vst v1  }
0x4a1: {  	v1 =	vld [tilespmem:s13+$0x13D0];
	_ =	sdelay $0x4  }
0x4a2: {  	[tilespmem:$0x21D0] =	vst v1  }
0x4a3: {  	v1 =	vld [tilespmem:s13+$0x1360];
	_ =	sdelay $0x4  }
0x4a4: {  	[tilespmem:$0x2160] =	vst v1  }
0x4a5: {  	v1 =	vld [tilespmem:s13+$0x13E0];
	_ =	sdelay $0x4  }
0x4a6: {  	[tilespmem:$0x21E0] =	vst v1  }
0x4a7: {  	v1 =	vld [tilespmem:s13+$0x1370];
	_ =	sdelay $0x4  }
0x4a8: {  	[tilespmem:$0x2170] =	vst v1  }
0x4a9: {  	v1 =	vld [tilespmem:s13+$0x13F0];
	_ =	sdelay $0x4  }
0x4aa: {  	[tilespmem:$0x21F0] =	vst v1  }
0x4ab: {  	[tilespmem:s26], [sflag:$0x2] =	stream.indirect.gather [hbm4b:s5+s23], $0x80, s25, s23, $0xb8;
	[tilespmem:$0x1E200] =	vst v63  }
0x4ac: {  	_ =	swait.ge [sflag:s28], $0x4000  }
.Ltmp9:
0x4ad: {  	[sflag:s28] =	ssyncset.done $0x0;
	(pc) =	sbr.rel @p1 .LBB2_13-.Ltmp9, $4  }
0x4ae: {  	[sflag:s28] =	ssyncadd.s32 $0xFFFFC000  }
0x4af: {  	[spmem:s1] =	stream.indirect.scatter.add.f32 [tilespmem:s19], [sflag:$0x5], $0x80, s29, s23, $0xb8;
	[tilespmem:$0x1E200] =	vst v63  }
0x4b0: {  	_ =	swait.ge [sflag:s20], $0x4000  }
0x4b1: {  	s14 =	smov.u32 s12;
	[sflag:s20] =	ssyncset.done $0x0  }
0x4b2: {  	s8 =	sshra.s32 s8, $0x2;
	[sflag:s20] =	ssyncadd.s32 $0xFFFFC000  }
0x4b3: {  	v1 =	vld [tilespmem:s8+$0x1200];
	_ =	sdelay $0x4  }
0x4b4: {  	[tilespmem:$0x2000] =	vst v1  }
0x4b5: {  	v1 =	vld [tilespmem:s8+$0x1280];
	_ =	sdelay $0x4  }
0x4b6: {  	[tilespmem:$0x2080] =	vst v1  }
0x4b7: {  	v1 =	vld [tilespmem:s8+$0x1210];
	_ =	sdelay $0x4  }
0x4b8: {  	[tilespmem:$0x2010] =	vst v1  }
0x4b9: {  	v1 =	vld [tilespmem:s8+$0x1290];
	_ =	sdelay $0x4  }
0x4ba: {  	[tilespmem:$0x2090] =	vst v1  }
0x4bb: {  	v1 =	vld [tilespmem:s8+$0x1220];
	_ =	sdelay $0x4  }
0x4bc: {  	[tilespmem:$0x2020] =	vst v1  }
0x4bd: {  	v1 =	vld [tilespmem:s8+$0x12A0];
	_ =	sdelay $0x4  }
0x4be: {  	[tilespmem:$0x20A0] =	vst v1  }
0x4bf: {  	v1 =	vld [tilespmem:s8+$0x1230];
	_ =	sdelay $0x4  }
0x4c0: {  	[tilespmem:$0x2030] =	vst v1  }
0x4c1: {  	v1 =	vld [tilespmem:s8+$0x12B0];
	_ =	sdelay $0x4  }
0x4c2: {  	[tilespmem:$0x20B0] =	vst v1  }
0x4c3: {  	v1 =	vld [tilespmem:s8+$0x1240];
	_ =	sdelay $0x4  }
0x4c4: {  	[tilespmem:$0x2040] =	vst v1  }
0x4c5: {  	v1 =	vld [tilespmem:s8+$0x12C0];
	_ =	sdelay $0x4  }
0x4c6: {  	[tilespmem:$0x20C0] =	vst v1  }
0x4c7: {  	v1 =	vld [tilespmem:s8+$0x1250];
	_ =	sdelay $0x4  }
0x4c8: {  	[tilespmem:$0x2050] =	vst v1  }
0x4c9: {  	v1 =	vld [tilespmem:s8+$0x12D0];
	_ =	sdelay $0x4  }
0x4ca: {  	[tilespmem:$0x20D0] =	vst v1  }
0x4cb: {  	v1 =	vld [tilespmem:s8+$0x1260];
	_ =	sdelay $0x4  }
0x4cc: {  	[tilespmem:$0x2060] =	vst v1  }
0x4cd: {  	v1 =	vld [tilespmem:s8+$0x12E0];
	_ =	sdelay $0x4  }
0x4ce: {  	[tilespmem:$0x20E0] =	vst v1  }
0x4cf: {  	v1 =	vld [tilespmem:s8+$0x1270];
	_ =	sdelay $0x4  }
0x4d0: {  	[tilespmem:$0x2070] =	vst v1  }
0x4d1: {  	v1 =	vld [tilespmem:s8+$0x12F0];
	_ =	sdelay $0x4  }
0x4d2: {  	[tilespmem:$0x20F0] =	vst v1  }
0x4d3: {  	[tilespmem:s19], [sflag:$0x1] =	stream.indirect.gather [hbm4b:s5+s23], $0x80, s24, s23, $0xb8;
	[tilespmem:$0x1E200] =	vst v63  }
0x4d4: {  	_ =	swait.ge [sflag:s30], $0x4000  }
0x4d5: {  	[sflag:s30] =	ssyncset.done $0x0  }
0x4d6: {  	[sflag:s30] =	ssyncadd.s32 $0xFFFFC000  }
0x4d7: {  	[spmem:s1] =	stream.indirect.scatter.add.f32 [tilespmem:s26], [sflag:$0x5], $0x80, s31, s23, $0xb8;
	[tilespmem:$0x1E200] =	vst v63  }
0x4d8: {  	_ =	swait.ge [sflag:s20], $0x4000  }
0x4d9: {  	[sflag:s20] =	ssyncset.done $0x0  }
0x4da: {  	[sflag:s20] =	ssyncadd.s32 $0xFFFFC000  }
0x4db: {  	v1 =	vld [tilespmem:s8+$0x1300];
	_ =	sdelay $0x4  }
0x4dc: {  	[tilespmem:$0x2100] =	vst v1  }
0x4dd: {  	v1 =	vld [tilespmem:s8+$0x1380];
	_ =	sdelay $0x4  }
0x4de: {  	[tilespmem:$0x2180] =	vst v1  }
0x4df: {  	v1 =	vld [tilespmem:s8+$0x1310];
	_ =	sdelay $0x4  }
0x4e0: {  	[tilespmem:$0x2110] =	vst v1  }
0x4e1: {  	v1 =	vld [tilespmem:s8+$0x1390];
	_ =	sdelay $0x4  }
0x4e2: {  	[tilespmem:$0x2190] =	vst v1  }
0x4e3: {  	v1 =	vld [tilespmem:s8+$0x1320];
	_ =	sdelay $0x4  }
0x4e4: {  	[tilespmem:$0x2120] =	vst v1  }
0x4e5: {  	v1 =	vld [tilespmem:s8+$0x13A0];
	_ =	sdelay $0x4  }
0x4e6: {  	[tilespmem:$0x21A0] =	vst v1  }
0x4e7: {  	v1 =	vld [tilespmem:s8+$0x1330];
	_ =	sdelay $0x4  }
0x4e8: {  	[tilespmem:$0x2130] =	vst v1  }
0x4e9: {  	v1 =	vld [tilespmem:s8+$0x13B0];
	_ =	sdelay $0x4  }
0x4ea: {  	[tilespmem:$0x21B0] =	vst v1  }
0x4eb: {  	v1 =	vld [tilespmem:s8+$0x1340];
	_ =	sdelay $0x4  }
0x4ec: {  	[tilespmem:$0x2140] =	vst v1  }
0x4ed: {  	v1 =	vld [tilespmem:s8+$0x13C0];
	_ =	sdelay $0x4  }
0x4ee: {  	[tilespmem:$0x21C0] =	vst v1  }
0x4ef: {  	v1 =	vld [tilespmem:s8+$0x1350];
	_ =	sdelay $0x4  }
0x4f0: {  	[tilespmem:$0x2150] =	vst v1  }
0x4f1: {  	v1 =	vld [tilespmem:s8+$0x13D0];
	_ =	sdelay $0x4  }
0x4f2: {  	[tilespmem:$0x21D0] =	vst v1  }
0x4f3: {  	v1 =	vld [tilespmem:s8+$0x1360];
	_ =	sdelay $0x4  }
0x4f4: {  	[tilespmem:$0x2160] =	vst v1  }
0x4f5: {  	v1 =	vld [tilespmem:s8+$0x13E0];
	_ =	sdelay $0x4  }
0x4f6: {  	[tilespmem:$0x21E0] =	vst v1  }
0x4f7: {  	v1 =	vld [tilespmem:s8+$0x1370];
	_ =	sdelay $0x4  }
0x4f8: {  	[tilespmem:$0x2170] =	vst v1  }
0x4f9: {  	v1 =	vld [tilespmem:s8+$0x13F0];
	_ =	sdelay $0x4  }
0x4fa: {  	[tilespmem:$0x21F0] =	vst v1  }
0x4fb: {  	[tilespmem:s26], [sflag:$0x2] =	stream.indirect.gather [hbm4b:s5+s23], $0x80, s25, s23, $0xb8;
	[tilespmem:$0x1E200] =	vst v63  }
0x4fc: {  	_ =	swait.ge [sflag:s28], $0x4000  }
0x4fd: {  	[sflag:s28] =	ssyncset.done $0x0  }
0x4fe: {  	[sflag:s28] =	ssyncadd.s32 $0xFFFFC000  }
0x4ff: {  	[spmem:s1] =	stream.indirect.scatter.add.f32 [tilespmem:s19], [sflag:$0x5], $0x80, s29, s23, $0xb8;
	[tilespmem:$0x1E200] =	vst v63  }
0x500: {  	_ =	swait.ge [sflag:s20], $0x4000  }
0x501: {  	[sflag:s20] =	ssyncset.done $0x0  }
0x502: {  	[sflag:s20] =	ssyncadd.s32 $0xFFFFC000  }
0x503: {  	s3 =	sadd.s32 $0x1, s3;
	_ =	swait.ge [sflag:s30], $0x4000  }
0x504: {  	p1 =	sne.s32 s3, $0x5;
	[sflag:s30] =	ssyncset.done $0x0  }
.Ltmp10:
0x505: {  	[sflag:s30] =	ssyncadd.s32 $0xFFFFC000;
	(pc) =	sbr.rel @p1 .LBB2_10-.Ltmp10, $4  }
0x506: {  	[spmem:s1] =	stream.indirect.scatter.add.f32 [tilespmem:s26], [sflag:$0x5], $0x80, s31, s23, $0xb8;
	[tilespmem:$0x1E200] =	vst v63  }
0x507: {  	_ =	swait.ge [sflag:s20], $0x4000  }
0x508: {  	[sflag:s20] =	ssyncset.done $0x0  }
0x509: {  	[sflag:s20] =	ssyncadd.s32 $0xFFFFC000  }
.Ltmp11:
0x50a: {  	(pc) =	sbr.rel .LBB2_16-.Ltmp11, $2  }
0x50b: {  	_ =	sdelay $0x2  }
0x50c: {  	s3 =	rddreg [dreg:$0x4]  }
.LBB2_17:
0x50d: {  	_ =	sfence.sel $0x180000  }
0x50e: {  	[bflag:$0x0] =	sbarrier.arrive $0xFFFF  }
0x50f: {  	_ =	strace $0x9000004D  }
0x510: {  	s0 =	stileid.u32;
	[bflag:$0x2] =	sbarrier.arrive $0xFFFF  }
0x511: {  	p0 =	sne.s32 s0, $0x0;
	s0 =	rddreg [dreg:$0x2]  }
0x512: {  	s0 =	sadd.s32 @!p0 $0x100000, s0  }
0x513: {  	[sflag:s0] =	ssyncadd.tile.s32 @!p0 $0x1;
	_ =	shalt  }
.Lfunc_end2:
_tile_overlayer_lowered:
.L_overlay_start_2:
0x514: {  	(tag) =	ssettag $0x2  }
0x515: {  	s0 =	rddreg [dreg:$0x0];
	s2 =	stileid.u32  }
0x516: {  	s1 =	rddreg [dreg:$0x1];
	p0 =	sne.s32 s2, $0x0  }
0x517: {  	s3 =	rddreg [dreg:$0x2];
	[bflag:$0x3] =	sbarrier.arrive $0xFFFF;
	s2 =	simm.s32 @!p0 $0x1C05  }
0x518: {  	[timem:s3], [sflag:s2] =	dma.local @!p0 [hbm:s0], s1  }
0x519: {  	s0 =	simm.s32 @!p0 $0x5  }
0x51a: {  	_ =	swait.ge @!p0 [sflag:s0], s1  }
0x51b: {  	s1 =	ssub.s32 @!p0 $0x0, s1;
	[sflag:s0] =	ssyncset.done @!p0 $0x0  }
0x51c: {  	[sflag:s0] =	ssyncadd.s32 @!p0 s1  }
0x51d: {  	[bflag:$0x3] =	sbarrier.arrive $0xFFFF  }
0x51e: {  	_ =	shalt  }

// kernel: kernel.9.cloned.1.call-start
scs
__scs_entry_jumppad:
0x0: {  	(pc) =	sbr.rel $0x88, $3  }
0x1: {  	(tag) =	ssettag $0x0;
	lr =	simm.s32 $0x1  }
0x2: {  	[smem:$0x3F99] =	sst lr;
	_ =	strace $0xD0000000  }
0x3: {  	_ = 	snop  }
0x4: {  	_ = 	snop  }
0x5: {  	_ = 	snop  }
0x6: {  	_ = 	snop  }
0x7: {  	_ = 	snop  }
__scs_overlays_trampoline_lowered:
0x8: {  	[smem:$0x3FA8] =	sst s0  }
0x9: {  	[smem:$0x3FA9] =	sst s1  }
0xa: {  	[smem:$0x3FAA] =	sst s2  }
0xb: {  	[smem:$0x3FAB] =	sst s3  }
0xc: {  	[smem:$0x3FAC] =	sst s4  }
0xd: {  	[smem:$0x3FAD] =	sst s5  }
0xe: {  	[smem:$0x3FAE] =	sst s6  }
0xf: {  	[smem:$0x3FAF] =	sst s7  }
0x10: {  	[smem:$0x3FB0] =	sst s8  }
0x11: {  	[smem:$0x3FB1] =	sst s9;
	s0 =	simm.s32 @!p0 $0x0  }
0x12: {  	s1 =	sld [smem:$0x3F97];
	s0 =	simm.s32 @p0 $0x1  }
0x13: {  	[smem:$0x3FB2] =	sst s0;
	s0 =	simm.s32 @!p1 $0x0  }
0x14: {  	s2 =	sld [smem:$0x3F96];
	s0 =	simm.s32 @p1 $0x1  }
0x15: {  	[smem:$0x3FB3] =	sst s0;
	s0 =	simm.s32 @!p2 $0x0  }
0x16: {  	s3 =	sld [smem:$0x3FDB];
	s0 =	simm.s32 @p2 $0x1  }
0x17: {  	s4 =	simm.s32 $0x1BF5;
	[smem:$0x3FB5] =	sst s0  }
0x18: {  	s0 =	sld [smem:$0x3F98];
	_ =	swait.ge [sflag:s4], $0x0  }
0x19: {  	s7 =	sld [smem:$0x3F99]  }
0x1a: {  	s8 =	sadd.s32 $0xFFFFE003, lr  }
0x1b: {  	s9 =	sadd.s32 $0xFFFFFEF7, lr;
	s5 =	simm.s32 $0xFFFFFFFF;
	p2 =	slt.u32 s8, $0xFFFFF086  }
0x1c: {  	p1 =	slt.u32 s9, $0xF7A;
	s5 =	simm.s32 @!p2 $0x0  }
0x1d: {  	s5 =	simm.s32 @p1 $0x1;
	p0 =	seq.s32 s7, s2  }
0x1e: {  	s7 =	smul.u32 @!p0 $0xF7A, s2;
	p2 =	seq.s32 @!p0 s5, $0x0  }
0x1f: {  	s9 =	smul.u32 $0xF7A, s1;
	s8 =	simm.s32 @!p0 $0x1BF5;
	p2 =	por !p2, p0  }
0x20: {  	[sflag:s8] =	ssyncset.s32 @!p0 $0xFFFFF086;
	s6 =	sadd.s32 @!p0 s3, s7;
	s7 =	simm.s32 @!p0 $0x108  }
0x21: {  	s3 =	sadd.s32 s3, s9;
	s6 =	sadd.s32 @!p0 $0x88, s6;
	s7 =	simm.s32 @p2 $0x1082  }
0x22: {  	[simem:s7], [sflag:s8] =	dma.local @!p0 [hbm:s6], $0xF7A  }
0x23: {  	s9 =	sor.u32 $0xD0000000, s2;
	s6 =	simm.s32 $0x108;
	_ =	swait.ge @!p0 [sflag:s8], $0x0  }
0x24: {  	s3 =	sadd.s32 $0x88, s3;
	s6 =	simm.s32 @!p1 $0x1082;
	[sflag:s4] =	ssyncset.s32 $0xFFFFF086  }
0x25: {  	[simem:s6], [sflag:s4] =	dma.local [hbm:s3], $0xF7A  }
0x26: {  	[smem:$0x3F99] =	sst s1;
	(tag) =	ssettag s2;
	_ =	strace s9  }
0x27: {  	s1 =	sld [smem:$0x3FA9]  }
0x28: {  	s2 =	sld [smem:$0x3FAA]  }
0x29: {  	s4 =	sld [smem:$0x3FAC]  }
0x2a: {  	p0 =	seq.s32 s5, $0x0;
	s5 =	sld [smem:$0x3FAD]  }
0x2b: {  	s6 =	sld [smem:$0x3FAE]  }
0x2c: {  	s7 =	sld [smem:$0x3FAF]  }
0x2d: {  	s3 =	simm.s32 $0x108;
	s8 =	sld [smem:$0x3FB0]  }
0x2e: {  	s3 =	simm.s32 @!p0 $0x1082;
	s9 =	sld [smem:$0x3FB1]  }
0x2f: {  	lr =	sadd.s32 s0, s3;
	s0 =	sld [smem:$0x3FA8]  }
0x30: {  	s3 =	sld [smem:$0x3FAB]  }
0x31: {  	[smem:$0x3FB4] =	sst s10  }
0x32: {  	s10 =	sld [smem:$0x3FB2];
	_ =	sdelay $0x3  }
0x33: {  	p0 =	seq.s32 s10, $0x1;
	s10 =	sld [smem:$0x3FB4];
	_ =	sdelay $0x3  }
0x34: {  	[smem:$0x3FB4] =	sst s10  }
0x35: {  	s10 =	sld [smem:$0x3FB3];
	_ =	sdelay $0x3  }
0x36: {  	p1 =	seq.s32 s10, $0x1;
	s10 =	sld [smem:$0x3FB4];
	_ =	sdelay $0x3  }
0x37: {  	[smem:$0x3FB4] =	sst s10  }
0x38: {  	s10 =	sld [smem:$0x3FB5]  }
0x39: {  	_ = 	snop;
	(pc) =	sbr.ind lr, $3  }
0x3a: {  	_ = 	snop  }
0x3b: {  	_ = 	snop  }
0x3c: {  	p2 =	seq.s32 s10, $0x1;
	s10 =	sld [smem:$0x3FB4]  }
0x3d: {  	_ =	shalt  }
0x3e: {  	_ =	shalt  }
0x3f: {  	_ =	shalt  }
0x40: {  	_ =	shalt  }
0x41: {  	_ =	shalt  }
0x42: {  	_ =	shalt  }
0x43: {  	_ =	shalt  }
0x44: {  	_ =	shalt  }
0x45: {  	_ =	shalt  }
0x46: {  	_ =	shalt  }
0x47: {  	_ =	shalt  }
0x48: {  	_ =	shalt  }
0x49: {  	_ =	shalt  }
0x4a: {  	_ =	shalt  }
0x4b: {  	_ =	shalt  }
0x4c: {  	_ =	shalt  }
0x4d: {  	_ =	shalt  }
0x4e: {  	_ =	shalt  }
0x4f: {  	_ =	shalt  }
0x50: {  	_ =	shalt  }
0x51: {  	_ =	shalt  }
0x52: {  	_ =	shalt  }
0x53: {  	_ =	shalt  }
0x54: {  	_ =	shalt  }
0x55: {  	_ =	shalt  }
0x56: {  	_ =	shalt  }
0x57: {  	_ =	shalt  }
0x58: {  	_ =	shalt  }
0x59: {  	_ =	shalt  }
0x5a: {  	_ =	shalt  }
0x5b: {  	_ =	shalt  }
0x5c: {  	_ =	shalt  }
0x5d: {  	_ =	shalt  }
0x5e: {  	_ =	shalt  }
0x5f: {  	_ =	shalt  }
0x60: {  	_ =	shalt  }
0x61: {  	_ =	shalt  }
0x62: {  	_ =	shalt  }
0x63: {  	_ =	shalt  }
0x64: {  	_ =	shalt  }
0x65: {  	_ =	shalt  }
0x66: {  	_ =	shalt  }
0x67: {  	_ =	shalt  }
0x68: {  	_ =	shalt  }
0x69: {  	_ =	shalt  }
0x6a: {  	_ =	shalt  }
0x6b: {  	_ =	shalt  }
0x6c: {  	_ =	shalt  }
0x6d: {  	_ =	shalt  }
0x6e: {  	_ =	shalt  }
0x6f: {  	_ =	shalt  }
0x70: {  	_ =	shalt  }
0x71: {  	_ =	shalt  }
0x72: {  	_ =	shalt  }
0x73: {  	_ =	shalt  }
0x74: {  	_ =	shalt  }
0x75: {  	_ =	shalt  }
0x76: {  	_ =	shalt  }
0x77: {  	_ =	shalt  }
0x78: {  	_ =	shalt  }
0x79: {  	_ =	shalt  }
0x7a: {  	_ =	shalt  }
0x7b: {  	_ =	shalt  }
0x7c: {  	_ =	shalt  }
0x7d: {  	_ =	shalt  }
0x7e: {  	_ =	shalt  }
0x7f: {  	_ =	shalt  }
0x80: {  	_ =	shalt  }
0x81: {  	_ =	shalt  }
0x82: {  	_ =	shalt  }
0x83: {  	_ =	shalt  }
0x84: {  	_ =	shalt  }
0x85: {  	_ =	shalt  }
0x86: {  	_ =	shalt  }
0x87: {  	_ =	shalt  }
.Lfunc_end0:
.L_simem_size_0:
called_computation_lowered:
.L_overlay_start_0:
0x88: {  	s2 =	sld [smem:$0x3FD9]  }
0x89: {  	s3 =	sld [smem:$0x3FFE];
	_ =	sdelay $0x1  }
0x8a: {  	s1 =	srdreg.scid  }
0x8b: {  	s0 =	sand.u32 $0x1, s1  }
0x8c: {  	s16 =	sshll.u32 s0, $0xA;
	s2 =	sadd.s32 s3, s2  }
0x8d: {  	s2 =	sadd.s32 s2, s16  }
0x8e: {  	[smem:$0x3FC0] =	sst s2  }
0x8f: {  	_ = 	snop  }
0x90: {  	(tm) =	ssettm $0x1  }
0x91: {  	s17 =	sld [smem:$0x3FFB];
	_ =	sdelay $0x3  }
0x92: {  	_ =	strace s17  }
0x93: {  	s2 =	sld [smem:$0x3FFC];
	_ =	sdelay $0x3  }
0x94: {  	_ =	strace s2  }
0x95: {  	s2 =	sld [smem:$0x3FFD];
	_ =	sdelay $0x3  }
0x96: {  	_ =	strace s2  }
0x97: {  	_ =	strace $0x8FFFFFFF  }
0x98: {  	s18 =	sld [smem:$0x3FDB];
	_ =	sdelay $0x1  }
0x99: {  	s19 =	simm.s32 $_scs_section_size  }
0x9a: {  	s4 =	simm.s32 $_size__tile_overlayer_lowered;
	s5 =	simm.s32 $_tile_overlayer_lowered  }
0x9b: {  	s22 =	simm.s32 $0x1BFF;
	s21 =	sshll.u32 s5, $0x1;
	s2 =	sadd.s32 s19, s18  }
0x9c: {  	s6 =	simm.s32 $0x0;
	s20 =	sshll.u32 s4, $0x1;
	s4 =	sadd.s32 s21, s2  }
0x9d: {  	[timem:s6], [sflag:s22] =	dma.local [hbm:s4], s20  }
0x9e: {  	_ =	swait.ge [sflag:s22], s20  }
0x9f: {  	s3 =	ssub.s32 $0x0, s20;
	[sflag:s22] =	ssyncset.done $0x0  }
0xa0: {  	[sflag:s22] =	ssyncadd.s32 s3;
	_ =	sdelay $0x1  }
0xa1: {  	s23 =	simm.s32 $0x1B8B  }
0xa2: {  	_ =	swait.ge [sflag:s23], $0x1  }
0xa3: {  	[sflag:s23] =	ssyncset.done $0x0  }
0xa4: {  	s25 =	simm.s32 $0x1B8E;
	s24 =	sld [smem:$0x3FFE];
	[sflag:s23] =	ssyncadd.s32 $0xFFFFFFFF  }
0xa5: {  	s26 =	simm.s32 $execute0_lowered;
	[smem:$0x3FD2] =	sst s25  }
0xa6: {  	s4 =	sshll.u32 s26, $0x1;
	_ =	strace $0x80000046;
	[dreg:$0x1] =	wrdreg $0xFFFFFFFF  }
0xa7: {  	s28 =	simm.s32 $_size_execute0_lowered;
	s2 =	sadd.s32 s2, s4;
	[dreg:$0x0] =	wrdreg $0x0  }
0xa8: {  	s4 =	sshll.u32 s28, $0x1;
	[dreg:$0x2] =	wrdreg s2  }
0xa9: {  	[dreg:$0x3] =	wrdreg s4  }
0xaa: {  	[dreg:$0x4] =	wrdreg $0xC0  }
0xab: {  	_ =	task [dreg:s6], $0x5FFFF  }
0xac: {  	[dreg:$0x1] =	wrdreg $0xFFFFFFFF  }
0xad: {  	[dreg:$0x0] =	wrdreg $0x60  }
0xae: {  	[dreg:$0x2] =	wrdreg s24  }
0xaf: {  	[dreg:$0x3] =	wrdreg $0x68800  }
0xb0: {  	[dreg:$0x4] =	wrdreg $0x9  }
0xb1: {  	_ =	task.clear_ibuf [dreg:s6], $0x5FFFF;
	_ =	strace $0x90000046  }
0xb2: {  	s29 =	simm.s32 $0x9;
	_ =	strace $0x80000048  }
0xb3: {  	_ =	swait.ge [sflag:s29], $0x1  }
0xb4: {  	[sflag:s29] =	ssyncadd.s32 $0xFFFFFFFF  }
0xb5: {  	_ =	strace $0x90000048  }
0xb6: {  	_ =	sfence  }
0xb7: {  	s30 =	sld [smem:$0x0];
	_ =	sdelay $0x2  }
0xb8: {  	s31 =	sshll.u32 s1, $0xD;
	s1 =	sshrl.u32 s1, $0x2  }
0xb9: {  	s3 =	sand.u32 $0x4000, s31;
	s1 =	sadd.s32 s1, s30  }
0xba: {  	s0 =	sor.u32 s3, s0;
	s1 =	sshll.u32 s1, $0x11  }
0xbb: {  	s0 =	sor.u32 s1, s0  }
0xbc: {  	s0 =	sadd.s32 $0x8F2B, s0  }
0xbd: {  	[sflag:s0] =	ssyncadd.remote.s32 $0x1  }
0xbe: {  	_ =	sfence.sel $0xFFFF  }
0xbf: {  	[dreg:$0x0] =	wrdreg $0xFFFFFFFF;
	(pc) =	sbr.abs _section_cstart, $3  }
0xc0: {  	[dreg:$0x1] =	wrdreg $0xFFFFFFFF  }
0xc1: {  	_ =	task.clear_ibuf [dreg:s6], $0x2FFFF;
	_ =	strace $0x9FFFFFFF  }
0xc2: {  	(tm) =	ssettm $0x7FFFFFFF  }
0xc3: {  	_ =	shalt  }
tec
execute0_lowered:
.L_overlay_start_1:
0x0: {  	(tag) =	ssettag $0x1  }
0x1: {  	s5 =	rddreg [dreg:$0x0]  }
0x2: {  	s0 =	srdreg.scid;
	s2 =	rddreg [dreg:$0x1];
	s3 =	simm.s32 $0x0  }
0x3: {  	s12 =	simm.s32 $0x2880;
	s13 =	simm.s32 $0x1;
	s4 =	sand.u32 $0x1, s0  }
0x4: {  	s14 =	simm.s32 $0x80;
	s0 =	stileid.u32;
	s7 =	smul.u32 $0x28000, s4  }
0x5: {  	s15 =	simm.s32 $0x2800;
	[smem:$0x7FF] =	sst s3;
	s8 =	smul.u32 $0x2800, s0  }
0x6: {  	s1 =	sshll.u32 s4, $0x4;
	s4 =	ssub.s32 $0x2, s4;
	s9 =	smul.u32 $0x50000, s0  }
0x7: {  	s16 =	sshll.u32 s0, $0x6;
	s1 =	sor.u32 s0, s1;
	s30 =	sshrl.u32 s4, $0x1  }
0x8: {  	s16 =	sor.u32 $0x1C01, s16;
	s6 =	smul.u32 $0x500, s1;
	s1 =	rddreg [dreg:$0x2]  }
0x9: {  	_ =	strace $0x80000047;
	s7 =	sadd.s32 s8, s7;
	s31 =	sshrl.u32 s9, $0x2  }
0xa: {  	s8 =	ssub.s32 s4, s30;
	s7 =	sadd.s32 s7, s5;
	s4 =	sadd.s32 s31, s2  }
0xb: {  	s6 =	sadd.s32 s6, s5;
	s9 =	sadd.s32 $0x8000, s4;
	s10 =	sadd.s32 $0xC000, s4  }
0xc: {  	s11 =	sadd.s32 $0x10000, s4;
	s17 =	sshrl.u32 s4, $0x3;
	s5 =	sadd.s32 $0x5800, s6  }
0xd: {  	v0 =	vimm.f32 $0.0e+00;
	v1 =	vimm.f32 $1.000000000e+00;
	s6 =	sadd.s32 $0xF800, s7;
	s7 =	smax.u32 s8, $0x1;
	s8 =	sadd.s32 $0x4000, s4  }
.LBB2_1:
0xe: {  	s18 =	simm.s32 $0x200;
	s19 =	simm.s32 $0x0  }
.LBB2_2:
0xf: {  	p0 =	sne.s32 s18, $0xFE00;
	[tilespmem:s19+$0x2880] =	vst v0;
	s19 =	smov.u32 s18;
	s18 =	sadd.s32 $0x200, s18  }
.Ltmp0:
0x10: {  	(pc) =	sbr.rel @p0 .LBB2_2-.Ltmp0, $2  }
0x11: {  	_ =	sdelay $0x2  }
0x12: {  	s19 =	sshra.s32 s19, $0x2  }
0x13: {  	[tilespmem:s19+$0x2880] =	vst v0  }
0x14: {  	[spmem:s4] =	stream.linear.scatter [tilespmem:s12], [sflag:$0x1], $0x4000, $0x38;
	[tilespmem:$0x9080] =	vst v63  }
0x15: {  	_ =	swait.ge [sflag:s13], $0x4000  }
0x16: {  	[sflag:s13] =	ssyncset.done $0x0  }
0x17: {  	[sflag:s13] =	ssyncadd.s32 $0xFFFFC000  }
0x18: {  	[spmem:s8] =	stream.linear.scatter [tilespmem:s12], [sflag:$0x1], $0x4000, $0x38;
	[tilespmem:$0x9080] =	vst v63  }
0x19: {  	_ =	swait.ge [sflag:s13], $0x4000  }
0x1a: {  	[sflag:s13] =	ssyncset.done $0x0  }
0x1b: {  	[sflag:s13] =	ssyncadd.s32 $0xFFFFC000  }
0x1c: {  	[spmem:s9] =	stream.linear.scatter [tilespmem:s12], [sflag:$0x1], $0x4000, $0x38;
	[tilespmem:$0x9080] =	vst v63  }
0x1d: {  	_ =	swait.ge [sflag:s13], $0x4000  }
0x1e: {  	[sflag:s13] =	ssyncset.done $0x0  }
0x1f: {  	[sflag:s13] =	ssyncadd.s32 $0xFFFFC000  }
0x20: {  	[spmem:s10] =	stream.linear.scatter [tilespmem:s12], [sflag:$0x1], $0x4000, $0x38;
	[tilespmem:$0x9080] =	vst v63  }
0x21: {  	_ =	swait.ge [sflag:s13], $0x4000  }
0x22: {  	[sflag:s13] =	ssyncset.done $0x0  }
0x23: {  	[sflag:s13] =	ssyncadd.s32 $0xFFFFC000  }
0x24: {  	[spmem:s11] =	stream.linear.scatter [tilespmem:s12], [sflag:$0x1], $0x4000, $0x38;
	[tilespmem:$0x9080] =	vst v63  }
0x25: {  	_ =	swait.ge [sflag:s13], $0x4000  }
0x26: {  	[sflag:s13] =	ssyncset.done $0x0  }
0x27: {  	s18 =	simm.s32 $0x200;
	s19 =	simm.s32 $0x0;
	[sflag:s13] =	ssyncadd.s32 $0xFFFFC000  }
.LBB2_4:
0x28: {  	p0 =	sne.s32 s18, $0xFE00;
	[tilespmem:s19+$0x2880] =	vst v1;
	s19 =	smov.u32 s18;
	s18 =	sadd.s32 $0x200, s18  }
.Ltmp1:
0x29: {  	(pc) =	sbr.rel @p0 .LBB2_4-.Ltmp1, $2  }
0x2a: {  	_ =	sdelay $0x2  }
0x2b: {  	s19 =	sshra.s32 s19, $0x2  }
0x2c: {  	[tilespmem:s19+$0x2880] =	vst v1;
	s18 =	simm.s32 $0x0  }
0x2d: {  	[tilespmem:s18], [sflag:$0x1] =	stream.linear.gather [hbm4b:s5+s18], $0x2800, $0x38;
	[tilespmem:$0x9080] =	vst v63  }
0x2e: {  	_ =	swait.ge [sflag:s13], $0x2800  }
0x2f: {  	[sflag:s13] =	ssyncset.done $0x0  }
0x30: {  	[sflag:s13] =	ssyncadd.s32 $0xFFFFD800  }
0x31: {  	s31 =	simm.s32 $0x0;
	[bflag:$0x0] =	sbarrier.arrive $0xFFFF  }
0x32: {  	v2 =	vld [tilespmem:s31+$0x0];
	_ =	sdelay $0x4  }
0x33: {  	[tilespmem:$0x2800] =	vst v2  }
0x34: {  	v2 =	vld [tilespmem:s31+$0x10];
	_ =	sdelay $0x4  }
0x35: {  	[tilespmem:$0x2810] =	vst v2  }
0x36: {  	v2 =	vld [tilespmem:s31+$0x20];
	_ =	sdelay $0x4  }
0x37: {  	[tilespmem:$0x2820] =	vst v2  }
0x38: {  	v2 =	vld [tilespmem:s31+$0x30];
	_ =	sdelay $0x4  }
0x39: {  	[tilespmem:$0x2830] =	vst v2  }
0x3a: {  	v2 =	vld [tilespmem:s31+$0x40];
	_ =	sdelay $0x4  }
0x3b: {  	[tilespmem:$0x2840] =	vst v2  }
0x3c: {  	v2 =	vld [tilespmem:s31+$0x50];
	_ =	sdelay $0x4  }
0x3d: {  	[tilespmem:$0x2850] =	vst v2  }
0x3e: {  	v2 =	vld [tilespmem:s31+$0x60];
	_ =	sdelay $0x4  }
0x3f: {  	[tilespmem:$0x2860] =	vst v2  }
0x40: {  	v2 =	vld [tilespmem:s31+$0x70];
	_ =	sdelay $0x4  }
0x41: {  	[tilespmem:$0x2870] =	vst v2  }
0x42: {  	[spmem:s2] =	stream.indirect.scatter.add.f32 [tilespmem:s12], [sflag:$0x1], $0x10, s15, s14, $0xb8;
	[tilespmem:$0x9080] =	vst v63  }
0x43: {  	_ =	swait.ge [sflag:s13], $0x800  }
0x44: {  	s20 =	simm.s32 $0x400;
	s18 =	simm.s32 $0x200;
	[sflag:s13] =	ssyncset.done $0x0  }
.LBB2_6:
0x45: {  	s21 =	sshra.s32 s18, $0x2  }
0x46: {  	[sflag:s13] =	ssyncadd.s32 $0xFFFFF800;
	s18 =	smov.u32 s20;
	s19 =	sadd.s32 $0x200, s20  }
0x47: {  	p0 =	sne.s32 s20, $0x9E00;
	v2 =	vld [tilespmem:s21+$0x0];
	_ =	sdelay $0x4  }
0x48: {  	[tilespmem:$0x2800] =	vst v2  }
0x49: {  	v2 =	vld [tilespmem:s21+$0x10];
	_ =	sdelay $0x4  }
0x4a: {  	[tilespmem:$0x2810] =	vst v2  }
0x4b: {  	v2 =	vld [tilespmem:s21+$0x20];
	_ =	sdelay $0x4  }
0x4c: {  	[tilespmem:$0x2820] =	vst v2  }
0x4d: {  	v2 =	vld [tilespmem:s21+$0x30];
	_ =	sdelay $0x4  }
0x4e: {  	[tilespmem:$0x2830] =	vst v2  }
0x4f: {  	v2 =	vld [tilespmem:s21+$0x40];
	_ =	sdelay $0x4  }
0x50: {  	[tilespmem:$0x2840] =	vst v2  }
0x51: {  	v2 =	vld [tilespmem:s21+$0x50];
	_ =	sdelay $0x4  }
0x52: {  	[tilespmem:$0x2850] =	vst v2  }
0x53: {  	v2 =	vld [tilespmem:s21+$0x60];
	_ =	sdelay $0x4  }
0x54: {  	[tilespmem:$0x2860] =	vst v2  }
0x55: {  	v2 =	vld [tilespmem:s21+$0x70];
	_ =	sdelay $0x3  }
.Ltmp2:
0x56: {  	(pc) =	sbr.rel @p0 .LBB2_6-.Ltmp2, $4  }
0x57: {  	[tilespmem:$0x2870] =	vst v2  }
0x58: {  	[spmem:s2] =	stream.indirect.scatter.add.f32 [tilespmem:s12], [sflag:$0x1], $0x10, s15, s14, $0xb8;
	[tilespmem:$0x9080] =	vst v63  }
0x59: {  	_ =	swait.ge [sflag:s13], $0x800  }
0x5a: {  	s20 =	smov.u32 s19;
	[sflag:s13] =	ssyncset.done $0x0  }
0x5b: {  	s18 =	sshra.s32 s18, $0x2;
	[sflag:s13] =	ssyncadd.s32 $0xFFFFF800  }
0x5c: {  	v2 =	vld [tilespmem:s18+$0x0];
	_ =	sdelay $0x4  }
0x5d: {  	[tilespmem:$0x2800] =	vst v2  }
0x5e: {  	v2 =	vld [tilespmem:s18+$0x10];
	_ =	sdelay $0x4  }
0x5f: {  	[tilespmem:$0x2810] =	vst v2  }
0x60: {  	v2 =	vld [tilespmem:s18+$0x20];
	_ =	sdelay $0x4  }
0x61: {  	[tilespmem:$0x2820] =	vst v2  }
0x62: {  	v2 =	vld [tilespmem:s18+$0x30];
	_ =	sdelay $0x4  }
0x63: {  	[tilespmem:$0x2830] =	vst v2  }
0x64: {  	v2 =	vld [tilespmem:s18+$0x40];
	_ =	sdelay $0x4  }
0x65: {  	[tilespmem:$0x2840] =	vst v2  }
0x66: {  	v2 =	vld [tilespmem:s18+$0x50];
	_ =	sdelay $0x4  }
0x67: {  	[tilespmem:$0x2850] =	vst v2  }
0x68: {  	v2 =	vld [tilespmem:s18+$0x60];
	_ =	sdelay $0x4  }
0x69: {  	[tilespmem:$0x2860] =	vst v2  }
0x6a: {  	v2 =	vld [tilespmem:s18+$0x70];
	_ =	sdelay $0x4  }
0x6b: {  	[tilespmem:$0x2870] =	vst v2  }
0x6c: {  	[spmem:s2] =	stream.indirect.scatter.add.f32 [tilespmem:s12], [sflag:$0x1], $0x10, s15, s14, $0xb8;
	[tilespmem:$0x9080] =	vst v63  }
0x6d: {  	_ =	swait.ge [sflag:s13], $0x800  }
0x6e: {  	s3 =	sadd.s32 $0x1, s3;
	[sflag:s13] =	ssyncset.done $0x0  }
0x6f: {  	p0 =	sne.s32 s3, s7;
	[sflag:s13] =	ssyncadd.s32 $0xFFFFF800  }
.Ltmp3:
0x70: {  	[bflag:$0x0] =	sbarrier.arrive $0xFFFF;
	(pc) =	sbr.rel @p0 .LBB2_1-.Ltmp3, $4  }
0x71: {  	[hbm:s6], [sflag:s16] =	dma.local [spmem:s17], $0x2800  }
0x72: {  	_ =	swait.ge [sflag:s13], $0x2800  }
0x73: {  	[sflag:s13] =	ssyncset.done $0x0  }
0x74: {  	[sflag:s13] =	ssyncadd.s32 $0xFFFFD800  }
0x75: {  	_ =	sfence.sel $0x180000  }
0x76: {  	[bflag:$0x0] =	sbarrier.arrive $0xFFFF  }
0x77: {  	p0 =	sne.s32 s0, $0x0;
	_ =	strace $0x90000047  }
0x78: {  	s0 =	sadd.s32 @!p0 $0x100000, s1;
	[bflag:$0x2] =	sbarrier.arrive $0xFFFF  }
0x79: {  	[sflag:s0] =	ssyncadd.tile.s32 @!p0 $0x1;
	_ =	shalt  }
.Lfunc_end2:
_tile_overlayer_lowered:
.L_overlay_start_2:
0x7a: {  	(tag) =	ssettag $0x2  }
0x7b: {  	s0 =	rddreg [dreg:$0x0];
	s2 =	stileid.u32  }
0x7c: {  	s1 =	rddreg [dreg:$0x1];
	p0 =	sne.s32 s2, $0x0  }
0x7d: {  	s3 =	rddreg [dreg:$0x2];
	[bflag:$0x3] =	sbarrier.arrive $0xFFFF;
	s2 =	simm.s32 @!p0 $0x1C01  }
0x7e: {  	[timem:s3], [sflag:s2] =	dma.local @!p0 [hbm:s0], s1  }
0x7f: {  	s0 =	simm.s32 @!p0 $0x1  }
0x80: {  	_ =	swait.ge @!p0 [sflag:s0], s1  }
0x81: {  	s1 =	ssub.s32 @!p0 $0x0, s1;
	[sflag:s0] =	ssyncset.done @!p0 $0x0  }
0x82: {  	[sflag:s0] =	ssyncadd.s32 @!p0 s1  }
0x83: {  	[bflag:$0x3] =	sbarrier.arrive $0xFFFF  }
0x84: {  	_ =	shalt  }

</sc_bundles>
